<compile_context>
chip_gen: v7x
topology: tpu7x:2x2x1
jax: 0.10.2.dev20260603
libtpu: 0.0.44.dev20260713+nightly
codegen_flags: <defaults>
</compile_context>

<pallas_src>
import dataclasses
import functools

import jax
import jax.numpy as jnp
from jax.experimental import pallas as pl
from jax.experimental.pallas import tpu as pltpu
from jax.experimental.pallas import tpu_sc as plsc

B = 4096
N_DENSE = 13
N_SPARSE = 26
VOCAB = 100000
EMB = 16

BT = 512


def _sc_gather(table1d, elem_idx, n_elems):
    n_workers = 32
    e_per_w = n_elems // n_workers
    chunk = 13312
    n_chunks = e_per_w // chunk

    cp = pltpu.CompilerParams()
    if "needs_layout_passes" in pltpu.CompilerParams.__dataclass_fields__:
        cp = dataclasses.replace(cp, needs_layout_passes=False)

    @functools.partial(
        pl.kernel,
        out_type=jax.ShapeDtypeStruct((n_elems,), table1d.dtype),
        mesh=plsc.VectorSubcoreMesh(core_axis_name="c", subcore_axis_name="s"),
        compiler_params=cp,
        scratch_types=[
            pltpu.VMEM((chunk,), jnp.int32),
            pltpu.VMEM((chunk,), table1d.dtype),
            pltpu.SemaphoreType.DMA,
        ],
    )
    def sc_kernel(table_hbm, idx_hbm, out_hbm, idx_v, vals_v, sem):
        wid = jax.lax.axis_index("s") * 2 + jax.lax.axis_index("c")
        base = wid * e_per_w

        @pl.loop(0, n_chunks)
        def _(c):
            cb = base + c * chunk
            pltpu.sync_copy(idx_hbm.at[pl.ds(cb, chunk)], idx_v)
            pltpu.async_copy(table_hbm.at[idx_v], vals_v, sem).wait()
            pltpu.sync_copy(vals_v, out_hbm.at[pl.ds(cb, chunk)])

    return sc_kernel(table1d, elem_idx)


def _tc_body(e_ref, dense_ref, wc1_ref, cb1_ref, wc2_ref, cb2_ref,
             cf1_ref, cf2_ref, w1e_ref, w1d_ref, b1_ref, w2_ref, b2_ref,
             w3_ref, b3_ref, fw_ref, lw_ref, ball_ref, out_ref):
    f32 = jnp.float32
    dot = functools.partial(jnp.dot, preferred_element_type=f32)
    e2 = e_ref[...]
    dense = dense_ref[...]

    eT = e2.T
    denseT = dense.T
    eT3 = eT.reshape(N_SPARSE, EMB, BT)

    wc1 = wc1_ref[...]
    wc2 = wc2_ref[...]
    cb1 = cb1_ref[...]
    cb2 = cb2_ref[...]
    cin1 = jnp.zeros((N_SPARSE, BT), dtype=f32)
    cin2 = jnp.zeros((N_SPARSE, BT), dtype=f32)
    for ed in range(EMB):
        x_ed = eT3[:, ed, :]
        g1 = dot(wc1, x_ed)
        acc1 = jnp.zeros((N_SPARSE, BT), dtype=f32)
        for i in range(N_SPARSE):
            acc1 = acc1 + g1[i * N_SPARSE:(i + 1) * N_SPARSE, :] * x_ed[i:i + 1, :]
        t1 = jnp.maximum(acc1 + cb1, 0.0)
        g2 = dot(wc2, t1)
        acc2 = jnp.zeros((N_SPARSE, BT), dtype=f32)
        for i in range(N_SPARSE):
            acc2 = acc2 + g2[i * N_SPARSE:(i + 1) * N_SPARSE, :] * x_ed[i:i + 1, :]
        t2 = jnp.maximum(acc2 + cb2, 0.0)
        cin1 = cin1 + t1
        cin2 = cin2 + t2
    cin_out = dot(cf1_ref[...], cin1) + dot(cf2_ref[...], cin2)

    h2 = dot(w1e_ref[...], eT) + dot(w1d_ref[...], denseT)
    h2 = jnp.maximum(h2 + b1_ref[...], 0.0)
    h2 = jnp.maximum(dot(w2_ref[...], h2) + b2_ref[...], 0.0)
    h2 = jnp.maximum(dot(w3_ref[...], h2) + b3_ref[...], 0.0)
    deep = dot(fw_ref[...], h2)
    lin = dot(lw_ref[...], denseT)
    out_ref[...] = jax.nn.sigmoid(lin + cin_out + deep + ball_ref[...])


def _tc_forward(e2d, dense, wc1, cb1, wc2, cb2, cf1, cf2, w1e, w1d,
                b1, w2, b2, w3, b3, fw, lw, ball):
    grid = (B // BT,)
    full = lambda a: pl.BlockSpec(a.shape, lambda i: (0,) * a.ndim)
    in_specs = [
        pl.BlockSpec((BT, N_SPARSE * EMB), lambda i: (i, 0)),
        pl.BlockSpec((BT, N_DENSE), lambda i: (i, 0)),
        full(wc1), full(cb1), full(wc2), full(cb2), full(cf1), full(cf2),
        full(w1e), full(w1d), full(b1), full(w2), full(b2), full(w3),
        full(b3), full(fw), full(lw), full(ball),
    ]
    out_spec = pl.BlockSpec((1, BT), lambda i: (0, i))
    return pl.pallas_call(
        _tc_body,
        grid=grid,
        in_specs=in_specs,
        out_specs=out_spec,
        out_shape=jax.ShapeDtypeStruct((1, B), jnp.float32),
    )(e2d, dense, wc1, cb1, wc2, cb2, cf1, cf2, w1e, w1d, b1, w2,
      b2, w3, b3, fw, lw, ball)


def kernel(x, embed_tables, lin_W, lin_b, cin_W1, cin_b1, cin_W2, cin_b2,
           cin_fc_W, cin_fc_b, dnn_W1, dnn_b1, dnn_W2, dnn_b2, dnn_W3,
           dnn_b3, fin_W, fin_b):
    dense = x[:, :N_DENSE]
    sparse_idx = x[:, N_DENSE:].astype(jnp.int32)
    row_idx = (sparse_idx
               + jnp.arange(N_SPARSE, dtype=jnp.int32)[None, :] * VOCAB)
    elem_idx = (row_idx[:, :, None] * EMB
                + jnp.arange(EMB, dtype=jnp.int32)[None, None, :])
    table1d = embed_tables.reshape(N_SPARSE * VOCAB * EMB)

    e_flat = _sc_gather(table1d, elem_idx.reshape(-1), B * N_SPARSE * EMB)
    e2d = e_flat.reshape(B, N_SPARSE * EMB)

    wc1 = cin_W1.reshape(N_SPARSE, N_SPARSE, N_SPARSE).transpose(1, 0, 2) \
                .reshape(N_SPARSE * N_SPARSE, N_SPARSE)
    wc2 = cin_W2.reshape(N_SPARSE, N_SPARSE, N_SPARSE).transpose(1, 0, 2) \
                .reshape(N_SPARSE * N_SPARSE, N_SPARSE)
    cb1 = cin_b1.reshape(N_SPARSE, 1)
    cb2 = cin_b2.reshape(N_SPARSE, 1)
    cf1 = cin_fc_W[:N_SPARSE].reshape(1, N_SPARSE)
    cf2 = cin_fc_W[N_SPARSE:].reshape(1, N_SPARSE)
    w1e = dnn_W1[:N_SPARSE * EMB].T
    w1d = dnn_W1[N_SPARSE * EMB:].T
    b1 = dnn_b1.reshape(-1, 1)
    b2 = dnn_b2.reshape(-1, 1)
    b3 = dnn_b3.reshape(-1, 1)
    w2 = dnn_W2.T
    w3 = dnn_W3.T
    fw = fin_W.reshape(1, -1)
    lw = lin_W.reshape(1, -1)
    ball = (lin_b + cin_fc_b + fin_b).reshape(1, 1)

    out = _tc_forward(e2d, dense, wc1, cb1, wc2, cb2, cf1, cf2,
                      w1e, w1d, b1, w2, b2, w3, b3, fw, lw, ball)
    return out.reshape(B)

# --- scband reference (transcript-rebuilt; emitter-appended) ---
"""Pipeline reference for scband-xdeep-fm-85074712199301 (READ-ONLY COPY).

The authoritative reference and input builder live on the scoring server;
editing this copy changes nothing except your own understanding.
"""

import jax, jax.numpy as jnp
import numpy as np

B = 4096
N_DENSE = 13
N_SPARSE = 26
VOCAB = 100000
EMB = 16


def setup_inputs(seed: int = 0) -> dict:
    key = jax.random.key(seed)
    ks = jax.random.split(key, 20)
    dense = jax.random.normal(ks[0], (B, N_DENSE), dtype=jnp.float32)
    sparse = jax.random.randint(ks[1], (B, N_SPARSE), 0, VOCAB).astype(jnp.float32)
    x = jnp.concatenate([dense, sparse], axis=1)
    embed_tables = jax.random.normal(ks[2], (N_SPARSE, VOCAB, EMB), dtype=jnp.float32) * 0.05
    lin_W = jax.random.normal(ks[3], (N_DENSE, 1), dtype=jnp.float32) * 0.05
    lin_b = jnp.zeros((1,), dtype=jnp.float32)
    # CIN: Conv1d(in=26*26, out=26, kernel=1) twice; fc (26*2 -> 1)
    cin_W1 = jax.random.normal(ks[4], (N_SPARSE, N_SPARSE * N_SPARSE), dtype=jnp.float32) * 0.05
    cin_b1 = jnp.zeros((N_SPARSE,), dtype=jnp.float32)
    cin_W2 = jax.random.normal(ks[5], (N_SPARSE, N_SPARSE * N_SPARSE), dtype=jnp.float32) * 0.05
    cin_b2 = jnp.zeros((N_SPARSE,), dtype=jnp.float32)
    cin_fc_W = jax.random.normal(ks[6], (N_SPARSE * 2, 1), dtype=jnp.float32) * 0.05
    cin_fc_b = jnp.zeros((1,), dtype=jnp.float32)
    # DNN: 429 -> 512 -> 256 -> 128
    d_in = N_DENSE + N_SPARSE * EMB
    dnn_W1 = jax.random.normal(ks[7], (d_in, 512), dtype=jnp.float32) * 0.05
    dnn_b1 = jnp.zeros((512,), dtype=jnp.float32)
    dnn_W2 = jax.random.normal(ks[8], (512, 256), dtype=jnp.float32) * 0.05
    dnn_b2 = jnp.zeros((256,), dtype=jnp.float32)
    dnn_W3 = jax.random.normal(ks[9], (256, 128), dtype=jnp.float32) * 0.05
    dnn_b3 = jnp.zeros((128,), dtype=jnp.float32)
    fin_W = jax.random.normal(ks[10], (128, 1), dtype=jnp.float32) * 0.05
    fin_b = jnp.zeros((1,), dtype=jnp.float32)
    return {"x": x, "embed_tables": embed_tables, "lin_W": lin_W, "lin_b": lin_b,
            "cin_W1": cin_W1, "cin_b1": cin_b1, "cin_W2": cin_W2, "cin_b2": cin_b2,
            "cin_fc_W": cin_fc_W, "cin_fc_b": cin_fc_b,
            "dnn_W1": dnn_W1, "dnn_b1": dnn_b1, "dnn_W2": dnn_W2, "dnn_b2": dnn_b2,
            "dnn_W3": dnn_W3, "dnn_b3": dnn_b3, "fin_W": fin_W, "fin_b": fin_b}


def reference(x, embed_tables, lin_W, lin_b, cin_W1, cin_b1, cin_W2, cin_b2,
              cin_fc_W, cin_fc_b, dnn_W1, dnn_b1, dnn_W2, dnn_b2, dnn_W3, dnn_b3,
              fin_W, fin_b):
    dense = x[:, :N_DENSE]
    sparse_idx = x[:, N_DENSE:].astype(jnp.int32)  # [B, 26]
    field_ids = jnp.arange(N_SPARSE)
    # embedding gather: per-field table lookup -> [B, 26, 16]
    e = embed_tables[field_ids[None, :], sparse_idx]
    # CIN
    x0 = e[:, :, None, :]  # [B, 26, 1, 16]
    h = e
    xs = []
    for W, b in ((cin_W1, cin_b1), (cin_W2, cin_b2)):
        t = x0 * h[:, None, :, :]  # [B, 26, 26, 16]
        bs, f0, fh, ed = t.shape
        t = t.reshape(bs, f0 * fh, ed)
        t = jnp.einsum('of,bfe->boe', W, t) + b[None, :, None]
        t = jax.nn.relu(t)
        h = t
        xs.append(t)
    cin_feat = jnp.sum(jnp.concatenate(xs, axis=1), axis=2)  # [B, 52]
    cin_out = cin_feat @ cin_fc_W + cin_fc_b
    # DNN
    flat = e.reshape(e.shape[0], -1)  # [B, 416]
    dnn_in = jnp.concatenate([flat, dense], axis=1)  # [B, 429]
    h2 = jax.nn.relu(dnn_in @ dnn_W1 + dnn_b1)
    h2 = jax.nn.relu(h2 @ dnn_W2 + dnn_b2)
    h2 = jax.nn.relu(h2 @ dnn_W3 + dnn_b3)
    deep_out = h2 @ fin_W + fin_b
    linear_out = dense @ lin_W + lin_b
    out = jax.nn.sigmoid(linear_out + cin_out + deep_out)
    return out.reshape(out.shape[0])

if __name__ == "__main__":
    import jax
    _d = setup_inputs()
    print(jax.jit(kernel)(*tuple(_d.values())))

</pallas_src>

<mosaic_0001>
#map = affine_map<(d0, d1) -> (0)>
module attributes {stable_mosaic.version = 14 : i64} {
  func.func @sc_kernel(%arg0: i32, %arg1: i32, %arg2: memref<41600000xf32, #tpu.memory_space<hbm>>, %arg3: memref<1703936xi32, #tpu.memory_space<hbm>>, %arg4: memref<1703936xf32, #tpu.memory_space<hbm>>, %arg5: memref<13312xi32, #tpu.memory_space<vmem>>, %arg6: memref<13312xf32, #tpu.memory_space<vmem>>, %arg7: memref<!tpu.dma_semaphore, #tpu.memory_space<semaphore_mem>>) attributes {dimension_semantics = [#tpu.dimension_semantics<core_parallel>, #tpu.dimension_semantics<subcore_parallel>], iteration_bounds = array<i64: 2, 16>, scalar_prefetch = 0 : i64, scratch_operands = 3 : i64, tpu.core_type = #tpu.core_type<sc_vector_subcore>, window_params = [{transform_indices = #map}, {transform_indices = #map}, {transform_indices = #map}]} {
    %mul3A = arith.constant 2 : i32
    %mul3A_0 = arith.muli %arg1, %mul3A : i32
    %add3A = arith.addi %mul3A_0, %arg0 : i32
    %mul3A_1 = arith.constant 53248 : i32
    %mul3A_2 = arith.muli %add3A, %mul3A_1 : i32
    %scan3A = arith.constant 0 : i32
    %scan3A_3 = arith.constant 4 : i32
    %scan3A_4 = arith.addi %scan3A, %scan3A_3 : i32
    %scan3A_5 = arith.constant 1 : i32
    scf.for %scan3A_7 = %scan3A to %scan3A_4 step %scan3A_5  : i32 {
      %mul3A_8 = arith.constant 1 : i32
      %mul3A_9 = arith.muli %scan3A_7, %mul3A_8 : i32
      %add3A_10 = arith.constant 0 : i32
      %add3A_11 = arith.addi %add3A_10, %mul3A_9 : i32
      %mul3A_12 = arith.constant 13312 : i32
      %mul3A_13 = arith.muli %add3A_11, %mul3A_12 : i32
      %add3A_14 = arith.addi %mul3A_2, %mul3A_13 : i32
      "tpu.region"() ({
        %run_scoped3A = tpu.sem_alloc : memref<!tpu.dma_semaphore, #tpu.memory_space<semaphore_mem>>
        %dma_start3A_17 = tpu.memref_slice %arg3[%add3A_14] : memref<1703936xi32, #tpu.memory_space<hbm>> -> memref<13312xi32, #tpu.memory_space<hbm>>
        %dma_start3A_18 = tpu.memref_slice %arg3[%add3A_14] : memref<1703936xi32, #tpu.memory_space<hbm>> -> memref<13312xi32, #tpu.memory_space<hbm>>
        tpu.enqueue_dma source(%dma_start3A_18 : memref<13312xi32, #tpu.memory_space<hbm>>) target(%arg5 : memref<13312xi32, #tpu.memory_space<vmem>>) target_semaphore(%run_scoped3A : memref<!tpu.dma_semaphore, #tpu.memory_space<semaphore_mem>>)
        %dma_wait3A_19 = tpu.memref_slice %arg3[%add3A_14] : memref<1703936xi32, #tpu.memory_space<hbm>> -> memref<13312xi32, #tpu.memory_space<hbm>>
        %dma_wait3A_20 = tpu.memref_slice %arg3[%add3A_14] : memref<1703936xi32, #tpu.memory_space<hbm>> -> memref<13312xi32, #tpu.memory_space<hbm>>
        tpu.wait_dma2 semaphore(%run_scoped3A : memref<!tpu.dma_semaphore, #tpu.memory_space<semaphore_mem>>) src(%dma_wait3A_20 : memref<13312xi32, #tpu.memory_space<hbm>>) dst(%arg5 : memref<13312xi32, #tpu.memory_space<vmem>>)
        tpu.yield
      }) : () -> ()
      %dma_start3A = arith.constant 0 : i32
      %dma_start3A_15 = tpu.memref_slice %arg2[%dma_start3A] : memref<41600000xf32, #tpu.memory_space<hbm>> -> memref<41600000xf32, #tpu.memory_space<hbm>>
      tpu.enqueue_indirect_dma source(%dma_start3A_15 : memref<41600000xf32, #tpu.memory_space<hbm>>) target(%arg6 : memref<13312xf32, #tpu.memory_space<vmem>>) offsets(%arg5 : memref<13312xi32, #tpu.memory_space<vmem>>) semaphore(%arg7 : memref<!tpu.dma_semaphore, #tpu.memory_space<semaphore_mem>>)
      %dma_wait3A = arith.constant 0 : i32
      %dma_wait3A_16 = tpu.memref_slice %arg2[%dma_wait3A] : memref<41600000xf32, #tpu.memory_space<hbm>> -> memref<41600000xf32, #tpu.memory_space<hbm>>
      tpu.wait_indirect_dma semaphore(%arg7 : memref<!tpu.dma_semaphore, #tpu.memory_space<semaphore_mem>>) src(%dma_wait3A_16 : memref<41600000xf32, #tpu.memory_space<hbm>>) dst(%arg6 : memref<13312xf32, #tpu.memory_space<vmem>>)
      "tpu.region"() ({
        %run_scoped3A = tpu.sem_alloc : memref<!tpu.dma_semaphore, #tpu.memory_space<semaphore_mem>>
        %dma_start3A_17 = tpu.memref_slice %arg4[%add3A_14] : memref<1703936xf32, #tpu.memory_space<hbm>> -> memref<13312xf32, #tpu.memory_space<hbm>>
        %dma_start3A_18 = tpu.memref_slice %arg4[%add3A_14] : memref<1703936xf32, #tpu.memory_space<hbm>> -> memref<13312xf32, #tpu.memory_space<hbm>>
        tpu.enqueue_dma source(%arg6 : memref<13312xf32, #tpu.memory_space<vmem>>) target(%dma_start3A_18 : memref<13312xf32, #tpu.memory_space<hbm>>) target_semaphore(%run_scoped3A : memref<!tpu.dma_semaphore, #tpu.memory_space<semaphore_mem>>)
        %dma_wait3A_19 = tpu.memref_slice %arg4[%add3A_14] : memref<1703936xf32, #tpu.memory_space<hbm>> -> memref<13312xf32, #tpu.memory_space<hbm>>
        %dma_wait3A_20 = tpu.memref_slice %arg4[%add3A_14] : memref<1703936xf32, #tpu.memory_space<hbm>> -> memref<13312xf32, #tpu.memory_space<hbm>>
        tpu.wait_dma2 semaphore(%run_scoped3A : memref<!tpu.dma_semaphore, #tpu.memory_space<semaphore_mem>>) src(%arg6 : memref<13312xf32, #tpu.memory_space<vmem>>) dst(%dma_wait3A_20 : memref<13312xf32, #tpu.memory_space<hbm>>)
        tpu.yield
      }) : () -> ()
    }
    %scan3A_6 = arith.constant 4 : i32
    return
  }
}

module attributes {stable_mosaic.version = 14 : i64} {
  func.func @_tc_body(%arg0: i32, %arg1: memref<512x416xf32, #tpu.memory_space<vmem>>, %arg2: memref<512x13xf32, #tpu.memory_space<vmem>>, %arg3: memref<676x26xf32, #tpu.memory_space<vmem>>, %arg4: memref<26x1xf32, #tpu.memory_space<vmem>>, %arg5: memref<676x26xf32, #tpu.memory_space<vmem>>, %arg6: memref<26x1xf32, #tpu.memory_space<vmem>>, %arg7: memref<1x26xf32, #tpu.memory_space<vmem>>, %arg8: memref<1x26xf32, #tpu.memory_space<vmem>>, %arg9: memref<512x416xf32, #tpu.memory_space<vmem>>, %arg10: memref<512x13xf32, #tpu.memory_space<vmem>>, %arg11: memref<512x1xf32, #tpu.memory_space<vmem>>, %arg12: memref<256x512xf32, #tpu.memory_space<vmem>>, %arg13: memref<256x1xf32, #tpu.memory_space<vmem>>, %arg14: memref<128x256xf32, #tpu.memory_space<vmem>>, %arg15: memref<128x1xf32, #tpu.memory_space<vmem>>, %arg16: memref<1x128xf32, #tpu.memory_space<vmem>>, %arg17: memref<1x13xf32, #tpu.memory_space<vmem>>, %arg18: memref<1x1xf32, #tpu.memory_space<vmem>>, %arg19: memref<1x512xf32, #tpu.memory_space<vmem>>) attributes {dimension_semantics = [#tpu.dimension_semantics<arbitrary>], iteration_bounds = array<i64: 8>, scalar_prefetch = 0 : i64, scratch_operands = 0 : i64, tpu.core_type = #tpu.core_type<tc>, window_params = [{transform_indices = @transform_0, window_bounds = array<i64: 512, 416>}, {transform_indices = @transform_1, window_bounds = array<i64: 512, 13>}, {pipeline_mode = #tpu.pipeline_mode<synchronous>, transform_indices = @transform_2, window_bounds = array<i64: 676, 26>}, {pipeline_mode = #tpu.pipeline_mode<synchronous>, transform_indices = @transform_3, window_bounds = array<i64: 26, 1>}, {pipeline_mode = #tpu.pipeline_mode<synchronous>, transform_indices = @transform_4, window_bounds = array<i64: 676, 26>}, {pipeline_mode = #tpu.pipeline_mode<synchronous>, transform_indices = @transform_5, window_bounds = array<i64: 26, 1>}, {pipeline_mode = #tpu.pipeline_mode<synchronous>, transform_indices = @transform_6, window_bounds = array<i64: 1, 26>}, {pipeline_mode = #tpu.pipeline_mode<synchronous>, transform_indices = @transform_7, window_bounds = array<i64: 1, 26>}, {pipeline_mode = #tpu.pipeline_mode<synchronous>, transform_indices = @transform_8, window_bounds = array<i64: 512, 416>}, {pipeline_mode = #tpu.pipeline_mode<synchronous>, transform_indices = @transform_9, window_bounds = array<i64: 512, 13>}, {pipeline_mode = #tpu.pipeline_mode<synchronous>, transform_indices = @transform_10, window_bounds = array<i64: 512, 1>}, {pipeline_mode = #tpu.pipeline_mode<synchronous>, transform_indices = @transform_11, window_bounds = array<i64: 256, 512>}, {pipeline_mode = #tpu.pipeline_mode<synchronous>, transform_indices = @transform_12, window_bounds = array<i64: 256, 1>}, {pipeline_mode = #tpu.pipeline_mode<synchronous>, transform_indices = @transform_13, window_bounds = array<i64: 128, 256>}, {pipeline_mode = #tpu.pipeline_mode<synchronous>, transform_indices = @transform_14, window_bounds = array<i64: 128, 1>}, {pipeline_mode = #tpu.pipeline_mode<synchronous>, transform_indices = @transform_15, window_bounds = array<i64: 1, 128>}, {pipeline_mode = #tpu.pipeline_mode<synchronous>, transform_indices = @transform_16, window_bounds = array<i64: 1, 13>}, {pipeline_mode = #tpu.pipeline_mode<synchronous>, transform_indices = @transform_17, window_bounds = array<i64: 1, 1>}, {transform_indices = @transform_18, window_bounds = array<i64: 1, 512>}]} {
    %get3A = arith.constant 0 : index
    %get3A_0 = arith.constant 0 : index
    %get3A_1 = vector.load %arg1[%get3A, %get3A_0] : memref<512x416xf32, #tpu.memory_space<vmem>>, vector<512x416xf32>
    %get3A_2 = arith.constant 0 : index
    %get3A_3 = arith.constant 0 : index
    %get3A_4 = vector.load %arg2[%get3A_2, %get3A_3] : memref<512x13xf32, #tpu.memory_space<vmem>>, vector<512x13xf32>
    %transpose3A = tpu.transpose %get3A_1, [1, 0] : vector<512x416xf32> -> vector<416x512xf32>
    %transpose3A_5 = tpu.transpose %get3A_4, [1, 0] : vector<512x13xf32> -> vector<13x512xf32>
    %reshape3A = vector.shape_cast %transpose3A : vector<416x512xf32> to vector<26x16x512xf32>
    %get3A_6 = arith.constant 0 : index
    %get3A_7 = arith.constant 0 : index
    %get3A_8 = vector.load %arg3[%get3A_6, %get3A_7] : memref<676x26xf32, #tpu.memory_space<vmem>>, vector<676x26xf32>
    %get3A_9 = arith.constant 0 : index
    %get3A_10 = arith.constant 0 : index
    %get3A_11 = vector.load %arg5[%get3A_9, %get3A_10] : memref<676x26xf32, #tpu.memory_space<vmem>>, vector<676x26xf32>
    %get3A_12 = arith.constant 0 : index
    %get3A_13 = arith.constant 0 : index
    %get3A_14 = vector.load %arg4[%get3A_12, %get3A_13] : memref<26x1xf32, #tpu.memory_space<vmem>>, vector<26x1xf32>
    %get3A_15 = arith.constant 0 : index
    %get3A_16 = arith.constant 0 : index
    %get3A_17 = vector.load %arg6[%get3A_15, %get3A_16] : memref<26x1xf32, #tpu.memory_space<vmem>>, vector<26x1xf32>
    %broadcast_in_dim3A = arith.constant 0.000000e+00 : f32
    %broadcast_in_dim3A_18 = vector.broadcast %broadcast_in_dim3A : f32 to vector<26x512xf32>
    %broadcast_in_dim3A_19 = arith.constant 0.000000e+00 : f32
    %broadcast_in_dim3A_20 = vector.broadcast %broadcast_in_dim3A_19 : f32 to vector<26x512xf32>
    %slice3A = vector.extract_strided_slice %reshape3A {offsets = [0, 0, 0], sizes = [26, 1, 512], strides = [1, 1, 1]} : vector<26x16x512xf32> to vector<26x1x512xf32>
    %squeeze3A = vector.shape_cast %slice3A : vector<26x1x512xf32> to vector<26x512xf32>
    %dot_general3A = arith.constant dense<0.000000e+00> : vector<676x512xf32>
    %dot_general3A_21 = tpu.matmul %get3A_8, %squeeze3A, %dot_general3A {dimension_numbers = #tpu.dot_dimension_numbers<[1], [0], [0], [1], [0, 0, 1, 1], [], []>, transpose_lhs_hint = false} : vector<676x26xf32>, vector<26x512xf32>, vector<676x512xf32> -> vector<676x512xf32>
    %broadcast_in_dim3A_22 = arith.constant 0.000000e+00 : f32
    %broadcast_in_dim3A_23 = vector.broadcast %broadcast_in_dim3A_22 : f32 to vector<26x512xf32>
    %slice3A_24 = vector.extract_strided_slice %dot_general3A_21 {offsets = [0, 0], sizes = [26, 512], strides = [1, 1]} : vector<676x512xf32> to vector<26x512xf32>
    %slice3A_25 = vector.extract_strided_slice %squeeze3A {offsets = [0, 0], sizes = [1, 512], strides = [1, 1]} : vector<26x512xf32> to vector<1x512xf32>
    %mul3A = vector.broadcast %slice3A_25 : vector<1x512xf32> to vector<26x512xf32>
    %mul3A_26 = arith.mulf %slice3A_24, %mul3A : vector<26x512xf32>
    %add3A = arith.addf %broadcast_in_dim3A_23, %mul3A_26 : vector<26x512xf32>
    %slice3A_27 = vector.extract_strided_slice %dot_general3A_21 {offsets = [26, 0], sizes = [26, 512], strides = [1, 1]} : vector<676x512xf32> to vector<26x512xf32>
    %slice3A_28 = vector.extract_strided_slice %squeeze3A {offsets = [1, 0], sizes = [1, 512], strides = [1, 1]} : vector<26x512xf32> to vector<1x512xf32>
    %mul3A_29 = vector.broadcast %slice3A_28 : vector<1x512xf32> to vector<26x512xf32>
    %mul3A_30 = arith.mulf %slice3A_27, %mul3A_29 : vector<26x512xf32>
    %add3A_31 = arith.addf %add3A, %mul3A_30 : vector<26x512xf32>
    %slice3A_32 = vector.extract_strided_slice %dot_general3A_21 {offsets = [52, 0], sizes = [26, 512], strides = [1, 1]} : vector<676x512xf32> to vector<26x512xf32>
    %slice3A_33 = vector.extract_strided_slice %squeeze3A {offsets = [2, 0], sizes = [1, 512], strides = [1, 1]} : vector<26x512xf32> to vector<1x512xf32>
    %mul3A_34 = vector.broadcast %slice3A_33 : vector<1x512xf32> to vector<26x512xf32>
    %mul3A_35 = arith.mulf %slice3A_32, %mul3A_34 : vector<26x512xf32>
    %add3A_36 = arith.addf %add3A_31, %mul3A_35 : vector<26x512xf32>
    %slice3A_37 = vector.extract_strided_slice %dot_general3A_21 {offsets = [78, 0], sizes = [26, 512], strides = [1, 1]} : vector<676x512xf32> to vector<26x512xf32>
    %slice3A_38 = vector.extract_strided_slice %squeeze3A {offsets = [3, 0], sizes = [1, 512], strides = [1, 1]} : vector<26x512xf32> to vector<1x512xf32>
    %mul3A_39 = vector.broadcast %slice3A_38 : vector<1x512xf32> to vector<26x512xf32>
    %mul3A_40 = arith.mulf %slice3A_37, %mul3A_39 : vector<26x512xf32>
    %add3A_41 = arith.addf %add3A_36, %mul3A_40 : vector<26x512xf32>
    %slice3A_42 = vector.extract_strided_slice %dot_general3A_21 {offsets = [104, 0], sizes = [26, 512], strides = [1, 1]} : vector<676x512xf32> to vector<26x512xf32>
    %slice3A_43 = vector.extract_strided_slice %squeeze3A {offsets = [4, 0], sizes = [1, 512], strides = [1, 1]} : vector<26x512xf32> to vector<1x512xf32>
    %mul3A_44 = vector.broadcast %slice3A_43 : vector<1x512xf32> to vector<26x512xf32>
    %mul3A_45 = arith.mulf %slice3A_42, %mul3A_44 : vector<26x512xf32>
    %add3A_46 = arith.addf %add3A_41, %mul3A_45 : vector<26x512xf32>
    %slice3A_47 = vector.extract_strided_slice %dot_general3A_21 {offsets = [130, 0], sizes = [26, 512], strides = [1, 1]} : vector<676x512xf32> to vector<26x512xf32>
    %slice3A_48 = vector.extract_strided_slice %squeeze3A {offsets = [5, 0], sizes = [1, 512], strides = [1, 1]} : vector<26x512xf32> to vector<1x512xf32>
    %mul3A_49 = vector.broadcast %slice3A_48 : vector<1x512xf32> to vector<26x512xf32>
    %mul3A_50 = arith.mulf %slice3A_47, %mul3A_49 : vector<26x512xf32>
    %add3A_51 = arith.addf %add3A_46, %mul3A_50 : vector<26x512xf32>
    %slice3A_52 = vector.extract_strided_slice %dot_general3A_21 {offsets = [156, 0], sizes = [26, 512], strides = [1, 1]} : vector<676x512xf32> to vector<26x512xf32>
    %slice3A_53 = vector.extract_strided_slice %squeeze3A {offsets = [6, 0], sizes = [1, 512], strides = [1, 1]} : vector<26x512xf32> to vector<1x512xf32>
    %mul3A_54 = vector.broadcast %slice3A_53 : vector<1x512xf32> to vector<26x512xf32>
    %mul3A_55 = arith.mulf %slice3A_52, %mul3A_54 : vector<26x512xf32>
    %add3A_56 = arith.addf %add3A_51, %mul3A_55 : vector<26x512xf32>
    %slice3A_57 = vector.extract_strided_slice %dot_general3A_21 {offsets = [182, 0], sizes = [26, 512], strides = [1, 1]} : vector<676x512xf32> to vector<26x512xf32>
    %slice3A_58 = vector.extract_strided_slice %squeeze3A {offsets = [7, 0], sizes = [1, 512], strides = [1, 1]} : vector<26x512xf32> to vector<1x512xf32>
    %mul3A_59 = vector.broadcast %slice3A_58 : vector<1x512xf32> to vector<26x512xf32>
    %mul3A_60 = arith.mulf %slice3A_57, %mul3A_59 : vector<26x512xf32>
    %add3A_61 = arith.addf %add3A_56, %mul3A_60 : vector<26x512xf32>
    %slice3A_62 = vector.extract_strided_slice %dot_general3A_21 {offsets = [208, 0], sizes = [26, 512], strides = [1, 1]} : vector<676x512xf32> to vector<26x512xf32>
    %slice3A_63 = vector.extract_strided_slice %squeeze3A {offsets = [8, 0], sizes = [1, 512], strides = [1, 1]} : vector<26x512xf32> to vector<1x512xf32>
    %mul3A_64 = vector.broadcast %slice3A_63 : vector<1x512xf32> to vector<26x512xf32>
    %mul3A_65 = arith.mulf %slice3A_62, %mul3A_64 : vector<26x512xf32>
    %add3A_66 = arith.addf %add3A_61, %mul3A_65 : vector<26x512xf32>
    %slice3A_67 = vector.extract_strided_slice %dot_general3A_21 {offsets = [234, 0], sizes = [26, 512], strides = [1, 1]} : vector<676x512xf32> to vector<26x512xf32>
    %slice3A_68 = vector.extract_strided_slice %squeeze3A {offsets = [9, 0], sizes = [1, 512], strides = [1, 1]} : vector<26x512xf32> to vector<1x512xf32>
    %mul3A_69 = vector.broadcast %slice3A_68 : vector<1x512xf32> to vector<26x512xf32>
    %mul3A_70 = arith.mulf %slice3A_67, %mul3A_69 : vector<26x512xf32>
    %add3A_71 = arith.addf %add3A_66, %mul3A_70 : vector<26x512xf32>
    %slice3A_72 = vector.extract_strided_slice %dot_general3A_21 {offsets = [260, 0], sizes = [26, 512], strides = [1, 1]} : vector<676x512xf32> to vector<26x512xf32>
    %slice3A_73 = vector.extract_strided_slice %squeeze3A {offsets = [10, 0], sizes = [1, 512], strides = [1, 1]} : vector<26x512xf32> to vector<1x512xf32>
    %mul3A_74 = vector.broadcast %slice3A_73 : vector<1x512xf32> to vector<26x512xf32>
    %mul3A_75 = arith.mulf %slice3A_72, %mul3A_74 : vector<26x512xf32>
    %add3A_76 = arith.addf %add3A_71, %mul3A_75 : vector<26x512xf32>
    %slice3A_77 = vector.extract_strided_slice %dot_general3A_21 {offsets = [286, 0], sizes = [26, 512], strides = [1, 1]} : vector<676x512xf32> to vector<26x512xf32>
    %slice3A_78 = vector.extract_strided_slice %squeeze3A {offsets = [11, 0], sizes = [1, 512], strides = [1, 1]} : vector<26x512xf32> to vector<1x512xf32>
    %mul3A_79 = vector.broadcast %slice3A_78 : vector<1x512xf32> to vector<26x512xf32>
    %mul3A_80 = arith.mulf %slice3A_77, %mul3A_79 : vector<26x512xf32>
    %add3A_81 = arith.addf %add3A_76, %mul3A_80 : vector<26x512xf32>
    %slice3A_82 = vector.extract_strided_slice %dot_general3A_21 {offsets = [312, 0], sizes = [26, 512], strides = [1, 1]} : vector<676x512xf32> to vector<26x512xf32>
    %slice3A_83 = vector.extract_strided_slice %squeeze3A {offsets = [12, 0], sizes = [1, 512], strides = [1, 1]} : vector<26x512xf32> to vector<1x512xf32>
    %mul3A_84 = vector.broadcast %slice3A_83 : vector<1x512xf32> to vector<26x512xf32>
    %mul3A_85 = arith.mulf %slice3A_82, %mul3A_84 : vector<26x512xf32>
    %add3A_86 = arith.addf %add3A_81, %mul3A_85 : vector<26x512xf32>
    %slice3A_87 = vector.extract_strided_slice %dot_general3A_21 {offsets = [338, 0], sizes = [26, 512], strides = [1, 1]} : vector<676x512xf32> to vector<26x512xf32>
    %slice3A_88 = vector.extract_strided_slice %squeeze3A {offsets = [13, 0], sizes = [1, 512], strides = [1, 1]} : vector<26x512xf32> to vector<1x512xf32>
    %mul3A_89 = vector.broadcast %slice3A_88 : vector<1x512xf32> to vector<26x512xf32>
    %mul3A_90 = arith.mulf %slice3A_87, %mul3A_89 : vector<26x512xf32>
    %add3A_91 = arith.addf %add3A_86, %mul3A_90 : vector<26x512xf32>
    %slice3A_92 = vector.extract_strided_slice %dot_general3A_21 {offsets = [364, 0], sizes = [26, 512], strides = [1, 1]} : vector<676x512xf32> to vector<26x512xf32>
    %slice3A_93 = vector.extract_strided_slice %squeeze3A {offsets = [14, 0], sizes = [1, 512], strides = [1, 1]} : vector<26x512xf32> to vector<1x512xf32>
    %mul3A_94 = vector.broadcast %slice3A_93 : vector<1x512xf32> to vector<26x512xf32>
    %mul3A_95 = arith.mulf %slice3A_92, %mul3A_94 : vector<26x512xf32>
    %add3A_96 = arith.addf %add3A_91, %mul3A_95 : vector<26x512xf32>
    %slice3A_97 = vector.extract_strided_slice %dot_general3A_21 {offsets = [390, 0], sizes = [26, 512], strides = [1, 1]} : vector<676x512xf32> to vector<26x512xf32>
    %slice3A_98 = vector.extract_strided_slice %squeeze3A {offsets = [15, 0], sizes = [1, 512], strides = [1, 1]} : vector<26x512xf32> to vector<1x512xf32>
    %mul3A_99 = vector.broadcast %slice3A_98 : vector<1x512xf32> to vector<26x512xf32>
    %mul3A_100 = arith.mulf %slice3A_97, %mul3A_99 : vector<26x512xf32>
    %add3A_101 = arith.addf %add3A_96, %mul3A_100 : vector<26x512xf32>
    %slice3A_102 = vector.extract_strided_slice %dot_general3A_21 {offsets = [416, 0], sizes = [26, 512], strides = [1, 1]} : vector<676x512xf32> to vector<26x512xf32>
    %slice3A_103 = vector.extract_strided_slice %squeeze3A {offsets = [16, 0], sizes = [1, 512], strides = [1, 1]} : vector<26x512xf32> to vector<1x512xf32>
    %mul3A_104 = vector.broadcast %slice3A_103 : vector<1x512xf32> to vector<26x512xf32>
    %mul3A_105 = arith.mulf %slice3A_102, %mul3A_104 : vector<26x512xf32>
    %add3A_106 = arith.addf %add3A_101, %mul3A_105 : vector<26x512xf32>
    %slice3A_107 = vector.extract_strided_slice %dot_general3A_21 {offsets = [442, 0], sizes = [26, 512], strides = [1, 1]} : vector<676x512xf32> to vector<26x512xf32>
    %slice3A_108 = vector.extract_strided_slice %squeeze3A {offsets = [17, 0], sizes = [1, 512], strides = [1, 1]} : vector<26x512xf32> to vector<1x512xf32>
    %mul3A_109 = vector.broadcast %slice3A_108 : vector<1x512xf32> to vector<26x512xf32>
    %mul3A_110 = arith.mulf %slice3A_107, %mul3A_109 : vector<26x512xf32>
    %add3A_111 = arith.addf %add3A_106, %mul3A_110 : vector<26x512xf32>
    %slice3A_112 = vector.extract_strided_slice %dot_general3A_21 {offsets = [468, 0], sizes = [26, 512], strides = [1, 1]} : vector<676x512xf32> to vector<26x512xf32>
    %slice3A_113 = vector.extract_strided_slice %squeeze3A {offsets = [18, 0], sizes = [1, 512], strides = [1, 1]} : vector<26x512xf32> to vector<1x512xf32>
    %mul3A_114 = vector.broadcast %slice3A_113 : vector<1x512xf32> to vector<26x512xf32>
    %mul3A_115 = arith.mulf %slice3A_112, %mul3A_114 : vector<26x512xf32>
    %add3A_116 = arith.addf %add3A_111, %mul3A_115 : vector<26x512xf32>
    %slice3A_117 = vector.extract_strided_slice %dot_general3A_21 {offsets = [494, 0], sizes = [26, 512], strides = [1, 1]} : vector<676x512xf32> to vector<26x512xf32>
    %slice3A_118 = vector.extract_strided_slice %squeeze3A {offsets = [19, 0], sizes = [1, 512], strides = [1, 1]} : vector<26x512xf32> to vector<1x512xf32>
    %mul3A_119 = vector.broadcast %slice3A_118 : vector<1x512xf32> to vector<26x512xf32>
    %mul3A_120 = arith.mulf %slice3A_117, %mul3A_119 : vector<26x512xf32>
    %add3A_121 = arith.addf %add3A_116, %mul3A_120 : vector<26x512xf32>
    %slice3A_122 = vector.extract_strided_slice %dot_general3A_21 {offsets = [520, 0], sizes = [26, 512], strides = [1, 1]} : vector<676x512xf32> to vector<26x512xf32>
    %slice3A_123 = vector.extract_strided_slice %squeeze3A {offsets = [20, 0], sizes = [1, 512], strides = [1, 1]} : vector<26x512xf32> to vector<1x512xf32>
    %mul3A_124 = vector.broadcast %slice3A_123 : vector<1x512xf32> to vector<26x512xf32>
    %mul3A_125 = arith.mulf %slice3A_122, %mul3A_124 : vector<26x512xf32>
    %add3A_126 = arith.addf %add3A_121, %mul3A_125 : vector<26x512xf32>
    %slice3A_127 = vector.extract_strided_slice %dot_general3A_21 {offsets = [546, 0], sizes = [26, 512], strides = [1, 1]} : vector<676x512xf32> to vector<26x512xf32>
    %slice3A_128 = vector.extract_strided_slice %squeeze3A {offsets = [21, 0], sizes = [1, 512], strides = [1, 1]} : vector<26x512xf32> to vector<1x512xf32>
    %mul3A_129 = vector.broadcast %slice3A_128 : vector<1x512xf32> to vector<26x512xf32>
    %mul3A_130 = arith.mulf %slice3A_127, %mul3A_129 : vector<26x512xf32>
    %add3A_131 = arith.addf %add3A_126, %mul3A_130 : vector<26x512xf32>
    %slice3A_132 = vector.extract_strided_slice %dot_general3A_21 {offsets = [572, 0], sizes = [26, 512], strides = [1, 1]} : vector<676x512xf32> to vector<26x512xf32>
    %slice3A_133 = vector.extract_strided_slice %squeeze3A {offsets = [22, 0], sizes = [1, 512], strides = [1, 1]} : vector<26x512xf32> to vector<1x512xf32>
    %mul3A_134 = vector.broadcast %slice3A_133 : vector<1x512xf32> to vector<26x512xf32>
    %mul3A_135 = arith.mulf %slice3A_132, %mul3A_134 : vector<26x512xf32>
    %add3A_136 = arith.addf %add3A_131, %mul3A_135 : vector<26x512xf32>
    %slice3A_137 = vector.extract_strided_slice %dot_general3A_21 {offsets = [598, 0], sizes = [26, 512], strides = [1, 1]} : vector<676x512xf32> to vector<26x512xf32>
    %slice3A_138 = vector.extract_strided_slice %squeeze3A {offsets = [23, 0], sizes = [1, 512], strides = [1, 1]} : vector<26x512xf32> to vector<1x512xf32>
    %mul3A_139 = vector.broadcast %slice3A_138 : vector<1x512xf32> to vector<26x512xf32>
    %mul3A_140 = arith.mulf %slice3A_137, %mul3A_139 : vector<26x512xf32>
    %add3A_141 = arith.addf %add3A_136, %mul3A_140 : vector<26x512xf32>
    %slice3A_142 = vector.extract_strided_slice %dot_general3A_21 {offsets = [624, 0], sizes = [26, 512], strides = [1, 1]} : vector<676x512xf32> to vector<26x512xf32>
    %slice3A_143 = vector.extract_strided_slice %squeeze3A {offsets = [24, 0], sizes = [1, 512], strides = [1, 1]} : vector<26x512xf32> to vector<1x512xf32>
    %mul3A_144 = vector.broadcast %slice3A_143 : vector<1x512xf32> to vector<26x512xf32>
    %mul3A_145 = arith.mulf %slice3A_142, %mul3A_144 : vector<26x512xf32>
    %add3A_146 = arith.addf %add3A_141, %mul3A_145 : vector<26x512xf32>
    %slice3A_147 = vector.extract_strided_slice %dot_general3A_21 {offsets = [650, 0], sizes = [26, 512], strides = [1, 1]} : vector<676x512xf32> to vector<26x512xf32>
    %slice3A_148 = vector.extract_strided_slice %squeeze3A {offsets = [25, 0], sizes = [1, 512], strides = [1, 1]} : vector<26x512xf32> to vector<1x512xf32>
    %mul3A_149 = vector.broadcast %slice3A_148 : vector<1x512xf32> to vector<26x512xf32>
    %mul3A_150 = arith.mulf %slice3A_147, %mul3A_149 : vector<26x512xf32>
    %add3A_151 = arith.addf %add3A_146, %mul3A_150 : vector<26x512xf32>
    %add3A_152 = vector.broadcast %get3A_14 : vector<26x1xf32> to vector<26x512xf32>
    %add3A_153 = arith.addf %add3A_151, %add3A_152 : vector<26x512xf32>
    %max3A = arith.constant 0.000000e+00 : f32
    %max3A_154 = vector.broadcast %max3A : f32 to vector<26x512xf32>
    %max3A_155 = arith.maximumf %add3A_153, %max3A_154 : vector<26x512xf32>
    %dot_general3A_156 = arith.constant dense<0.000000e+00> : vector<676x512xf32>
    %dot_general3A_157 = tpu.matmul %get3A_11, %max3A_155, %dot_general3A_156 {dimension_numbers = #tpu.dot_dimension_numbers<[1], [0], [0], [1], [0, 0, 1, 1], [], []>, transpose_lhs_hint = false} : vector<676x26xf32>, vector<26x512xf32>, vector<676x512xf32> -> vector<676x512xf32>
    %broadcast_in_dim3A_158 = arith.constant 0.000000e+00 : f32
    %broadcast_in_dim3A_159 = vector.broadcast %broadcast_in_dim3A_158 : f32 to vector<26x512xf32>
    %slice3A_160 = vector.extract_strided_slice %dot_general3A_157 {offsets = [0, 0], sizes = [26, 512], strides = [1, 1]} : vector<676x512xf32> to vector<26x512xf32>
    %slice3A_161 = vector.extract_strided_slice %squeeze3A {offsets = [0, 0], sizes = [1, 512], strides = [1, 1]} : vector<26x512xf32> to vector<1x512xf32>
    %mul3A_162 = vector.broadcast %slice3A_161 : vector<1x512xf32> to vector<26x512xf32>
    %mul3A_163 = arith.mulf %slice3A_160, %mul3A_162 : vector<26x512xf32>
    %add3A_164 = arith.addf %broadcast_in_dim3A_159, %mul3A_163 : vector<26x512xf32>
    %slice3A_165 = vector.extract_strided_slice %dot_general3A_157 {offsets = [26, 0], sizes = [26, 512], strides = [1, 1]} : vector<676x512xf32> to vector<26x512xf32>
    %slice3A_166 = vector.extract_strided_slice %squeeze3A {offsets = [1, 0], sizes = [1, 512], strides = [1, 1]} : vector<26x512xf32> to vector<1x512xf32>
    %mul3A_167 = vector.broadcast %slice3A_166 : vector<1x512xf32> to vector<26x512xf32>
    %mul3A_168 = arith.mulf %slice3A_165, %mul3A_167 : vector<26x512xf32>
    %add3A_169 = arith.addf %add3A_164, %mul3A_168 : vector<26x512xf32>
    %slice3A_170 = vector.extract_strided_slice %dot_general3A_157 {offsets = [52, 0], sizes = [26, 512], strides = [1, 1]} : vector<676x512xf32> to vector<26x512xf32>
    %slice3A_171 = vector.extract_strided_slice %squeeze3A {offsets = [2, 0], sizes = [1, 512], strides = [1, 1]} : vector<26x512xf32> to vector<1x512xf32>
    %mul3A_172 = vector.broadcast %slice3A_171 : vector<1x512xf32> to vector<26x512xf32>
    %mul3A_173 = arith.mulf %slice3A_170, %mul3A_172 : vector<26x512xf32>
    %add3A_174 = arith.addf %add3A_169, %mul3A_173 : vector<26x512xf32>
    %slice3A_175 = vector.extract_strided_slice %dot_general3A_157 {offsets = [78, 0], sizes = [26, 512], strides = [1, 1]} : vector<676x512xf32> to vector<26x512xf32>
    %slice3A_176 = vector.extract_strided_slice %squeeze3A {offsets = [3, 0], sizes = [1, 512], strides = [1, 1]} : vector<26x512xf32> to vector<1x512xf32>
    %mul3A_177 = vector.broadcast %slice3A_176 : vector<1x512xf32> to vector<26x512xf32>
    %mul3A_178 = arith.mulf %slice3A_175, %mul3A_177 : vector<26x512xf32>
    %add3A_179 = arith.addf %add3A_174, %mul3A_178 : vector<26x512xf32>
    %slice3A_180 = vector.extract_strided_slice %dot_general3A_157 {offsets = [104, 0], sizes = [26, 512], strides = [1, 1]} : vector<676x512xf32> to vector<26x512xf32>
    %slice3A_181 = vector.extract_strided_slice %squeeze3A {offsets = [4, 0], sizes = [1, 512], strides = [1, 1]} : vector<26x512xf32> to vector<1x512xf32>
    %mul3A_182 = vector.broadcast %slice3A_181 : vector<1x512xf32> to vector<26x512xf32>
    %mul3A_183 = arith.mulf %slice3A_180, %mul3A_182 : vector<26x512xf32>
    %add3A_184 = arith.addf %add3A_179, %mul3A_183 : vector<26x512xf32>
    %slice3A_185 = vector.extract_strided_slice %dot_general3A_157 {offsets = [130, 0], sizes = [26, 512], strides = [1, 1]} : vector<676x512xf32> to vector<26x512xf32>
    %slice3A_186 = vector.extract_strided_slice %squeeze3A {offsets = [5, 0], sizes = [1, 512], strides = [1, 1]} : vector<26x512xf32> to vector<1x512xf32>
    %mul3A_187 = vector.broadcast %slice3A_186 : vector<1x512xf32> to vector<26x512xf32>
    %mul3A_188 = arith.mulf %slice3A_185, %mul3A_187 : vector<26x512xf32>
    %add3A_189 = arith.addf %add3A_184, %mul3A_188 : vector<26x512xf32>
    %slice3A_190 = vector.extract_strided_slice %dot_general3A_157 {offsets = [156, 0], sizes = [26, 512], strides = [1, 1]} : vector<676x512xf32> to vector<26x512xf32>
    %slice3A_191 = vector.extract_strided_slice %squeeze3A {offsets = [6, 0], sizes = [1, 512], strides = [1, 1]} : vector<26x512xf32> to vector<1x512xf32>
    %mul3A_192 = vector.broadcast %slice3A_191 : vector<1x512xf32> to vector<26x512xf32>
    %mul3A_193 = arith.mulf %slice3A_190, %mul3A_192 : vector<26x512xf32>
    %add3A_194 = arith.addf %add3A_189, %mul3A_193 : vector<26x512xf32>
    %slice3A_195 = vector.extract_strided_slice %dot_general3A_157 {offsets = [182, 0], sizes = [26, 512], strides = [1, 1]} : vector<676x512xf32> to vector<26x512xf32>
    %slice3A_196 = vector.extract_strided_slice %squeeze3A {offsets = [7, 0], sizes = [1, 512], strides = [1, 1]} : vector<26x512xf32> to vector<1x512xf32>
    %mul3A_197 = vector.broadcast %slice3A_196 : vector<1x512xf32> to vector<26x512xf32>
    %mul3A_198 = arith.mulf %slice3A_195, %mul3A_197 : vector<26x512xf32>
    %add3A_199 = arith.addf %add3A_194, %mul3A_198 : vector<26x512xf32>
    %slice3A_200 = vector.extract_strided_slice %dot_general3A_157 {offsets = [208, 0], sizes = [26, 512], strides = [1, 1]} : vector<676x512xf32> to vector<26x512xf32>
    %slice3A_201 = vector.extract_strided_slice %squeeze3A {offsets = [8, 0], sizes = [1, 512], strides = [1, 1]} : vector<26x512xf32> to vector<1x512xf32>
    %mul3A_202 = vector.broadcast %slice3A_201 : vector<1x512xf32> to vector<26x512xf32>
    %mul3A_203 = arith.mulf %slice3A_200, %mul3A_202 : vector<26x512xf32>
    %add3A_204 = arith.addf %add3A_199, %mul3A_203 : vector<26x512xf32>
    %slice3A_205 = vector.extract_strided_slice %dot_general3A_157 {offsets = [234, 0], sizes = [26, 512], strides = [1, 1]} : vector<676x512xf32> to vector<26x512xf32>
    %slice3A_206 = vector.extract_strided_slice %squeeze3A {offsets = [9, 0], sizes = [1, 512], strides = [1, 1]} : vector<26x512xf32> to vector<1x512xf32>
    %mul3A_207 = vector.broadcast %slice3A_206 : vector<1x512xf32> to vector<26x512xf32>
    %mul3A_208 = arith.mulf %slice3A_205, %mul3A_207 : vector<26x512xf32>
    %add3A_209 = arith.addf %add3A_204, %mul3A_208 : vector<26x512xf32>
    %slice3A_210 = vector.extract_strided_slice %dot_general3A_157 {offsets = [260, 0], sizes = [26, 512], strides = [1, 1]} : vector<676x512xf32> to vector<26x512xf32>
    %slice3A_211 = vector.extract_strided_slice %squeeze3A {offsets = [10, 0], sizes = [1, 512], strides = [1, 1]} : vector<26x512xf32> to vector<1x512xf32>
    %mul3A_212 = vector.broadcast %slice3A_211 : vector<1x512xf32> to vector<26x512xf32>
    %mul3A_213 = arith.mulf %slice3A_210, %mul3A_212 : vector<26x512xf32>
    %add3A_214 = arith.addf %add3A_209, %mul3A_213 : vector<26x512xf32>
    %slice3A_215 = vector.extract_strided_slice %dot_general3A_157 {offsets = [286, 0], sizes = [26, 512], strides = [1, 1]} : vector<676x512xf32> to vector<26x512xf32>
    %slice3A_216 = vector.extract_strided_slice %squeeze3A {offsets = [11, 0], sizes = [1, 512], strides = [1, 1]} : vector<26x512xf32> to vector<1x512xf32>
    %mul3A_217 = vector.broadcast %slice3A_216 : vector<1x512xf32> to vector<26x512xf32>
    %mul3A_218 = arith.mulf %slice3A_215, %mul3A_217 : vector<26x512xf32>
    %add3A_219 = arith.addf %add3A_214, %mul3A_218 : vector<26x512xf32>
    %slice3A_220 = vector.extract_strided_slice %dot_general3A_157 {offsets = [312, 0], sizes = [26, 512], strides = [1, 1]} : vector<676x512xf32> to vector<26x512xf32>
    %slice3A_221 = vector.extract_strided_slice %squeeze3A {offsets = [12, 0], sizes = [1, 512], strides = [1, 1]} : vector<26x512xf32> to vector<1x512xf32>
    %mul3A_222 = vector.broadcast %slice3A_221 : vector<1x512xf32> to vector<26x512xf32>
    %mul3A_223 = arith.mulf %slice3A_220, %mul3A_222 : vector<26x512xf32>
    %add3A_224 = arith.addf %add3A_219, %mul3A_223 : vector<26x512xf32>
    %slice3A_225 = vector.extract_strided_slice %dot_general3A_157 {offsets = [338, 0], sizes = [26, 512], strides = [1, 1]} : vector<676x512xf32> to vector<26x512xf32>
    %slice3A_226 = vector.extract_strided_slice %squeeze3A {offsets = [13, 0], sizes = [1, 512], strides = [1, 1]} : vector<26x512xf32> to vector<1x512xf32>
    %mul3A_227 = vector.broadcast %slice3A_226 : vector<1x512xf32> to vector<26x512xf32>
    %mul3A_228 = arith.mulf %slice3A_225, %mul3A_227 : vector<26x512xf32>
    %add3A_229 = arith.addf %add3A_224, %mul3A_228 : vector<26x512xf32>
    %slice3A_230 = vector.extract_strided_slice %dot_general3A_157 {offsets = [364, 0], sizes = [26, 512], strides = [1, 1]} : vector<676x512xf32> to vector<26x512xf32>
    %slice3A_231 = vector.extract_strided_slice %squeeze3A {offsets = [14, 0], sizes = [1, 512], strides = [1, 1]} : vector<26x512xf32> to vector<1x512xf32>
    %mul3A_232 = vector.broadcast %slice3A_231 : vector<1x512xf32> to vector<26x512xf32>
    %mul3A_233 = arith.mulf %slice3A_230, %mul3A_232 : vector<26x512xf32>
    %add3A_234 = arith.addf %add3A_229, %mul3A_233 : vector<26x512xf32>
    %slice3A_235 = vector.extract_strided_slice %dot_general3A_157 {offsets = [390, 0], sizes = [26, 512], strides = [1, 1]} : vector<676x512xf32> to vector<26x512xf32>
    %slice3A_236 = vector.extract_strided_slice %squeeze3A {offsets = [15, 0], sizes = [1, 512], strides = [1, 1]} : vector<26x512xf32> to vector<1x512xf32>
    %mul3A_237 = vector.broadcast %slice3A_236 : vector<1x512xf32> to vector<26x512xf32>
    %mul3A_238 = arith.mulf %slice3A_235, %mul3A_237 : vector<26x512xf32>
    %add3A_239 = arith.addf %add3A_234, %mul3A_238 : vector<26x512xf32>
    %slice3A_240 = vector.extract_strided_slice %dot_general3A_157 {offsets = [416, 0], sizes = [26, 512], strides = [1, 1]} : vector<676x512xf32> to vector<26x512xf32>
    %slice3A_241 = vector.extract_strided_slice %squeeze3A {offsets = [16, 0], sizes = [1, 512], strides = [1, 1]} : vector<26x512xf32> to vector<1x512xf32>
    %mul3A_242 = vector.broadcast %slice3A_241 : vector<1x512xf32> to vector<26x512xf32>
    %mul3A_243 = arith.mulf %slice3A_240, %mul3A_242 : vector<26x512xf32>
    %add3A_244 = arith.addf %add3A_239, %mul3A_243 : vector<26x512xf32>
    %slice3A_245 = vector.extract_strided_slice %dot_general3A_157 {offsets = [442, 0], sizes = [26, 512], strides = [1, 1]} : vector<676x512xf32> to vector<26x512xf32>
    %slice3A_246 = vector.extract_strided_slice %squeeze3A {offsets = [17, 0], sizes = [1, 512], strides = [1, 1]} : vector<26x512xf32> to vector<1x512xf32>
    %mul3A_247 = vector.broadcast %slice3A_246 : vector<1x512xf32> to vector<26x512xf32>
    %mul3A_248 = arith.mulf %slice3A_245, %mul3A_247 : vector<26x512xf32>
    %add3A_249 = arith.addf %add3A_244, %mul3A_248 : vector<26x512xf32>
    %slice3A_250 = vector.extract_strided_slice %dot_general3A_157 {offsets = [468, 0], sizes = [26, 512], strides = [1, 1]} : vector<676x512xf32> to vector<26x512xf32>
    %slice3A_251 = vector.extract_strided_slice %squeeze3A {offsets = [18, 0], sizes = [1, 512], strides = [1, 1]} : vector<26x512xf32> to vector<1x512xf32>
    %mul3A_252 = vector.broadcast %slice3A_251 : vector<1x512xf32> to vector<26x512xf32>
    %mul3A_253 = arith.mulf %slice3A_250, %mul3A_252 : vector<26x512xf32>
    %add3A_254 = arith.addf %add3A_249, %mul3A_253 : vector<26x512xf32>
    %slice3A_255 = vector.extract_strided_slice %dot_general3A_157 {offsets = [494, 0], sizes = [26, 512], strides = [1, 1]} : vector<676x512xf32> to vector<26x512xf32>
    %slice3A_256 = vector.extract_strided_slice %squeeze3A {offsets = [19, 0], sizes = [1, 512], strides = [1, 1]} : vector<26x512xf32> to vector<1x512xf32>
    %mul3A_257 = vector.broadcast %slice3A_256 : vector<1x512xf32> to vector<26x512xf32>
    %mul3A_258 = arith.mulf %slice3A_255, %mul3A_257 : vector<26x512xf32>
    %add3A_259 = arith.addf %add3A_254, %mul3A_258 : vector<26x512xf32>
    %slice3A_260 = vector.extract_strided_slice %dot_general3A_157 {offsets = [520, 0], sizes = [26, 512], strides = [1, 1]} : vector<676x512xf32> to vector<26x512xf32>
    %slice3A_261 = vector.extract_strided_slice %squeeze3A {offsets = [20, 0], sizes = [1, 512], strides = [1, 1]} : vector<26x512xf32> to vector<1x512xf32>
    %mul3A_262 = vector.broadcast %slice3A_261 : vector<1x512xf32> to vector<26x512xf32>
    %mul3A_263 = arith.mulf %slice3A_260, %mul3A_262 : vector<26x512xf32>
    %add3A_264 = arith.addf %add3A_259, %mul3A_263 : vector<26x512xf32>
    %slice3A_265 = vector.extract_strided_slice %dot_general3A_157 {offsets = [546, 0], sizes = [26, 512], strides = [1, 1]} : vector<676x512xf32> to vector<26x512xf32>
    %slice3A_266 = vector.extract_strided_slice %squeeze3A {offsets = [21, 0], sizes = [1, 512], strides = [1, 1]} : vector<26x512xf32> to vector<1x512xf32>
    %mul3A_267 = vector.broadcast %slice3A_266 : vector<1x512xf32> to vector<26x512xf32>
    %mul3A_268 = arith.mulf %slice3A_265, %mul3A_267 : vector<26x512xf32>
    %add3A_269 = arith.addf %add3A_264, %mul3A_268 : vector<26x512xf32>
    %slice3A_270 = vector.extract_strided_slice %dot_general3A_157 {offsets = [572, 0], sizes = [26, 512], strides = [1, 1]} : vector<676x512xf32> to vector<26x512xf32>
    %slice3A_271 = vector.extract_strided_slice %squeeze3A {offsets = [22, 0], sizes = [1, 512], strides = [1, 1]} : vector<26x512xf32> to vector<1x512xf32>
    %mul3A_272 = vector.broadcast %slice3A_271 : vector<1x512xf32> to vector<26x512xf32>
    %mul3A_273 = arith.mulf %slice3A_270, %mul3A_272 : vector<26x512xf32>
    %add3A_274 = arith.addf %add3A_269, %mul3A_273 : vector<26x512xf32>
    %slice3A_275 = vector.extract_strided_slice %dot_general3A_157 {offsets = [598, 0], sizes = [26, 512], strides = [1, 1]} : vector<676x512xf32> to vector<26x512xf32>
    %slice3A_276 = vector.extract_strided_slice %squeeze3A {offsets = [23, 0], sizes = [1, 512], strides = [1, 1]} : vector<26x512xf32> to vector<1x512xf32>
    %mul3A_277 = vector.broadcast %slice3A_276 : vector<1x512xf32> to vector<26x512xf32>
    %mul3A_278 = arith.mulf %slice3A_275, %mul3A_277 : vector<26x512xf32>
    %add3A_279 = arith.addf %add3A_274, %mul3A_278 : vector<26x512xf32>
    %slice3A_280 = vector.extract_strided_slice %dot_general3A_157 {offsets = [624, 0], sizes = [26, 512], strides = [1, 1]} : vector<676x512xf32> to vector<26x512xf32>
    %slice3A_281 = vector.extract_strided_slice %squeeze3A {offsets = [24, 0], sizes = [1, 512], strides = [1, 1]} : vector<26x512xf32> to vector<1x512xf32>
    %mul3A_282 = vector.broadcast %slice3A_281 : vector<1x512xf32> to vector<26x512xf32>
    %mul3A_283 = arith.mulf %slice3A_280, %mul3A_282 : vector<26x512xf32>
    %add3A_284 = arith.addf %add3A_279, %mul3A_283 : vector<26x512xf32>
    %slice3A_285 = vector.extract_strided_slice %dot_general3A_157 {offsets = [650, 0], sizes = [26, 512], strides = [1, 1]} : vector<676x512xf32> to vector<26x512xf32>
    %slice3A_286 = vector.extract_strided_slice %squeeze3A {offsets = [25, 0], sizes = [1, 512], strides = [1, 1]} : vector<26x512xf32> to vector<1x512xf32>
    %mul3A_287 = vector.broadcast %slice3A_286 : vector<1x512xf32> to vector<26x512xf32>
    %mul3A_288 = arith.mulf %slice3A_285, %mul3A_287 : vector<26x512xf32>
    %add3A_289 = arith.addf %add3A_284, %mul3A_288 : vector<26x512xf32>
    %add3A_290 = vector.broadcast %get3A_17 : vector<26x1xf32> to vector<26x512xf32>
    %add3A_291 = arith.addf %add3A_289, %add3A_290 : vector<26x512xf32>
    %max3A_292 = arith.constant 0.000000e+00 : f32
    %max3A_293 = vector.broadcast %max3A_292 : f32 to vector<26x512xf32>
    %max3A_294 = arith.maximumf %add3A_291, %max3A_293 : vector<26x512xf32>
    %add3A_295 = arith.addf %broadcast_in_dim3A_18, %max3A_155 : vector<26x512xf32>
    %add3A_296 = arith.addf %broadcast_in_dim3A_20, %max3A_294 : vector<26x512xf32>
    %slice3A_297 = vector.extract_strided_slice %reshape3A {offsets = [0, 1, 0], sizes = [26, 1, 512], strides = [1, 1, 1]} : vector<26x16x512xf32> to vector<26x1x512xf32>
    %squeeze3A_298 = vector.shape_cast %slice3A_297 : vector<26x1x512xf32> to vector<26x512xf32>
    %dot_general3A_299 = arith.constant dense<0.000000e+00> : vector<676x512xf32>
    %dot_general3A_300 = tpu.matmul %get3A_8, %squeeze3A_298, %dot_general3A_299 {dimension_numbers = #tpu.dot_dimension_numbers<[1], [0], [0], [1], [0, 0, 1, 1], [], []>, transpose_lhs_hint = false} : vector<676x26xf32>, vector<26x512xf32>, vector<676x512xf32> -> vector<676x512xf32>
    %broadcast_in_dim3A_301 = arith.constant 0.000000e+00 : f32
    %broadcast_in_dim3A_302 = vector.broadcast %broadcast_in_dim3A_301 : f32 to vector<26x512xf32>
    %slice3A_303 = vector.extract_strided_slice %dot_general3A_300 {offsets = [0, 0], sizes = [26, 512], strides = [1, 1]} : vector<676x512xf32> to vector<26x512xf32>
    %slice3A_304 = vector.extract_strided_slice %squeeze3A_298 {offsets = [0, 0], sizes = [1, 512], strides = [1, 1]} : vector<26x512xf32> to vector<1x512xf32>
    %mul3A_305 = vector.broadcast %slice3A_304 : vector<1x512xf32> to vector<26x512xf32>
    %mul3A_306 = arith.mulf %slice3A_303, %mul3A_305 : vector<26x512xf32>
    %add3A_307 = arith.addf %broadcast_in_dim3A_302, %mul3A_306 : vector<26x512xf32>
    %slice3A_308 = vector.extract_strided_slice %dot_general3A_300 {offsets = [26, 0], sizes = [26, 512], strides = [1, 1]} : vector<676x512xf32> to vector<26x512xf32>
    %slice3A_309 = vector.extract_strided_slice %squeeze3A_298 {offsets = [1, 0], sizes = [1, 512], strides = [1, 1]} : vector<26x512xf32> to vector<1x512xf32>
    %mul3A_310 = vector.broadcast %slice3A_309 : vector<1x512xf32> to vector<26x512xf32>
    %mul3A_311 = arith.mulf %slice3A_308, %mul3A_310 : vector<26x512xf32>
    %add3A_312 = arith.addf %add3A_307, %mul3A_311 : vector<26x512xf32>
    %slice3A_313 = vector.extract_strided_slice %dot_general3A_300 {offsets = [52, 0], sizes = [26, 512], strides = [1, 1]} : vector<676x512xf32> to vector<26x512xf32>
    %slice3A_314 = vector.extract_strided_slice %squeeze3A_298 {offsets = [2, 0], sizes = [1, 512], strides = [1, 1]} : vector<26x512xf32> to vector<1x512xf32>
    %mul3A_315 = vector.broadcast %slice3A_314 : vector<1x512xf32> to vector<26x512xf32>
    %mul3A_316 = arith.mulf %slice3A_313, %mul3A_315 : vector<26x512xf32>
    %add3A_317 = arith.addf %add3A_312, %mul3A_316 : vector<26x512xf32>
    %slice3A_318 = vector.extract_strided_slice %dot_general3A_300 {offsets = [78, 0], sizes = [26, 512], strides = [1, 1]} : vector<676x512xf32> to vector<26x512xf32>
    %slice3A_319 = vector.extract_strided_slice %squeeze3A_298 {offsets = [3, 0], sizes = [1, 512], strides = [1, 1]} : vector<26x512xf32> to vector<1x512xf32>
    %mul3A_320 = vector.broadcast %slice3A_319 : vector<1x512xf32> to vector<26x512xf32>
    %mul3A_321 = arith.mulf %slice3A_318, %mul3A_320 : vector<26x512xf32>
    %add3A_322 = arith.addf %add3A_317, %mul3A_321 : vector<26x512xf32>
    %slice3A_323 = vector.extract_strided_slice %dot_general3A_300 {offsets = [104, 0], sizes = [26, 512], strides = [1, 1]} : vector<676x512xf32> to vector<26x512xf32>
    %slice3A_324 = vector.extract_strided_slice %squeeze3A_298 {offsets = [4, 0], sizes = [1, 512], strides = [1, 1]} : vector<26x512xf32> to vector<1x512xf32>
    %mul3A_325 = vector.broadcast %slice3A_324 : vector<1x512xf32> to vector<26x512xf32>
    %mul3A_326 = arith.mulf %slice3A_323, %mul3A_325 : vector<26x512xf32>
    %add3A_327 = arith.addf %add3A_322, %mul3A_326 : vector<26x512xf32>
    %slice3A_328 = vector.extract_strided_slice %dot_general3A_300 {offsets = [130, 0], sizes = [26, 512], strides = [1, 1]} : vector<676x512xf32> to vector<26x512xf32>
    %slice3A_329 = vector.extract_strided_slice %squeeze3A_298 {offsets = [5, 0], sizes = [1, 512], strides = [1, 1]} : vector<26x512xf32> to vector<1x512xf32>
    %mul3A_330 = vector.broadcast %slice3A_329 : vector<1x512xf32> to vector<26x512xf32>
    %mul3A_331 = arith.mulf %slice3A_328, %mul3A_330 : vector<26x512xf32>
    %add3A_332 = arith.addf %add3A_327, %mul3A_331 : vector<26x512xf32>
    %slice3A_333 = vector.extract_strided_slice %dot_general3A_300 {offsets = [156, 0], sizes = [26, 512], strides = [1, 1]} : vector<676x512xf32> to vector<26x512xf32>
    %slice3A_334 = vector.extract_strided_slice %squeeze3A_298 {offsets = [6, 0], sizes = [1, 512], strides = [1, 1]} : vector<26x512xf32> to vector<1x512xf32>
    %mul3A_335 = vector.broadcast %slice3A_334 : vector<1x512xf32> to vector<26x512xf32>
    %mul3A_336 = arith.mulf %slice3A_333, %mul3A_335 : vector<26x512xf32>
    %add3A_337 = arith.addf %add3A_332, %mul3A_336 : vector<26x512xf32>
    %slice3A_338 = vector.extract_strided_slice %dot_general3A_300 {offsets = [182, 0], sizes = [26, 512], strides = [1, 1]} : vector<676x512xf32> to vector<26x512xf32>
    %slice3A_339 = vector.extract_strided_slice %squeeze3A_298 {offsets = [7, 0], sizes = [1, 512], strides = [1, 1]} : vector<26x512xf32> to vector<1x512xf32>
    %mul3A_340 = vector.broadcast %slice3A_339 : vector<1x512xf32> to vector<26x512xf32>
    %mul3A_341 = arith.mulf %slice3A_338, %mul3A_340 : vector<26x512xf32>
    %add3A_342 = arith.addf %add3A_337, %mul3A_341 : vector<26x512xf32>
    %slice3A_343 = vector.extract_strided_slice %dot_general3A_300 {offsets = [208, 0], sizes = [26, 512], strides = [1, 1]} : vector<676x512xf32> to vector<26x512xf32>
    %slice3A_344 = vector.extract_strided_slice %squeeze3A_298 {offsets = [8, 0], sizes = [1, 512], strides = [1, 1]} : vector<26x512xf32> to vector<1x512xf32>
    %mul3A_345 = vector.broadcast %slice3A_344 : vector<1x512xf32> to vector<26x512xf32>
    %mul3A_346 = arith.mulf %slice3A_343, %mul3A_345 : vector<26x512xf32>
    %add3A_347 = arith.addf %add3A_342, %mul3A_346 : vector<26x512xf32>
    %slice3A_348 = vector.extract_strided_slice %dot_general3A_300 {offsets = [234, 0], sizes = [26, 512], strides = [1, 1]} : vector<676x512xf32> to vector<26x512xf32>
    %slice3A_349 = vector.extract_strided_slice %squeeze3A_298 {offsets = [9, 0], sizes = [1, 512], strides = [1, 1]} : vector<26x512xf32> to vector<1x512xf32>
    %mul3A_350 = vector.broadcast %slice3A_349 : vector<1x512xf32> to vector<26x512xf32>
    %mul3A_351 = arith.mulf %slice3A_348, %mul3A_350 : vector<26x512xf32>
    %add3A_352 = arith.addf %add3A_347, %mul3A_351 : vector<26x512xf32>
    %slice3A_353 = vector.extract_strided_slice %dot_general3A_300 {offsets = [260, 0], sizes = [26, 512], strides = [1, 1]} : vector<676x512xf32> to vector<26x512xf32>
    %slice3A_354 = vector.extract_strided_slice %squeeze3A_298 {offsets = [10, 0], sizes = [1, 512], strides = [1, 1]} : vector<26x512xf32> to vector<1x512xf32>
    %mul3A_355 = vector.broadcast %slice3A_354 : vector<1x512xf32> to vector<26x512xf32>
    %mul3A_356 = arith.mulf %slice3A_353, %mul3A_355 : vector<26x512xf32>
    %add3A_357 = arith.addf %add3A_352, %mul3A_356 : vector<26x512xf32>
    %slice3A_358 = vector.extract_strided_slice %dot_general3A_300 {offsets = [286, 0], sizes = [26, 512], strides = [1, 1]} : vector<676x512xf32> to vector<26x512xf32>
    %slice3A_359 = vector.extract_strided_slice %squeeze3A_298 {offsets = [11, 0], sizes = [1, 512], strides = [1, 1]} : vector<26x512xf32> to vector<1x512xf32>
    %mul3A_360 = vector.broadcast %slice3A_359 : vector<1x512xf32> to vector<26x512xf32>
    %mul3A_361 = arith.mulf %slice3A_358, %mul3A_360 : vector<26x512xf32>
    %add3A_362 = arith.addf %add3A_357, %mul3A_361 : vector<26x512xf32>
    %slice3A_363 = vector.extract_strided_slice %dot_general3A_300 {offsets = [312, 0], sizes = [26, 512], strides = [1, 1]} : vector<676x512xf32> to vector<26x512xf32>
    %slice3A_364 = vector.extract_strided_slice %squeeze3A_298 {offsets = [12, 0], sizes = [1, 512], strides = [1, 1]} : vector<26x512xf32> to vector<1x512xf32>
    %mul3A_365 = vector.broadcast %slice3A_364 : vector<1x512xf32> to vector<26x512xf32>
    %mul3A_366 = arith.mulf %slice3A_363, %mul3A_365 : vector<26x512xf32>
    %add3A_367 = arith.addf %add3A_362, %mul3A_366 : vector<26x512xf32>
    %slice3A_368 = vector.extract_strided_slice %dot_general3A_300 {offsets = [338, 0], sizes = [26, 512], strides = [1, 1]} : vector<676x512xf32> to vector<26x512xf32>
    %slice3A_369 = vector.extract_strided_slice %squeeze3A_298 {offsets = [13, 0], sizes = [1, 512], strides = [1, 1]} : vector<26x512xf32> to vector<1x512xf32>
    %mul3A_370 = vector.broadcast %slice3A_369 : vector<1x512xf32> to vector<26x512xf32>
    %mul3A_371 = arith.mulf %slice3A_368, %mul3A_370 : vector<26x512xf32>
    %add3A_372 = arith.addf %add3A_367, %mul3A_371 : vector<26x512xf32>
    %slice3A_373 = vector.extract_strided_slice %dot_general3A_300 {offsets = [364, 0], sizes = [26, 512], strides = [1, 1]} : vector<676x512xf32> to vector<26x512xf32>
    %slice3A_374 = vector.extract_strided_slice %squeeze3A_298 {offsets = [14, 0], sizes = [1, 512], strides = [1, 1]} : vector<26x512xf32> to vector<1x512xf32>
    %mul3A_375 = vector.broadcast %slice3A_374 : vector<1x512xf32> to vector<26x512xf32>
    %mul3A_376 = arith.mulf %slice3A_373, %mul3A_375 : vector<26x512xf32>
    %add3A_377 = arith.addf %add3A_372, %mul3A_376 : vector<26x512xf32>
    %slice3A_378 = vector.extract_strided_slice %dot_general3A_300 {offsets = [390, 0], sizes = [26, 512], strides = [1, 1]} : vector<676x512xf32> to vector<26x512xf32>
    %slice3A_379 = vector.extract_strided_slice %squeeze3A_298 {offsets = [15, 0], sizes = [1, 512], strides = [1, 1]} : vector<26x512xf32> to vector<1x512xf32>
    %mul3A_380 = vector.broadcast %slice3A_379 : vector<1x512xf32> to vector<26x512xf32>
    %mul3A_381 = arith.mulf %slice3A_378, %mul3A_380 : vector<26x512xf32>
    %add3A_382 = arith.addf %add3A_377, %mul3A_381 : vector<26x512xf32>
    %slice3A_383 = vector.extract_strided_slice %dot_general3A_300 {offsets = [416, 0], sizes = [26, 512], strides = [1, 1]} : vector<676x512xf32> to vector<26x512xf32>
    %slice3A_384 = vector.extract_strided_slice %squeeze3A_298 {offsets = [16, 0], sizes = [1, 512], strides = [1, 1]} : vector<26x512xf32> to vector<1x512xf32>
    %mul3A_385 = vector.broadcast %slice3A_384 : vector<1x512xf32> to vector<26x512xf32>
    %mul3A_386 = arith.mulf %slice3A_383, %mul3A_385 : vector<26x512xf32>
    %add3A_387 = arith.addf %add3A_382, %mul3A_386 : vector<26x512xf32>
    %slice3A_388 = vector.extract_strided_slice %dot_general3A_300 {offsets = [442, 0], sizes = [26, 512], strides = [1, 1]} : vector<676x512xf32> to vector<26x512xf32>
    %slice3A_389 = vector.extract_strided_slice %squeeze3A_298 {offsets = [17, 0], sizes = [1, 512], strides = [1, 1]} : vector<26x512xf32> to vector<1x512xf32>
    %mul3A_390 = vector.broadcast %slice3A_389 : vector<1x512xf32> to vector<26x512xf32>
    %mul3A_391 = arith.mulf %slice3A_388, %mul3A_390 : vector<26x512xf32>
    %add3A_392 = arith.addf %add3A_387, %mul3A_391 : vector<26x512xf32>
    %slice3A_393 = vector.extract_strided_slice %dot_general3A_300 {offsets = [468, 0], sizes = [26, 512], strides = [1, 1]} : vector<676x512xf32> to vector<26x512xf32>
    %slice3A_394 = vector.extract_strided_slice %squeeze3A_298 {offsets = [18, 0], sizes = [1, 512], strides = [1, 1]} : vector<26x512xf32> to vector<1x512xf32>
    %mul3A_395 = vector.broadcast %slice3A_394 : vector<1x512xf32> to vector<26x512xf32>
    %mul3A_396 = arith.mulf %slice3A_393, %mul3A_395 : vector<26x512xf32>
    %add3A_397 = arith.addf %add3A_392, %mul3A_396 : vector<26x512xf32>
    %slice3A_398 = vector.extract_strided_slice %dot_general3A_300 {offsets = [494, 0], sizes = [26, 512], strides = [1, 1]} : vector<676x512xf32> to vector<26x512xf32>
    %slice3A_399 = vector.extract_strided_slice %squeeze3A_298 {offsets = [19, 0], sizes = [1, 512], strides = [1, 1]} : vector<26x512xf32> to vector<1x512xf32>
    %mul3A_400 = vector.broadcast %slice3A_399 : vector<1x512xf32> to vector<26x512xf32>
    %mul3A_401 = arith.mulf %slice3A_398, %mul3A_400 : vector<26x512xf32>
    %add3A_402 = arith.addf %add3A_397, %mul3A_401 : vector<26x512xf32>
    %slice3A_403 = vector.extract_strided_slice %dot_general3A_300 {offsets = [520, 0], sizes = [26, 512], strides = [1, 1]} : vector<676x512xf32> to vector<26x512xf32>
    %slice3A_404 = vector.extract_strided_slice %squeeze3A_298 {offsets = [20, 0], sizes = [1, 512], strides = [1, 1]} : vector<26x512xf32> to vector<1x512xf32>
    %mul3A_405 = vector.broadcast %slice3A_404 : vector<1x512xf32> to vector<26x512xf32>
    %mul3A_406 = arith.mulf %slice3A_403, %mul3A_405 : vector<26x512xf32>
    %add3A_407 = arith.addf %add3A_402, %mul3A_406 : vector<26x512xf32>
    %slice3A_408 = vector.extract_strided_slice %dot_general3A_300 {offsets = [546, 0], sizes = [26, 512], strides = [1, 1]} : vector<676x512xf32> to vector<26x512xf32>
    %slice3A_409 = vector.extract_strided_slice %squeeze3A_298 {offsets = [21, 0], sizes = [1, 512], strides = [1, 1]} : vector<26x512xf32> to vector<1x512xf32>
    %mul3A_410 = vector.broadcast %slice3A_409 : vector<1x512xf32> to vector<26x512xf32>
    %mul3A_411 = arith.mulf %slice3A_408, %mul3A_410 : vector<26x512xf32>
    %add3A_412 = arith.addf %add3A_407, %mul3A_411 : vector<26x512xf32>
    %slice3A_413 = vector.extract_strided_slice %dot_general3A_300 {offsets = [572, 0], sizes = [26, 512], strides = [1, 1]} : vector<676x512xf32> to vector<26x512xf32>
    %slice3A_414 = vector.extract_strided_slice %squeeze3A_298 {offsets = [22, 0], sizes = [1, 512], strides = [1, 1]} : vector<26x512xf32> to vector<1x512xf32>
    %mul3A_415 = vector.broadcast %slice3A_414 : vector<1x512xf32> to vector<26x512xf32>
    %mul3A_416 = arith.mulf %slice3A_413, %mul3A_415 : vector<26x512xf32>
    %add3A_417 = arith.addf %add3A_412, %mul3A_416 : vector<26x512xf32>
    %slice3A_418 = vector.extract_strided_slice %dot_general3A_300 {offsets = [598, 0], sizes = [26, 512], strides = [1, 1]} : vector<676x512xf32> to vector<26x512xf32>
    %slice3A_419 = vector.extract_strided_slice %squeeze3A_298 {offsets = [23, 0], sizes = [1, 512], strides = [1, 1]} : vector<26x512xf32> to vector<1x512xf32>
    %mul3A_420 = vector.broadcast %slice3A_419 : vector<1x512xf32> to vector<26x512xf32>
    %mul3A_421 = arith.mulf %slice3A_418, %mul3A_420 : vector<26x512xf32>
    %add3A_422 = arith.addf %add3A_417, %mul3A_421 : vector<26x512xf32>
    %slice3A_423 = vector.extract_strided_slice %dot_general3A_300 {offsets = [624, 0], sizes = [26, 512], strides = [1, 1]} : vector<676x512xf32> to vector<26x512xf32>
    %slice3A_424 = vector.extract_strided_slice %squeeze3A_298 {offsets = [24, 0], sizes = [1, 512], strides = [1, 1]} : vector<26x512xf32> to vector<1x512xf32>
    %mul3A_425 = vector.broadcast %slice3A_424 : vector<1x512xf32> to vector<26x512xf32>
    %mul3A_426 = arith.mulf %slice3A_423, %mul3A_425 : vector<26x512xf32>
    %add3A_427 = arith.addf %add3A_422, %mul3A_426 : vector<26x512xf32>
    %slice3A_428 = vector.extract_strided_slice %dot_general3A_300 {offsets = [650, 0], sizes = [26, 512], strides = [1, 1]} : vector<676x512xf32> to vector<26x512xf32>
    %slice3A_429 = vector.extract_strided_slice %squeeze3A_298 {offsets = [25, 0], sizes = [1, 512], strides = [1, 1]} : vector<26x512xf32> to vector<1x512xf32>
    %mul3A_430 = vector.broadcast %slice3A_429 : vector<1x512xf32> to vector<26x512xf32>
    %mul3A_431 = arith.mulf %slice3A_428, %mul3A_430 : vector<26x512xf32>
    %add3A_432 = arith.addf %add3A_427, %mul3A_431 : vector<26x512xf32>
    %add3A_433 = vector.broadcast %get3A_14 : vector<26x1xf32> to vector<26x512xf32>
    %add3A_434 = arith.addf %add3A_432, %add3A_433 : vector<26x512xf32>
    %max3A_435 = arith.constant 0.000000e+00 : f32
    %max3A_436 = vector.broadcast %max3A_435 : f32 to vector<26x512xf32>
    %max3A_437 = arith.maximumf %add3A_434, %max3A_436 : vector<26x512xf32>
    %dot_general3A_438 = arith.constant dense<0.000000e+00> : vector<676x512xf32>
    %dot_general3A_439 = tpu.matmul %get3A_11, %max3A_437, %dot_general3A_438 {dimension_numbers = #tpu.dot_dimension_numbers<[1], [0], [0], [1], [0, 0, 1, 1], [], []>, transpose_lhs_hint = false} : vector<676x26xf32>, vector<26x512xf32>, vector<676x512xf32> -> vector<676x512xf32>
    %broadcast_in_dim3A_440 = arith.constant 0.000000e+00 : f32
    %broadcast_in_dim3A_441 = vector.broadcast %broadcast_in_dim3A_440 : f32 to vector<26x512xf32>
    %slice3A_442 = vector.extract_strided_slice %dot_general3A_439 {offsets = [0, 0], sizes = [26, 512], strides = [1, 1]} : vector<676x512xf32> to vector<26x512xf32>
    %slice3A_443 = vector.extract_strided_slice %squeeze3A_298 {offsets = [0, 0], sizes = [1, 512], strides = [1, 1]} : vector<26x512xf32> to vector<1x512xf32>
    %mul3A_444 = vector.broadcast %slice3A_443 : vector<1x512xf32> to vector<26x512xf32>
    %mul3A_445 = arith.mulf %slice3A_442, %mul3A_444 : vector<26x512xf32>
    %add3A_446 = arith.addf %broadcast_in_dim3A_441, %mul3A_445 : vector<26x512xf32>
    %slice3A_447 = vector.extract_strided_slice %dot_general3A_439 {offsets = [26, 0], sizes = [26, 512], strides = [1, 1]} : vector<676x512xf32> to vector<26x512xf32>
    %slice3A_448 = vector.extract_strided_slice %squeeze3A_298 {offsets = [1, 0], sizes = [1, 512], strides = [1, 1]} : vector<26x512xf32> to vector<1x512xf32>
    %mul3A_449 = vector.broadcast %slice3A_448 : vector<1x512xf32> to vector<26x512xf32>
    %mul3A_450 = arith.mulf %slice3A_447, %mul3A_449 : vector<26x512xf32>
    %add3A_451 = arith.addf %add3A_446, %mul3A_450 : vector<26x512xf32>
    %slice3A_452 = vector.extract_strided_slice %dot_general3A_439 {offsets = [52, 0], sizes = [26, 512], strides = [1, 1]} : vector<676x512xf32> to vector<26x512xf32>
    %slice3A_453 = vector.extract_strided_slice %squeeze3A_298 {offsets = [2, 0], sizes = [1, 512], strides = [1, 1]} : vector<26x512xf32> to vector<1x512xf32>
    %mul3A_454 = vector.broadcast %slice3A_453 : vector<1x512xf32> to vector<26x512xf32>
    %mul3A_455 = arith.mulf %slice3A_452, %mul3A_454 : vector<26x512xf32>
    %add3A_456 = arith.addf %add3A_451, %mul3A_455 : vector<26x512xf32>
    %slice3A_457 = vector.extract_strided_slice %dot_general3A_439 {offsets = [78, 0], sizes = [26, 512], strides = [1, 1]} : vector<676x512xf32> to vector<26x512xf32>
    %slice3A_458 = vector.extract_strided_slice %squeeze3A_298 {offsets = [3, 0], sizes = [1, 512], strides = [1, 1]} : vector<26x512xf32> to vector<1x512xf32>
    %mul3A_459 = vector.broadcast %slice3A_458 : vector<1x512xf32> to vector<26x512xf32>
    %mul3A_460 = arith.mulf %slice3A_457, %mul3A_459 : vector<26x512xf32>
    %add3A_461 = arith.addf %add3A_456, %mul3A_460 : vector<26x512xf32>
    %slice3A_462 = vector.extract_strided_slice %dot_general3A_439 {offsets = [104, 0], sizes = [26, 512], strides = [1, 1]} : vector<676x512xf32> to vector<26x512xf32>
    %slice3A_463 = vector.extract_strided_slice %squeeze3A_298 {offsets = [4, 0], sizes = [1, 512], strides = [1, 1]} : vector<26x512xf32> to vector<1x512xf32>
    %mul3A_464 = vector.broadcast %slice3A_463 : vector<1x512xf32> to vector<26x512xf32>
    %mul3A_465 = arith.mulf %slice3A_462, %mul3A_464 : vector<26x512xf32>
    %add3A_466 = arith.addf %add3A_461, %mul3A_465 : vector<26x512xf32>
    %slice3A_467 = vector.extract_strided_slice %dot_general3A_439 {offsets = [130, 0], sizes = [26, 512], strides = [1, 1]} : vector<676x512xf32> to vector<26x512xf32>
    %slice3A_468 = vector.extract_strided_slice %squeeze3A_298 {offsets = [5, 0], sizes = [1, 512], strides = [1, 1]} : vector<26x512xf32> to vector<1x512xf32>
    %mul3A_469 = vector.broadcast %slice3A_468 : vector<1x512xf32> to vector<26x512xf32>
    %mul3A_470 = arith.mulf %slice3A_467, %mul3A_469 : vector<26x512xf32>
    %add3A_471 = arith.addf %add3A_466, %mul3A_470 : vector<26x512xf32>
    %slice3A_472 = vector.extract_strided_slice %dot_general3A_439 {offsets = [156, 0], sizes = [26, 512], strides = [1, 1]} : vector<676x512xf32> to vector<26x512xf32>
    %slice3A_473 = vector.extract_strided_slice %squeeze3A_298 {offsets = [6, 0], sizes = [1, 512], strides = [1, 1]} : vector<26x512xf32> to vector<1x512xf32>
    %mul3A_474 = vector.broadcast %slice3A_473 : vector<1x512xf32> to vector<26x512xf32>
    %mul3A_475 = arith.mulf %slice3A_472, %mul3A_474 : vector<26x512xf32>
    %add3A_476 = arith.addf %add3A_471, %mul3A_475 : vector<26x512xf32>
    %slice3A_477 = vector.extract_strided_slice %dot_general3A_439 {offsets = [182, 0], sizes = [26, 512], strides = [1, 1]} : vector<676x512xf32> to vector<26x512xf32>
    %slice3A_478 = vector.extract_strided_slice %squeeze3A_298 {offsets = [7, 0], sizes = [1, 512], strides = [1, 1]} : vector<26x512xf32> to vector<1x512xf32>
    %mul3A_479 = vector.broadcast %slice3A_478 : vector<1x512xf32> to vector<26x512xf32>
    %mul3A_480 = arith.mulf %slice3A_477, %mul3A_479 : vector<26x512xf32>
    %add3A_481 = arith.addf %add3A_476, %mul3A_480 : vector<26x512xf32>
    %slice3A_482 = vector.extract_strided_slice %dot_general3A_439 {offsets = [208, 0], sizes = [26, 512], strides = [1, 1]} : vector<676x512xf32> to vector<26x512xf32>
    %slice3A_483 = vector.extract_strided_slice %squeeze3A_298 {offsets = [8, 0], sizes = [1, 512], strides = [1, 1]} : vector<26x512xf32> to vector<1x512xf32>
    %mul3A_484 = vector.broadcast %slice3A_483 : vector<1x512xf32> to vector<26x512xf32>
    %mul3A_485 = arith.mulf %slice3A_482, %mul3A_484 : vector<26x512xf32>
    %add3A_486 = arith.addf %add3A_481, %mul3A_485 : vector<26x512xf32>
    %slice3A_487 = vector.extract_strided_slice %dot_general3A_439 {offsets = [234, 0], sizes = [26, 512], strides = [1, 1]} : vector<676x512xf32> to vector<26x512xf32>
    %slice3A_488 = vector.extract_strided_slice %squeeze3A_298 {offsets = [9, 0], sizes = [1, 512], strides = [1, 1]} : vector<26x512xf32> to vector<1x512xf32>
    %mul3A_489 = vector.broadcast %slice3A_488 : vector<1x512xf32> to vector<26x512xf32>
    %mul3A_490 = arith.mulf %slice3A_487, %mul3A_489 : vector<26x512xf32>
    %add3A_491 = arith.addf %add3A_486, %mul3A_490 : vector<26x512xf32>
    %slice3A_492 = vector.extract_strided_slice %dot_general3A_439 {offsets = [260, 0], sizes = [26, 512], strides = [1, 1]} : vector<676x512xf32> to vector<26x512xf32>
    %slice3A_493 = vector.extract_strided_slice %squeeze3A_298 {offsets = [10, 0], sizes = [1, 512], strides = [1, 1]} : vector<26x512xf32> to vector<1x512xf32>
    %mul3A_494 = vector.broadcast %slice3A_493 : vector<1x512xf32> to vector<26x512xf32>
    %mul3A_495 = arith.mulf %slice3A_492, %mul3A_494 : vector<26x512xf32>
    %add3A_496 = arith.addf %add3A_491, %mul3A_495 : vector<26x512xf32>
    %slice3A_497 = vector.extract_strided_slice %dot_general3A_439 {offsets = [286, 0], sizes = [26, 512], strides = [1, 1]} : vector<676x512xf32> to vector<26x512xf32>
    %slice3A_498 = vector.extract_strided_slice %squeeze3A_298 {offsets = [11, 0], sizes = [1, 512], strides = [1, 1]} : vector<26x512xf32> to vector<1x512xf32>
    %mul3A_499 = vector.broadcast %slice3A_498 : vector<1x512xf32> to vector<26x512xf32>
    %mul3A_500 = arith.mulf %slice3A_497, %mul3A_499 : vector<26x512xf32>
    %add3A_501 = arith.addf %add3A_496, %mul3A_500 : vector<26x512xf32>
    %slice3A_502 = vector.extract_strided_slice %dot_general3A_439 {offsets = [312, 0], sizes = [26, 512], strides = [1, 1]} : vector<676x512xf32> to vector<26x512xf32>
    %slice3A_503 = vector.extract_strided_slice %squeeze3A_298 {offsets = [12, 0], sizes = [1, 512], strides = [1, 1]} : vector<26x512xf32> to vector<1x512xf32>
    %mul3A_504 = vector.broadcast %slice3A_503 : vector<1x512xf32> to vector<26x512xf32>
    %mul3A_505 = arith.mulf %slice3A_502, %mul3A_504 : vector<26x512xf32>
    %add3A_506 = arith.addf %add3A_501, %mul3A_505 : vector<26x512xf32>
    %slice3A_507 = vector.extract_strided_slice %dot_general3A_439 {offsets = [338, 0], sizes = [26, 512], strides = [1, 1]} : vector<676x512xf32> to vector<26x512xf32>
    %slice3A_508 = vector.extract_strided_slice %squeeze3A_298 {offsets = [13, 0], sizes = [1, 512], strides = [1, 1]} : vector<26x512xf32> to vector<1x512xf32>
    %mul3A_509 = vector.broadcast %slice3A_508 : vector<1x512xf32> to vector<26x512xf32>
    %mul3A_510 = arith.mulf %slice3A_507, %mul3A_509 : vector<26x512xf32>
    %add3A_511 = arith.addf %add3A_506, %mul3A_510 : vector<26x512xf32>
    %slice3A_512 = vector.extract_strided_slice %dot_general3A_439 {offsets = [364, 0], sizes = [26, 512], strides = [1, 1]} : vector<676x512xf32> to vector<26x512xf32>
    %slice3A_513 = vector.extract_strided_slice %squeeze3A_298 {offsets = [14, 0], sizes = [1, 512], strides = [1, 1]} : vector<26x512xf32> to vector<1x512xf32>
    %mul3A_514 = vector.broadcast %slice3A_513 : vector<1x512xf32> to vector<26x512xf32>
    %mul3A_515 = arith.mulf %slice3A_512, %mul3A_514 : vector<26x512xf32>
    %add3A_516 = arith.addf %add3A_511, %mul3A_515 : vector<26x512xf32>
    %slice3A_517 = vector.extract_strided_slice %dot_general3A_439 {offsets = [390, 0], sizes = [26, 512], strides = [1, 1]} : vector<676x512xf32> to vector<26x512xf32>
    %slice3A_518 = vector.extract_strided_slice %squeeze3A_298 {offsets = [15, 0], sizes = [1, 512], strides = [1, 1]} : vector<26x512xf32> to vector<1x512xf32>
    %mul3A_519 = vector.broadcast %slice3A_518 : vector<1x512xf32> to vector<26x512xf32>
    %mul3A_520 = arith.mulf %slice3A_517, %mul3A_519 : vector<26x512xf32>
    %add3A_521 = arith.addf %add3A_516, %mul3A_520 : vector<26x512xf32>
    %slice3A_522 = vector.extract_strided_slice %dot_general3A_439 {offsets = [416, 0], sizes = [26, 512], strides = [1, 1]} : vector<676x512xf32> to vector<26x512xf32>
    %slice3A_523 = vector.extract_strided_slice %squeeze3A_298 {offsets = [16, 0], sizes = [1, 512], strides = [1, 1]} : vector<26x512xf32> to vector<1x512xf32>
    %mul3A_524 = vector.broadcast %slice3A_523 : vector<1x512xf32> to vector<26x512xf32>
    %mul3A_525 = arith.mulf %slice3A_522, %mul3A_524 : vector<26x512xf32>
    %add3A_526 = arith.addf %add3A_521, %mul3A_525 : vector<26x512xf32>
    %slice3A_527 = vector.extract_strided_slice %dot_general3A_439 {offsets = [442, 0], sizes = [26, 512], strides = [1, 1]} : vector<676x512xf32> to vector<26x512xf32>
    %slice3A_528 = vector.extract_strided_slice %squeeze3A_298 {offsets = [17, 0], sizes = [1, 512], strides = [1, 1]} : vector<26x512xf32> to vector<1x512xf32>
    %mul3A_529 = vector.broadcast %slice3A_528 : vector<1x512xf32> to vector<26x512xf32>
    %mul3A_530 = arith.mulf %slice3A_527, %mul3A_529 : vector<26x512xf32>
    %add3A_531 = arith.addf %add3A_526, %mul3A_530 : vector<26x512xf32>
    %slice3A_532 = vector.extract_strided_slice %dot_general3A_439 {offsets = [468, 0], sizes = [26, 512], strides = [1, 1]} : vector<676x512xf32> to vector<26x512xf32>
    %slice3A_533 = vector.extract_strided_slice %squeeze3A_298 {offsets = [18, 0], sizes = [1, 512], strides = [1, 1]} : vector<26x512xf32> to vector<1x512xf32>
    %mul3A_534 = vector.broadcast %slice3A_533 : vector<1x512xf32> to vector<26x512xf32>
    %mul3A_535 = arith.mulf %slice3A_532, %mul3A_534 : vector<26x512xf32>
    %add3A_536 = arith.addf %add3A_531, %mul3A_535 : vector<26x512xf32>
    %slice3A_537 = vector.extract_strided_slice %dot_general3A_439 {offsets = [494, 0], sizes = [26, 512], strides = [1, 1]} : vector<676x512xf32> to vector<26x512xf32>
    %slice3A_538 = vector.extract_strided_slice %squeeze3A_298 {offsets = [19, 0], sizes = [1, 512], strides = [1, 1]} : vector<26x512xf32> to vector<1x512xf32>
    %mul3A_539 = vector.broadcast %slice3A_538 : vector<1x512xf32> to vector<26x512xf32>
    %mul3A_540 = arith.mulf %slice3A_537, %mul3A_539 : vector<26x512xf32>
    %add3A_541 = arith.addf %add3A_536, %mul3A_540 : vector<26x512xf32>
    %slice3A_542 = vector.extract_strided_slice %dot_general3A_439 {offsets = [520, 0], sizes = [26, 512], strides = [1, 1]} : vector<676x512xf32> to vector<26x512xf32>
    %slice3A_543 = vector.extract_strided_slice %squeeze3A_298 {offsets = [20, 0], sizes = [1, 512], strides = [1, 1]} : vector<26x512xf32> to vector<1x512xf32>
    %mul3A_544 = vector.broadcast %slice3A_543 : vector<1x512xf32> to vector<26x512xf32>
    %mul3A_545 = arith.mulf %slice3A_542, %mul3A_544 : vector<26x512xf32>
    %add3A_546 = arith.addf %add3A_541, %mul3A_545 : vector<26x512xf32>
    %slice3A_547 = vector.extract_strided_slice %dot_general3A_439 {offsets = [546, 0], sizes = [26, 512], strides = [1, 1]} : vector<676x512xf32> to vector<26x512xf32>
    %slice3A_548 = vector.extract_strided_slice %squeeze3A_298 {offsets = [21, 0], sizes = [1, 512], strides = [1, 1]} : vector<26x512xf32> to vector<1x512xf32>
    %mul3A_549 = vector.broadcast %slice3A_548 : vector<1x512xf32> to vector<26x512xf32>
    %mul3A_550 = arith.mulf %slice3A_547, %mul3A_549 : vector<26x512xf32>
    %add3A_551 = arith.addf %add3A_546, %mul3A_550 : vector<26x512xf32>
    %slice3A_552 = vector.extract_strided_slice %dot_general3A_439 {offsets = [572, 0], sizes = [26, 512], strides = [1, 1]} : vector<676x512xf32> to vector<26x512xf32>
    %slice3A_553 = vector.extract_strided_slice %squeeze3A_298 {offsets = [22, 0], sizes = [1, 512], strides = [1, 1]} : vector<26x512xf32> to vector<1x512xf32>
    %mul3A_554 = vector.broadcast %slice3A_553 : vector<1x512xf32> to vector<26x512xf32>
    %mul3A_555 = arith.mulf %slice3A_552, %mul3A_554 : vector<26x512xf32>
    %add3A_556 = arith.addf %add3A_551, %mul3A_555 : vector<26x512xf32>
    %slice3A_557 = vector.extract_strided_slice %dot_general3A_439 {offsets = [598, 0], sizes = [26, 512], strides = [1, 1]} : vector<676x512xf32> to vector<26x512xf32>
    %slice3A_558 = vector.extract_strided_slice %squeeze3A_298 {offsets = [23, 0], sizes = [1, 512], strides = [1, 1]} : vector<26x512xf32> to vector<1x512xf32>
    %mul3A_559 = vector.broadcast %slice3A_558 : vector<1x512xf32> to vector<26x512xf32>
    %mul3A_560 = arith.mulf %slice3A_557, %mul3A_559 : vector<26x512xf32>
    %add3A_561 = arith.addf %add3A_556, %mul3A_560 : vector<26x512xf32>
    %slice3A_562 = vector.extract_strided_slice %dot_general3A_439 {offsets = [624, 0], sizes = [26, 512], strides = [1, 1]} : vector<676x512xf32> to vector<26x512xf32>
    %slice3A_563 = vector.extract_strided_slice %squeeze3A_298 {offsets = [24, 0], sizes = [1, 512], strides = [1, 1]} : vector<26x512xf32> to vector<1x512xf32>
    %mul3A_564 = vector.broadcast %slice3A_563 : vector<1x512xf32> to vector<26x512xf32>
    %mul3A_565 = arith.mulf %slice3A_562, %mul3A_564 : vector<26x512xf32>
    %add3A_566 = arith.addf %add3A_561, %mul3A_565 : vector<26x512xf32>
    %slice3A_567 = vector.extract_strided_slice %dot_general3A_439 {offsets = [650, 0], sizes = [26, 512], strides = [1, 1]} : vector<676x512xf32> to vector<26x512xf32>
    %slice3A_568 = vector.extract_strided_slice %squeeze3A_298 {offsets = [25, 0], sizes = [1, 512], strides = [1, 1]} : vector<26x512xf32> to vector<1x512xf32>
    %mul3A_569 = vector.broadcast %slice3A_568 : vector<1x512xf32> to vector<26x512xf32>
    %mul3A_570 = arith.mulf %slice3A_567, %mul3A_569 : vector<26x512xf32>
    %add3A_571 = arith.addf %add3A_566, %mul3A_570 : vector<26x512xf32>
    %add3A_572 = vector.broadcast %get3A_17 : vector<26x1xf32> to vector<26x512xf32>
    %add3A_573 = arith.addf %add3A_571, %add3A_572 : vector<26x512xf32>
    %max3A_574 = arith.constant 0.000000e+00 : f32
    %max3A_575 = vector.broadcast %max3A_574 : f32 to vector<26x512xf32>
    %max3A_576 = arith.maximumf %add3A_573, %max3A_575 : vector<26x512xf32>
    %add3A_577 = arith.addf %add3A_295, %max3A_437 : vector<26x512xf32>
    %add3A_578 = arith.addf %add3A_296, %max3A_576 : vector<26x512xf32>
    %slice3A_579 = vector.extract_strided_slice %reshape3A {offsets = [0, 2, 0], sizes = [26, 1, 512], strides = [1, 1, 1]} : vector<26x16x512xf32> to vector<26x1x512xf32>
    %squeeze3A_580 = vector.shape_cast %slice3A_579 : vector<26x1x512xf32> to vector<26x512xf32>
    %dot_general3A_581 = arith.constant dense<0.000000e+00> : vector<676x512xf32>
    %dot_general3A_582 = tpu.matmul %get3A_8, %squeeze3A_580, %dot_general3A_581 {dimension_numbers = #tpu.dot_dimension_numbers<[1], [0], [0], [1], [0, 0, 1, 1], [], []>, transpose_lhs_hint = false} : vector<676x26xf32>, vector<26x512xf32>, vector<676x512xf32> -> vector<676x512xf32>
    %broadcast_in_dim3A_583 = arith.constant 0.000000e+00 : f32
    %broadcast_in_dim3A_584 = vector.broadcast %broadcast_in_dim3A_583 : f32 to vector<26x512xf32>
    %slice3A_585 = vector.extract_strided_slice %dot_general3A_582 {offsets = [0, 0], sizes = [26, 512], strides = [1, 1]} : vector<676x512xf32> to vector<26x512xf32>
    %slice3A_586 = vector.extract_strided_slice %squeeze3A_580 {offsets = [0, 0], sizes = [1, 512], strides = [1, 1]} : vector<26x512xf32> to vector<1x512xf32>
    %mul3A_587 = vector.broadcast %slice3A_586 : vector<1x512xf32> to vector<26x512xf32>
    %mul3A_588 = arith.mulf %slice3A_585, %mul3A_587 : vector<26x512xf32>
    %add3A_589 = arith.addf %broadcast_in_dim3A_584, %mul3A_588 : vector<26x512xf32>
    %slice3A_590 = vector.extract_strided_slice %dot_general3A_582 {offsets = [26, 0], sizes = [26, 512], strides = [1, 1]} : vector<676x512xf32> to vector<26x512xf32>
    %slice3A_591 = vector.extract_strided_slice %squeeze3A_580 {offsets = [1, 0], sizes = [1, 512], strides = [1, 1]} : vector<26x512xf32> to vector<1x512xf32>
    %mul3A_592 = vector.broadcast %slice3A_591 : vector<1x512xf32> to vector<26x512xf32>
    %mul3A_593 = arith.mulf %slice3A_590, %mul3A_592 : vector<26x512xf32>
    %add3A_594 = arith.addf %add3A_589, %mul3A_593 : vector<26x512xf32>
    %slice3A_595 = vector.extract_strided_slice %dot_general3A_582 {offsets = [52, 0], sizes = [26, 512], strides = [1, 1]} : vector<676x512xf32> to vector<26x512xf32>
    %slice3A_596 = vector.extract_strided_slice %squeeze3A_580 {offsets = [2, 0], sizes = [1, 512], strides = [1, 1]} : vector<26x512xf32> to vector<1x512xf32>
    %mul3A_597 = vector.broadcast %slice3A_596 : vector<1x512xf32> to vector<26x512xf32>
    %mul3A_598 = arith.mulf %slice3A_595, %mul3A_597 : vector<26x512xf32>
    %add3A_599 = arith.addf %add3A_594, %mul3A_598 : vector<26x512xf32>
    %slice3A_600 = vector.extract_strided_slice %dot_general3A_582 {offsets = [78, 0], sizes = [26, 512], strides = [1, 1]} : vector<676x512xf32> to vector<26x512xf32>
    %slice3A_601 = vector.extract_strided_slice %squeeze3A_580 {offsets = [3, 0], sizes = [1, 512], strides = [1, 1]} : vector<26x512xf32> to vector<1x512xf32>
    %mul3A_602 = vector.broadcast %slice3A_601 : vector<1x512xf32> to vector<26x512xf32>
    %mul3A_603 = arith.mulf %slice3A_600, %mul3A_602 : vector<26x512xf32>
    %add3A_604 = arith.addf %add3A_599, %mul3A_603 : vector<26x512xf32>
    %slice3A_605 = vector.extract_strided_slice %dot_general3A_582 {offsets = [104, 0], sizes = [26, 512], strides = [1, 1]} : vector<676x512xf32> to vector<26x512xf32>
    %slice3A_606 = vector.extract_strided_slice %squeeze3A_580 {offsets = [4, 0], sizes = [1, 512], strides = [1, 1]} : vector<26x512xf32> to vector<1x512xf32>
    %mul3A_607 = vector.broadcast %slice3A_606 : vector<1x512xf32> to vector<26x512xf32>
    %mul3A_608 = arith.mulf %slice3A_605, %mul3A_607 : vector<26x512xf32>
    %add3A_609 = arith.addf %add3A_604, %mul3A_608 : vector<26x512xf32>
    %slice3A_610 = vector.extract_strided_slice %dot_general3A_582 {offsets = [130, 0], sizes = [26, 512], strides = [1, 1]} : vector<676x512xf32> to vector<26x512xf32>
    %slice3A_611 = vector.extract_strided_slice %squeeze3A_580 {offsets = [5, 0], sizes = [1, 512], strides = [1, 1]} : vector<26x512xf32> to vector<1x512xf32>
    %mul3A_612 = vector.broadcast %slice3A_611 : vector<1x512xf32> to vector<26x512xf32>
    %mul3A_613 = arith.mulf %slice3A_610, %mul3A_612 : vector<26x512xf32>
    %add3A_614 = arith.addf %add3A_609, %mul3A_613 : vector<26x512xf32>
    %slice3A_615 = vector.extract_strided_slice %dot_general3A_582 {offsets = [156, 0], sizes = [26, 512], strides = [1, 1]} : vector<676x512xf32> to vector<26x512xf32>
    %slice3A_616 = vector.extract_strided_slice %squeeze3A_580 {offsets = [6, 0], sizes = [1, 512], strides = [1, 1]} : vector<26x512xf32> to vector<1x512xf32>
    %mul3A_617 = vector.broadcast %slice3A_616 : vector<1x512xf32> to vector<26x512xf32>
    %mul3A_618 = arith.mulf %slice3A_615, %mul3A_617 : vector<26x512xf32>
    %add3A_619 = arith.addf %add3A_614, %mul3A_618 : vector<26x512xf32>
    %slice3A_620 = vector.extract_strided_slice %dot_general3A_582 {offsets = [182, 0], sizes = [26, 512], strides = [1, 1]} : vector<676x512xf32> to vector<26x512xf32>
    %slice3A_621 = vector.extract_strided_slice %squeeze3A_580 {offsets = [7, 0], sizes = [1, 512], strides = [1, 1]} : vector<26x512xf32> to vector<1x512xf32>
    %mul3A_622 = vector.broadcast %slice3A_621 : vector<1x512xf32> to vector<26x512xf32>
    %mul3A_623 = arith.mulf %slice3A_620, %mul3A_622 : vector<26x512xf32>
    %add3A_624 = arith.addf %add3A_619, %mul3A_623 : vector<26x512xf32>
    %slice3A_625 = vector.extract_strided_slice %dot_general3A_582 {offsets = [208, 0], sizes = [26, 512], strides = [1, 1]} : vector<676x512xf32> to vector<26x512xf32>
    %slice3A_626 = vector.extract_strided_slice %squeeze3A_580 {offsets = [8, 0], sizes = [1, 512], strides = [1, 1]} : vector<26x512xf32> to vector<1x512xf32>
    %mul3A_627 = vector.broadcast %slice3A_626 : vector<1x512xf32> to vector<26x512xf32>
    %mul3A_628 = arith.mulf %slice3A_625, %mul3A_627 : vector<26x512xf32>
    %add3A_629 = arith.addf %add3A_624, %mul3A_628 : vector<26x512xf32>
    %slice3A_630 = vector.extract_strided_slice %dot_general3A_582 {offsets = [234, 0], sizes = [26, 512], strides = [1, 1]} : vector<676x512xf32> to vector<26x512xf32>
    %slice3A_631 = vector.extract_strided_slice %squeeze3A_580 {offsets = [9, 0], sizes = [1, 512], strides = [1, 1]} : vector<26x512xf32> to vector<1x512xf32>
    %mul3A_632 = vector.broadcast %slice3A_631 : vector<1x512xf32> to vector<26x512xf32>
    %mul3A_633 = arith.mulf %slice3A_630, %mul3A_632 : vector<26x512xf32>
    %add3A_634 = arith.addf %add3A_629, %mul3A_633 : vector<26x512xf32>
    %slice3A_635 = vector.extract_strided_slice %dot_general3A_582 {offsets = [260, 0], sizes = [26, 512], strides = [1, 1]} : vector<676x512xf32> to vector<26x512xf32>
    %slice3A_636 = vector.extract_strided_slice %squeeze3A_580 {offsets = [10, 0], sizes = [1, 512], strides = [1, 1]} : vector<26x512xf32> to vector<1x512xf32>
    %mul3A_637 = vector.broadcast %slice3A_636 : vector<1x512xf32> to vector<26x512xf32>
    %mul3A_638 = arith.mulf %slice3A_635, %mul3A_637 : vector<26x512xf32>
    %add3A_639 = arith.addf %add3A_634, %mul3A_638 : vector<26x512xf32>
    %slice3A_640 = vector.extract_strided_slice %dot_general3A_582 {offsets = [286, 0], sizes = [26, 512], strides = [1, 1]} : vector<676x512xf32> to vector<26x512xf32>
    %slice3A_641 = vector.extract_strided_slice %squeeze3A_580 {offsets = [11, 0], sizes = [1, 512], strides = [1, 1]} : vector<26x512xf32> to vector<1x512xf32>
    %mul3A_642 = vector.broadcast %slice3A_641 : vector<1x512xf32> to vector<26x512xf32>
    %mul3A_643 = arith.mulf %slice3A_640, %mul3A_642 : vector<26x512xf32>
    %add3A_644 = arith.addf %add3A_639, %mul3A_643 : vector<26x512xf32>
    %slice3A_645 = vector.extract_strided_slice %dot_general3A_582 {offsets = [312, 0], sizes = [26, 512], strides = [1, 1]} : vector<676x512xf32> to vector<26x512xf32>
    %slice3A_646 = vector.extract_strided_slice %squeeze3A_580 {offsets = [12, 0], sizes = [1, 512], strides = [1, 1]} : vector<26x512xf32> to vector<1x512xf32>
    %mul3A_647 = vector.broadcast %slice3A_646 : vector<1x512xf32> to vector<26x512xf32>
    %mul3A_648 = arith.mulf %slice3A_645, %mul3A_647 : vector<26x512xf32>
    %add3A_649 = arith.addf %add3A_644, %mul3A_648 : vector<26x512xf32>
    %slice3A_650 = vector.extract_strided_slice %dot_general3A_582 {offsets = [338, 0], sizes = [26, 512], strides = [1, 1]} : vector<676x512xf32> to vector<26x512xf32>
    %slice3A_651 = vector.extract_strided_slice %squeeze3A_580 {offsets = [13, 0], sizes = [1, 512], strides = [1, 1]} : vector<26x512xf32> to vector<1x512xf32>
    %mul3A_652 = vector.broadcast %slice3A_651 : vector<1x512xf32> to vector<26x512xf32>
    %mul3A_653 = arith.mulf %slice3A_650, %mul3A_652 : vector<26x512xf32>
    %add3A_654 = arith.addf %add3A_649, %mul3A_653 : vector<26x512xf32>
    %slice3A_655 = vector.extract_strided_slice %dot_general3A_582 {offsets = [364, 0], sizes = [26, 512], strides = [1, 1]} : vector<676x512xf32> to vector<26x512xf32>
    %slice3A_656 = vector.extract_strided_slice %squeeze3A_580 {offsets = [14, 0], sizes = [1, 512], strides = [1, 1]} : vector<26x512xf32> to vector<1x512xf32>
    %mul3A_657 = vector.broadcast %slice3A_656 : vector<1x512xf32> to vector<26x512xf32>
    %mul3A_658 = arith.mulf %slice3A_655, %mul3A_657 : vector<26x512xf32>
    %add3A_659 = arith.addf %add3A_654, %mul3A_658 : vector<26x512xf32>
    %slice3A_660 = vector.extract_strided_slice %dot_general3A_582 {offsets = [390, 0], sizes = [26, 512], strides = [1, 1]} : vector<676x512xf32> to vector<26x512xf32>
    %slice3A_661 = vector.extract_strided_slice %squeeze3A_580 {offsets = [15, 0], sizes = [1, 512], strides = [1, 1]} : vector<26x512xf32> to vector<1x512xf32>
    %mul3A_662 = vector.broadcast %slice3A_661 : vector<1x512xf32> to vector<26x512xf32>
    %mul3A_663 = arith.mulf %slice3A_660, %mul3A_662 : vector<26x512xf32>
    %add3A_664 = arith.addf %add3A_659, %mul3A_663 : vector<26x512xf32>
    %slice3A_665 = vector.extract_strided_slice %dot_general3A_582 {offsets = [416, 0], sizes = [26, 512], strides = [1, 1]} : vector<676x512xf32> to vector<26x512xf32>
    %slice3A_666 = vector.extract_strided_slice %squeeze3A_580 {offsets = [16, 0], sizes = [1, 512], strides = [1, 1]} : vector<26x512xf32> to vector<1x512xf32>
    %mul3A_667 = vector.broadcast %slice3A_666 : vector<1x512xf32> to vector<26x512xf32>
    %mul3A_668 = arith.mulf %slice3A_665, %mul3A_667 : vector<26x512xf32>
    %add3A_669 = arith.addf %add3A_664, %mul3A_668 : vector<26x512xf32>
    %slice3A_670 = vector.extract_strided_slice %dot_general3A_582 {offsets = [442, 0], sizes = [26, 512], strides = [1, 1]} : vector<676x512xf32> to vector<26x512xf32>
    %slice3A_671 = vector.extract_strided_slice %squeeze3A_580 {offsets = [17, 0], sizes = [1, 512], strides = [1, 1]} : vector<26x512xf32> to vector<1x512xf32>
    %mul3A_672 = vector.broadcast %slice3A_671 : vector<1x512xf32> to vector<26x512xf32>
    %mul3A_673 = arith.mulf %slice3A_670, %mul3A_672 : vector<26x512xf32>
    %add3A_674 = arith.addf %add3A_669, %mul3A_673 : vector<26x512xf32>
    %slice3A_675 = vector.extract_strided_slice %dot_general3A_582 {offsets = [468, 0], sizes = [26, 512], strides = [1, 1]} : vector<676x512xf32> to vector<26x512xf32>
    %slice3A_676 = vector.extract_strided_slice %squeeze3A_580 {offsets = [18, 0], sizes = [1, 512], strides = [1, 1]} : vector<26x512xf32> to vector<1x512xf32>
    %mul3A_677 = vector.broadcast %slice3A_676 : vector<1x512xf32> to vector<26x512xf32>
    %mul3A_678 = arith.mulf %slice3A_675, %mul3A_677 : vector<26x512xf32>
    %add3A_679 = arith.addf %add3A_674, %mul3A_678 : vector<26x512xf32>
    %slice3A_680 = vector.extract_strided_slice %dot_general3A_582 {offsets = [494, 0], sizes = [26, 512], strides = [1, 1]} : vector<676x512xf32> to vector<26x512xf32>
    %slice3A_681 = vector.extract_strided_slice %squeeze3A_580 {offsets = [19, 0], sizes = [1, 512], strides = [1, 1]} : vector<26x512xf32> to vector<1x512xf32>
    %mul3A_682 = vector.broadcast %slice3A_681 : vector<1x512xf32> to vector<26x512xf32>
    %mul3A_683 = arith.mulf %slice3A_680, %mul3A_682 : vector<26x512xf32>
    %add3A_684 = arith.addf %add3A_679, %mul3A_683 : vector<26x512xf32>
    %slice3A_685 = vector.extract_strided_slice %dot_general3A_582 {offsets = [520, 0], sizes = [26, 512], strides = [1, 1]} : vector<676x512xf32> to vector<26x512xf32>
    %slice3A_686 = vector.extract_strided_slice %squeeze3A_580 {offsets = [20, 0], sizes = [1, 512], strides = [1, 1]} : vector<26x512xf32> to vector<1x512xf32>
    %mul3A_687 = vector.broadcast %slice3A_686 : vector<1x512xf32> to vector<26x512xf32>
    %mul3A_688 = arith.mulf %slice3A_685, %mul3A_687 : vector<26x512xf32>
    %add3A_689 = arith.addf %add3A_684, %mul3A_688 : vector<26x512xf32>
    %slice3A_690 = vector.extract_strided_slice %dot_general3A_582 {offsets = [546, 0], sizes = [26, 512], strides = [1, 1]} : vector<676x512xf32> to vector<26x512xf32>
    %slice3A_691 = vector.extract_strided_slice %squeeze3A_580 {offsets = [21, 0], sizes = [1, 512], strides = [1, 1]} : vector<26x512xf32> to vector<1x512xf32>
    %mul3A_692 = vector.broadcast %slice3A_691 : vector<1x512xf32> to vector<26x512xf32>
    %mul3A_693 = arith.mulf %slice3A_690, %mul3A_692 : vector<26x512xf32>
    %add3A_694 = arith.addf %add3A_689, %mul3A_693 : vector<26x512xf32>
    %slice3A_695 = vector.extract_strided_slice %dot_general3A_582 {offsets = [572, 0], sizes = [26, 512], strides = [1, 1]} : vector<676x512xf32> to vector<26x512xf32>
    %slice3A_696 = vector.extract_strided_slice %squeeze3A_580 {offsets = [22, 0], sizes = [1, 512], strides = [1, 1]} : vector<26x512xf32> to vector<1x512xf32>
    %mul3A_697 = vector.broadcast %slice3A_696 : vector<1x512xf32> to vector<26x512xf32>
    %mul3A_698 = arith.mulf %slice3A_695, %mul3A_697 : vector<26x512xf32>
    %add3A_699 = arith.addf %add3A_694, %mul3A_698 : vector<26x512xf32>
    %slice3A_700 = vector.extract_strided_slice %dot_general3A_582 {offsets = [598, 0], sizes = [26, 512], strides = [1, 1]} : vector<676x512xf32> to vector<26x512xf32>
    %slice3A_701 = vector.extract_strided_slice %squeeze3A_580 {offsets = [23, 0], sizes = [1, 512], strides = [1, 1]} : vector<26x512xf32> to vector<1x512xf32>
    %mul3A_702 = vector.broadcast %slice3A_701 : vector<1x512xf32> to vector<26x512xf32>
    %mul3A_703 = arith.mulf %slice3A_700, %mul3A_702 : vector<26x512xf32>
    %add3A_704 = arith.addf %add3A_699, %mul3A_703 : vector<26x512xf32>
    %slice3A_705 = vector.extract_strided_slice %dot_general3A_582 {offsets = [624, 0], sizes = [26, 512], strides = [1, 1]} : vector<676x512xf32> to vector<26x512xf32>
    %slice3A_706 = vector.extract_strided_slice %squeeze3A_580 {offsets = [24, 0], sizes = [1, 512], strides = [1, 1]} : vector<26x512xf32> to vector<1x512xf32>
    %mul3A_707 = vector.broadcast %slice3A_706 : vector<1x512xf32> to vector<26x512xf32>
    %mul3A_708 = arith.mulf %slice3A_705, %mul3A_707 : vector<26x512xf32>
    %add3A_709 = arith.addf %add3A_704, %mul3A_708 : vector<26x512xf32>
    %slice3A_710 = vector.extract_strided_slice %dot_general3A_582 {offsets = [650, 0], sizes = [26, 512], strides = [1, 1]} : vector<676x512xf32> to vector<26x512xf32>
    %slice3A_711 = vector.extract_strided_slice %squeeze3A_580 {offsets = [25, 0], sizes = [1, 512], strides = [1, 1]} : vector<26x512xf32> to vector<1x512xf32>
    %mul3A_712 = vector.broadcast %slice3A_711 : vector<1x512xf32> to vector<26x512xf32>
    %mul3A_713 = arith.mulf %slice3A_710, %mul3A_712 : vector<26x512xf32>
    %add3A_714 = arith.addf %add3A_709, %mul3A_713 : vector<26x512xf32>
    %add3A_715 = vector.broadcast %get3A_14 : vector<26x1xf32> to vector<26x512xf32>
    %add3A_716 = arith.addf %add3A_714, %add3A_715 : vector<26x512xf32>
    %max3A_717 = arith.constant 0.000000e+00 : f32
    %max3A_718 = vector.broadcast %max3A_717 : f32 to vector<26x512xf32>
    %max3A_719 = arith.maximumf %add3A_716, %max3A_718 : vector<26x512xf32>
    %dot_general3A_720 = arith.constant dense<0.000000e+00> : vector<676x512xf32>
    %dot_general3A_721 = tpu.matmul %get3A_11, %max3A_719, %dot_general3A_720 {dimension_numbers = #tpu.dot_dimension_numbers<[1], [0], [0], [1], [0, 0, 1, 1], [], []>, transpose_lhs_hint = false} : vector<676x26xf32>, vector<26x512xf32>, vector<676x512xf32> -> vector<676x512xf32>
    %broadcast_in_dim3A_722 = arith.constant 0.000000e+00 : f32
    %broadcast_in_dim3A_723 = vector.broadcast %broadcast_in_dim3A_722 : f32 to vector<26x512xf32>
    %slice3A_724 = vector.extract_strided_slice %dot_general3A_721 {offsets = [0, 0], sizes = [26, 512], strides = [1, 1]} : vector<676x512xf32> to vector<26x512xf32>
    %slice3A_725 = vector.extract_strided_slice %squeeze3A_580 {offsets = [0, 0], sizes = [1, 512], strides = [1, 1]} : vector<26x512xf32> to vector<1x512xf32>
    %mul3A_726 = vector.broadcast %slice3A_725 : vector<1x512xf32> to vector<26x512xf32>
    %mul3A_727 = arith.mulf %slice3A_724, %mul3A_726 : vector<26x512xf32>
    %add3A_728 = arith.addf %broadcast_in_dim3A_723, %mul3A_727 : vector<26x512xf32>
    %slice3A_729 = vector.extract_strided_slice %dot_general3A_721 {offsets = [26, 0], sizes = [26, 512], strides = [1, 1]} : vector<676x512xf32> to vector<26x512xf32>
    %slice3A_730 = vector.extract_strided_slice %squeeze3A_580 {offsets = [1, 0], sizes = [1, 512], strides = [1, 1]} : vector<26x512xf32> to vector<1x512xf32>
    %mul3A_731 = vector.broadcast %slice3A_730 : vector<1x512xf32> to vector<26x512xf32>
    %mul3A_732 = arith.mulf %slice3A_729, %mul3A_731 : vector<26x512xf32>
    %add3A_733 = arith.addf %add3A_728, %mul3A_732 : vector<26x512xf32>
    %slice3A_734 = vector.extract_strided_slice %dot_general3A_721 {offsets = [52, 0], sizes = [26, 512], strides = [1, 1]} : vector<676x512xf32> to vector<26x512xf32>
    %slice3A_735 = vector.extract_strided_slice %squeeze3A_580 {offsets = [2, 0], sizes = [1, 512], strides = [1, 1]} : vector<26x512xf32> to vector<1x512xf32>
    %mul3A_736 = vector.broadcast %slice3A_735 : vector<1x512xf32> to vector<26x512xf32>
    %mul3A_737 = arith.mulf %slice3A_734, %mul3A_736 : vector<26x512xf32>
    %add3A_738 = arith.addf %add3A_733, %mul3A_737 : vector<26x512xf32>
    %slice3A_739 = vector.extract_strided_slice %dot_general3A_721 {offsets = [78, 0], sizes = [26, 512], strides = [1, 1]} : vector<676x512xf32> to vector<26x512xf32>
    %slice3A_740 = vector.extract_strided_slice %squeeze3A_580 {offsets = [3, 0], sizes = [1, 512], strides = [1, 1]} : vector<26x512xf32> to vector<1x512xf32>
    %mul3A_741 = vector.broadcast %slice3A_740 : vector<1x512xf32> to vector<26x512xf32>
    %mul3A_742 = arith.mulf %slice3A_739, %mul3A_741 : vector<26x512xf32>
    %add3A_743 = arith.addf %add3A_738, %mul3A_742 : vector<26x512xf32>
    %slice3A_744 = vector.extract_strided_slice %dot_general3A_721 {offsets = [104, 0], sizes = [26, 512], strides = [1, 1]} : vector<676x512xf32> to vector<26x512xf32>
    %slice3A_745 = vector.extract_strided_slice %squeeze3A_580 {offsets = [4, 0], sizes = [1, 512], strides = [1, 1]} : vector<26x512xf32> to vector<1x512xf32>
    %mul3A_746 = vector.broadcast %slice3A_745 : vector<1x512xf32> to vector<26x512xf32>
    %mul3A_747 = arith.mulf %slice3A_744, %mul3A_746 : vector<26x512xf32>
    %add3A_748 = arith.addf %add3A_743, %mul3A_747 : vector<26x512xf32>
    %slice3A_749 = vector.extract_strided_slice %dot_general3A_721 {offsets = [130, 0], sizes = [26, 512], strides = [1, 1]} : vector<676x512xf32> to vector<26x512xf32>
    %slice3A_750 = vector.extract_strided_slice %squeeze3A_580 {offsets = [5, 0], sizes = [1, 512], strides = [1, 1]} : vector<26x512xf32> to vector<1x512xf32>
    %mul3A_751 = vector.broadcast %slice3A_750 : vector<1x512xf32> to vector<26x512xf32>
    %mul3A_752 = arith.mulf %slice3A_749, %mul3A_751 : vector<26x512xf32>
    %add3A_753 = arith.addf %add3A_748, %mul3A_752 : vector<26x512xf32>
    %slice3A_754 = vector.extract_strided_slice %dot_general3A_721 {offsets = [156, 0], sizes = [26, 512], strides = [1, 1]} : vector<676x512xf32> to vector<26x512xf32>
    %slice3A_755 = vector.extract_strided_slice %squeeze3A_580 {offsets = [6, 0], sizes = [1, 512], strides = [1, 1]} : vector<26x512xf32> to vector<1x512xf32>
    %mul3A_756 = vector.broadcast %slice3A_755 : vector<1x512xf32> to vector<26x512xf32>
    %mul3A_757 = arith.mulf %slice3A_754, %mul3A_756 : vector<26x512xf32>
    %add3A_758 = arith.addf %add3A_753, %mul3A_757 : vector<26x512xf32>
    %slice3A_759 = vector.extract_strided_slice %dot_general3A_721 {offsets = [182, 0], sizes = [26, 512], strides = [1, 1]} : vector<676x512xf32> to vector<26x512xf32>
    %slice3A_760 = vector.extract_strided_slice %squeeze3A_580 {offsets = [7, 0], sizes = [1, 512], strides = [1, 1]} : vector<26x512xf32> to vector<1x512xf32>
    %mul3A_761 = vector.broadcast %slice3A_760 : vector<1x512xf32> to vector<26x512xf32>
    %mul3A_762 = arith.mulf %slice3A_759, %mul3A_761 : vector<26x512xf32>
    %add3A_763 = arith.addf %add3A_758, %mul3A_762 : vector<26x512xf32>
    %slice3A_764 = vector.extract_strided_slice %dot_general3A_721 {offsets = [208, 0], sizes = [26, 512], strides = [1, 1]} : vector<676x512xf32> to vector<26x512xf32>
    %slice3A_765 = vector.extract_strided_slice %squeeze3A_580 {offsets = [8, 0], sizes = [1, 512], strides = [1, 1]} : vector<26x512xf32> to vector<1x512xf32>
    %mul3A_766 = vector.broadcast %slice3A_765 : vector<1x512xf32> to vector<26x512xf32>
    %mul3A_767 = arith.mulf %slice3A_764, %mul3A_766 : vector<26x512xf32>
    %add3A_768 = arith.addf %add3A_763, %mul3A_767 : vector<26x512xf32>
    %slice3A_769 = vector.extract_strided_slice %dot_general3A_721 {offsets = [234, 0], sizes = [26, 512], strides = [1, 1]} : vector<676x512xf32> to vector<26x512xf32>
    %slice3A_770 = vector.extract_strided_slice %squeeze3A_580 {offsets = [9, 0], sizes = [1, 512], strides = [1, 1]} : vector<26x512xf32> to vector<1x512xf32>
    %mul3A_771 = vector.broadcast %slice3A_770 : vector<1x512xf32> to vector<26x512xf32>
    %mul3A_772 = arith.mulf %slice3A_769, %mul3A_771 : vector<26x512xf32>
    %add3A_773 = arith.addf %add3A_768, %mul3A_772 : vector<26x512xf32>
    %slice3A_774 = vector.extract_strided_slice %dot_general3A_721 {offsets = [260, 0], sizes = [26, 512], strides = [1, 1]} : vector<676x512xf32> to vector<26x512xf32>
    %slice3A_775 = vector.extract_strided_slice %squeeze3A_580 {offsets = [10, 0], sizes = [1, 512], strides = [1, 1]} : vector<26x512xf32> to vector<1x512xf32>
    %mul3A_776 = vector.broadcast %slice3A_775 : vector<1x512xf32> to vector<26x512xf32>
    %mul3A_777 = arith.mulf %slice3A_774, %mul3A_776 : vector<26x512xf32>
    %add3A_778 = arith.addf %add3A_773, %mul3A_777 : vector<26x512xf32>
    %slice3A_779 = vector.extract_strided_slice %dot_general3A_721 {offsets = [286, 0], sizes = [26, 512], strides = [1, 1]} : vector<676x512xf32> to vector<26x512xf32>
    %slice3A_780 = vector.extract_strided_slice %squeeze3A_580 {offsets = [11, 0], sizes = [1, 512], strides = [1, 1]} : vector<26x512xf32> to vector<1x512xf32>
    %mul3A_781 = vector.broadcast %slice3A_780 : vector<1x512xf32> to vector<26x512xf32>
    %mul3A_782 = arith.mulf %slice3A_779, %mul3A_781 : vector<26x512xf32>
    %add3A_783 = arith.addf %add3A_778, %mul3A_782 : vector<26x512xf32>
    %slice3A_784 = vector.extract_strided_slice %dot_general3A_721 {offsets = [312, 0], sizes = [26, 512], strides = [1, 1]} : vector<676x512xf32> to vector<26x512xf32>
    %slice3A_785 = vector.extract_strided_slice %squeeze3A_580 {offsets = [12, 0], sizes = [1, 512], strides = [1, 1]} : vector<26x512xf32> to vector<1x512xf32>
    %mul3A_786 = vector.broadcast %slice3A_785 : vector<1x512xf32> to vector<26x512xf32>
    %mul3A_787 = arith.mulf %slice3A_784, %mul3A_786 : vector<26x512xf32>
    %add3A_788 = arith.addf %add3A_783, %mul3A_787 : vector<26x512xf32>
    %slice3A_789 = vector.extract_strided_slice %dot_general3A_721 {offsets = [338, 0], sizes = [26, 512], strides = [1, 1]} : vector<676x512xf32> to vector<26x512xf32>
    %slice3A_790 = vector.extract_strided_slice %squeeze3A_580 {offsets = [13, 0], sizes = [1, 512], strides = [1, 1]} : vector<26x512xf32> to vector<1x512xf32>
    %mul3A_791 = vector.broadcast %slice3A_790 : vector<1x512xf32> to vector<26x512xf32>
    %mul3A_792 = arith.mulf %slice3A_789, %mul3A_791 : vector<26x512xf32>
    %add3A_793 = arith.addf %add3A_788, %mul3A_792 : vector<26x512xf32>
    %slice3A_794 = vector.extract_strided_slice %dot_general3A_721 {offsets = [364, 0], sizes = [26, 512], strides = [1, 1]} : vector<676x512xf32> to vector<26x512xf32>
    %slice3A_795 = vector.extract_strided_slice %squeeze3A_580 {offsets = [14, 0], sizes = [1, 512], strides = [1, 1]} : vector<26x512xf32> to vector<1x512xf32>
    %mul3A_796 = vector.broadcast %slice3A_795 : vector<1x512xf32> to vector<26x512xf32>
    %mul3A_797 = arith.mulf %slice3A_794, %mul3A_796 : vector<26x512xf32>
    %add3A_798 = arith.addf %add3A_793, %mul3A_797 : vector<26x512xf32>
    %slice3A_799 = vector.extract_strided_slice %dot_general3A_721 {offsets = [390, 0], sizes = [26, 512], strides = [1, 1]} : vector<676x512xf32> to vector<26x512xf32>
    %slice3A_800 = vector.extract_strided_slice %squeeze3A_580 {offsets = [15, 0], sizes = [1, 512], strides = [1, 1]} : vector<26x512xf32> to vector<1x512xf32>
    %mul3A_801 = vector.broadcast %slice3A_800 : vector<1x512xf32> to vector<26x512xf32>
    %mul3A_802 = arith.mulf %slice3A_799, %mul3A_801 : vector<26x512xf32>
    %add3A_803 = arith.addf %add3A_798, %mul3A_802 : vector<26x512xf32>
    %slice3A_804 = vector.extract_strided_slice %dot_general3A_721 {offsets = [416, 0], sizes = [26, 512], strides = [1, 1]} : vector<676x512xf32> to vector<26x512xf32>
    %slice3A_805 = vector.extract_strided_slice %squeeze3A_580 {offsets = [16, 0], sizes = [1, 512], strides = [1, 1]} : vector<26x512xf32> to vector<1x512xf32>
    %mul3A_806 = vector.broadcast %slice3A_805 : vector<1x512xf32> to vector<26x512xf32>
    %mul3A_807 = arith.mulf %slice3A_804, %mul3A_806 : vector<26x512xf32>
    %add3A_808 = arith.addf %add3A_803, %mul3A_807 : vector<26x512xf32>
    %slice3A_809 = vector.extract_strided_slice %dot_general3A_721 {offsets = [442, 0], sizes = [26, 512], strides = [1, 1]} : vector<676x512xf32> to vector<26x512xf32>
    %slice3A_810 = vector.extract_strided_slice %squeeze3A_580 {offsets = [17, 0], sizes = [1, 512], strides = [1, 1]} : vector<26x512xf32> to vector<1x512xf32>
    %mul3A_811 = vector.broadcast %slice3A_810 : vector<1x512xf32> to vector<26x512xf32>
    %mul3A_812 = arith.mulf %slice3A_809, %mul3A_811 : vector<26x512xf32>
    %add3A_813 = arith.addf %add3A_808, %mul3A_812 : vector<26x512xf32>
    %slice3A_814 = vector.extract_strided_slice %dot_general3A_721 {offsets = [468, 0], sizes = [26, 512], strides = [1, 1]} : vector<676x512xf32> to vector<26x512xf32>
    %slice3A_815 = vector.extract_strided_slice %squeeze3A_580 {offsets = [18, 0], sizes = [1, 512], strides = [1, 1]} : vector<26x512xf32> to vector<1x512xf32>
    %mul3A_816 = vector.broadcast %slice3A_815 : vector<1x512xf32> to vector<26x512xf32>
    %mul3A_817 = arith.mulf %slice3A_814, %mul3A_816 : vector<26x512xf32>
    %add3A_818 = arith.addf %add3A_813, %mul3A_817 : vector<26x512xf32>
    %slice3A_819 = vector.extract_strided_slice %dot_general3A_721 {offsets = [494, 0], sizes = [26, 512], strides = [1, 1]} : vector<676x512xf32> to vector<26x512xf32>
    %slice3A_820 = vector.extract_strided_slice %squeeze3A_580 {offsets = [19, 0], sizes = [1, 512], strides = [1, 1]} : vector<26x512xf32> to vector<1x512xf32>
    %mul3A_821 = vector.broadcast %slice3A_820 : vector<1x512xf32> to vector<26x512xf32>
    %mul3A_822 = arith.mulf %slice3A_819, %mul3A_821 : vector<26x512xf32>
    %add3A_823 = arith.addf %add3A_818, %mul3A_822 : vector<26x512xf32>
    %slice3A_824 = vector.extract_strided_slice %dot_general3A_721 {offsets = [520, 0], sizes = [26, 512], strides = [1, 1]} : vector<676x512xf32> to vector<26x512xf32>
    %slice3A_825 = vector.extract_strided_slice %squeeze3A_580 {offsets = [20, 0], sizes = [1, 512], strides = [1, 1]} : vector<26x512xf32> to vector<1x512xf32>
    %mul3A_826 = vector.broadcast %slice3A_825 : vector<1x512xf32> to vector<26x512xf32>
    %mul3A_827 = arith.mulf %slice3A_824, %mul3A_826 : vector<26x512xf32>
    %add3A_828 = arith.addf %add3A_823, %mul3A_827 : vector<26x512xf32>
    %slice3A_829 = vector.extract_strided_slice %dot_general3A_721 {offsets = [546, 0], sizes = [26, 512], strides = [1, 1]} : vector<676x512xf32> to vector<26x512xf32>
    %slice3A_830 = vector.extract_strided_slice %squeeze3A_580 {offsets = [21, 0], sizes = [1, 512], strides = [1, 1]} : vector<26x512xf32> to vector<1x512xf32>
    %mul3A_831 = vector.broadcast %slice3A_830 : vector<1x512xf32> to vector<26x512xf32>
    %mul3A_832 = arith.mulf %slice3A_829, %mul3A_831 : vector<26x512xf32>
    %add3A_833 = arith.addf %add3A_828, %mul3A_832 : vector<26x512xf32>
    %slice3A_834 = vector.extract_strided_slice %dot_general3A_721 {offsets = [572, 0], sizes = [26, 512], strides = [1, 1]} : vector<676x512xf32> to vector<26x512xf32>
    %slice3A_835 = vector.extract_strided_slice %squeeze3A_580 {offsets = [22, 0], sizes = [1, 512], strides = [1, 1]} : vector<26x512xf32> to vector<1x512xf32>
    %mul3A_836 = vector.broadcast %slice3A_835 : vector<1x512xf32> to vector<26x512xf32>
    %mul3A_837 = arith.mulf %slice3A_834, %mul3A_836 : vector<26x512xf32>
    %add3A_838 = arith.addf %add3A_833, %mul3A_837 : vector<26x512xf32>
    %slice3A_839 = vector.extract_strided_slice %dot_general3A_721 {offsets = [598, 0], sizes = [26, 512], strides = [1, 1]} : vector<676x512xf32> to vector<26x512xf32>
    %slice3A_840 = vector.extract_strided_slice %squeeze3A_580 {offsets = [23, 0], sizes = [1, 512], strides = [1, 1]} : vector<26x512xf32> to vector<1x512xf32>
    %mul3A_841 = vector.broadcast %slice3A_840 : vector<1x512xf32> to vector<26x512xf32>
    %mul3A_842 = arith.mulf %slice3A_839, %mul3A_841 : vector<26x512xf32>
    %add3A_843 = arith.addf %add3A_838, %mul3A_842 : vector<26x512xf32>
    %slice3A_844 = vector.extract_strided_slice %dot_general3A_721 {offsets = [624, 0], sizes = [26, 512], strides = [1, 1]} : vector<676x512xf32> to vector<26x512xf32>
    %slice3A_845 = vector.extract_strided_slice %squeeze3A_580 {offsets = [24, 0], sizes = [1, 512], strides = [1, 1]} : vector<26x512xf32> to vector<1x512xf32>
    %mul3A_846 = vector.broadcast %slice3A_845 : vector<1x512xf32> to vector<26x512xf32>
    %mul3A_847 = arith.mulf %slice3A_844, %mul3A_846 : vector<26x512xf32>
    %add3A_848 = arith.addf %add3A_843, %mul3A_847 : vector<26x512xf32>
    %slice3A_849 = vector.extract_strided_slice %dot_general3A_721 {offsets = [650, 0], sizes = [26, 512], strides = [1, 1]} : vector<676x512xf32> to vector<26x512xf32>
    %slice3A_850 = vector.extract_strided_slice %squeeze3A_580 {offsets = [25, 0], sizes = [1, 512], strides = [1, 1]} : vector<26x512xf32> to vector<1x512xf32>
    %mul3A_851 = vector.broadcast %slice3A_850 : vector<1x512xf32> to vector<26x512xf32>
    %mul3A_852 = arith.mulf %slice3A_849, %mul3A_851 : vector<26x512xf32>
    %add3A_853 = arith.addf %add3A_848, %mul3A_852 : vector<26x512xf32>
    %add3A_854 = vector.broadcast %get3A_17 : vector<26x1xf32> to vector<26x512xf32>
    %add3A_855 = arith.addf %add3A_853, %add3A_854 : vector<26x512xf32>
    %max3A_856 = arith.constant 0.000000e+00 : f32
    %max3A_857 = vector.broadcast %max3A_856 : f32 to vector<26x512xf32>
    %max3A_858 = arith.maximumf %add3A_855, %max3A_857 : vector<26x512xf32>
    %add3A_859 = arith.addf %add3A_577, %max3A_719 : vector<26x512xf32>
    %add3A_860 = arith.addf %add3A_578, %max3A_858 : vector<26x512xf32>
    %slice3A_861 = vector.extract_strided_slice %reshape3A {offsets = [0, 3, 0], sizes = [26, 1, 512], strides = [1, 1, 1]} : vector<26x16x512xf32> to vector<26x1x512xf32>
    %squeeze3A_862 = vector.shape_cast %slice3A_861 : vector<26x1x512xf32> to vector<26x512xf32>
    %dot_general3A_863 = arith.constant dense<0.000000e+00> : vector<676x512xf32>
    %dot_general3A_864 = tpu.matmul %get3A_8, %squeeze3A_862, %dot_general3A_863 {dimension_numbers = #tpu.dot_dimension_numbers<[1], [0], [0], [1], [0, 0, 1, 1], [], []>, transpose_lhs_hint = false} : vector<676x26xf32>, vector<26x512xf32>, vector<676x512xf32> -> vector<676x512xf32>
    %broadcast_in_dim3A_865 = arith.constant 0.000000e+00 : f32
    %broadcast_in_dim3A_866 = vector.broadcast %broadcast_in_dim3A_865 : f32 to vector<26x512xf32>
    %slice3A_867 = vector.extract_strided_slice %dot_general3A_864 {offsets = [0, 0], sizes = [26, 512], strides = [1, 1]} : vector<676x512xf32> to vector<26x512xf32>
    %slice3A_868 = vector.extract_strided_slice %squeeze3A_862 {offsets = [0, 0], sizes = [1, 512], strides = [1, 1]} : vector<26x512xf32> to vector<1x512xf32>
    %mul3A_869 = vector.broadcast %slice3A_868 : vector<1x512xf32> to vector<26x512xf32>
    %mul3A_870 = arith.mulf %slice3A_867, %mul3A_869 : vector<26x512xf32>
    %add3A_871 = arith.addf %broadcast_in_dim3A_866, %mul3A_870 : vector<26x512xf32>
    %slice3A_872 = vector.extract_strided_slice %dot_general3A_864 {offsets = [26, 0], sizes = [26, 512], strides = [1, 1]} : vector<676x512xf32> to vector<26x512xf32>
    %slice3A_873 = vector.extract_strided_slice %squeeze3A_862 {offsets = [1, 0], sizes = [1, 512], strides = [1, 1]} : vector<26x512xf32> to vector<1x512xf32>
    %mul3A_874 = vector.broadcast %slice3A_873 : vector<1x512xf32> to vector<26x512xf32>
    %mul3A_875 = arith.mulf %slice3A_872, %mul3A_874 : vector<26x512xf32>
    %add3A_876 = arith.addf %add3A_871, %mul3A_875 : vector<26x512xf32>
    %slice3A_877 = vector.extract_strided_slice %dot_general3A_864 {offsets = [52, 0], sizes = [26, 512], strides = [1, 1]} : vector<676x512xf32> to vector<26x512xf32>
    %slice3A_878 = vector.extract_strided_slice %squeeze3A_862 {offsets = [2, 0], sizes = [1, 512], strides = [1, 1]} : vector<26x512xf32> to vector<1x512xf32>
    %mul3A_879 = vector.broadcast %slice3A_878 : vector<1x512xf32> to vector<26x512xf32>
    %mul3A_880 = arith.mulf %slice3A_877, %mul3A_879 : vector<26x512xf32>
    %add3A_881 = arith.addf %add3A_876, %mul3A_880 : vector<26x512xf32>
    %slice3A_882 = vector.extract_strided_slice %dot_general3A_864 {offsets = [78, 0], sizes = [26, 512], strides = [1, 1]} : vector<676x512xf32> to vector<26x512xf32>
    %slice3A_883 = vector.extract_strided_slice %squeeze3A_862 {offsets = [3, 0], sizes = [1, 512], strides = [1, 1]} : vector<26x512xf32> to vector<1x512xf32>
    %mul3A_884 = vector.broadcast %slice3A_883 : vector<1x512xf32> to vector<26x512xf32>
    %mul3A_885 = arith.mulf %slice3A_882, %mul3A_884 : vector<26x512xf32>
    %add3A_886 = arith.addf %add3A_881, %mul3A_885 : vector<26x512xf32>
    %slice3A_887 = vector.extract_strided_slice %dot_general3A_864 {offsets = [104, 0], sizes = [26, 512], strides = [1, 1]} : vector<676x512xf32> to vector<26x512xf32>
    %slice3A_888 = vector.extract_strided_slice %squeeze3A_862 {offsets = [4, 0], sizes = [1, 512], strides = [1, 1]} : vector<26x512xf32> to vector<1x512xf32>
    %mul3A_889 = vector.broadcast %slice3A_888 : vector<1x512xf32> to vector<26x512xf32>
    %mul3A_890 = arith.mulf %slice3A_887, %mul3A_889 : vector<26x512xf32>
    %add3A_891 = arith.addf %add3A_886, %mul3A_890 : vector<26x512xf32>
    %slice3A_892 = vector.extract_strided_slice %dot_general3A_864 {offsets = [130, 0], sizes = [26, 512], strides = [1, 1]} : vector<676x512xf32> to vector<26x512xf32>
    %slice3A_893 = vector.extract_strided_slice %squeeze3A_862 {offsets = [5, 0], sizes = [1, 512], strides = [1, 1]} : vector<26x512xf32> to vector<1x512xf32>
    %mul3A_894 = vector.broadcast %slice3A_893 : vector<1x512xf32> to vector<26x512xf32>
    %mul3A_895 = arith.mulf %slice3A_892, %mul3A_894 : vector<26x512xf32>
    %add3A_896 = arith.addf %add3A_891, %mul3A_895 : vector<26x512xf32>
    %slice3A_897 = vector.extract_strided_slice %dot_general3A_864 {offsets = [156, 0], sizes = [26, 512], strides = [1, 1]} : vector<676x512xf32> to vector<26x512xf32>
    %slice3A_898 = vector.extract_strided_slice %squeeze3A_862 {offsets = [6, 0], sizes = [1, 512], strides = [1, 1]} : vector<26x512xf32> to vector<1x512xf32>
    %mul3A_899 = vector.broadcast %slice3A_898 : vector<1x512xf32> to vector<26x512xf32>
    %mul3A_900 = arith.mulf %slice3A_897, %mul3A_899 : vector<26x512xf32>
    %add3A_901 = arith.addf %add3A_896, %mul3A_900 : vector<26x512xf32>
    %slice3A_902 = vector.extract_strided_slice %dot_general3A_864 {offsets = [182, 0], sizes = [26, 512], strides = [1, 1]} : vector<676x512xf32> to vector<26x512xf32>
    %slice3A_903 = vector.extract_strided_slice %squeeze3A_862 {offsets = [7, 0], sizes = [1, 512], strides = [1, 1]} : vector<26x512xf32> to vector<1x512xf32>
    %mul3A_904 = vector.broadcast %slice3A_903 : vector<1x512xf32> to vector<26x512xf32>
    %mul3A_905 = arith.mulf %slice3A_902, %mul3A_904 : vector<26x512xf32>
    %add3A_906 = arith.addf %add3A_901, %mul3A_905 : vector<26x512xf32>
    %slice3A_907 = vector.extract_strided_slice %dot_general3A_864 {offsets = [208, 0], sizes = [26, 512], strides = [1, 1]} : vector<676x512xf32> to vector<26x512xf32>
    %slice3A_908 = vector.extract_strided_slice %squeeze3A_862 {offsets = [8, 0], sizes = [1, 512], strides = [1, 1]} : vector<26x512xf32> to vector<1x512xf32>
    %mul3A_909 = vector.broadcast %slice3A_908 : vector<1x512xf32> to vector<26x512xf32>
    %mul3A_910 = arith.mulf %slice3A_907, %mul3A_909 : vector<26x512xf32>
    %add3A_911 = arith.addf %add3A_906, %mul3A_910 : vector<26x512xf32>
    %slice3A_912 = vector.extract_strided_slice %dot_general3A_864 {offsets = [234, 0], sizes = [26, 512], strides = [1, 1]} : vector<676x512xf32> to vector<26x512xf32>
    %slice3A_913 = vector.extract_strided_slice %squeeze3A_862 {offsets = [9, 0], sizes = [1, 512], strides = [1, 1]} : vector<26x512xf32> to vector<1x512xf32>
    %mul3A_914 = vector.broadcast %slice3A_913 : vector<1x512xf32> to vector<26x512xf32>
    %mul3A_915 = arith.mulf %slice3A_912, %mul3A_914 : vector<26x512xf32>
    %add3A_916 = arith.addf %add3A_911, %mul3A_915 : vector<26x512xf32>
    %slice3A_917 = vector.extract_strided_slice %dot_general3A_864 {offsets = [260, 0], sizes = [26, 512], strides = [1, 1]} : vector<676x512xf32> to vector<26x512xf32>
    %slice3A_918 = vector.extract_strided_slice %squeeze3A_862 {offsets = [10, 0], sizes = [1, 512], strides = [1, 1]} : vector<26x512xf32> to vector<1x512xf32>
    %mul3A_919 = vector.broadcast %slice3A_918 : vector<1x512xf32> to vector<26x512xf32>
    %mul3A_920 = arith.mulf %slice3A_917, %mul3A_919 : vector<26x512xf32>
    %add3A_921 = arith.addf %add3A_916, %mul3A_920 : vector<26x512xf32>
    %slice3A_922 = vector.extract_strided_slice %dot_general3A_864 {offsets = [286, 0], sizes = [26, 512], strides = [1, 1]} : vector<676x512xf32> to vector<26x512xf32>
    %slice3A_923 = vector.extract_strided_slice %squeeze3A_862 {offsets = [11, 0], sizes = [1, 512], strides = [1, 1]} : vector<26x512xf32> to vector<1x512xf32>
    %mul3A_924 = vector.broadcast %slice3A_923 : vector<1x512xf32> to vector<26x512xf32>
    %mul3A_925 = arith.mulf %slice3A_922, %mul3A_924 : vector<26x512xf32>
    %add3A_926 = arith.addf %add3A_921, %mul3A_925 : vector<26x512xf32>
    %slice3A_927 = vector.extract_strided_slice %dot_general3A_864 {offsets = [312, 0], sizes = [26, 512], strides = [1, 1]} : vector<676x512xf32> to vector<26x512xf32>
    %slice3A_928 = vector.extract_strided_slice %squeeze3A_862 {offsets = [12, 0], sizes = [1, 512], strides = [1, 1]} : vector<26x512xf32> to vector<1x512xf32>
    %mul3A_929 = vector.broadcast %slice3A_928 : vector<1x512xf32> to vector<26x512xf32>
    %mul3A_930 = arith.mulf %slice3A_927, %mul3A_929 : vector<26x512xf32>
    %add3A_931 = arith.addf %add3A_926, %mul3A_930 : vector<26x512xf32>
    %slice3A_932 = vector.extract_strided_slice %dot_general3A_864 {offsets = [338, 0], sizes = [26, 512], strides = [1, 1]} : vector<676x512xf32> to vector<26x512xf32>
    %slice3A_933 = vector.extract_strided_slice %squeeze3A_862 {offsets = [13, 0], sizes = [1, 512], strides = [1, 1]} : vector<26x512xf32> to vector<1x512xf32>
    %mul3A_934 = vector.broadcast %slice3A_933 : vector<1x512xf32> to vector<26x512xf32>
    %mul3A_935 = arith.mulf %slice3A_932, %mul3A_934 : vector<26x512xf32>
    %add3A_936 = arith.addf %add3A_931, %mul3A_935 : vector<26x512xf32>
    %slice3A_937 = vector.extract_strided_slice %dot_general3A_864 {offsets = [364, 0], sizes = [26, 512], strides = [1, 1]} : vector<676x512xf32> to vector<26x512xf32>
    %slice3A_938 = vector.extract_strided_slice %squeeze3A_862 {offsets = [14, 0], sizes = [1, 512], strides = [1, 1]} : vector<26x512xf32> to vector<1x512xf32>
    %mul3A_939 = vector.broadcast %slice3A_938 : vector<1x512xf32> to vector<26x512xf32>
    %mul3A_940 = arith.mulf %slice3A_937, %mul3A_939 : vector<26x512xf32>
    %add3A_941 = arith.addf %add3A_936, %mul3A_940 : vector<26x512xf32>
    %slice3A_942 = vector.extract_strided_slice %dot_general3A_864 {offsets = [390, 0], sizes = [26, 512], strides = [1, 1]} : vector<676x512xf32> to vector<26x512xf32>
    %slice3A_943 = vector.extract_strided_slice %squeeze3A_862 {offsets = [15, 0], sizes = [1, 512], strides = [1, 1]} : vector<26x512xf32> to vector<1x512xf32>
    %mul3A_944 = vector.broadcast %slice3A_943 : vector<1x512xf32> to vector<26x512xf32>
    %mul3A_945 = arith.mulf %slice3A_942, %mul3A_944 : vector<26x512xf32>
    %add3A_946 = arith.addf %add3A_941, %mul3A_945 : vector<26x512xf32>
    %slice3A_947 = vector.extract_strided_slice %dot_general3A_864 {offsets = [416, 0], sizes = [26, 512], strides = [1, 1]} : vector<676x512xf32> to vector<26x512xf32>
    %slice3A_948 = vector.extract_strided_slice %squeeze3A_862 {offsets = [16, 0], sizes = [1, 512], strides = [1, 1]} : vector<26x512xf32> to vector<1x512xf32>
    %mul3A_949 = vector.broadcast %slice3A_948 : vector<1x512xf32> to vector<26x512xf32>
    %mul3A_950 = arith.mulf %slice3A_947, %mul3A_949 : vector<26x512xf32>
    %add3A_951 = arith.addf %add3A_946, %mul3A_950 : vector<26x512xf32>
    %slice3A_952 = vector.extract_strided_slice %dot_general3A_864 {offsets = [442, 0], sizes = [26, 512], strides = [1, 1]} : vector<676x512xf32> to vector<26x512xf32>
    %slice3A_953 = vector.extract_strided_slice %squeeze3A_862 {offsets = [17, 0], sizes = [1, 512], strides = [1, 1]} : vector<26x512xf32> to vector<1x512xf32>
    %mul3A_954 = vector.broadcast %slice3A_953 : vector<1x512xf32> to vector<26x512xf32>
    %mul3A_955 = arith.mulf %slice3A_952, %mul3A_954 : vector<26x512xf32>
    %add3A_956 = arith.addf %add3A_951, %mul3A_955 : vector<26x512xf32>
    %slice3A_957 = vector.extract_strided_slice %dot_general3A_864 {offsets = [468, 0], sizes = [26, 512], strides = [1, 1]} : vector<676x512xf32> to vector<26x512xf32>
    %slice3A_958 = vector.extract_strided_slice %squeeze3A_862 {offsets = [18, 0], sizes = [1, 512], strides = [1, 1]} : vector<26x512xf32> to vector<1x512xf32>
    %mul3A_959 = vector.broadcast %slice3A_958 : vector<1x512xf32> to vector<26x512xf32>
    %mul3A_960 = arith.mulf %slice3A_957, %mul3A_959 : vector<26x512xf32>
    %add3A_961 = arith.addf %add3A_956, %mul3A_960 : vector<26x512xf32>
    %slice3A_962 = vector.extract_strided_slice %dot_general3A_864 {offsets = [494, 0], sizes = [26, 512], strides = [1, 1]} : vector<676x512xf32> to vector<26x512xf32>
    %slice3A_963 = vector.extract_strided_slice %squeeze3A_862 {offsets = [19, 0], sizes = [1, 512], strides = [1, 1]} : vector<26x512xf32> to vector<1x512xf32>
    %mul3A_964 = vector.broadcast %slice3A_963 : vector<1x512xf32> to vector<26x512xf32>
    %mul3A_965 = arith.mulf %slice3A_962, %mul3A_964 : vector<26x512xf32>
    %add3A_966 = arith.addf %add3A_961, %mul3A_965 : vector<26x512xf32>
    %slice3A_967 = vector.extract_strided_slice %dot_general3A_864 {offsets = [520, 0], sizes = [26, 512], strides = [1, 1]} : vector<676x512xf32> to vector<26x512xf32>
    %slice3A_968 = vector.extract_strided_slice %squeeze3A_862 {offsets = [20, 0], sizes = [1, 512], strides = [1, 1]} : vector<26x512xf32> to vector<1x512xf32>
    %mul3A_969 = vector.broadcast %slice3A_968 : vector<1x512xf32> to vector<26x512xf32>
    %mul3A_970 = arith.mulf %slice3A_967, %mul3A_969 : vector<26x512xf32>
    %add3A_971 = arith.addf %add3A_966, %mul3A_970 : vector<26x512xf32>
    %slice3A_972 = vector.extract_strided_slice %dot_general3A_864 {offsets = [546, 0], sizes = [26, 512], strides = [1, 1]} : vector<676x512xf32> to vector<26x512xf32>
    %slice3A_973 = vector.extract_strided_slice %squeeze3A_862 {offsets = [21, 0], sizes = [1, 512], strides = [1, 1]} : vector<26x512xf32> to vector<1x512xf32>
    %mul3A_974 = vector.broadcast %slice3A_973 : vector<1x512xf32> to vector<26x512xf32>
    %mul3A_975 = arith.mulf %slice3A_972, %mul3A_974 : vector<26x512xf32>
    %add3A_976 = arith.addf %add3A_971, %mul3A_975 : vector<26x512xf32>
    %slice3A_977 = vector.extract_strided_slice %dot_general3A_864 {offsets = [572, 0], sizes = [26, 512], strides = [1, 1]} : vector<676x512xf32> to vector<26x512xf32>
    %slice3A_978 = vector.extract_strided_slice %squeeze3A_862 {offsets = [22, 0], sizes = [1, 512], strides = [1, 1]} : vector<26x512xf32> to vector<1x512xf32>
    %mul3A_979 = vector.broadcast %slice3A_978 : vector<1x512xf32> to vector<26x512xf32>
    %mul3A_980 = arith.mulf %slice3A_977, %mul3A_979 : vector<26x512xf32>
    %add3A_981 = arith.addf %add3A_976, %mul3A_980 : vector<26x512xf32>
    %slice3A_982 = vector.extract_strided_slice %dot_general3A_864 {offsets = [598, 0], sizes = [26, 512], strides = [1, 1]} : vector<676x512xf32> to vector<26x512xf32>
    %slice3A_983 = vector.extract_strided_slice %squeeze3A_862 {offsets = [23, 0], sizes = [1, 512], strides = [1, 1]} : vector<26x512xf32> to vector<1x512xf32>
    %mul3A_984 = vector.broadcast %slice3A_983 : vector<1x512xf32> to vector<26x512xf32>
    %mul3A_985 = arith.mulf %slice3A_982, %mul3A_984 : vector<26x512xf32>
    %add3A_986 = arith.addf %add3A_981, %mul3A_985 : vector<26x512xf32>
    %slice3A_987 = vector.extract_strided_slice %dot_general3A_864 {offsets = [624, 0], sizes = [26, 512], strides = [1, 1]} : vector<676x512xf32> to vector<26x512xf32>
    %slice3A_988 = vector.extract_strided_slice %squeeze3A_862 {offsets = [24, 0], sizes = [1, 512], strides = [1, 1]} : vector<26x512xf32> to vector<1x512xf32>
    %mul3A_989 = vector.broadcast %slice3A_988 : vector<1x512xf32> to vector<26x512xf32>
    %mul3A_990 = arith.mulf %slice3A_987, %mul3A_989 : vector<26x512xf32>
    %add3A_991 = arith.addf %add3A_986, %mul3A_990 : vector<26x512xf32>
    %slice3A_992 = vector.extract_strided_slice %dot_general3A_864 {offsets = [650, 0], sizes = [26, 512], strides = [1, 1]} : vector<676x512xf32> to vector<26x512xf32>
    %slice3A_993 = vector.extract_strided_slice %squeeze3A_862 {offsets = [25, 0], sizes = [1, 512], strides = [1, 1]} : vector<26x512xf32> to vector<1x512xf32>
    %mul3A_994 = vector.broadcast %slice3A_993 : vector<1x512xf32> to vector<26x512xf32>
    %mul3A_995 = arith.mulf %slice3A_992, %mul3A_994 : vector<26x512xf32>
    %add3A_996 = arith.addf %add3A_991, %mul3A_995 : vector<26x512xf32>
    %add3A_997 = vector.broadcast %get3A_14 : vector<26x1xf32> to vector<26x512xf32>
    %add3A_998 = arith.addf %add3A_996, %add3A_997 : vector<26x512xf32>
    %max3A_999 = arith.constant 0.000000e+00 : f32
    %max3A_1000 = vector.broadcast %max3A_999 : f32 to vector<26x512xf32>
    %max3A_1001 = arith.maximumf %add3A_998, %max3A_1000 : vector<26x512xf32>
    %dot_general3A_1002 = arith.constant dense<0.000000e+00> : vector<676x512xf32>
    %dot_general3A_1003 = tpu.matmul %get3A_11, %max3A_1001, %dot_general3A_1002 {dimension_numbers = #tpu.dot_dimension_numbers<[1], [0], [0], [1], [0, 0, 1, 1], [], []>, transpose_lhs_hint = false} : vector<676x26xf32>, vector<26x512xf32>, vector<676x512xf32> -> vector<676x512xf32>
    %broadcast_in_dim3A_1004 = arith.constant 0.000000e+00 : f32
    %broadcast_in_dim3A_1005 = vector.broadcast %broadcast_in_dim3A_1004 : f32 to vector<26x512xf32>
    %slice3A_1006 = vector.extract_strided_slice %dot_general3A_1003 {offsets = [0, 0], sizes = [26, 512], strides = [1, 1]} : vector<676x512xf32> to vector<26x512xf32>
    %slice3A_1007 = vector.extract_strided_slice %squeeze3A_862 {offsets = [0, 0], sizes = [1, 512], strides = [1, 1]} : vector<26x512xf32> to vector<1x512xf32>
    %mul3A_1008 = vector.broadcast %slice3A_1007 : vector<1x512xf32> to vector<26x512xf32>
    %mul3A_1009 = arith.mulf %slice3A_1006, %mul3A_1008 : vector<26x512xf32>
    %add3A_1010 = arith.addf %broadcast_in_dim3A_1005, %mul3A_1009 : vector<26x512xf32>
    %slice3A_1011 = vector.extract_strided_slice %dot_general3A_1003 {offsets = [26, 0], sizes = [26, 512], strides = [1, 1]} : vector<676x512xf32> to vector<26x512xf32>
    %slice3A_1012 = vector.extract_strided_slice %squeeze3A_862 {offsets = [1, 0], sizes = [1, 512], strides = [1, 1]} : vector<26x512xf32> to vector<1x512xf32>
    %mul3A_1013 = vector.broadcast %slice3A_1012 : vector<1x512xf32> to vector<26x512xf32>
    %mul3A_1014 = arith.mulf %slice3A_1011, %mul3A_1013 : vector<26x512xf32>
    %add3A_1015 = arith.addf %add3A_1010, %mul3A_1014 : vector<26x512xf32>
    %slice3A_1016 = vector.extract_strided_slice %dot_general3A_1003 {offsets = [52, 0], sizes = [26, 512], strides = [1, 1]} : vector<676x512xf32> to vector<26x512xf32>
    %slice3A_1017 = vector.extract_strided_slice %squeeze3A_862 {offsets = [2, 0], sizes = [1, 512], strides = [1, 1]} : vector<26x512xf32> to vector<1x512xf32>
    %mul3A_1018 = vector.broadcast %slice3A_1017 : vector<1x512xf32> to vector<26x512xf32>
    %mul3A_1019 = arith.mulf %slice3A_1016, %mul3A_1018 : vector<26x512xf32>
    %add3A_1020 = arith.addf %add3A_1015, %mul3A_1019 : vector<26x512xf32>
    %slice3A_1021 = vector.extract_strided_slice %dot_general3A_1003 {offsets = [78, 0], sizes = [26, 512], strides = [1, 1]} : vector<676x512xf32> to vector<26x512xf32>
    %slice3A_1022 = vector.extract_strided_slice %squeeze3A_862 {offsets = [3, 0], sizes = [1, 512], strides = [1, 1]} : vector<26x512xf32> to vector<1x512xf32>
    %mul3A_1023 = vector.broadcast %slice3A_1022 : vector<1x512xf32> to vector<26x512xf32>
    %mul3A_1024 = arith.mulf %slice3A_1021, %mul3A_1023 : vector<26x512xf32>
    %add3A_1025 = arith.addf %add3A_1020, %mul3A_1024 : vector<26x512xf32>
    %slice3A_1026 = vector.extract_strided_slice %dot_general3A_1003 {offsets = [104, 0], sizes = [26, 512], strides = [1, 1]} : vector<676x512xf32> to vector<26x512xf32>
    %slice3A_1027 = vector.extract_strided_slice %squeeze3A_862 {offsets = [4, 0], sizes = [1, 512], strides = [1, 1]} : vector<26x512xf32> to vector<1x512xf32>
    %mul3A_1028 = vector.broadcast %slice3A_1027 : vector<1x512xf32> to vector<26x512xf32>
    %mul3A_1029 = arith.mulf %slice3A_1026, %mul3A_1028 : vector<26x512xf32>
    %add3A_1030 = arith.addf %add3A_1025, %mul3A_1029 : vector<26x512xf32>
    %slice3A_1031 = vector.extract_strided_slice %dot_general3A_1003 {offsets = [130, 0], sizes = [26, 512], strides = [1, 1]} : vector<676x512xf32> to vector<26x512xf32>
    %slice3A_1032 = vector.extract_strided_slice %squeeze3A_862 {offsets = [5, 0], sizes = [1, 512], strides = [1, 1]} : vector<26x512xf32> to vector<1x512xf32>
    %mul3A_1033 = vector.broadcast %slice3A_1032 : vector<1x512xf32> to vector<26x512xf32>
    %mul3A_1034 = arith.mulf %slice3A_1031, %mul3A_1033 : vector<26x512xf32>
    %add3A_1035 = arith.addf %add3A_1030, %mul3A_1034 : vector<26x512xf32>
    %slice3A_1036 = vector.extract_strided_slice %dot_general3A_1003 {offsets = [156, 0], sizes = [26, 512], strides = [1, 1]} : vector<676x512xf32> to vector<26x512xf32>
    %slice3A_1037 = vector.extract_strided_slice %squeeze3A_862 {offsets = [6, 0], sizes = [1, 512], strides = [1, 1]} : vector<26x512xf32> to vector<1x512xf32>
    %mul3A_1038 = vector.broadcast %slice3A_1037 : vector<1x512xf32> to vector<26x512xf32>
    %mul3A_1039 = arith.mulf %slice3A_1036, %mul3A_1038 : vector<26x512xf32>
    %add3A_1040 = arith.addf %add3A_1035, %mul3A_1039 : vector<26x512xf32>
    %slice3A_1041 = vector.extract_strided_slice %dot_general3A_1003 {offsets = [182, 0], sizes = [26, 512], strides = [1, 1]} : vector<676x512xf32> to vector<26x512xf32>
    %slice3A_1042 = vector.extract_strided_slice %squeeze3A_862 {offsets = [7, 0], sizes = [1, 512], strides = [1, 1]} : vector<26x512xf32> to vector<1x512xf32>
    %mul3A_1043 = vector.broadcast %slice3A_1042 : vector<1x512xf32> to vector<26x512xf32>
    %mul3A_1044 = arith.mulf %slice3A_1041, %mul3A_1043 : vector<26x512xf32>
    %add3A_1045 = arith.addf %add3A_1040, %mul3A_1044 : vector<26x512xf32>
    %slice3A_1046 = vector.extract_strided_slice %dot_general3A_1003 {offsets = [208, 0], sizes = [26, 512], strides = [1, 1]} : vector<676x512xf32> to vector<26x512xf32>
    %slice3A_1047 = vector.extract_strided_slice %squeeze3A_862 {offsets = [8, 0], sizes = [1, 512], strides = [1, 1]} : vector<26x512xf32> to vector<1x512xf32>
    %mul3A_1048 = vector.broadcast %slice3A_1047 : vector<1x512xf32> to vector<26x512xf32>
    %mul3A_1049 = arith.mulf %slice3A_1046, %mul3A_1048 : vector<26x512xf32>
    %add3A_1050 = arith.addf %add3A_1045, %mul3A_1049 : vector<26x512xf32>
    %slice3A_1051 = vector.extract_strided_slice %dot_general3A_1003 {offsets = [234, 0], sizes = [26, 512], strides = [1, 1]} : vector<676x512xf32> to vector<26x512xf32>
    %slice3A_1052 = vector.extract_strided_slice %squeeze3A_862 {offsets = [9, 0], sizes = [1, 512], strides = [1, 1]} : vector<26x512xf32> to vector<1x512xf32>
    %mul3A_1053 = vector.broadcast %slice3A_1052 : vector<1x512xf32> to vector<26x512xf32>
    %mul3A_1054 = arith.mulf %slice3A_1051, %mul3A_1053 : vector<26x512xf32>
    %add3A_1055 = arith.addf %add3A_1050, %mul3A_1054 : vector<26x512xf32>
    %slice3A_1056 = vector.extract_strided_slice %dot_general3A_1003 {offsets = [260, 0], sizes = [26, 512], strides = [1, 1]} : vector<676x512xf32> to vector<26x512xf32>
    %slice3A_1057 = vector.extract_strided_slice %squeeze3A_862 {offsets = [10, 0], sizes = [1, 512], strides = [1, 1]} : vector<26x512xf32> to vector<1x512xf32>
    %mul3A_1058 = vector.broadcast %slice3A_1057 : vector<1x512xf32> to vector<26x512xf32>
    %mul3A_1059 = arith.mulf %slice3A_1056, %mul3A_1058 : vector<26x512xf32>
    %add3A_1060 = arith.addf %add3A_1055, %mul3A_1059 : vector<26x512xf32>
    %slice3A_1061 = vector.extract_strided_slice %dot_general3A_1003 {offsets = [286, 0], sizes = [26, 512], strides = [1, 1]} : vector<676x512xf32> to vector<26x512xf32>
    %slice3A_1062 = vector.extract_strided_slice %squeeze3A_862 {offsets = [11, 0], sizes = [1, 512], strides = [1, 1]} : vector<26x512xf32> to vector<1x512xf32>
    %mul3A_1063 = vector.broadcast %slice3A_1062 : vector<1x512xf32> to vector<26x512xf32>
    %mul3A_1064 = arith.mulf %slice3A_1061, %mul3A_1063 : vector<26x512xf32>
    %add3A_1065 = arith.addf %add3A_1060, %mul3A_1064 : vector<26x512xf32>
    %slice3A_1066 = vector.extract_strided_slice %dot_general3A_1003 {offsets = [312, 0], sizes = [26, 512], strides = [1, 1]} : vector<676x512xf32> to vector<26x512xf32>
    %slice3A_1067 = vector.extract_strided_slice %squeeze3A_862 {offsets = [12, 0], sizes = [1, 512], strides = [1, 1]} : vector<26x512xf32> to vector<1x512xf32>
    %mul3A_1068 = vector.broadcast %slice3A_1067 : vector<1x512xf32> to vector<26x512xf32>
    %mul3A_1069 = arith.mulf %slice3A_1066, %mul3A_1068 : vector<26x512xf32>
    %add3A_1070 = arith.addf %add3A_1065, %mul3A_1069 : vector<26x512xf32>
    %slice3A_1071 = vector.extract_strided_slice %dot_general3A_1003 {offsets = [338, 0], sizes = [26, 512], strides = [1, 1]} : vector<676x512xf32> to vector<26x512xf32>
    %slice3A_1072 = vector.extract_strided_slice %squeeze3A_862 {offsets = [13, 0], sizes = [1, 512], strides = [1, 1]} : vector<26x512xf32> to vector<1x512xf32>
    %mul3A_1073 = vector.broadcast %slice3A_1072 : vector<1x512xf32> to vector<26x512xf32>
    %mul3A_1074 = arith.mulf %slice3A_1071, %mul3A_1073 : vector<26x512xf32>
    %add3A_1075 = arith.addf %add3A_1070, %mul3A_1074 : vector<26x512xf32>
    %slice3A_1076 = vector.extract_strided_slice %dot_general3A_1003 {offsets = [364, 0], sizes = [26, 512], strides = [1, 1]} : vector<676x512xf32> to vector<26x512xf32>
    %slice3A_1077 = vector.extract_strided_slice %squeeze3A_862 {offsets = [14, 0], sizes = [1, 512], strides = [1, 1]} : vector<26x512xf32> to vector<1x512xf32>
    %mul3A_1078 = vector.broadcast %slice3A_1077 : vector<1x512xf32> to vector<26x512xf32>
    %mul3A_1079 = arith.mulf %slice3A_1076, %mul3A_1078 : vector<26x512xf32>
    %add3A_1080 = arith.addf %add3A_1075, %mul3A_1079 : vector<26x512xf32>
    %slice3A_1081 = vector.extract_strided_slice %dot_general3A_1003 {offsets = [390, 0], sizes = [26, 512], strides = [1, 1]} : vector<676x512xf32> to vector<26x512xf32>
    %slice3A_1082 = vector.extract_strided_slice %squeeze3A_862 {offsets = [15, 0], sizes = [1, 512], strides = [1, 1]} : vector<26x512xf32> to vector<1x512xf32>
    %mul3A_1083 = vector.broadcast %slice3A_1082 : vector<1x512xf32> to vector<26x512xf32>
    %mul3A_1084 = arith.mulf %slice3A_1081, %mul3A_1083 : vector<26x512xf32>
    %add3A_1085 = arith.addf %add3A_1080, %mul3A_1084 : vector<26x512xf32>
    %slice3A_1086 = vector.extract_strided_slice %dot_general3A_1003 {offsets = [416, 0], sizes = [26, 512], strides = [1, 1]} : vector<676x512xf32> to vector<26x512xf32>
    %slice3A_1087 = vector.extract_strided_slice %squeeze3A_862 {offsets = [16, 0], sizes = [1, 512], strides = [1, 1]} : vector<26x512xf32> to vector<1x512xf32>
    %mul3A_1088 = vector.broadcast %slice3A_1087 : vector<1x512xf32> to vector<26x512xf32>
    %mul3A_1089 = arith.mulf %slice3A_1086, %mul3A_1088 : vector<26x512xf32>
    %add3A_1090 = arith.addf %add3A_1085, %mul3A_1089 : vector<26x512xf32>
    %slice3A_1091 = vector.extract_strided_slice %dot_general3A_1003 {offsets = [442, 0], sizes = [26, 512], strides = [1, 1]} : vector<676x512xf32> to vector<26x512xf32>
    %slice3A_1092 = vector.extract_strided_slice %squeeze3A_862 {offsets = [17, 0], sizes = [1, 512], strides = [1, 1]} : vector<26x512xf32> to vector<1x512xf32>
    %mul3A_1093 = vector.broadcast %slice3A_1092 : vector<1x512xf32> to vector<26x512xf32>
    %mul3A_1094 = arith.mulf %slice3A_1091, %mul3A_1093 : vector<26x512xf32>
    %add3A_1095 = arith.addf %add3A_1090, %mul3A_1094 : vector<26x512xf32>
    %slice3A_1096 = vector.extract_strided_slice %dot_general3A_1003 {offsets = [468, 0], sizes = [26, 512], strides = [1, 1]} : vector<676x512xf32> to vector<26x512xf32>
    %slice3A_1097 = vector.extract_strided_slice %squeeze3A_862 {offsets = [18, 0], sizes = [1, 512], strides = [1, 1]} : vector<26x512xf32> to vector<1x512xf32>
    %mul3A_1098 = vector.broadcast %slice3A_1097 : vector<1x512xf32> to vector<26x512xf32>
    %mul3A_1099 = arith.mulf %slice3A_1096, %mul3A_1098 : vector<26x512xf32>
    %add3A_1100 = arith.addf %add3A_1095, %mul3A_1099 : vector<26x512xf32>
    %slice3A_1101 = vector.extract_strided_slice %dot_general3A_1003 {offsets = [494, 0], sizes = [26, 512], strides = [1, 1]} : vector<676x512xf32> to vector<26x512xf32>
    %slice3A_1102 = vector.extract_strided_slice %squeeze3A_862 {offsets = [19, 0], sizes = [1, 512], strides = [1, 1]} : vector<26x512xf32> to vector<1x512xf32>
    %mul3A_1103 = vector.broadcast %slice3A_1102 : vector<1x512xf32> to vector<26x512xf32>
    %mul3A_1104 = arith.mulf %slice3A_1101, %mul3A_1103 : vector<26x512xf32>
    %add3A_1105 = arith.addf %add3A_1100, %mul3A_1104 : vector<26x512xf32>
    %slice3A_1106 = vector.extract_strided_slice %dot_general3A_1003 {offsets = [520, 0], sizes = [26, 512], strides = [1, 1]} : vector<676x512xf32> to vector<26x512xf32>
    %slice3A_1107 = vector.extract_strided_slice %squeeze3A_862 {offsets = [20, 0], sizes = [1, 512], strides = [1, 1]} : vector<26x512xf32> to vector<1x512xf32>
    %mul3A_1108 = vector.broadcast %slice3A_1107 : vector<1x512xf32> to vector<26x512xf32>
    %mul3A_1109 = arith.mulf %slice3A_1106, %mul3A_1108 : vector<26x512xf32>
    %add3A_1110 = arith.addf %add3A_1105, %mul3A_1109 : vector<26x512xf32>
    %slice3A_1111 = vector.extract_strided_slice %dot_general3A_1003 {offsets = [546, 0], sizes = [26, 512], strides = [1, 1]} : vector<676x512xf32> to vector<26x512xf32>
    %slice3A_1112 = vector.extract_strided_slice %squeeze3A_862 {offsets = [21, 0], sizes = [1, 512], strides = [1, 1]} : vector<26x512xf32> to vector<1x512xf32>
    %mul3A_1113 = vector.broadcast %slice3A_1112 : vector<1x512xf32> to vector<26x512xf32>
    %mul3A_1114 = arith.mulf %slice3A_1111, %mul3A_1113 : vector<26x512xf32>
    %add3A_1115 = arith.addf %add3A_1110, %mul3A_1114 : vector<26x512xf32>
    %slice3A_1116 = vector.extract_strided_slice %dot_general3A_1003 {offsets = [572, 0], sizes = [26, 512], strides = [1, 1]} : vector<676x512xf32> to vector<26x512xf32>
    %slice3A_1117 = vector.extract_strided_slice %squeeze3A_862 {offsets = [22, 0], sizes = [1, 512], strides = [1, 1]} : vector<26x512xf32> to vector<1x512xf32>
    %mul3A_1118 = vector.broadcast %slice3A_1117 : vector<1x512xf32> to vector<26x512xf32>
    %mul3A_1119 = arith.mulf %slice3A_1116, %mul3A_1118 : vector<26x512xf32>
    %add3A_1120 = arith.addf %add3A_1115, %mul3A_1119 : vector<26x512xf32>
    %slice3A_1121 = vector.extract_strided_slice %dot_general3A_1003 {offsets = [598, 0], sizes = [26, 512], strides = [1, 1]} : vector<676x512xf32> to vector<26x512xf32>
    %slice3A_1122 = vector.extract_strided_slice %squeeze3A_862 {offsets = [23, 0], sizes = [1, 512], strides = [1, 1]} : vector<26x512xf32> to vector<1x512xf32>
    %mul3A_1123 = vector.broadcast %slice3A_1122 : vector<1x512xf32> to vector<26x512xf32>
    %mul3A_1124 = arith.mulf %slice3A_1121, %mul3A_1123 : vector<26x512xf32>
    %add3A_1125 = arith.addf %add3A_1120, %mul3A_1124 : vector<26x512xf32>
    %slice3A_1126 = vector.extract_strided_slice %dot_general3A_1003 {offsets = [624, 0], sizes = [26, 512], strides = [1, 1]} : vector<676x512xf32> to vector<26x512xf32>
    %slice3A_1127 = vector.extract_strided_slice %squeeze3A_862 {offsets = [24, 0], sizes = [1, 512], strides = [1, 1]} : vector<26x512xf32> to vector<1x512xf32>
    %mul3A_1128 = vector.broadcast %slice3A_1127 : vector<1x512xf32> to vector<26x512xf32>
    %mul3A_1129 = arith.mulf %slice3A_1126, %mul3A_1128 : vector<26x512xf32>
    %add3A_1130 = arith.addf %add3A_1125, %mul3A_1129 : vector<26x512xf32>
    %slice3A_1131 = vector.extract_strided_slice %dot_general3A_1003 {offsets = [650, 0], sizes = [26, 512], strides = [1, 1]} : vector<676x512xf32> to vector<26x512xf32>
    %slice3A_1132 = vector.extract_strided_slice %squeeze3A_862 {offsets = [25, 0], sizes = [1, 512], strides = [1, 1]} : vector<26x512xf32> to vector<1x512xf32>
    %mul3A_1133 = vector.broadcast %slice3A_1132 : vector<1x512xf32> to vector<26x512xf32>
    %mul3A_1134 = arith.mulf %slice3A_1131, %mul3A_1133 : vector<26x512xf32>
    %add3A_1135 = arith.addf %add3A_1130, %mul3A_1134 : vector<26x512xf32>
    %add3A_1136 = vector.broadcast %get3A_17 : vector<26x1xf32> to vector<26x512xf32>
    %add3A_1137 = arith.addf %add3A_1135, %add3A_1136 : vector<26x512xf32>
    %max3A_1138 = arith.constant 0.000000e+00 : f32
    %max3A_1139 = vector.broadcast %max3A_1138 : f32 to vector<26x512xf32>
    %max3A_1140 = arith.maximumf %add3A_1137, %max3A_1139 : vector<26x512xf32>
    %add3A_1141 = arith.addf %add3A_859, %max3A_1001 : vector<26x512xf32>
    %add3A_1142 = arith.addf %add3A_860, %max3A_1140 : vector<26x512xf32>
    %slice3A_1143 = vector.extract_strided_slice %reshape3A {offsets = [0, 4, 0], sizes = [26, 1, 512], strides = [1, 1, 1]} : vector<26x16x512xf32> to vector<26x1x512xf32>
    %squeeze3A_1144 = vector.shape_cast %slice3A_1143 : vector<26x1x512xf32> to vector<26x512xf32>
    %dot_general3A_1145 = arith.constant dense<0.000000e+00> : vector<676x512xf32>
    %dot_general3A_1146 = tpu.matmul %get3A_8, %squeeze3A_1144, %dot_general3A_1145 {dimension_numbers = #tpu.dot_dimension_numbers<[1], [0], [0], [1], [0, 0, 1, 1], [], []>, transpose_lhs_hint = false} : vector<676x26xf32>, vector<26x512xf32>, vector<676x512xf32> -> vector<676x512xf32>
    %broadcast_in_dim3A_1147 = arith.constant 0.000000e+00 : f32
    %broadcast_in_dim3A_1148 = vector.broadcast %broadcast_in_dim3A_1147 : f32 to vector<26x512xf32>
    %slice3A_1149 = vector.extract_strided_slice %dot_general3A_1146 {offsets = [0, 0], sizes = [26, 512], strides = [1, 1]} : vector<676x512xf32> to vector<26x512xf32>
    %slice3A_1150 = vector.extract_strided_slice %squeeze3A_1144 {offsets = [0, 0], sizes = [1, 512], strides = [1, 1]} : vector<26x512xf32> to vector<1x512xf32>
    %mul3A_1151 = vector.broadcast %slice3A_1150 : vector<1x512xf32> to vector<26x512xf32>
    %mul3A_1152 = arith.mulf %slice3A_1149, %mul3A_1151 : vector<26x512xf32>
    %add3A_1153 = arith.addf %broadcast_in_dim3A_1148, %mul3A_1152 : vector<26x512xf32>
    %slice3A_1154 = vector.extract_strided_slice %dot_general3A_1146 {offsets = [26, 0], sizes = [26, 512], strides = [1, 1]} : vector<676x512xf32> to vector<26x512xf32>
    %slice3A_1155 = vector.extract_strided_slice %squeeze3A_1144 {offsets = [1, 0], sizes = [1, 512], strides = [1, 1]} : vector<26x512xf32> to vector<1x512xf32>
    %mul3A_1156 = vector.broadcast %slice3A_1155 : vector<1x512xf32> to vector<26x512xf32>
    %mul3A_1157 = arith.mulf %slice3A_1154, %mul3A_1156 : vector<26x512xf32>
    %add3A_1158 = arith.addf %add3A_1153, %mul3A_1157 : vector<26x512xf32>
    %slice3A_1159 = vector.extract_strided_slice %dot_general3A_1146 {offsets = [52, 0], sizes = [26, 512], strides = [1, 1]} : vector<676x512xf32> to vector<26x512xf32>
    %slice3A_1160 = vector.extract_strided_slice %squeeze3A_1144 {offsets = [2, 0], sizes = [1, 512], strides = [1, 1]} : vector<26x512xf32> to vector<1x512xf32>
    %mul3A_1161 = vector.broadcast %slice3A_1160 : vector<1x512xf32> to vector<26x512xf32>
    %mul3A_1162 = arith.mulf %slice3A_1159, %mul3A_1161 : vector<26x512xf32>
    %add3A_1163 = arith.addf %add3A_1158, %mul3A_1162 : vector<26x512xf32>
    %slice3A_1164 = vector.extract_strided_slice %dot_general3A_1146 {offsets = [78, 0], sizes = [26, 512], strides = [1, 1]} : vector<676x512xf32> to vector<26x512xf32>
    %slice3A_1165 = vector.extract_strided_slice %squeeze3A_1144 {offsets = [3, 0], sizes = [1, 512], strides = [1, 1]} : vector<26x512xf32> to vector<1x512xf32>
    %mul3A_1166 = vector.broadcast %slice3A_1165 : vector<1x512xf32> to vector<26x512xf32>
    %mul3A_1167 = arith.mulf %slice3A_1164, %mul3A_1166 : vector<26x512xf32>
    %add3A_1168 = arith.addf %add3A_1163, %mul3A_1167 : vector<26x512xf32>
    %slice3A_1169 = vector.extract_strided_slice %dot_general3A_1146 {offsets = [104, 0], sizes = [26, 512], strides = [1, 1]} : vector<676x512xf32> to vector<26x512xf32>
    %slice3A_1170 = vector.extract_strided_slice %squeeze3A_1144 {offsets = [4, 0], sizes = [1, 512], strides = [1, 1]} : vector<26x512xf32> to vector<1x512xf32>
    %mul3A_1171 = vector.broadcast %slice3A_1170 : vector<1x512xf32> to vector<26x512xf32>
    %mul3A_1172 = arith.mulf %slice3A_1169, %mul3A_1171 : vector<26x512xf32>
    %add3A_1173 = arith.addf %add3A_1168, %mul3A_1172 : vector<26x512xf32>
    %slice3A_1174 = vector.extract_strided_slice %dot_general3A_1146 {offsets = [130, 0], sizes = [26, 512], strides = [1, 1]} : vector<676x512xf32> to vector<26x512xf32>
    %slice3A_1175 = vector.extract_strided_slice %squeeze3A_1144 {offsets = [5, 0], sizes = [1, 512], strides = [1, 1]} : vector<26x512xf32> to vector<1x512xf32>
    %mul3A_1176 = vector.broadcast %slice3A_1175 : vector<1x512xf32> to vector<26x512xf32>
    %mul3A_1177 = arith.mulf %slice3A_1174, %mul3A_1176 : vector<26x512xf32>
    %add3A_1178 = arith.addf %add3A_1173, %mul3A_1177 : vector<26x512xf32>
    %slice3A_1179 = vector.extract_strided_slice %dot_general3A_1146 {offsets = [156, 0], sizes = [26, 512], strides = [1, 1]} : vector<676x512xf32> to vector<26x512xf32>
    %slice3A_1180 = vector.extract_strided_slice %squeeze3A_1144 {offsets = [6, 0], sizes = [1, 512], strides = [1, 1]} : vector<26x512xf32> to vector<1x512xf32>
    %mul3A_1181 = vector.broadcast %slice3A_1180 : vector<1x512xf32> to vector<26x512xf32>
    %mul3A_1182 = arith.mulf %slice3A_1179, %mul3A_1181 : vector<26x512xf32>
    %add3A_1183 = arith.addf %add3A_1178, %mul3A_1182 : vector<26x512xf32>
    %slice3A_1184 = vector.extract_strided_slice %dot_general3A_1146 {offsets = [182, 0], sizes = [26, 512], strides = [1, 1]} : vector<676x512xf32> to vector<26x512xf32>
    %slice3A_1185 = vector.extract_strided_slice %squeeze3A_1144 {offsets = [7, 0], sizes = [1, 512], strides = [1, 1]} : vector<26x512xf32> to vector<1x512xf32>
    %mul3A_1186 = vector.broadcast %slice3A_1185 : vector<1x512xf32> to vector<26x512xf32>
    %mul3A_1187 = arith.mulf %slice3A_1184, %mul3A_1186 : vector<26x512xf32>
    %add3A_1188 = arith.addf %add3A_1183, %mul3A_1187 : vector<26x512xf32>
    %slice3A_1189 = vector.extract_strided_slice %dot_general3A_1146 {offsets = [208, 0], sizes = [26, 512], strides = [1, 1]} : vector<676x512xf32> to vector<26x512xf32>
    %slice3A_1190 = vector.extract_strided_slice %squeeze3A_1144 {offsets = [8, 0], sizes = [1, 512], strides = [1, 1]} : vector<26x512xf32> to vector<1x512xf32>
    %mul3A_1191 = vector.broadcast %slice3A_1190 : vector<1x512xf32> to vector<26x512xf32>
    %mul3A_1192 = arith.mulf %slice3A_1189, %mul3A_1191 : vector<26x512xf32>
    %add3A_1193 = arith.addf %add3A_1188, %mul3A_1192 : vector<26x512xf32>
    %slice3A_1194 = vector.extract_strided_slice %dot_general3A_1146 {offsets = [234, 0], sizes = [26, 512], strides = [1, 1]} : vector<676x512xf32> to vector<26x512xf32>
    %slice3A_1195 = vector.extract_strided_slice %squeeze3A_1144 {offsets = [9, 0], sizes = [1, 512], strides = [1, 1]} : vector<26x512xf32> to vector<1x512xf32>
    %mul3A_1196 = vector.broadcast %slice3A_1195 : vector<1x512xf32> to vector<26x512xf32>
    %mul3A_1197 = arith.mulf %slice3A_1194, %mul3A_1196 : vector<26x512xf32>
    %add3A_1198 = arith.addf %add3A_1193, %mul3A_1197 : vector<26x512xf32>
    %slice3A_1199 = vector.extract_strided_slice %dot_general3A_1146 {offsets = [260, 0], sizes = [26, 512], strides = [1, 1]} : vector<676x512xf32> to vector<26x512xf32>
    %slice3A_1200 = vector.extract_strided_slice %squeeze3A_1144 {offsets = [10, 0], sizes = [1, 512], strides = [1, 1]} : vector<26x512xf32> to vector<1x512xf32>
    %mul3A_1201 = vector.broadcast %slice3A_1200 : vector<1x512xf32> to vector<26x512xf32>
    %mul3A_1202 = arith.mulf %slice3A_1199, %mul3A_1201 : vector<26x512xf32>
    %add3A_1203 = arith.addf %add3A_1198, %mul3A_1202 : vector<26x512xf32>
    %slice3A_1204 = vector.extract_strided_slice %dot_general3A_1146 {offsets = [286, 0], sizes = [26, 512], strides = [1, 1]} : vector<676x512xf32> to vector<26x512xf32>
    %slice3A_1205 = vector.extract_strided_slice %squeeze3A_1144 {offsets = [11, 0], sizes = [1, 512], strides = [1, 1]} : vector<26x512xf32> to vector<1x512xf32>
    %mul3A_1206 = vector.broadcast %slice3A_1205 : vector<1x512xf32> to vector<26x512xf32>
    %mul3A_1207 = arith.mulf %slice3A_1204, %mul3A_1206 : vector<26x512xf32>
    %add3A_1208 = arith.addf %add3A_1203, %mul3A_1207 : vector<26x512xf32>
    %slice3A_1209 = vector.extract_strided_slice %dot_general3A_1146 {offsets = [312, 0], sizes = [26, 512], strides = [1, 1]} : vector<676x512xf32> to vector<26x512xf32>
    %slice3A_1210 = vector.extract_strided_slice %squeeze3A_1144 {offsets = [12, 0], sizes = [1, 512], strides = [1, 1]} : vector<26x512xf32> to vector<1x512xf32>
    %mul3A_1211 = vector.broadcast %slice3A_1210 : vector<1x512xf32> to vector<26x512xf32>
    %mul3A_1212 = arith.mulf %slice3A_1209, %mul3A_1211 : vector<26x512xf32>
    %add3A_1213 = arith.addf %add3A_1208, %mul3A_1212 : vector<26x512xf32>
    %slice3A_1214 = vector.extract_strided_slice %dot_general3A_1146 {offsets = [338, 0], sizes = [26, 512], strides = [1, 1]} : vector<676x512xf32> to vector<26x512xf32>
    %slice3A_1215 = vector.extract_strided_slice %squeeze3A_1144 {offsets = [13, 0], sizes = [1, 512], strides = [1, 1]} : vector<26x512xf32> to vector<1x512xf32>
    %mul3A_1216 = vector.broadcast %slice3A_1215 : vector<1x512xf32> to vector<26x512xf32>
    %mul3A_1217 = arith.mulf %slice3A_1214, %mul3A_1216 : vector<26x512xf32>
    %add3A_1218 = arith.addf %add3A_1213, %mul3A_1217 : vector<26x512xf32>
    %slice3A_1219 = vector.extract_strided_slice %dot_general3A_1146 {offsets = [364, 0], sizes = [26, 512], strides = [1, 1]} : vector<676x512xf32> to vector<26x512xf32>
    %slice3A_1220 = vector.extract_strided_slice %squeeze3A_1144 {offsets = [14, 0], sizes = [1, 512], strides = [1, 1]} : vector<26x512xf32> to vector<1x512xf32>
    %mul3A_1221 = vector.broadcast %slice3A_1220 : vector<1x512xf32> to vector<26x512xf32>
    %mul3A_1222 = arith.mulf %slice3A_1219, %mul3A_1221 : vector<26x512xf32>
    %add3A_1223 = arith.addf %add3A_1218, %mul3A_1222 : vector<26x512xf32>
    %slice3A_1224 = vector.extract_strided_slice %dot_general3A_1146 {offsets = [390, 0], sizes = [26, 512], strides = [1, 1]} : vector<676x512xf32> to vector<26x512xf32>
    %slice3A_1225 = vector.extract_strided_slice %squeeze3A_1144 {offsets = [15, 0], sizes = [1, 512], strides = [1, 1]} : vector<26x512xf32> to vector<1x512xf32>
    %mul3A_1226 = vector.broadcast %slice3A_1225 : vector<1x512xf32> to vector<26x512xf32>
    %mul3A_1227 = arith.mulf %slice3A_1224, %mul3A_1226 : vector<26x512xf32>
    %add3A_1228 = arith.addf %add3A_1223, %mul3A_1227 : vector<26x512xf32>
    %slice3A_1229 = vector.extract_strided_slice %dot_general3A_1146 {offsets = [416, 0], sizes = [26, 512], strides = [1, 1]} : vector<676x512xf32> to vector<26x512xf32>
    %slice3A_1230 = vector.extract_strided_slice %squeeze3A_1144 {offsets = [16, 0], sizes = [1, 512], strides = [1, 1]} : vector<26x512xf32> to vector<1x512xf32>
    %mul3A_1231 = vector.broadcast %slice3A_1230 : vector<1x512xf32> to vector<26x512xf32>
    %mul3A_1232 = arith.mulf %slice3A_1229, %mul3A_1231 : vector<26x512xf32>
    %add3A_1233 = arith.addf %add3A_1228, %mul3A_1232 : vector<26x512xf32>
    %slice3A_1234 = vector.extract_strided_slice %dot_general3A_1146 {offsets = [442, 0], sizes = [26, 512], strides = [1, 1]} : vector<676x512xf32> to vector<26x512xf32>
    %slice3A_1235 = vector.extract_strided_slice %squeeze3A_1144 {offsets = [17, 0], sizes = [1, 512], strides = [1, 1]} : vector<26x512xf32> to vector<1x512xf32>
    %mul3A_1236 = vector.broadcast %slice3A_1235 : vector<1x512xf32> to vector<26x512xf32>
    %mul3A_1237 = arith.mulf %slice3A_1234, %mul3A_1236 : vector<26x512xf32>
    %add3A_1238 = arith.addf %add3A_1233, %mul3A_1237 : vector<26x512xf32>
    %slice3A_1239 = vector.extract_strided_slice %dot_general3A_1146 {offsets = [468, 0], sizes = [26, 512], strides = [1, 1]} : vector<676x512xf32> to vector<26x512xf32>
    %slice3A_1240 = vector.extract_strided_slice %squeeze3A_1144 {offsets = [18, 0], sizes = [1, 512], strides = [1, 1]} : vector<26x512xf32> to vector<1x512xf32>
    %mul3A_1241 = vector.broadcast %slice3A_1240 : vector<1x512xf32> to vector<26x512xf32>
    %mul3A_1242 = arith.mulf %slice3A_1239, %mul3A_1241 : vector<26x512xf32>
    %add3A_1243 = arith.addf %add3A_1238, %mul3A_1242 : vector<26x512xf32>
    %slice3A_1244 = vector.extract_strided_slice %dot_general3A_1146 {offsets = [494, 0], sizes = [26, 512], strides = [1, 1]} : vector<676x512xf32> to vector<26x512xf32>
    %slice3A_1245 = vector.extract_strided_slice %squeeze3A_1144 {offsets = [19, 0], sizes = [1, 512], strides = [1, 1]} : vector<26x512xf32> to vector<1x512xf32>
    %mul3A_1246 = vector.broadcast %slice3A_1245 : vector<1x512xf32> to vector<26x512xf32>
    %mul3A_1247 = arith.mulf %slice3A_1244, %mul3A_1246 : vector<26x512xf32>
    %add3A_1248 = arith.addf %add3A_1243, %mul3A_1247 : vector<26x512xf32>
    %slice3A_1249 = vector.extract_strided_slice %dot_general3A_1146 {offsets = [520, 0], sizes = [26, 512], strides = [1, 1]} : vector<676x512xf32> to vector<26x512xf32>
    %slice3A_1250 = vector.extract_strided_slice %squeeze3A_1144 {offsets = [20, 0], sizes = [1, 512], strides = [1, 1]} : vector<26x512xf32> to vector<1x512xf32>
    %mul3A_1251 = vector.broadcast %slice3A_1250 : vector<1x512xf32> to vector<26x512xf32>
    %mul3A_1252 = arith.mulf %slice3A_1249, %mul3A_1251 : vector<26x512xf32>
    %add3A_1253 = arith.addf %add3A_1248, %mul3A_1252 : vector<26x512xf32>
    %slice3A_1254 = vector.extract_strided_slice %dot_general3A_1146 {offsets = [546, 0], sizes = [26, 512], strides = [1, 1]} : vector<676x512xf32> to vector<26x512xf32>
    %slice3A_1255 = vector.extract_strided_slice %squeeze3A_1144 {offsets = [21, 0], sizes = [1, 512], strides = [1, 1]} : vector<26x512xf32> to vector<1x512xf32>
    %mul3A_1256 = vector.broadcast %slice3A_1255 : vector<1x512xf32> to vector<26x512xf32>
    %mul3A_1257 = arith.mulf %slice3A_1254, %mul3A_1256 : vector<26x512xf32>
    %add3A_1258 = arith.addf %add3A_1253, %mul3A_1257 : vector<26x512xf32>
    %slice3A_1259 = vector.extract_strided_slice %dot_general3A_1146 {offsets = [572, 0], sizes = [26, 512], strides = [1, 1]} : vector<676x512xf32> to vector<26x512xf32>
    %slice3A_1260 = vector.extract_strided_slice %squeeze3A_1144 {offsets = [22, 0], sizes = [1, 512], strides = [1, 1]} : vector<26x512xf32> to vector<1x512xf32>
    %mul3A_1261 = vector.broadcast %slice3A_1260 : vector<1x512xf32> to vector<26x512xf32>
    %mul3A_1262 = arith.mulf %slice3A_1259, %mul3A_1261 : vector<26x512xf32>
    %add3A_1263 = arith.addf %add3A_1258, %mul3A_1262 : vector<26x512xf32>
    %slice3A_1264 = vector.extract_strided_slice %dot_general3A_1146 {offsets = [598, 0], sizes = [26, 512], strides = [1, 1]} : vector<676x512xf32> to vector<26x512xf32>
    %slice3A_1265 = vector.extract_strided_slice %squeeze3A_1144 {offsets = [23, 0], sizes = [1, 512], strides = [1, 1]} : vector<26x512xf32> to vector<1x512xf32>
    %mul3A_1266 = vector.broadcast %slice3A_1265 : vector<1x512xf32> to vector<26x512xf32>
    %mul3A_1267 = arith.mulf %slice3A_1264, %mul3A_1266 : vector<26x512xf32>
    %add3A_1268 = arith.addf %add3A_1263, %mul3A_1267 : vector<26x512xf32>
    %slice3A_1269 = vector.extract_strided_slice %dot_general3A_1146 {offsets = [624, 0], sizes = [26, 512], strides = [1, 1]} : vector<676x512xf32> to vector<26x512xf32>
    %slice3A_1270 = vector.extract_strided_slice %squeeze3A_1144 {offsets = [24, 0], sizes = [1, 512], strides = [1, 1]} : vector<26x512xf32> to vector<1x512xf32>
    %mul3A_1271 = vector.broadcast %slice3A_1270 : vector<1x512xf32> to vector<26x512xf32>
    %mul3A_1272 = arith.mulf %slice3A_1269, %mul3A_1271 : vector<26x512xf32>
    %add3A_1273 = arith.addf %add3A_1268, %mul3A_1272 : vector<26x512xf32>
    %slice3A_1274 = vector.extract_strided_slice %dot_general3A_1146 {offsets = [650, 0], sizes = [26, 512], strides = [1, 1]} : vector<676x512xf32> to vector<26x512xf32>
    %slice3A_1275 = vector.extract_strided_slice %squeeze3A_1144 {offsets = [25, 0], sizes = [1, 512], strides = [1, 1]} : vector<26x512xf32> to vector<1x512xf32>
    %mul3A_1276 = vector.broadcast %slice3A_1275 : vector<1x512xf32> to vector<26x512xf32>
    %mul3A_1277 = arith.mulf %slice3A_1274, %mul3A_1276 : vector<26x512xf32>
    %add3A_1278 = arith.addf %add3A_1273, %mul3A_1277 : vector<26x512xf32>
    %add3A_1279 = vector.broadcast %get3A_14 : vector<26x1xf32> to vector<26x512xf32>
    %add3A_1280 = arith.addf %add3A_1278, %add3A_1279 : vector<26x512xf32>
    %max3A_1281 = arith.constant 0.000000e+00 : f32
    %max3A_1282 = vector.broadcast %max3A_1281 : f32 to vector<26x512xf32>
    %max3A_1283 = arith.maximumf %add3A_1280, %max3A_1282 : vector<26x512xf32>
    %dot_general3A_1284 = arith.constant dense<0.000000e+00> : vector<676x512xf32>
    %dot_general3A_1285 = tpu.matmul %get3A_11, %max3A_1283, %dot_general3A_1284 {dimension_numbers = #tpu.dot_dimension_numbers<[1], [0], [0], [1], [0, 0, 1, 1], [], []>, transpose_lhs_hint = false} : vector<676x26xf32>, vector<26x512xf32>, vector<676x512xf32> -> vector<676x512xf32>
    %broadcast_in_dim3A_1286 = arith.constant 0.000000e+00 : f32
    %broadcast_in_dim3A_1287 = vector.broadcast %broadcast_in_dim3A_1286 : f32 to vector<26x512xf32>
    %slice3A_1288 = vector.extract_strided_slice %dot_general3A_1285 {offsets = [0, 0], sizes = [26, 512], strides = [1, 1]} : vector<676x512xf32> to vector<26x512xf32>
    %slice3A_1289 = vector.extract_strided_slice %squeeze3A_1144 {offsets = [0, 0], sizes = [1, 512], strides = [1, 1]} : vector<26x512xf32> to vector<1x512xf32>
    %mul3A_1290 = vector.broadcast %slice3A_1289 : vector<1x512xf32> to vector<26x512xf32>
    %mul3A_1291 = arith.mulf %slice3A_1288, %mul3A_1290 : vector<26x512xf32>
    %add3A_1292 = arith.addf %broadcast_in_dim3A_1287, %mul3A_1291 : vector<26x512xf32>
    %slice3A_1293 = vector.extract_strided_slice %dot_general3A_1285 {offsets = [26, 0], sizes = [26, 512], strides = [1, 1]} : vector<676x512xf32> to vector<26x512xf32>
    %slice3A_1294 = vector.extract_strided_slice %squeeze3A_1144 {offsets = [1, 0], sizes = [1, 512], strides = [1, 1]} : vector<26x512xf32> to vector<1x512xf32>
    %mul3A_1295 = vector.broadcast %slice3A_1294 : vector<1x512xf32> to vector<26x512xf32>
    %mul3A_1296 = arith.mulf %slice3A_1293, %mul3A_1295 : vector<26x512xf32>
    %add3A_1297 = arith.addf %add3A_1292, %mul3A_1296 : vector<26x512xf32>
    %slice3A_1298 = vector.extract_strided_slice %dot_general3A_1285 {offsets = [52, 0], sizes = [26, 512], strides = [1, 1]} : vector<676x512xf32> to vector<26x512xf32>
    %slice3A_1299 = vector.extract_strided_slice %squeeze3A_1144 {offsets = [2, 0], sizes = [1, 512], strides = [1, 1]} : vector<26x512xf32> to vector<1x512xf32>
    %mul3A_1300 = vector.broadcast %slice3A_1299 : vector<1x512xf32> to vector<26x512xf32>
    %mul3A_1301 = arith.mulf %slice3A_1298, %mul3A_1300 : vector<26x512xf32>
    %add3A_1302 = arith.addf %add3A_1297, %mul3A_1301 : vector<26x512xf32>
    %slice3A_1303 = vector.extract_strided_slice %dot_general3A_1285 {offsets = [78, 0], sizes = [26, 512], strides = [1, 1]} : vector<676x512xf32> to vector<26x512xf32>
    %slice3A_1304 = vector.extract_strided_slice %squeeze3A_1144 {offsets = [3, 0], sizes = [1, 512], strides = [1, 1]} : vector<26x512xf32> to vector<1x512xf32>
    %mul3A_1305 = vector.broadcast %slice3A_1304 : vector<1x512xf32> to vector<26x512xf32>
    %mul3A_1306 = arith.mulf %slice3A_1303, %mul3A_1305 : vector<26x512xf32>
    %add3A_1307 = arith.addf %add3A_1302, %mul3A_1306 : vector<26x512xf32>
    %slice3A_1308 = vector.extract_strided_slice %dot_general3A_1285 {offsets = [104, 0], sizes = [26, 512], strides = [1, 1]} : vector<676x512xf32> to vector<26x512xf32>
    %slice3A_1309 = vector.extract_strided_slice %squeeze3A_1144 {offsets = [4, 0], sizes = [1, 512], strides = [1, 1]} : vector<26x512xf32> to vector<1x512xf32>
    %mul3A_1310 = vector.broadcast %slice3A_1309 : vector<1x512xf32> to vector<26x512xf32>
    %mul3A_1311 = arith.mulf %slice3A_1308, %mul3A_1310 : vector<26x512xf32>
    %add3A_1312 = arith.addf %add3A_1307, %mul3A_1311 : vector<26x512xf32>
    %slice3A_1313 = vector.extract_strided_slice %dot_general3A_1285 {offsets = [130, 0], sizes = [26, 512], strides = [1, 1]} : vector<676x512xf32> to vector<26x512xf32>
    %slice3A_1314 = vector.extract_strided_slice %squeeze3A_1144 {offsets = [5, 0], sizes = [1, 512], strides = [1, 1]} : vector<26x512xf32> to vector<1x512xf32>
    %mul3A_1315 = vector.broadcast %slice3A_1314 : vector<1x512xf32> to vector<26x512xf32>
    %mul3A_1316 = arith.mulf %slice3A_1313, %mul3A_1315 : vector<26x512xf32>
    %add3A_1317 = arith.addf %add3A_1312, %mul3A_1316 : vector<26x512xf32>
    %slice3A_1318 = vector.extract_strided_slice %dot_general3A_1285 {offsets = [156, 0], sizes = [26, 512], strides = [1, 1]} : vector<676x512xf32> to vector<26x512xf32>
    %slice3A_1319 = vector.extract_strided_slice %squeeze3A_1144 {offsets = [6, 0], sizes = [1, 512], strides = [1, 1]} : vector<26x512xf32> to vector<1x512xf32>
    %mul3A_1320 = vector.broadcast %slice3A_1319 : vector<1x512xf32> to vector<26x512xf32>
    %mul3A_1321 = arith.mulf %slice3A_1318, %mul3A_1320 : vector<26x512xf32>
    %add3A_1322 = arith.addf %add3A_1317, %mul3A_1321 : vector<26x512xf32>
    %slice3A_1323 = vector.extract_strided_slice %dot_general3A_1285 {offsets = [182, 0], sizes = [26, 512], strides = [1, 1]} : vector<676x512xf32> to vector<26x512xf32>
    %slice3A_1324 = vector.extract_strided_slice %squeeze3A_1144 {offsets = [7, 0], sizes = [1, 512], strides = [1, 1]} : vector<26x512xf32> to vector<1x512xf32>
    %mul3A_1325 = vector.broadcast %slice3A_1324 : vector<1x512xf32> to vector<26x512xf32>
    %mul3A_1326 = arith.mulf %slice3A_1323, %mul3A_1325 : vector<26x512xf32>
    %add3A_1327 = arith.addf %add3A_1322, %mul3A_1326 : vector<26x512xf32>
    %slice3A_1328 = vector.extract_strided_slice %dot_general3A_1285 {offsets = [208, 0], sizes = [26, 512], strides = [1, 1]} : vector<676x512xf32> to vector<26x512xf32>
    %slice3A_1329 = vector.extract_strided_slice %squeeze3A_1144 {offsets = [8, 0], sizes = [1, 512], strides = [1, 1]} : vector<26x512xf32> to vector<1x512xf32>
    %mul3A_1330 = vector.broadcast %slice3A_1329 : vector<1x512xf32> to vector<26x512xf32>
    %mul3A_1331 = arith.mulf %slice3A_1328, %mul3A_1330 : vector<26x512xf32>
    %add3A_1332 = arith.addf %add3A_1327, %mul3A_1331 : vector<26x512xf32>
    %slice3A_1333 = vector.extract_strided_slice %dot_general3A_1285 {offsets = [234, 0], sizes = [26, 512], strides = [1, 1]} : vector<676x512xf32> to vector<26x512xf32>
    %slice3A_1334 = vector.extract_strided_slice %squeeze3A_1144 {offsets = [9, 0], sizes = [1, 512], strides = [1, 1]} : vector<26x512xf32> to vector<1x512xf32>
    %mul3A_1335 = vector.broadcast %slice3A_1334 : vector<1x512xf32> to vector<26x512xf32>
    %mul3A_1336 = arith.mulf %slice3A_1333, %mul3A_1335 : vector<26x512xf32>
    %add3A_1337 = arith.addf %add3A_1332, %mul3A_1336 : vector<26x512xf32>
    %slice3A_1338 = vector.extract_strided_slice %dot_general3A_1285 {offsets = [260, 0], sizes = [26, 512], strides = [1, 1]} : vector<676x512xf32> to vector<26x512xf32>
    %slice3A_1339 = vector.extract_strided_slice %squeeze3A_1144 {offsets = [10, 0], sizes = [1, 512], strides = [1, 1]} : vector<26x512xf32> to vector<1x512xf32>
    %mul3A_1340 = vector.broadcast %slice3A_1339 : vector<1x512xf32> to vector<26x512xf32>
    %mul3A_1341 = arith.mulf %slice3A_1338, %mul3A_1340 : vector<26x512xf32>
    %add3A_1342 = arith.addf %add3A_1337, %mul3A_1341 : vector<26x512xf32>
    %slice3A_1343 = vector.extract_strided_slice %dot_general3A_1285 {offsets = [286, 0], sizes = [26, 512], strides = [1, 1]} : vector<676x512xf32> to vector<26x512xf32>
    %slice3A_1344 = vector.extract_strided_slice %squeeze3A_1144 {offsets = [11, 0], sizes = [1, 512], strides = [1, 1]} : vector<26x512xf32> to vector<1x512xf32>
    %mul3A_1345 = vector.broadcast %slice3A_1344 : vector<1x512xf32> to vector<26x512xf32>
    %mul3A_1346 = arith.mulf %slice3A_1343, %mul3A_1345 : vector<26x512xf32>
    %add3A_1347 = arith.addf %add3A_1342, %mul3A_1346 : vector<26x512xf32>
    %slice3A_1348 = vector.extract_strided_slice %dot_general3A_1285 {offsets = [312, 0], sizes = [26, 512], strides = [1, 1]} : vector<676x512xf32> to vector<26x512xf32>
    %slice3A_1349 = vector.extract_strided_slice %squeeze3A_1144 {offsets = [12, 0], sizes = [1, 512], strides = [1, 1]} : vector<26x512xf32> to vector<1x512xf32>
    %mul3A_1350 = vector.broadcast %slice3A_1349 : vector<1x512xf32> to vector<26x512xf32>
    %mul3A_1351 = arith.mulf %slice3A_1348, %mul3A_1350 : vector<26x512xf32>
    %add3A_1352 = arith.addf %add3A_1347, %mul3A_1351 : vector<26x512xf32>
    %slice3A_1353 = vector.extract_strided_slice %dot_general3A_1285 {offsets = [338, 0], sizes = [26, 512], strides = [1, 1]} : vector<676x512xf32> to vector<26x512xf32>
    %slice3A_1354 = vector.extract_strided_slice %squeeze3A_1144 {offsets = [13, 0], sizes = [1, 512], strides = [1, 1]} : vector<26x512xf32> to vector<1x512xf32>
    %mul3A_1355 = vector.broadcast %slice3A_1354 : vector<1x512xf32> to vector<26x512xf32>
    %mul3A_1356 = arith.mulf %slice3A_1353, %mul3A_1355 : vector<26x512xf32>
    %add3A_1357 = arith.addf %add3A_1352, %mul3A_1356 : vector<26x512xf32>
    %slice3A_1358 = vector.extract_strided_slice %dot_general3A_1285 {offsets = [364, 0], sizes = [26, 512], strides = [1, 1]} : vector<676x512xf32> to vector<26x512xf32>
    %slice3A_1359 = vector.extract_strided_slice %squeeze3A_1144 {offsets = [14, 0], sizes = [1, 512], strides = [1, 1]} : vector<26x512xf32> to vector<1x512xf32>
    %mul3A_1360 = vector.broadcast %slice3A_1359 : vector<1x512xf32> to vector<26x512xf32>
    %mul3A_1361 = arith.mulf %slice3A_1358, %mul3A_1360 : vector<26x512xf32>
    %add3A_1362 = arith.addf %add3A_1357, %mul3A_1361 : vector<26x512xf32>
    %slice3A_1363 = vector.extract_strided_slice %dot_general3A_1285 {offsets = [390, 0], sizes = [26, 512], strides = [1, 1]} : vector<676x512xf32> to vector<26x512xf32>
    %slice3A_1364 = vector.extract_strided_slice %squeeze3A_1144 {offsets = [15, 0], sizes = [1, 512], strides = [1, 1]} : vector<26x512xf32> to vector<1x512xf32>
    %mul3A_1365 = vector.broadcast %slice3A_1364 : vector<1x512xf32> to vector<26x512xf32>
    %mul3A_1366 = arith.mulf %slice3A_1363, %mul3A_1365 : vector<26x512xf32>
    %add3A_1367 = arith.addf %add3A_1362, %mul3A_1366 : vector<26x512xf32>
    %slice3A_1368 = vector.extract_strided_slice %dot_general3A_1285 {offsets = [416, 0], sizes = [26, 512], strides = [1, 1]} : vector<676x512xf32> to vector<26x512xf32>
    %slice3A_1369 = vector.extract_strided_slice %squeeze3A_1144 {offsets = [16, 0], sizes = [1, 512], strides = [1, 1]} : vector<26x512xf32> to vector<1x512xf32>
    %mul3A_1370 = vector.broadcast %slice3A_1369 : vector<1x512xf32> to vector<26x512xf32>
    %mul3A_1371 = arith.mulf %slice3A_1368, %mul3A_1370 : vector<26x512xf32>
    %add3A_1372 = arith.addf %add3A_1367, %mul3A_1371 : vector<26x512xf32>
    %slice3A_1373 = vector.extract_strided_slice %dot_general3A_1285 {offsets = [442, 0], sizes = [26, 512], strides = [1, 1]} : vector<676x512xf32> to vector<26x512xf32>
    %slice3A_1374 = vector.extract_strided_slice %squeeze3A_1144 {offsets = [17, 0], sizes = [1, 512], strides = [1, 1]} : vector<26x512xf32> to vector<1x512xf32>
    %mul3A_1375 = vector.broadcast %slice3A_1374 : vector<1x512xf32> to vector<26x512xf32>
    %mul3A_1376 = arith.mulf %slice3A_1373, %mul3A_1375 : vector<26x512xf32>
    %add3A_1377 = arith.addf %add3A_1372, %mul3A_1376 : vector<26x512xf32>
    %slice3A_1378 = vector.extract_strided_slice %dot_general3A_1285 {offsets = [468, 0], sizes = [26, 512], strides = [1, 1]} : vector<676x512xf32> to vector<26x512xf32>
    %slice3A_1379 = vector.extract_strided_slice %squeeze3A_1144 {offsets = [18, 0], sizes = [1, 512], strides = [1, 1]} : vector<26x512xf32> to vector<1x512xf32>
    %mul3A_1380 = vector.broadcast %slice3A_1379 : vector<1x512xf32> to vector<26x512xf32>
    %mul3A_1381 = arith.mulf %slice3A_1378, %mul3A_1380 : vector<26x512xf32>
    %add3A_1382 = arith.addf %add3A_1377, %mul3A_1381 : vector<26x512xf32>
    %slice3A_1383 = vector.extract_strided_slice %dot_general3A_1285 {offsets = [494, 0], sizes = [26, 512], strides = [1, 1]} : vector<676x512xf32> to vector<26x512xf32>
    %slice3A_1384 = vector.extract_strided_slice %squeeze3A_1144 {offsets = [19, 0], sizes = [1, 512], strides = [1, 1]} : vector<26x512xf32> to vector<1x512xf32>
    %mul3A_1385 = vector.broadcast %slice3A_1384 : vector<1x512xf32> to vector<26x512xf32>
    %mul3A_1386 = arith.mulf %slice3A_1383, %mul3A_1385 : vector<26x512xf32>
    %add3A_1387 = arith.addf %add3A_1382, %mul3A_1386 : vector<26x512xf32>
    %slice3A_1388 = vector.extract_strided_slice %dot_general3A_1285 {offsets = [520, 0], sizes = [26, 512], strides = [1, 1]} : vector<676x512xf32> to vector<26x512xf32>
    %slice3A_1389 = vector.extract_strided_slice %squeeze3A_1144 {offsets = [20, 0], sizes = [1, 512], strides = [1, 1]} : vector<26x512xf32> to vector<1x512xf32>
    %mul3A_1390 = vector.broadcast %slice3A_1389 : vector<1x512xf32> to vector<26x512xf32>
    %mul3A_1391 = arith.mulf %slice3A_1388, %mul3A_1390 : vector<26x512xf32>
    %add3A_1392 = arith.addf %add3A_1387, %mul3A_1391 : vector<26x512xf32>
    %slice3A_1393 = vector.extract_strided_slice %dot_general3A_1285 {offsets = [546, 0], sizes = [26, 512], strides = [1, 1]} : vector<676x512xf32> to vector<26x512xf32>
    %slice3A_1394 = vector.extract_strided_slice %squeeze3A_1144 {offsets = [21, 0], sizes = [1, 512], strides = [1, 1]} : vector<26x512xf32> to vector<1x512xf32>
    %mul3A_1395 = vector.broadcast %slice3A_1394 : vector<1x512xf32> to vector<26x512xf32>
    %mul3A_1396 = arith.mulf %slice3A_1393, %mul3A_1395 : vector<26x512xf32>
    %add3A_1397 = arith.addf %add3A_1392, %mul3A_1396 : vector<26x512xf32>
    %slice3A_1398 = vector.extract_strided_slice %dot_general3A_1285 {offsets = [572, 0], sizes = [26, 512], strides = [1, 1]} : vector<676x512xf32> to vector<26x512xf32>
    %slice3A_1399 = vector.extract_strided_slice %squeeze3A_1144 {offsets = [22, 0], sizes = [1, 512], strides = [1, 1]} : vector<26x512xf32> to vector<1x512xf32>
    %mul3A_1400 = vector.broadcast %slice3A_1399 : vector<1x512xf32> to vector<26x512xf32>
    %mul3A_1401 = arith.mulf %slice3A_1398, %mul3A_1400 : vector<26x512xf32>
    %add3A_1402 = arith.addf %add3A_1397, %mul3A_1401 : vector<26x512xf32>
    %slice3A_1403 = vector.extract_strided_slice %dot_general3A_1285 {offsets = [598, 0], sizes = [26, 512], strides = [1, 1]} : vector<676x512xf32> to vector<26x512xf32>
    %slice3A_1404 = vector.extract_strided_slice %squeeze3A_1144 {offsets = [23, 0], sizes = [1, 512], strides = [1, 1]} : vector<26x512xf32> to vector<1x512xf32>
    %mul3A_1405 = vector.broadcast %slice3A_1404 : vector<1x512xf32> to vector<26x512xf32>
    %mul3A_1406 = arith.mulf %slice3A_1403, %mul3A_1405 : vector<26x512xf32>
    %add3A_1407 = arith.addf %add3A_1402, %mul3A_1406 : vector<26x512xf32>
    %slice3A_1408 = vector.extract_strided_slice %dot_general3A_1285 {offsets = [624, 0], sizes = [26, 512], strides = [1, 1]} : vector<676x512xf32> to vector<26x512xf32>
    %slice3A_1409 = vector.extract_strided_slice %squeeze3A_1144 {offsets = [24, 0], sizes = [1, 512], strides = [1, 1]} : vector<26x512xf32> to vector<1x512xf32>
    %mul3A_1410 = vector.broadcast %slice3A_1409 : vector<1x512xf32> to vector<26x512xf32>
    %mul3A_1411 = arith.mulf %slice3A_1408, %mul3A_1410 : vector<26x512xf32>
    %add3A_1412 = arith.addf %add3A_1407, %mul3A_1411 : vector<26x512xf32>
    %slice3A_1413 = vector.extract_strided_slice %dot_general3A_1285 {offsets = [650, 0], sizes = [26, 512], strides = [1, 1]} : vector<676x512xf32> to vector<26x512xf32>
    %slice3A_1414 = vector.extract_strided_slice %squeeze3A_1144 {offsets = [25, 0], sizes = [1, 512], strides = [1, 1]} : vector<26x512xf32> to vector<1x512xf32>
    %mul3A_1415 = vector.broadcast %slice3A_1414 : vector<1x512xf32> to vector<26x512xf32>
    %mul3A_1416 = arith.mulf %slice3A_1413, %mul3A_1415 : vector<26x512xf32>
    %add3A_1417 = arith.addf %add3A_1412, %mul3A_1416 : vector<26x512xf32>
    %add3A_1418 = vector.broadcast %get3A_17 : vector<26x1xf32> to vector<26x512xf32>
    %add3A_1419 = arith.addf %add3A_1417, %add3A_1418 : vector<26x512xf32>
    %max3A_1420 = arith.constant 0.000000e+00 : f32
    %max3A_1421 = vector.broadcast %max3A_1420 : f32 to vector<26x512xf32>
    %max3A_1422 = arith.maximumf %add3A_1419, %max3A_1421 : vector<26x512xf32>
    %add3A_1423 = arith.addf %add3A_1141, %max3A_1283 : vector<26x512xf32>
    %add3A_1424 = arith.addf %add3A_1142, %max3A_1422 : vector<26x512xf32>
    %slice3A_1425 = vector.extract_strided_slice %reshape3A {offsets = [0, 5, 0], sizes = [26, 1, 512], strides = [1, 1, 1]} : vector<26x16x512xf32> to vector<26x1x512xf32>
    %squeeze3A_1426 = vector.shape_cast %slice3A_1425 : vector<26x1x512xf32> to vector<26x512xf32>
    %dot_general3A_1427 = arith.constant dense<0.000000e+00> : vector<676x512xf32>
    %dot_general3A_1428 = tpu.matmul %get3A_8, %squeeze3A_1426, %dot_general3A_1427 {dimension_numbers = #tpu.dot_dimension_numbers<[1], [0], [0], [1], [0, 0, 1, 1], [], []>, transpose_lhs_hint = false} : vector<676x26xf32>, vector<26x512xf32>, vector<676x512xf32> -> vector<676x512xf32>
    %broadcast_in_dim3A_1429 = arith.constant 0.000000e+00 : f32
    %broadcast_in_dim3A_1430 = vector.broadcast %broadcast_in_dim3A_1429 : f32 to vector<26x512xf32>
    %slice3A_1431 = vector.extract_strided_slice %dot_general3A_1428 {offsets = [0, 0], sizes = [26, 512], strides = [1, 1]} : vector<676x512xf32> to vector<26x512xf32>
    %slice3A_1432 = vector.extract_strided_slice %squeeze3A_1426 {offsets = [0, 0], sizes = [1, 512], strides = [1, 1]} : vector<26x512xf32> to vector<1x512xf32>
    %mul3A_1433 = vector.broadcast %slice3A_1432 : vector<1x512xf32> to vector<26x512xf32>
    %mul3A_1434 = arith.mulf %slice3A_1431, %mul3A_1433 : vector<26x512xf32>
    %add3A_1435 = arith.addf %broadcast_in_dim3A_1430, %mul3A_1434 : vector<26x512xf32>
    %slice3A_1436 = vector.extract_strided_slice %dot_general3A_1428 {offsets = [26, 0], sizes = [26, 512], strides = [1, 1]} : vector<676x512xf32> to vector<26x512xf32>
    %slice3A_1437 = vector.extract_strided_slice %squeeze3A_1426 {offsets = [1, 0], sizes = [1, 512], strides = [1, 1]} : vector<26x512xf32> to vector<1x512xf32>
    %mul3A_1438 = vector.broadcast %slice3A_1437 : vector<1x512xf32> to vector<26x512xf32>
    %mul3A_1439 = arith.mulf %slice3A_1436, %mul3A_1438 : vector<26x512xf32>
    %add3A_1440 = arith.addf %add3A_1435, %mul3A_1439 : vector<26x512xf32>
    %slice3A_1441 = vector.extract_strided_slice %dot_general3A_1428 {offsets = [52, 0], sizes = [26, 512], strides = [1, 1]} : vector<676x512xf32> to vector<26x512xf32>
    %slice3A_1442 = vector.extract_strided_slice %squeeze3A_1426 {offsets = [2, 0], sizes = [1, 512], strides = [1, 1]} : vector<26x512xf32> to vector<1x512xf32>
    %mul3A_1443 = vector.broadcast %slice3A_1442 : vector<1x512xf32> to vector<26x512xf32>
    %mul3A_1444 = arith.mulf %slice3A_1441, %mul3A_1443 : vector<26x512xf32>
    %add3A_1445 = arith.addf %add3A_1440, %mul3A_1444 : vector<26x512xf32>
    %slice3A_1446 = vector.extract_strided_slice %dot_general3A_1428 {offsets = [78, 0], sizes = [26, 512], strides = [1, 1]} : vector<676x512xf32> to vector<26x512xf32>
    %slice3A_1447 = vector.extract_strided_slice %squeeze3A_1426 {offsets = [3, 0], sizes = [1, 512], strides = [1, 1]} : vector<26x512xf32> to vector<1x512xf32>
    %mul3A_1448 = vector.broadcast %slice3A_1447 : vector<1x512xf32> to vector<26x512xf32>
    %mul3A_1449 = arith.mulf %slice3A_1446, %mul3A_1448 : vector<26x512xf32>
    %add3A_1450 = arith.addf %add3A_1445, %mul3A_1449 : vector<26x512xf32>
    %slice3A_1451 = vector.extract_strided_slice %dot_general3A_1428 {offsets = [104, 0], sizes = [26, 512], strides = [1, 1]} : vector<676x512xf32> to vector<26x512xf32>
    %slice3A_1452 = vector.extract_strided_slice %squeeze3A_1426 {offsets = [4, 0], sizes = [1, 512], strides = [1, 1]} : vector<26x512xf32> to vector<1x512xf32>
    %mul3A_1453 = vector.broadcast %slice3A_1452 : vector<1x512xf32> to vector<26x512xf32>
    %mul3A_1454 = arith.mulf %slice3A_1451, %mul3A_1453 : vector<26x512xf32>
    %add3A_1455 = arith.addf %add3A_1450, %mul3A_1454 : vector<26x512xf32>
    %slice3A_1456 = vector.extract_strided_slice %dot_general3A_1428 {offsets = [130, 0], sizes = [26, 512], strides = [1, 1]} : vector<676x512xf32> to vector<26x512xf32>
    %slice3A_1457 = vector.extract_strided_slice %squeeze3A_1426 {offsets = [5, 0], sizes = [1, 512], strides = [1, 1]} : vector<26x512xf32> to vector<1x512xf32>
    %mul3A_1458 = vector.broadcast %slice3A_1457 : vector<1x512xf32> to vector<26x512xf32>
    %mul3A_1459 = arith.mulf %slice3A_1456, %mul3A_1458 : vector<26x512xf32>
    %add3A_1460 = arith.addf %add3A_1455, %mul3A_1459 : vector<26x512xf32>
    %slice3A_1461 = vector.extract_strided_slice %dot_general3A_1428 {offsets = [156, 0], sizes = [26, 512], strides = [1, 1]} : vector<676x512xf32> to vector<26x512xf32>
    %slice3A_1462 = vector.extract_strided_slice %squeeze3A_1426 {offsets = [6, 0], sizes = [1, 512], strides = [1, 1]} : vector<26x512xf32> to vector<1x512xf32>
    %mul3A_1463 = vector.broadcast %slice3A_1462 : vector<1x512xf32> to vector<26x512xf32>
    %mul3A_1464 = arith.mulf %slice3A_1461, %mul3A_1463 : vector<26x512xf32>
    %add3A_1465 = arith.addf %add3A_1460, %mul3A_1464 : vector<26x512xf32>
    %slice3A_1466 = vector.extract_strided_slice %dot_general3A_1428 {offsets = [182, 0], sizes = [26, 512], strides = [1, 1]} : vector<676x512xf32> to vector<26x512xf32>
    %slice3A_1467 = vector.extract_strided_slice %squeeze3A_1426 {offsets = [7, 0], sizes = [1, 512], strides = [1, 1]} : vector<26x512xf32> to vector<1x512xf32>
    %mul3A_1468 = vector.broadcast %slice3A_1467 : vector<1x512xf32> to vector<26x512xf32>
    %mul3A_1469 = arith.mulf %slice3A_1466, %mul3A_1468 : vector<26x512xf32>
    %add3A_1470 = arith.addf %add3A_1465, %mul3A_1469 : vector<26x512xf32>
    %slice3A_1471 = vector.extract_strided_slice %dot_general3A_1428 {offsets = [208, 0], sizes = [26, 512], strides = [1, 1]} : vector<676x512xf32> to vector<26x512xf32>
    %slice3A_1472 = vector.extract_strided_slice %squeeze3A_1426 {offsets = [8, 0], sizes = [1, 512], strides = [1, 1]} : vector<26x512xf32> to vector<1x512xf32>
    %mul3A_1473 = vector.broadcast %slice3A_1472 : vector<1x512xf32> to vector<26x512xf32>
    %mul3A_1474 = arith.mulf %slice3A_1471, %mul3A_1473 : vector<26x512xf32>
    %add3A_1475 = arith.addf %add3A_1470, %mul3A_1474 : vector<26x512xf32>
    %slice3A_1476 = vector.extract_strided_slice %dot_general3A_1428 {offsets = [234, 0], sizes = [26, 512], strides = [1, 1]} : vector<676x512xf32> to vector<26x512xf32>
    %slice3A_1477 = vector.extract_strided_slice %squeeze3A_1426 {offsets = [9, 0], sizes = [1, 512], strides = [1, 1]} : vector<26x512xf32> to vector<1x512xf32>
    %mul3A_1478 = vector.broadcast %slice3A_1477 : vector<1x512xf32> to vector<26x512xf32>
    %mul3A_1479 = arith.mulf %slice3A_1476, %mul3A_1478 : vector<26x512xf32>
    %add3A_1480 = arith.addf %add3A_1475, %mul3A_1479 : vector<26x512xf32>
    %slice3A_1481 = vector.extract_strided_slice %dot_general3A_1428 {offsets = [260, 0], sizes = [26, 512], strides = [1, 1]} : vector<676x512xf32> to vector<26x512xf32>
    %slice3A_1482 = vector.extract_strided_slice %squeeze3A_1426 {offsets = [10, 0], sizes = [1, 512], strides = [1, 1]} : vector<26x512xf32> to vector<1x512xf32>
    %mul3A_1483 = vector.broadcast %slice3A_1482 : vector<1x512xf32> to vector<26x512xf32>
    %mul3A_1484 = arith.mulf %slice3A_1481, %mul3A_1483 : vector<26x512xf32>
    %add3A_1485 = arith.addf %add3A_1480, %mul3A_1484 : vector<26x512xf32>
    %slice3A_1486 = vector.extract_strided_slice %dot_general3A_1428 {offsets = [286, 0], sizes = [26, 512], strides = [1, 1]} : vector<676x512xf32> to vector<26x512xf32>
    %slice3A_1487 = vector.extract_strided_slice %squeeze3A_1426 {offsets = [11, 0], sizes = [1, 512], strides = [1, 1]} : vector<26x512xf32> to vector<1x512xf32>
    %mul3A_1488 = vector.broadcast %slice3A_1487 : vector<1x512xf32> to vector<26x512xf32>
    %mul3A_1489 = arith.mulf %slice3A_1486, %mul3A_1488 : vector<26x512xf32>
    %add3A_1490 = arith.addf %add3A_1485, %mul3A_1489 : vector<26x512xf32>
    %slice3A_1491 = vector.extract_strided_slice %dot_general3A_1428 {offsets = [312, 0], sizes = [26, 512], strides = [1, 1]} : vector<676x512xf32> to vector<26x512xf32>
    %slice3A_1492 = vector.extract_strided_slice %squeeze3A_1426 {offsets = [12, 0], sizes = [1, 512], strides = [1, 1]} : vector<26x512xf32> to vector<1x512xf32>
    %mul3A_1493 = vector.broadcast %slice3A_1492 : vector<1x512xf32> to vector<26x512xf32>
    %mul3A_1494 = arith.mulf %slice3A_1491, %mul3A_1493 : vector<26x512xf32>
    %add3A_1495 = arith.addf %add3A_1490, %mul3A_1494 : vector<26x512xf32>
    %slice3A_1496 = vector.extract_strided_slice %dot_general3A_1428 {offsets = [338, 0], sizes = [26, 512], strides = [1, 1]} : vector<676x512xf32> to vector<26x512xf32>
    %slice3A_1497 = vector.extract_strided_slice %squeeze3A_1426 {offsets = [13, 0], sizes = [1, 512], strides = [1, 1]} : vector<26x512xf32> to vector<1x512xf32>
    %mul3A_1498 = vector.broadcast %slice3A_1497 : vector<1x512xf32> to vector<26x512xf32>
    %mul3A_1499 = arith.mulf %slice3A_1496, %mul3A_1498 : vector<26x512xf32>
    %add3A_1500 = arith.addf %add3A_1495, %mul3A_1499 : vector<26x512xf32>
    %slice3A_1501 = vector.extract_strided_slice %dot_general3A_1428 {offsets = [364, 0], sizes = [26, 512], strides = [1, 1]} : vector<676x512xf32> to vector<26x512xf32>
    %slice3A_1502 = vector.extract_strided_slice %squeeze3A_1426 {offsets = [14, 0], sizes = [1, 512], strides = [1, 1]} : vector<26x512xf32> to vector<1x512xf32>
    %mul3A_1503 = vector.broadcast %slice3A_1502 : vector<1x512xf32> to vector<26x512xf32>
    %mul3A_1504 = arith.mulf %slice3A_1501, %mul3A_1503 : vector<26x512xf32>
    %add3A_1505 = arith.addf %add3A_1500, %mul3A_1504 : vector<26x512xf32>
    %slice3A_1506 = vector.extract_strided_slice %dot_general3A_1428 {offsets = [390, 0], sizes = [26, 512], strides = [1, 1]} : vector<676x512xf32> to vector<26x512xf32>
    %slice3A_1507 = vector.extract_strided_slice %squeeze3A_1426 {offsets = [15, 0], sizes = [1, 512], strides = [1, 1]} : vector<26x512xf32> to vector<1x512xf32>
    %mul3A_1508 = vector.broadcast %slice3A_1507 : vector<1x512xf32> to vector<26x512xf32>
    %mul3A_1509 = arith.mulf %slice3A_1506, %mul3A_1508 : vector<26x512xf32>
    %add3A_1510 = arith.addf %add3A_1505, %mul3A_1509 : vector<26x512xf32>
    %slice3A_1511 = vector.extract_strided_slice %dot_general3A_1428 {offsets = [416, 0], sizes = [26, 512], strides = [1, 1]} : vector<676x512xf32> to vector<26x512xf32>
    %slice3A_1512 = vector.extract_strided_slice %squeeze3A_1426 {offsets = [16, 0], sizes = [1, 512], strides = [1, 1]} : vector<26x512xf32> to vector<1x512xf32>
    %mul3A_1513 = vector.broadcast %slice3A_1512 : vector<1x512xf32> to vector<26x512xf32>
    %mul3A_1514 = arith.mulf %slice3A_1511, %mul3A_1513 : vector<26x512xf32>
    %add3A_1515 = arith.addf %add3A_1510, %mul3A_1514 : vector<26x512xf32>
    %slice3A_1516 = vector.extract_strided_slice %dot_general3A_1428 {offsets = [442, 0], sizes = [26, 512], strides = [1, 1]} : vector<676x512xf32> to vector<26x512xf32>
    %slice3A_1517 = vector.extract_strided_slice %squeeze3A_1426 {offsets = [17, 0], sizes = [1, 512], strides = [1, 1]} : vector<26x512xf32> to vector<1x512xf32>
    %mul3A_1518 = vector.broadcast %slice3A_1517 : vector<1x512xf32> to vector<26x512xf32>
    %mul3A_1519 = arith.mulf %slice3A_1516, %mul3A_1518 : vector<26x512xf32>
    %add3A_1520 = arith.addf %add3A_1515, %mul3A_1519 : vector<26x512xf32>
    %slice3A_1521 = vector.extract_strided_slice %dot_general3A_1428 {offsets = [468, 0], sizes = [26, 512], strides = [1, 1]} : vector<676x512xf32> to vector<26x512xf32>
    %slice3A_1522 = vector.extract_strided_slice %squeeze3A_1426 {offsets = [18, 0], sizes = [1, 512], strides = [1, 1]} : vector<26x512xf32> to vector<1x512xf32>
    %mul3A_1523 = vector.broadcast %slice3A_1522 : vector<1x512xf32> to vector<26x512xf32>
    %mul3A_1524 = arith.mulf %slice3A_1521, %mul3A_1523 : vector<26x512xf32>
    %add3A_1525 = arith.addf %add3A_1520, %mul3A_1524 : vector<26x512xf32>
    %slice3A_1526 = vector.extract_strided_slice %dot_general3A_1428 {offsets = [494, 0], sizes = [26, 512], strides = [1, 1]} : vector<676x512xf32> to vector<26x512xf32>
    %slice3A_1527 = vector.extract_strided_slice %squeeze3A_1426 {offsets = [19, 0], sizes = [1, 512], strides = [1, 1]} : vector<26x512xf32> to vector<1x512xf32>
    %mul3A_1528 = vector.broadcast %slice3A_1527 : vector<1x512xf32> to vector<26x512xf32>
    %mul3A_1529 = arith.mulf %slice3A_1526, %mul3A_1528 : vector<26x512xf32>
    %add3A_1530 = arith.addf %add3A_1525, %mul3A_1529 : vector<26x512xf32>
    %slice3A_1531 = vector.extract_strided_slice %dot_general3A_1428 {offsets = [520, 0], sizes = [26, 512], strides = [1, 1]} : vector<676x512xf32> to vector<26x512xf32>
    %slice3A_1532 = vector.extract_strided_slice %squeeze3A_1426 {offsets = [20, 0], sizes = [1, 512], strides = [1, 1]} : vector<26x512xf32> to vector<1x512xf32>
    %mul3A_1533 = vector.broadcast %slice3A_1532 : vector<1x512xf32> to vector<26x512xf32>
    %mul3A_1534 = arith.mulf %slice3A_1531, %mul3A_1533 : vector<26x512xf32>
    %add3A_1535 = arith.addf %add3A_1530, %mul3A_1534 : vector<26x512xf32>
    %slice3A_1536 = vector.extract_strided_slice %dot_general3A_1428 {offsets = [546, 0], sizes = [26, 512], strides = [1, 1]} : vector<676x512xf32> to vector<26x512xf32>
    %slice3A_1537 = vector.extract_strided_slice %squeeze3A_1426 {offsets = [21, 0], sizes = [1, 512], strides = [1, 1]} : vector<26x512xf32> to vector<1x512xf32>
    %mul3A_1538 = vector.broadcast %slice3A_1537 : vector<1x512xf32> to vector<26x512xf32>
    %mul3A_1539 = arith.mulf %slice3A_1536, %mul3A_1538 : vector<26x512xf32>
    %add3A_1540 = arith.addf %add3A_1535, %mul3A_1539 : vector<26x512xf32>
    %slice3A_1541 = vector.extract_strided_slice %dot_general3A_1428 {offsets = [572, 0], sizes = [26, 512], strides = [1, 1]} : vector<676x512xf32> to vector<26x512xf32>
    %slice3A_1542 = vector.extract_strided_slice %squeeze3A_1426 {offsets = [22, 0], sizes = [1, 512], strides = [1, 1]} : vector<26x512xf32> to vector<1x512xf32>
    %mul3A_1543 = vector.broadcast %slice3A_1542 : vector<1x512xf32> to vector<26x512xf32>
    %mul3A_1544 = arith.mulf %slice3A_1541, %mul3A_1543 : vector<26x512xf32>
    %add3A_1545 = arith.addf %add3A_1540, %mul3A_1544 : vector<26x512xf32>
    %slice3A_1546 = vector.extract_strided_slice %dot_general3A_1428 {offsets = [598, 0], sizes = [26, 512], strides = [1, 1]} : vector<676x512xf32> to vector<26x512xf32>
    %slice3A_1547 = vector.extract_strided_slice %squeeze3A_1426 {offsets = [23, 0], sizes = [1, 512], strides = [1, 1]} : vector<26x512xf32> to vector<1x512xf32>
    %mul3A_1548 = vector.broadcast %slice3A_1547 : vector<1x512xf32> to vector<26x512xf32>
    %mul3A_1549 = arith.mulf %slice3A_1546, %mul3A_1548 : vector<26x512xf32>
    %add3A_1550 = arith.addf %add3A_1545, %mul3A_1549 : vector<26x512xf32>
    %slice3A_1551 = vector.extract_strided_slice %dot_general3A_1428 {offsets = [624, 0], sizes = [26, 512], strides = [1, 1]} : vector<676x512xf32> to vector<26x512xf32>
    %slice3A_1552 = vector.extract_strided_slice %squeeze3A_1426 {offsets = [24, 0], sizes = [1, 512], strides = [1, 1]} : vector<26x512xf32> to vector<1x512xf32>
    %mul3A_1553 = vector.broadcast %slice3A_1552 : vector<1x512xf32> to vector<26x512xf32>
    %mul3A_1554 = arith.mulf %slice3A_1551, %mul3A_1553 : vector<26x512xf32>
    %add3A_1555 = arith.addf %add3A_1550, %mul3A_1554 : vector<26x512xf32>
    %slice3A_1556 = vector.extract_strided_slice %dot_general3A_1428 {offsets = [650, 0], sizes = [26, 512], strides = [1, 1]} : vector<676x512xf32> to vector<26x512xf32>
    %slice3A_1557 = vector.extract_strided_slice %squeeze3A_1426 {offsets = [25, 0], sizes = [1, 512], strides = [1, 1]} : vector<26x512xf32> to vector<1x512xf32>
    %mul3A_1558 = vector.broadcast %slice3A_1557 : vector<1x512xf32> to vector<26x512xf32>
    %mul3A_1559 = arith.mulf %slice3A_1556, %mul3A_1558 : vector<26x512xf32>
    %add3A_1560 = arith.addf %add3A_1555, %mul3A_1559 : vector<26x512xf32>
    %add3A_1561 = vector.broadcast %get3A_14 : vector<26x1xf32> to vector<26x512xf32>
    %add3A_1562 = arith.addf %add3A_1560, %add3A_1561 : vector<26x512xf32>
    %max3A_1563 = arith.constant 0.000000e+00 : f32
    %max3A_1564 = vector.broadcast %max3A_1563 : f32 to vector<26x512xf32>
    %max3A_1565 = arith.maximumf %add3A_1562, %max3A_1564 : vector<26x512xf32>
    %dot_general3A_1566 = arith.constant dense<0.000000e+00> : vector<676x512xf32>
    %dot_general3A_1567 = tpu.matmul %get3A_11, %max3A_1565, %dot_general3A_1566 {dimension_numbers = #tpu.dot_dimension_numbers<[1], [0], [0], [1], [0, 0, 1, 1], [], []>, transpose_lhs_hint = false} : vector<676x26xf32>, vector<26x512xf32>, vector<676x512xf32> -> vector<676x512xf32>
    %broadcast_in_dim3A_1568 = arith.constant 0.000000e+00 : f32
    %broadcast_in_dim3A_1569 = vector.broadcast %broadcast_in_dim3A_1568 : f32 to vector<26x512xf32>
    %slice3A_1570 = vector.extract_strided_slice %dot_general3A_1567 {offsets = [0, 0], sizes = [26, 512], strides = [1, 1]} : vector<676x512xf32> to vector<26x512xf32>
    %slice3A_1571 = vector.extract_strided_slice %squeeze3A_1426 {offsets = [0, 0], sizes = [1, 512], strides = [1, 1]} : vector<26x512xf32> to vector<1x512xf32>
    %mul3A_1572 = vector.broadcast %slice3A_1571 : vector<1x512xf32> to vector<26x512xf32>
    %mul3A_1573 = arith.mulf %slice3A_1570, %mul3A_1572 : vector<26x512xf32>
    %add3A_1574 = arith.addf %broadcast_in_dim3A_1569, %mul3A_1573 : vector<26x512xf32>
    %slice3A_1575 = vector.extract_strided_slice %dot_general3A_1567 {offsets = [26, 0], sizes = [26, 512], strides = [1, 1]} : vector<676x512xf32> to vector<26x512xf32>
    %slice3A_1576 = vector.extract_strided_slice %squeeze3A_1426 {offsets = [1, 0], sizes = [1, 512], strides = [1, 1]} : vector<26x512xf32> to vector<1x512xf32>
    %mul3A_1577 = vector.broadcast %slice3A_1576 : vector<1x512xf32> to vector<26x512xf32>
    %mul3A_1578 = arith.mulf %slice3A_1575, %mul3A_1577 : vector<26x512xf32>
    %add3A_1579 = arith.addf %add3A_1574, %mul3A_1578 : vector<26x512xf32>
    %slice3A_1580 = vector.extract_strided_slice %dot_general3A_1567 {offsets = [52, 0], sizes = [26, 512], strides = [1, 1]} : vector<676x512xf32> to vector<26x512xf32>
    %slice3A_1581 = vector.extract_strided_slice %squeeze3A_1426 {offsets = [2, 0], sizes = [1, 512], strides = [1, 1]} : vector<26x512xf32> to vector<1x512xf32>
    %mul3A_1582 = vector.broadcast %slice3A_1581 : vector<1x512xf32> to vector<26x512xf32>
    %mul3A_1583 = arith.mulf %slice3A_1580, %mul3A_1582 : vector<26x512xf32>
    %add3A_1584 = arith.addf %add3A_1579, %mul3A_1583 : vector<26x512xf32>
    %slice3A_1585 = vector.extract_strided_slice %dot_general3A_1567 {offsets = [78, 0], sizes = [26, 512], strides = [1, 1]} : vector<676x512xf32> to vector<26x512xf32>
    %slice3A_1586 = vector.extract_strided_slice %squeeze3A_1426 {offsets = [3, 0], sizes = [1, 512], strides = [1, 1]} : vector<26x512xf32> to vector<1x512xf32>
    %mul3A_1587 = vector.broadcast %slice3A_1586 : vector<1x512xf32> to vector<26x512xf32>
    %mul3A_1588 = arith.mulf %slice3A_1585, %mul3A_1587 : vector<26x512xf32>
    %add3A_1589 = arith.addf %add3A_1584, %mul3A_1588 : vector<26x512xf32>
    %slice3A_1590 = vector.extract_strided_slice %dot_general3A_1567 {offsets = [104, 0], sizes = [26, 512], strides = [1, 1]} : vector<676x512xf32> to vector<26x512xf32>
    %slice3A_1591 = vector.extract_strided_slice %squeeze3A_1426 {offsets = [4, 0], sizes = [1, 512], strides = [1, 1]} : vector<26x512xf32> to vector<1x512xf32>
    %mul3A_1592 = vector.broadcast %slice3A_1591 : vector<1x512xf32> to vector<26x512xf32>
    %mul3A_1593 = arith.mulf %slice3A_1590, %mul3A_1592 : vector<26x512xf32>
    %add3A_1594 = arith.addf %add3A_1589, %mul3A_1593 : vector<26x512xf32>
    %slice3A_1595 = vector.extract_strided_slice %dot_general3A_1567 {offsets = [130, 0], sizes = [26, 512], strides = [1, 1]} : vector<676x512xf32> to vector<26x512xf32>
    %slice3A_1596 = vector.extract_strided_slice %squeeze3A_1426 {offsets = [5, 0], sizes = [1, 512], strides = [1, 1]} : vector<26x512xf32> to vector<1x512xf32>
    %mul3A_1597 = vector.broadcast %slice3A_1596 : vector<1x512xf32> to vector<26x512xf32>
    %mul3A_1598 = arith.mulf %slice3A_1595, %mul3A_1597 : vector<26x512xf32>
    %add3A_1599 = arith.addf %add3A_1594, %mul3A_1598 : vector<26x512xf32>
    %slice3A_1600 = vector.extract_strided_slice %dot_general3A_1567 {offsets = [156, 0], sizes = [26, 512], strides = [1, 1]} : vector<676x512xf32> to vector<26x512xf32>
    %slice3A_1601 = vector.extract_strided_slice %squeeze3A_1426 {offsets = [6, 0], sizes = [1, 512], strides = [1, 1]} : vector<26x512xf32> to vector<1x512xf32>
    %mul3A_1602 = vector.broadcast %slice3A_1601 : vector<1x512xf32> to vector<26x512xf32>
    %mul3A_1603 = arith.mulf %slice3A_1600, %mul3A_1602 : vector<26x512xf32>
    %add3A_1604 = arith.addf %add3A_1599, %mul3A_1603 : vector<26x512xf32>
    %slice3A_1605 = vector.extract_strided_slice %dot_general3A_1567 {offsets = [182, 0], sizes = [26, 512], strides = [1, 1]} : vector<676x512xf32> to vector<26x512xf32>
    %slice3A_1606 = vector.extract_strided_slice %squeeze3A_1426 {offsets = [7, 0], sizes = [1, 512], strides = [1, 1]} : vector<26x512xf32> to vector<1x512xf32>
    %mul3A_1607 = vector.broadcast %slice3A_1606 : vector<1x512xf32> to vector<26x512xf32>
    %mul3A_1608 = arith.mulf %slice3A_1605, %mul3A_1607 : vector<26x512xf32>
    %add3A_1609 = arith.addf %add3A_1604, %mul3A_1608 : vector<26x512xf32>
    %slice3A_1610 = vector.extract_strided_slice %dot_general3A_1567 {offsets = [208, 0], sizes = [26, 512], strides = [1, 1]} : vector<676x512xf32> to vector<26x512xf32>
    %slice3A_1611 = vector.extract_strided_slice %squeeze3A_1426 {offsets = [8, 0], sizes = [1, 512], strides = [1, 1]} : vector<26x512xf32> to vector<1x512xf32>
    %mul3A_1612 = vector.broadcast %slice3A_1611 : vector<1x512xf32> to vector<26x512xf32>
    %mul3A_1613 = arith.mulf %slice3A_1610, %mul3A_1612 : vector<26x512xf32>
    %add3A_1614 = arith.addf %add3A_1609, %mul3A_1613 : vector<26x512xf32>
    %slice3A_1615 = vector.extract_strided_slice %dot_general3A_1567 {offsets = [234, 0], sizes = [26, 512], strides = [1, 1]} : vector<676x512xf32> to vector<26x512xf32>
    %slice3A_1616 = vector.extract_strided_slice %squeeze3A_1426 {offsets = [9, 0], sizes = [1, 512], strides = [1, 1]} : vector<26x512xf32> to vector<1x512xf32>
    %mul3A_1617 = vector.broadcast %slice3A_1616 : vector<1x512xf32> to vector<26x512xf32>
    %mul3A_1618 = arith.mulf %slice3A_1615, %mul3A_1617 : vector<26x512xf32>
    %add3A_1619 = arith.addf %add3A_1614, %mul3A_1618 : vector<26x512xf32>
    %slice3A_1620 = vector.extract_strided_slice %dot_general3A_1567 {offsets = [260, 0], sizes = [26, 512], strides = [1, 1]} : vector<676x512xf32> to vector<26x512xf32>
    %slice3A_1621 = vector.extract_strided_slice %squeeze3A_1426 {offsets = [10, 0], sizes = [1, 512], strides = [1, 1]} : vector<26x512xf32> to vector<1x512xf32>
    %mul3A_1622 = vector.broadcast %slice3A_1621 : vector<1x512xf32> to vector<26x512xf32>
    %mul3A_1623 = arith.mulf %slice3A_1620, %mul3A_1622 : vector<26x512xf32>
    %add3A_1624 = arith.addf %add3A_1619, %mul3A_1623 : vector<26x512xf32>
    %slice3A_1625 = vector.extract_strided_slice %dot_general3A_1567 {offsets = [286, 0], sizes = [26, 512], strides = [1, 1]} : vector<676x512xf32> to vector<26x512xf32>
    %slice3A_1626 = vector.extract_strided_slice %squeeze3A_1426 {offsets = [11, 0], sizes = [1, 512], strides = [1, 1]} : vector<26x512xf32> to vector<1x512xf32>
    %mul3A_1627 = vector.broadcast %slice3A_1626 : vector<1x512xf32> to vector<26x512xf32>
    %mul3A_1628 = arith.mulf %slice3A_1625, %mul3A_1627 : vector<26x512xf32>
    %add3A_1629 = arith.addf %add3A_1624, %mul3A_1628 : vector<26x512xf32>
    %slice3A_1630 = vector.extract_strided_slice %dot_general3A_1567 {offsets = [312, 0], sizes = [26, 512], strides = [1, 1]} : vector<676x512xf32> to vector<26x512xf32>
    %slice3A_1631 = vector.extract_strided_slice %squeeze3A_1426 {offsets = [12, 0], sizes = [1, 512], strides = [1, 1]} : vector<26x512xf32> to vector<1x512xf32>
    %mul3A_1632 = vector.broadcast %slice3A_1631 : vector<1x512xf32> to vector<26x512xf32>
    %mul3A_1633 = arith.mulf %slice3A_1630, %mul3A_1632 : vector<26x512xf32>
    %add3A_1634 = arith.addf %add3A_1629, %mul3A_1633 : vector<26x512xf32>
    %slice3A_1635 = vector.extract_strided_slice %dot_general3A_1567 {offsets = [338, 0], sizes = [26, 512], strides = [1, 1]} : vector<676x512xf32> to vector<26x512xf32>
    %slice3A_1636 = vector.extract_strided_slice %squeeze3A_1426 {offsets = [13, 0], sizes = [1, 512], strides = [1, 1]} : vector<26x512xf32> to vector<1x512xf32>
    %mul3A_1637 = vector.broadcast %slice3A_1636 : vector<1x512xf32> to vector<26x512xf32>
    %mul3A_1638 = arith.mulf %slice3A_1635, %mul3A_1637 : vector<26x512xf32>
    %add3A_1639 = arith.addf %add3A_1634, %mul3A_1638 : vector<26x512xf32>
    %slice3A_1640 = vector.extract_strided_slice %dot_general3A_1567 {offsets = [364, 0], sizes = [26, 512], strides = [1, 1]} : vector<676x512xf32> to vector<26x512xf32>
    %slice3A_1641 = vector.extract_strided_slice %squeeze3A_1426 {offsets = [14, 0], sizes = [1, 512], strides = [1, 1]} : vector<26x512xf32> to vector<1x512xf32>
    %mul3A_1642 = vector.broadcast %slice3A_1641 : vector<1x512xf32> to vector<26x512xf32>
    %mul3A_1643 = arith.mulf %slice3A_1640, %mul3A_1642 : vector<26x512xf32>
    %add3A_1644 = arith.addf %add3A_1639, %mul3A_1643 : vector<26x512xf32>
    %slice3A_1645 = vector.extract_strided_slice %dot_general3A_1567 {offsets = [390, 0], sizes = [26, 512], strides = [1, 1]} : vector<676x512xf32> to vector<26x512xf32>
    %slice3A_1646 = vector.extract_strided_slice %squeeze3A_1426 {offsets = [15, 0], sizes = [1, 512], strides = [1, 1]} : vector<26x512xf32> to vector<1x512xf32>
    %mul3A_1647 = vector.broadcast %slice3A_1646 : vector<1x512xf32> to vector<26x512xf32>
    %mul3A_1648 = arith.mulf %slice3A_1645, %mul3A_1647 : vector<26x512xf32>
    %add3A_1649 = arith.addf %add3A_1644, %mul3A_1648 : vector<26x512xf32>
    %slice3A_1650 = vector.extract_strided_slice %dot_general3A_1567 {offsets = [416, 0], sizes = [26, 512], strides = [1, 1]} : vector<676x512xf32> to vector<26x512xf32>
    %slice3A_1651 = vector.extract_strided_slice %squeeze3A_1426 {offsets = [16, 0], sizes = [1, 512], strides = [1, 1]} : vector<26x512xf32> to vector<1x512xf32>
    %mul3A_1652 = vector.broadcast %slice3A_1651 : vector<1x512xf32> to vector<26x512xf32>
    %mul3A_1653 = arith.mulf %slice3A_1650, %mul3A_1652 : vector<26x512xf32>
    %add3A_1654 = arith.addf %add3A_1649, %mul3A_1653 : vector<26x512xf32>
    %slice3A_1655 = vector.extract_strided_slice %dot_general3A_1567 {offsets = [442, 0], sizes = [26, 512], strides = [1, 1]} : vector<676x512xf32> to vector<26x512xf32>
    %slice3A_1656 = vector.extract_strided_slice %squeeze3A_1426 {offsets = [17, 0], sizes = [1, 512], strides = [1, 1]} : vector<26x512xf32> to vector<1x512xf32>
    %mul3A_1657 = vector.broadcast %slice3A_1656 : vector<1x512xf32> to vector<26x512xf32>
    %mul3A_1658 = arith.mulf %slice3A_1655, %mul3A_1657 : vector<26x512xf32>
    %add3A_1659 = arith.addf %add3A_1654, %mul3A_1658 : vector<26x512xf32>
    %slice3A_1660 = vector.extract_strided_slice %dot_general3A_1567 {offsets = [468, 0], sizes = [26, 512], strides = [1, 1]} : vector<676x512xf32> to vector<26x512xf32>
    %slice3A_1661 = vector.extract_strided_slice %squeeze3A_1426 {offsets = [18, 0], sizes = [1, 512], strides = [1, 1]} : vector<26x512xf32> to vector<1x512xf32>
    %mul3A_1662 = vector.broadcast %slice3A_1661 : vector<1x512xf32> to vector<26x512xf32>
    %mul3A_1663 = arith.mulf %slice3A_1660, %mul3A_1662 : vector<26x512xf32>
    %add3A_1664 = arith.addf %add3A_1659, %mul3A_1663 : vector<26x512xf32>
    %slice3A_1665 = vector.extract_strided_slice %dot_general3A_1567 {offsets = [494, 0], sizes = [26, 512], strides = [1, 1]} : vector<676x512xf32> to vector<26x512xf32>
    %slice3A_1666 = vector.extract_strided_slice %squeeze3A_1426 {offsets = [19, 0], sizes = [1, 512], strides = [1, 1]} : vector<26x512xf32> to vector<1x512xf32>
    %mul3A_1667 = vector.broadcast %slice3A_1666 : vector<1x512xf32> to vector<26x512xf32>
    %mul3A_1668 = arith.mulf %slice3A_1665, %mul3A_1667 : vector<26x512xf32>
    %add3A_1669 = arith.addf %add3A_1664, %mul3A_1668 : vector<26x512xf32>
    %slice3A_1670 = vector.extract_strided_slice %dot_general3A_1567 {offsets = [520, 0], sizes = [26, 512], strides = [1, 1]} : vector<676x512xf32> to vector<26x512xf32>
    %slice3A_1671 = vector.extract_strided_slice %squeeze3A_1426 {offsets = [20, 0], sizes = [1, 512], strides = [1, 1]} : vector<26x512xf32> to vector<1x512xf32>
    %mul3A_1672 = vector.broadcast %slice3A_1671 : vector<1x512xf32> to vector<26x512xf32>
    %mul3A_1673 = arith.mulf %slice3A_1670, %mul3A_1672 : vector<26x512xf32>
    %add3A_1674 = arith.addf %add3A_1669, %mul3A_1673 : vector<26x512xf32>
    %slice3A_1675 = vector.extract_strided_slice %dot_general3A_1567 {offsets = [546, 0], sizes = [26, 512], strides = [1, 1]} : vector<676x512xf32> to vector<26x512xf32>
    %slice3A_1676 = vector.extract_strided_slice %squeeze3A_1426 {offsets = [21, 0], sizes = [1, 512], strides = [1, 1]} : vector<26x512xf32> to vector<1x512xf32>
    %mul3A_1677 = vector.broadcast %slice3A_1676 : vector<1x512xf32> to vector<26x512xf32>
    %mul3A_1678 = arith.mulf %slice3A_1675, %mul3A_1677 : vector<26x512xf32>
    %add3A_1679 = arith.addf %add3A_1674, %mul3A_1678 : vector<26x512xf32>
    %slice3A_1680 = vector.extract_strided_slice %dot_general3A_1567 {offsets = [572, 0], sizes = [26, 512], strides = [1, 1]} : vector<676x512xf32> to vector<26x512xf32>
    %slice3A_1681 = vector.extract_strided_slice %squeeze3A_1426 {offsets = [22, 0], sizes = [1, 512], strides = [1, 1]} : vector<26x512xf32> to vector<1x512xf32>
    %mul3A_1682 = vector.broadcast %slice3A_1681 : vector<1x512xf32> to vector<26x512xf32>
    %mul3A_1683 = arith.mulf %slice3A_1680, %mul3A_1682 : vector<26x512xf32>
    %add3A_1684 = arith.addf %add3A_1679, %mul3A_1683 : vector<26x512xf32>
    %slice3A_1685 = vector.extract_strided_slice %dot_general3A_1567 {offsets = [598, 0], sizes = [26, 512], strides = [1, 1]} : vector<676x512xf32> to vector<26x512xf32>
    %slice3A_1686 = vector.extract_strided_slice %squeeze3A_1426 {offsets = [23, 0], sizes = [1, 512], strides = [1, 1]} : vector<26x512xf32> to vector<1x512xf32>
    %mul3A_1687 = vector.broadcast %slice3A_1686 : vector<1x512xf32> to vector<26x512xf32>
    %mul3A_1688 = arith.mulf %slice3A_1685, %mul3A_1687 : vector<26x512xf32>
    %add3A_1689 = arith.addf %add3A_1684, %mul3A_1688 : vector<26x512xf32>
    %slice3A_1690 = vector.extract_strided_slice %dot_general3A_1567 {offsets = [624, 0], sizes = [26, 512], strides = [1, 1]} : vector<676x512xf32> to vector<26x512xf32>
    %slice3A_1691 = vector.extract_strided_slice %squeeze3A_1426 {offsets = [24, 0], sizes = [1, 512], strides = [1, 1]} : vector<26x512xf32> to vector<1x512xf32>
    %mul3A_1692 = vector.broadcast %slice3A_1691 : vector<1x512xf32> to vector<26x512xf32>
    %mul3A_1693 = arith.mulf %slice3A_1690, %mul3A_1692 : vector<26x512xf32>
    %add3A_1694 = arith.addf %add3A_1689, %mul3A_1693 : vector<26x512xf32>
    %slice3A_1695 = vector.extract_strided_slice %dot_general3A_1567 {offsets = [650, 0], sizes = [26, 512], strides = [1, 1]} : vector<676x512xf32> to vector<26x512xf32>
    %slice3A_1696 = vector.extract_strided_slice %squeeze3A_1426 {offsets = [25, 0], sizes = [1, 512], strides = [1, 1]} : vector<26x512xf32> to vector<1x512xf32>
    %mul3A_1697 = vector.broadcast %slice3A_1696 : vector<1x512xf32> to vector<26x512xf32>
    %mul3A_1698 = arith.mulf %slice3A_1695, %mul3A_1697 : vector<26x512xf32>
    %add3A_1699 = arith.addf %add3A_1694, %mul3A_1698 : vector<26x512xf32>
    %add3A_1700 = vector.broadcast %get3A_17 : vector<26x1xf32> to vector<26x512xf32>
    %add3A_1701 = arith.addf %add3A_1699, %add3A_1700 : vector<26x512xf32>
    %max3A_1702 = arith.constant 0.000000e+00 : f32
    %max3A_1703 = vector.broadcast %max3A_1702 : f32 to vector<26x512xf32>
    %max3A_1704 = arith.maximumf %add3A_1701, %max3A_1703 : vector<26x512xf32>
    %add3A_1705 = arith.addf %add3A_1423, %max3A_1565 : vector<26x512xf32>
    %add3A_1706 = arith.addf %add3A_1424, %max3A_1704 : vector<26x512xf32>
    %slice3A_1707 = vector.extract_strided_slice %reshape3A {offsets = [0, 6, 0], sizes = [26, 1, 512], strides = [1, 1, 1]} : vector<26x16x512xf32> to vector<26x1x512xf32>
    %squeeze3A_1708 = vector.shape_cast %slice3A_1707 : vector<26x1x512xf32> to vector<26x512xf32>
    %dot_general3A_1709 = arith.constant dense<0.000000e+00> : vector<676x512xf32>
    %dot_general3A_1710 = tpu.matmul %get3A_8, %squeeze3A_1708, %dot_general3A_1709 {dimension_numbers = #tpu.dot_dimension_numbers<[1], [0], [0], [1], [0, 0, 1, 1], [], []>, transpose_lhs_hint = false} : vector<676x26xf32>, vector<26x512xf32>, vector<676x512xf32> -> vector<676x512xf32>
    %broadcast_in_dim3A_1711 = arith.constant 0.000000e+00 : f32
    %broadcast_in_dim3A_1712 = vector.broadcast %broadcast_in_dim3A_1711 : f32 to vector<26x512xf32>
    %slice3A_1713 = vector.extract_strided_slice %dot_general3A_1710 {offsets = [0, 0], sizes = [26, 512], strides = [1, 1]} : vector<676x512xf32> to vector<26x512xf32>
    %slice3A_1714 = vector.extract_strided_slice %squeeze3A_1708 {offsets = [0, 0], sizes = [1, 512], strides = [1, 1]} : vector<26x512xf32> to vector<1x512xf32>
    %mul3A_1715 = vector.broadcast %slice3A_1714 : vector<1x512xf32> to vector<26x512xf32>
    %mul3A_1716 = arith.mulf %slice3A_1713, %mul3A_1715 : vector<26x512xf32>
    %add3A_1717 = arith.addf %broadcast_in_dim3A_1712, %mul3A_1716 : vector<26x512xf32>
    %slice3A_1718 = vector.extract_strided_slice %dot_general3A_1710 {offsets = [26, 0], sizes = [26, 512], strides = [1, 1]} : vector<676x512xf32> to vector<26x512xf32>
    %slice3A_1719 = vector.extract_strided_slice %squeeze3A_1708 {offsets = [1, 0], sizes = [1, 512], strides = [1, 1]} : vector<26x512xf32> to vector<1x512xf32>
    %mul3A_1720 = vector.broadcast %slice3A_1719 : vector<1x512xf32> to vector<26x512xf32>
    %mul3A_1721 = arith.mulf %slice3A_1718, %mul3A_1720 : vector<26x512xf32>
    %add3A_1722 = arith.addf %add3A_1717, %mul3A_1721 : vector<26x512xf32>
    %slice3A_1723 = vector.extract_strided_slice %dot_general3A_1710 {offsets = [52, 0], sizes = [26, 512], strides = [1, 1]} : vector<676x512xf32> to vector<26x512xf32>
    %slice3A_1724 = vector.extract_strided_slice %squeeze3A_1708 {offsets = [2, 0], sizes = [1, 512], strides = [1, 1]} : vector<26x512xf32> to vector<1x512xf32>
    %mul3A_1725 = vector.broadcast %slice3A_1724 : vector<1x512xf32> to vector<26x512xf32>
    %mul3A_1726 = arith.mulf %slice3A_1723, %mul3A_1725 : vector<26x512xf32>
    %add3A_1727 = arith.addf %add3A_1722, %mul3A_1726 : vector<26x512xf32>
    %slice3A_1728 = vector.extract_strided_slice %dot_general3A_1710 {offsets = [78, 0], sizes = [26, 512], strides = [1, 1]} : vector<676x512xf32> to vector<26x512xf32>
    %slice3A_1729 = vector.extract_strided_slice %squeeze3A_1708 {offsets = [3, 0], sizes = [1, 512], strides = [1, 1]} : vector<26x512xf32> to vector<1x512xf32>
    %mul3A_1730 = vector.broadcast %slice3A_1729 : vector<1x512xf32> to vector<26x512xf32>
    %mul3A_1731 = arith.mulf %slice3A_1728, %mul3A_1730 : vector<26x512xf32>
    %add3A_1732 = arith.addf %add3A_1727, %mul3A_1731 : vector<26x512xf32>
    %slice3A_1733 = vector.extract_strided_slice %dot_general3A_1710 {offsets = [104, 0], sizes = [26, 512], strides = [1, 1]} : vector<676x512xf32> to vector<26x512xf32>
    %slice3A_1734 = vector.extract_strided_slice %squeeze3A_1708 {offsets = [4, 0], sizes = [1, 512], strides = [1, 1]} : vector<26x512xf32> to vector<1x512xf32>
    %mul3A_1735 = vector.broadcast %slice3A_1734 : vector<1x512xf32> to vector<26x512xf32>
    %mul3A_1736 = arith.mulf %slice3A_1733, %mul3A_1735 : vector<26x512xf32>
    %add3A_1737 = arith.addf %add3A_1732, %mul3A_1736 : vector<26x512xf32>
    %slice3A_1738 = vector.extract_strided_slice %dot_general3A_1710 {offsets = [130, 0], sizes = [26, 512], strides = [1, 1]} : vector<676x512xf32> to vector<26x512xf32>
    %slice3A_1739 = vector.extract_strided_slice %squeeze3A_1708 {offsets = [5, 0], sizes = [1, 512], strides = [1, 1]} : vector<26x512xf32> to vector<1x512xf32>
    %mul3A_1740 = vector.broadcast %slice3A_1739 : vector<1x512xf32> to vector<26x512xf32>
    %mul3A_1741 = arith.mulf %slice3A_1738, %mul3A_1740 : vector<26x512xf32>
    %add3A_1742 = arith.addf %add3A_1737, %mul3A_1741 : vector<26x512xf32>
    %slice3A_1743 = vector.extract_strided_slice %dot_general3A_1710 {offsets = [156, 0], sizes = [26, 512], strides = [1, 1]} : vector<676x512xf32> to vector<26x512xf32>
    %slice3A_1744 = vector.extract_strided_slice %squeeze3A_1708 {offsets = [6, 0], sizes = [1, 512], strides = [1, 1]} : vector<26x512xf32> to vector<1x512xf32>
    %mul3A_1745 = vector.broadcast %slice3A_1744 : vector<1x512xf32> to vector<26x512xf32>
    %mul3A_1746 = arith.mulf %slice3A_1743, %mul3A_1745 : vector<26x512xf32>
    %add3A_1747 = arith.addf %add3A_1742, %mul3A_1746 : vector<26x512xf32>
    %slice3A_1748 = vector.extract_strided_slice %dot_general3A_1710 {offsets = [182, 0], sizes = [26, 512], strides = [1, 1]} : vector<676x512xf32> to vector<26x512xf32>
    %slice3A_1749 = vector.extract_strided_slice %squeeze3A_1708 {offsets = [7, 0], sizes = [1, 512], strides = [1, 1]} : vector<26x512xf32> to vector<1x512xf32>
    %mul3A_1750 = vector.broadcast %slice3A_1749 : vector<1x512xf32> to vector<26x512xf32>
    %mul3A_1751 = arith.mulf %slice3A_1748, %mul3A_1750 : vector<26x512xf32>
    %add3A_1752 = arith.addf %add3A_1747, %mul3A_1751 : vector<26x512xf32>
    %slice3A_1753 = vector.extract_strided_slice %dot_general3A_1710 {offsets = [208, 0], sizes = [26, 512], strides = [1, 1]} : vector<676x512xf32> to vector<26x512xf32>
    %slice3A_1754 = vector.extract_strided_slice %squeeze3A_1708 {offsets = [8, 0], sizes = [1, 512], strides = [1, 1]} : vector<26x512xf32> to vector<1x512xf32>
    %mul3A_1755 = vector.broadcast %slice3A_1754 : vector<1x512xf32> to vector<26x512xf32>
    %mul3A_1756 = arith.mulf %slice3A_1753, %mul3A_1755 : vector<26x512xf32>
    %add3A_1757 = arith.addf %add3A_1752, %mul3A_1756 : vector<26x512xf32>
    %slice3A_1758 = vector.extract_strided_slice %dot_general3A_1710 {offsets = [234, 0], sizes = [26, 512], strides = [1, 1]} : vector<676x512xf32> to vector<26x512xf32>
    %slice3A_1759 = vector.extract_strided_slice %squeeze3A_1708 {offsets = [9, 0], sizes = [1, 512], strides = [1, 1]} : vector<26x512xf32> to vector<1x512xf32>
    %mul3A_1760 = vector.broadcast %slice3A_1759 : vector<1x512xf32> to vector<26x512xf32>
    %mul3A_1761 = arith.mulf %slice3A_1758, %mul3A_1760 : vector<26x512xf32>
    %add3A_1762 = arith.addf %add3A_1757, %mul3A_1761 : vector<26x512xf32>
    %slice3A_1763 = vector.extract_strided_slice %dot_general3A_1710 {offsets = [260, 0], sizes = [26, 512], strides = [1, 1]} : vector<676x512xf32> to vector<26x512xf32>
    %slice3A_1764 = vector.extract_strided_slice %squeeze3A_1708 {offsets = [10, 0], sizes = [1, 512], strides = [1, 1]} : vector<26x512xf32> to vector<1x512xf32>
    %mul3A_1765 = vector.broadcast %slice3A_1764 : vector<1x512xf32> to vector<26x512xf32>
    %mul3A_1766 = arith.mulf %slice3A_1763, %mul3A_1765 : vector<26x512xf32>
    %add3A_1767 = arith.addf %add3A_1762, %mul3A_1766 : vector<26x512xf32>
    %slice3A_1768 = vector.extract_strided_slice %dot_general3A_1710 {offsets = [286, 0], sizes = [26, 512], strides = [1, 1]} : vector<676x512xf32> to vector<26x512xf32>
    %slice3A_1769 = vector.extract_strided_slice %squeeze3A_1708 {offsets = [11, 0], sizes = [1, 512], strides = [1, 1]} : vector<26x512xf32> to vector<1x512xf32>
    %mul3A_1770 = vector.broadcast %slice3A_1769 : vector<1x512xf32> to vector<26x512xf32>
    %mul3A_1771 = arith.mulf %slice3A_1768, %mul3A_1770 : vector<26x512xf32>
    %add3A_1772 = arith.addf %add3A_1767, %mul3A_1771 : vector<26x512xf32>
    %slice3A_1773 = vector.extract_strided_slice %dot_general3A_1710 {offsets = [312, 0], sizes = [26, 512], strides = [1, 1]} : vector<676x512xf32> to vector<26x512xf32>
    %slice3A_1774 = vector.extract_strided_slice %squeeze3A_1708 {offsets = [12, 0], sizes = [1, 512], strides = [1, 1]} : vector<26x512xf32> to vector<1x512xf32>
    %mul3A_1775 = vector.broadcast %slice3A_1774 : vector<1x512xf32> to vector<26x512xf32>
    %mul3A_1776 = arith.mulf %slice3A_1773, %mul3A_1775 : vector<26x512xf32>
    %add3A_1777 = arith.addf %add3A_1772, %mul3A_1776 : vector<26x512xf32>
    %slice3A_1778 = vector.extract_strided_slice %dot_general3A_1710 {offsets = [338, 0], sizes = [26, 512], strides = [1, 1]} : vector<676x512xf32> to vector<26x512xf32>
    %slice3A_1779 = vector.extract_strided_slice %squeeze3A_1708 {offsets = [13, 0], sizes = [1, 512], strides = [1, 1]} : vector<26x512xf32> to vector<1x512xf32>
    %mul3A_1780 = vector.broadcast %slice3A_1779 : vector<1x512xf32> to vector<26x512xf32>
    %mul3A_1781 = arith.mulf %slice3A_1778, %mul3A_1780 : vector<26x512xf32>
    %add3A_1782 = arith.addf %add3A_1777, %mul3A_1781 : vector<26x512xf32>
    %slice3A_1783 = vector.extract_strided_slice %dot_general3A_1710 {offsets = [364, 0], sizes = [26, 512], strides = [1, 1]} : vector<676x512xf32> to vector<26x512xf32>
    %slice3A_1784 = vector.extract_strided_slice %squeeze3A_1708 {offsets = [14, 0], sizes = [1, 512], strides = [1, 1]} : vector<26x512xf32> to vector<1x512xf32>
    %mul3A_1785 = vector.broadcast %slice3A_1784 : vector<1x512xf32> to vector<26x512xf32>
    %mul3A_1786 = arith.mulf %slice3A_1783, %mul3A_1785 : vector<26x512xf32>
    %add3A_1787 = arith.addf %add3A_1782, %mul3A_1786 : vector<26x512xf32>
    %slice3A_1788 = vector.extract_strided_slice %dot_general3A_1710 {offsets = [390, 0], sizes = [26, 512], strides = [1, 1]} : vector<676x512xf32> to vector<26x512xf32>
    %slice3A_1789 = vector.extract_strided_slice %squeeze3A_1708 {offsets = [15, 0], sizes = [1, 512], strides = [1, 1]} : vector<26x512xf32> to vector<1x512xf32>
    %mul3A_1790 = vector.broadcast %slice3A_1789 : vector<1x512xf32> to vector<26x512xf32>
    %mul3A_1791 = arith.mulf %slice3A_1788, %mul3A_1790 : vector<26x512xf32>
    %add3A_1792 = arith.addf %add3A_1787, %mul3A_1791 : vector<26x512xf32>
    %slice3A_1793 = vector.extract_strided_slice %dot_general3A_1710 {offsets = [416, 0], sizes = [26, 512], strides = [1, 1]} : vector<676x512xf32> to vector<26x512xf32>
    %slice3A_1794 = vector.extract_strided_slice %squeeze3A_1708 {offsets = [16, 0], sizes = [1, 512], strides = [1, 1]} : vector<26x512xf32> to vector<1x512xf32>
    %mul3A_1795 = vector.broadcast %slice3A_1794 : vector<1x512xf32> to vector<26x512xf32>
    %mul3A_1796 = arith.mulf %slice3A_1793, %mul3A_1795 : vector<26x512xf32>
    %add3A_1797 = arith.addf %add3A_1792, %mul3A_1796 : vector<26x512xf32>
    %slice3A_1798 = vector.extract_strided_slice %dot_general3A_1710 {offsets = [442, 0], sizes = [26, 512], strides = [1, 1]} : vector<676x512xf32> to vector<26x512xf32>
    %slice3A_1799 = vector.extract_strided_slice %squeeze3A_1708 {offsets = [17, 0], sizes = [1, 512], strides = [1, 1]} : vector<26x512xf32> to vector<1x512xf32>
    %mul3A_1800 = vector.broadcast %slice3A_1799 : vector<1x512xf32> to vector<26x512xf32>
    %mul3A_1801 = arith.mulf %slice3A_1798, %mul3A_1800 : vector<26x512xf32>
    %add3A_1802 = arith.addf %add3A_1797, %mul3A_1801 : vector<26x512xf32>
    %slice3A_1803 = vector.extract_strided_slice %dot_general3A_1710 {offsets = [468, 0], sizes = [26, 512], strides = [1, 1]} : vector<676x512xf32> to vector<26x512xf32>
    %slice3A_1804 = vector.extract_strided_slice %squeeze3A_1708 {offsets = [18, 0], sizes = [1, 512], strides = [1, 1]} : vector<26x512xf32> to vector<1x512xf32>
    %mul3A_1805 = vector.broadcast %slice3A_1804 : vector<1x512xf32> to vector<26x512xf32>
    %mul3A_1806 = arith.mulf %slice3A_1803, %mul3A_1805 : vector<26x512xf32>
    %add3A_1807 = arith.addf %add3A_1802, %mul3A_1806 : vector<26x512xf32>
    %slice3A_1808 = vector.extract_strided_slice %dot_general3A_1710 {offsets = [494, 0], sizes = [26, 512], strides = [1, 1]} : vector<676x512xf32> to vector<26x512xf32>
    %slice3A_1809 = vector.extract_strided_slice %squeeze3A_1708 {offsets = [19, 0], sizes = [1, 512], strides = [1, 1]} : vector<26x512xf32> to vector<1x512xf32>
    %mul3A_1810 = vector.broadcast %slice3A_1809 : vector<1x512xf32> to vector<26x512xf32>
    %mul3A_1811 = arith.mulf %slice3A_1808, %mul3A_1810 : vector<26x512xf32>
    %add3A_1812 = arith.addf %add3A_1807, %mul3A_1811 : vector<26x512xf32>
    %slice3A_1813 = vector.extract_strided_slice %dot_general3A_1710 {offsets = [520, 0], sizes = [26, 512], strides = [1, 1]} : vector<676x512xf32> to vector<26x512xf32>
    %slice3A_1814 = vector.extract_strided_slice %squeeze3A_1708 {offsets = [20, 0], sizes = [1, 512], strides = [1, 1]} : vector<26x512xf32> to vector<1x512xf32>
    %mul3A_1815 = vector.broadcast %slice3A_1814 : vector<1x512xf32> to vector<26x512xf32>
    %mul3A_1816 = arith.mulf %slice3A_1813, %mul3A_1815 : vector<26x512xf32>
    %add3A_1817 = arith.addf %add3A_1812, %mul3A_1816 : vector<26x512xf32>
    %slice3A_1818 = vector.extract_strided_slice %dot_general3A_1710 {offsets = [546, 0], sizes = [26, 512], strides = [1, 1]} : vector<676x512xf32> to vector<26x512xf32>
    %slice3A_1819 = vector.extract_strided_slice %squeeze3A_1708 {offsets = [21, 0], sizes = [1, 512], strides = [1, 1]} : vector<26x512xf32> to vector<1x512xf32>
    %mul3A_1820 = vector.broadcast %slice3A_1819 : vector<1x512xf32> to vector<26x512xf32>
    %mul3A_1821 = arith.mulf %slice3A_1818, %mul3A_1820 : vector<26x512xf32>
    %add3A_1822 = arith.addf %add3A_1817, %mul3A_1821 : vector<26x512xf32>
    %slice3A_1823 = vector.extract_strided_slice %dot_general3A_1710 {offsets = [572, 0], sizes = [26, 512], strides = [1, 1]} : vector<676x512xf32> to vector<26x512xf32>
    %slice3A_1824 = vector.extract_strided_slice %squeeze3A_1708 {offsets = [22, 0], sizes = [1, 512], strides = [1, 1]} : vector<26x512xf32> to vector<1x512xf32>
    %mul3A_1825 = vector.broadcast %slice3A_1824 : vector<1x512xf32> to vector<26x512xf32>
    %mul3A_1826 = arith.mulf %slice3A_1823, %mul3A_1825 : vector<26x512xf32>
    %add3A_1827 = arith.addf %add3A_1822, %mul3A_1826 : vector<26x512xf32>
    %slice3A_1828 = vector.extract_strided_slice %dot_general3A_1710 {offsets = [598, 0], sizes = [26, 512], strides = [1, 1]} : vector<676x512xf32> to vector<26x512xf32>
    %slice3A_1829 = vector.extract_strided_slice %squeeze3A_1708 {offsets = [23, 0], sizes = [1, 512], strides = [1, 1]} : vector<26x512xf32> to vector<1x512xf32>
    %mul3A_1830 = vector.broadcast %slice3A_1829 : vector<1x512xf32> to vector<26x512xf32>
    %mul3A_1831 = arith.mulf %slice3A_1828, %mul3A_1830 : vector<26x512xf32>
    %add3A_1832 = arith.addf %add3A_1827, %mul3A_1831 : vector<26x512xf32>
    %slice3A_1833 = vector.extract_strided_slice %dot_general3A_1710 {offsets = [624, 0], sizes = [26, 512], strides = [1, 1]} : vector<676x512xf32> to vector<26x512xf32>
    %slice3A_1834 = vector.extract_strided_slice %squeeze3A_1708 {offsets = [24, 0], sizes = [1, 512], strides = [1, 1]} : vector<26x512xf32> to vector<1x512xf32>
    %mul3A_1835 = vector.broadcast %slice3A_1834 : vector<1x512xf32> to vector<26x512xf32>
    %mul3A_1836 = arith.mulf %slice3A_1833, %mul3A_1835 : vector<26x512xf32>
    %add3A_1837 = arith.addf %add3A_1832, %mul3A_1836 : vector<26x512xf32>
    %slice3A_1838 = vector.extract_strided_slice %dot_general3A_1710 {offsets = [650, 0], sizes = [26, 512], strides = [1, 1]} : vector<676x512xf32> to vector<26x512xf32>
    %slice3A_1839 = vector.extract_strided_slice %squeeze3A_1708 {offsets = [25, 0], sizes = [1, 512], strides = [1, 1]} : vector<26x512xf32> to vector<1x512xf32>
    %mul3A_1840 = vector.broadcast %slice3A_1839 : vector<1x512xf32> to vector<26x512xf32>
    %mul3A_1841 = arith.mulf %slice3A_1838, %mul3A_1840 : vector<26x512xf32>
    %add3A_1842 = arith.addf %add3A_1837, %mul3A_1841 : vector<26x512xf32>
    %add3A_1843 = vector.broadcast %get3A_14 : vector<26x1xf32> to vector<26x512xf32>
    %add3A_1844 = arith.addf %add3A_1842, %add3A_1843 : vector<26x512xf32>
    %max3A_1845 = arith.constant 0.000000e+00 : f32
    %max3A_1846 = vector.broadcast %max3A_1845 : f32 to vector<26x512xf32>
    %max3A_1847 = arith.maximumf %add3A_1844, %max3A_1846 : vector<26x512xf32>
    %dot_general3A_1848 = arith.constant dense<0.000000e+00> : vector<676x512xf32>
    %dot_general3A_1849 = tpu.matmul %get3A_11, %max3A_1847, %dot_general3A_1848 {dimension_numbers = #tpu.dot_dimension_numbers<[1], [0], [0], [1], [0, 0, 1, 1], [], []>, transpose_lhs_hint = false} : vector<676x26xf32>, vector<26x512xf32>, vector<676x512xf32> -> vector<676x512xf32>
    %broadcast_in_dim3A_1850 = arith.constant 0.000000e+00 : f32
    %broadcast_in_dim3A_1851 = vector.broadcast %broadcast_in_dim3A_1850 : f32 to vector<26x512xf32>
    %slice3A_1852 = vector.extract_strided_slice %dot_general3A_1849 {offsets = [0, 0], sizes = [26, 512], strides = [1, 1]} : vector<676x512xf32> to vector<26x512xf32>
    %slice3A_1853 = vector.extract_strided_slice %squeeze3A_1708 {offsets = [0, 0], sizes = [1, 512], strides = [1, 1]} : vector<26x512xf32> to vector<1x512xf32>
    %mul3A_1854 = vector.broadcast %slice3A_1853 : vector<1x512xf32> to vector<26x512xf32>
    %mul3A_1855 = arith.mulf %slice3A_1852, %mul3A_1854 : vector<26x512xf32>
    %add3A_1856 = arith.addf %broadcast_in_dim3A_1851, %mul3A_1855 : vector<26x512xf32>
    %slice3A_1857 = vector.extract_strided_slice %dot_general3A_1849 {offsets = [26, 0], sizes = [26, 512], strides = [1, 1]} : vector<676x512xf32> to vector<26x512xf32>
    %slice3A_1858 = vector.extract_strided_slice %squeeze3A_1708 {offsets = [1, 0], sizes = [1, 512], strides = [1, 1]} : vector<26x512xf32> to vector<1x512xf32>
    %mul3A_1859 = vector.broadcast %slice3A_1858 : vector<1x512xf32> to vector<26x512xf32>
    %mul3A_1860 = arith.mulf %slice3A_1857, %mul3A_1859 : vector<26x512xf32>
    %add3A_1861 = arith.addf %add3A_1856, %mul3A_1860 : vector<26x512xf32>
    %slice3A_1862 = vector.extract_strided_slice %dot_general3A_1849 {offsets = [52, 0], sizes = [26, 512], strides = [1, 1]} : vector<676x512xf32> to vector<26x512xf32>
    %slice3A_1863 = vector.extract_strided_slice %squeeze3A_1708 {offsets = [2, 0], sizes = [1, 512], strides = [1, 1]} : vector<26x512xf32> to vector<1x512xf32>
    %mul3A_1864 = vector.broadcast %slice3A_1863 : vector<1x512xf32> to vector<26x512xf32>
    %mul3A_1865 = arith.mulf %slice3A_1862, %mul3A_1864 : vector<26x512xf32>
    %add3A_1866 = arith.addf %add3A_1861, %mul3A_1865 : vector<26x512xf32>
    %slice3A_1867 = vector.extract_strided_slice %dot_general3A_1849 {offsets = [78, 0], sizes = [26, 512], strides = [1, 1]} : vector<676x512xf32> to vector<26x512xf32>
    %slice3A_1868 = vector.extract_strided_slice %squeeze3A_1708 {offsets = [3, 0], sizes = [1, 512], strides = [1, 1]} : vector<26x512xf32> to vector<1x512xf32>
    %mul3A_1869 = vector.broadcast %slice3A_1868 : vector<1x512xf32> to vector<26x512xf32>
    %mul3A_1870 = arith.mulf %slice3A_1867, %mul3A_1869 : vector<26x512xf32>
    %add3A_1871 = arith.addf %add3A_1866, %mul3A_1870 : vector<26x512xf32>
    %slice3A_1872 = vector.extract_strided_slice %dot_general3A_1849 {offsets = [104, 0], sizes = [26, 512], strides = [1, 1]} : vector<676x512xf32> to vector<26x512xf32>
    %slice3A_1873 = vector.extract_strided_slice %squeeze3A_1708 {offsets = [4, 0], sizes = [1, 512], strides = [1, 1]} : vector<26x512xf32> to vector<1x512xf32>
    %mul3A_1874 = vector.broadcast %slice3A_1873 : vector<1x512xf32> to vector<26x512xf32>
    %mul3A_1875 = arith.mulf %slice3A_1872, %mul3A_1874 : vector<26x512xf32>
    %add3A_1876 = arith.addf %add3A_1871, %mul3A_1875 : vector<26x512xf32>
    %slice3A_1877 = vector.extract_strided_slice %dot_general3A_1849 {offsets = [130, 0], sizes = [26, 512], strides = [1, 1]} : vector<676x512xf32> to vector<26x512xf32>
    %slice3A_1878 = vector.extract_strided_slice %squeeze3A_1708 {offsets = [5, 0], sizes = [1, 512], strides = [1, 1]} : vector<26x512xf32> to vector<1x512xf32>
    %mul3A_1879 = vector.broadcast %slice3A_1878 : vector<1x512xf32> to vector<26x512xf32>
    %mul3A_1880 = arith.mulf %slice3A_1877, %mul3A_1879 : vector<26x512xf32>
    %add3A_1881 = arith.addf %add3A_1876, %mul3A_1880 : vector<26x512xf32>
    %slice3A_1882 = vector.extract_strided_slice %dot_general3A_1849 {offsets = [156, 0], sizes = [26, 512], strides = [1, 1]} : vector<676x512xf32> to vector<26x512xf32>
    %slice3A_1883 = vector.extract_strided_slice %squeeze3A_1708 {offsets = [6, 0], sizes = [1, 512], strides = [1, 1]} : vector<26x512xf32> to vector<1x512xf32>
    %mul3A_1884 = vector.broadcast %slice3A_1883 : vector<1x512xf32> to vector<26x512xf32>
    %mul3A_1885 = arith.mulf %slice3A_1882, %mul3A_1884 : vector<26x512xf32>
    %add3A_1886 = arith.addf %add3A_1881, %mul3A_1885 : vector<26x512xf32>
    %slice3A_1887 = vector.extract_strided_slice %dot_general3A_1849 {offsets = [182, 0], sizes = [26, 512], strides = [1, 1]} : vector<676x512xf32> to vector<26x512xf32>
    %slice3A_1888 = vector.extract_strided_slice %squeeze3A_1708 {offsets = [7, 0], sizes = [1, 512], strides = [1, 1]} : vector<26x512xf32> to vector<1x512xf32>
    %mul3A_1889 = vector.broadcast %slice3A_1888 : vector<1x512xf32> to vector<26x512xf32>
    %mul3A_1890 = arith.mulf %slice3A_1887, %mul3A_1889 : vector<26x512xf32>
    %add3A_1891 = arith.addf %add3A_1886, %mul3A_1890 : vector<26x512xf32>
    %slice3A_1892 = vector.extract_strided_slice %dot_general3A_1849 {offsets = [208, 0], sizes = [26, 512], strides = [1, 1]} : vector<676x512xf32> to vector<26x512xf32>
    %slice3A_1893 = vector.extract_strided_slice %squeeze3A_1708 {offsets = [8, 0], sizes = [1, 512], strides = [1, 1]} : vector<26x512xf32> to vector<1x512xf32>
    %mul3A_1894 = vector.broadcast %slice3A_1893 : vector<1x512xf32> to vector<26x512xf32>
    %mul3A_1895 = arith.mulf %slice3A_1892, %mul3A_1894 : vector<26x512xf32>
    %add3A_1896 = arith.addf %add3A_1891, %mul3A_1895 : vector<26x512xf32>
    %slice3A_1897 = vector.extract_strided_slice %dot_general3A_1849 {offsets = [234, 0], sizes = [26, 512], strides = [1, 1]} : vector<676x512xf32> to vector<26x512xf32>
    %slice3A_1898 = vector.extract_strided_slice %squeeze3A_1708 {offsets = [9, 0], sizes = [1, 512], strides = [1, 1]} : vector<26x512xf32> to vector<1x512xf32>
    %mul3A_1899 = vector.broadcast %slice3A_1898 : vector<1x512xf32> to vector<26x512xf32>
    %mul3A_1900 = arith.mulf %slice3A_1897, %mul3A_1899 : vector<26x512xf32>
    %add3A_1901 = arith.addf %add3A_1896, %mul3A_1900 : vector<26x512xf32>
    %slice3A_1902 = vector.extract_strided_slice %dot_general3A_1849 {offsets = [260, 0], sizes = [26, 512], strides = [1, 1]} : vector<676x512xf32> to vector<26x512xf32>
    %slice3A_1903 = vector.extract_strided_slice %squeeze3A_1708 {offsets = [10, 0], sizes = [1, 512], strides = [1, 1]} : vector<26x512xf32> to vector<1x512xf32>
    %mul3A_1904 = vector.broadcast %slice3A_1903 : vector<1x512xf32> to vector<26x512xf32>
    %mul3A_1905 = arith.mulf %slice3A_1902, %mul3A_1904 : vector<26x512xf32>
    %add3A_1906 = arith.addf %add3A_1901, %mul3A_1905 : vector<26x512xf32>
    %slice3A_1907 = vector.extract_strided_slice %dot_general3A_1849 {offsets = [286, 0], sizes = [26, 512], strides = [1, 1]} : vector<676x512xf32> to vector<26x512xf32>
    %slice3A_1908 = vector.extract_strided_slice %squeeze3A_1708 {offsets = [11, 0], sizes = [1, 512], strides = [1, 1]} : vector<26x512xf32> to vector<1x512xf32>
    %mul3A_1909 = vector.broadcast %slice3A_1908 : vector<1x512xf32> to vector<26x512xf32>
    %mul3A_1910 = arith.mulf %slice3A_1907, %mul3A_1909 : vector<26x512xf32>
    %add3A_1911 = arith.addf %add3A_1906, %mul3A_1910 : vector<26x512xf32>
    %slice3A_1912 = vector.extract_strided_slice %dot_general3A_1849 {offsets = [312, 0], sizes = [26, 512], strides = [1, 1]} : vector<676x512xf32> to vector<26x512xf32>
    %slice3A_1913 = vector.extract_strided_slice %squeeze3A_1708 {offsets = [12, 0], sizes = [1, 512], strides = [1, 1]} : vector<26x512xf32> to vector<1x512xf32>
    %mul3A_1914 = vector.broadcast %slice3A_1913 : vector<1x512xf32> to vector<26x512xf32>
    %mul3A_1915 = arith.mulf %slice3A_1912, %mul3A_1914 : vector<26x512xf32>
    %add3A_1916 = arith.addf %add3A_1911, %mul3A_1915 : vector<26x512xf32>
    %slice3A_1917 = vector.extract_strided_slice %dot_general3A_1849 {offsets = [338, 0], sizes = [26, 512], strides = [1, 1]} : vector<676x512xf32> to vector<26x512xf32>
    %slice3A_1918 = vector.extract_strided_slice %squeeze3A_1708 {offsets = [13, 0], sizes = [1, 512], strides = [1, 1]} : vector<26x512xf32> to vector<1x512xf32>
    %mul3A_1919 = vector.broadcast %slice3A_1918 : vector<1x512xf32> to vector<26x512xf32>
    %mul3A_1920 = arith.mulf %slice3A_1917, %mul3A_1919 : vector<26x512xf32>
    %add3A_1921 = arith.addf %add3A_1916, %mul3A_1920 : vector<26x512xf32>
    %slice3A_1922 = vector.extract_strided_slice %dot_general3A_1849 {offsets = [364, 0], sizes = [26, 512], strides = [1, 1]} : vector<676x512xf32> to vector<26x512xf32>
    %slice3A_1923 = vector.extract_strided_slice %squeeze3A_1708 {offsets = [14, 0], sizes = [1, 512], strides = [1, 1]} : vector<26x512xf32> to vector<1x512xf32>
    %mul3A_1924 = vector.broadcast %slice3A_1923 : vector<1x512xf32> to vector<26x512xf32>
    %mul3A_1925 = arith.mulf %slice3A_1922, %mul3A_1924 : vector<26x512xf32>
    %add3A_1926 = arith.addf %add3A_1921, %mul3A_1925 : vector<26x512xf32>
    %slice3A_1927 = vector.extract_strided_slice %dot_general3A_1849 {offsets = [390, 0], sizes = [26, 512], strides = [1, 1]} : vector<676x512xf32> to vector<26x512xf32>
    %slice3A_1928 = vector.extract_strided_slice %squeeze3A_1708 {offsets = [15, 0], sizes = [1, 512], strides = [1, 1]} : vector<26x512xf32> to vector<1x512xf32>
    %mul3A_1929 = vector.broadcast %slice3A_1928 : vector<1x512xf32> to vector<26x512xf32>
    %mul3A_1930 = arith.mulf %slice3A_1927, %mul3A_1929 : vector<26x512xf32>
    %add3A_1931 = arith.addf %add3A_1926, %mul3A_1930 : vector<26x512xf32>
    %slice3A_1932 = vector.extract_strided_slice %dot_general3A_1849 {offsets = [416, 0], sizes = [26, 512], strides = [1, 1]} : vector<676x512xf32> to vector<26x512xf32>
    %slice3A_1933 = vector.extract_strided_slice %squeeze3A_1708 {offsets = [16, 0], sizes = [1, 512], strides = [1, 1]} : vector<26x512xf32> to vector<1x512xf32>
    %mul3A_1934 = vector.broadcast %slice3A_1933 : vector<1x512xf32> to vector<26x512xf32>
    %mul3A_1935 = arith.mulf %slice3A_1932, %mul3A_1934 : vector<26x512xf32>
    %add3A_1936 = arith.addf %add3A_1931, %mul3A_1935 : vector<26x512xf32>
    %slice3A_1937 = vector.extract_strided_slice %dot_general3A_1849 {offsets = [442, 0], sizes = [26, 512], strides = [1, 1]} : vector<676x512xf32> to vector<26x512xf32>
    %slice3A_1938 = vector.extract_strided_slice %squeeze3A_1708 {offsets = [17, 0], sizes = [1, 512], strides = [1, 1]} : vector<26x512xf32> to vector<1x512xf32>
    %mul3A_1939 = vector.broadcast %slice3A_1938 : vector<1x512xf32> to vector<26x512xf32>
    %mul3A_1940 = arith.mulf %slice3A_1937, %mul3A_1939 : vector<26x512xf32>
    %add3A_1941 = arith.addf %add3A_1936, %mul3A_1940 : vector<26x512xf32>
    %slice3A_1942 = vector.extract_strided_slice %dot_general3A_1849 {offsets = [468, 0], sizes = [26, 512], strides = [1, 1]} : vector<676x512xf32> to vector<26x512xf32>
    %slice3A_1943 = vector.extract_strided_slice %squeeze3A_1708 {offsets = [18, 0], sizes = [1, 512], strides = [1, 1]} : vector<26x512xf32> to vector<1x512xf32>
    %mul3A_1944 = vector.broadcast %slice3A_1943 : vector<1x512xf32> to vector<26x512xf32>
    %mul3A_1945 = arith.mulf %slice3A_1942, %mul3A_1944 : vector<26x512xf32>
    %add3A_1946 = arith.addf %add3A_1941, %mul3A_1945 : vector<26x512xf32>
    %slice3A_1947 = vector.extract_strided_slice %dot_general3A_1849 {offsets = [494, 0], sizes = [26, 512], strides = [1, 1]} : vector<676x512xf32> to vector<26x512xf32>
    %slice3A_1948 = vector.extract_strided_slice %squeeze3A_1708 {offsets = [19, 0], sizes = [1, 512], strides = [1, 1]} : vector<26x512xf32> to vector<1x512xf32>
    %mul3A_1949 = vector.broadcast %slice3A_1948 : vector<1x512xf32> to vector<26x512xf32>
    %mul3A_1950 = arith.mulf %slice3A_1947, %mul3A_1949 : vector<26x512xf32>
    %add3A_1951 = arith.addf %add3A_1946, %mul3A_1950 : vector<26x512xf32>
    %slice3A_1952 = vector.extract_strided_slice %dot_general3A_1849 {offsets = [520, 0], sizes = [26, 512], strides = [1, 1]} : vector<676x512xf32> to vector<26x512xf32>
    %slice3A_1953 = vector.extract_strided_slice %squeeze3A_1708 {offsets = [20, 0], sizes = [1, 512], strides = [1, 1]} : vector<26x512xf32> to vector<1x512xf32>
    %mul3A_1954 = vector.broadcast %slice3A_1953 : vector<1x512xf32> to vector<26x512xf32>
    %mul3A_1955 = arith.mulf %slice3A_1952, %mul3A_1954 : vector<26x512xf32>
    %add3A_1956 = arith.addf %add3A_1951, %mul3A_1955 : vector<26x512xf32>
    %slice3A_1957 = vector.extract_strided_slice %dot_general3A_1849 {offsets = [546, 0], sizes = [26, 512], strides = [1, 1]} : vector<676x512xf32> to vector<26x512xf32>
    %slice3A_1958 = vector.extract_strided_slice %squeeze3A_1708 {offsets = [21, 0], sizes = [1, 512], strides = [1, 1]} : vector<26x512xf32> to vector<1x512xf32>
    %mul3A_1959 = vector.broadcast %slice3A_1958 : vector<1x512xf32> to vector<26x512xf32>
    %mul3A_1960 = arith.mulf %slice3A_1957, %mul3A_1959 : vector<26x512xf32>
    %add3A_1961 = arith.addf %add3A_1956, %mul3A_1960 : vector<26x512xf32>
    %slice3A_1962 = vector.extract_strided_slice %dot_general3A_1849 {offsets = [572, 0], sizes = [26, 512], strides = [1, 1]} : vector<676x512xf32> to vector<26x512xf32>
    %slice3A_1963 = vector.extract_strided_slice %squeeze3A_1708 {offsets = [22, 0], sizes = [1, 512], strides = [1, 1]} : vector<26x512xf32> to vector<1x512xf32>
    %mul3A_1964 = vector.broadcast %slice3A_1963 : vector<1x512xf32> to vector<26x512xf32>
    %mul3A_1965 = arith.mulf %slice3A_1962, %mul3A_1964 : vector<26x512xf32>
    %add3A_1966 = arith.addf %add3A_1961, %mul3A_1965 : vector<26x512xf32>
    %slice3A_1967 = vector.extract_strided_slice %dot_general3A_1849 {offsets = [598, 0], sizes = [26, 512], strides = [1, 1]} : vector<676x512xf32> to vector<26x512xf32>
    %slice3A_1968 = vector.extract_strided_slice %squeeze3A_1708 {offsets = [23, 0], sizes = [1, 512], strides = [1, 1]} : vector<26x512xf32> to vector<1x512xf32>
    %mul3A_1969 = vector.broadcast %slice3A_1968 : vector<1x512xf32> to vector<26x512xf32>
    %mul3A_1970 = arith.mulf %slice3A_1967, %mul3A_1969 : vector<26x512xf32>
    %add3A_1971 = arith.addf %add3A_1966, %mul3A_1970 : vector<26x512xf32>
    %slice3A_1972 = vector.extract_strided_slice %dot_general3A_1849 {offsets = [624, 0], sizes = [26, 512], strides = [1, 1]} : vector<676x512xf32> to vector<26x512xf32>
    %slice3A_1973 = vector.extract_strided_slice %squeeze3A_1708 {offsets = [24, 0], sizes = [1, 512], strides = [1, 1]} : vector<26x512xf32> to vector<1x512xf32>
    %mul3A_1974 = vector.broadcast %slice3A_1973 : vector<1x512xf32> to vector<26x512xf32>
    %mul3A_1975 = arith.mulf %slice3A_1972, %mul3A_1974 : vector<26x512xf32>
    %add3A_1976 = arith.addf %add3A_1971, %mul3A_1975 : vector<26x512xf32>
    %slice3A_1977 = vector.extract_strided_slice %dot_general3A_1849 {offsets = [650, 0], sizes = [26, 512], strides = [1, 1]} : vector<676x512xf32> to vector<26x512xf32>
    %slice3A_1978 = vector.extract_strided_slice %squeeze3A_1708 {offsets = [25, 0], sizes = [1, 512], strides = [1, 1]} : vector<26x512xf32> to vector<1x512xf32>
    %mul3A_1979 = vector.broadcast %slice3A_1978 : vector<1x512xf32> to vector<26x512xf32>
    %mul3A_1980 = arith.mulf %slice3A_1977, %mul3A_1979 : vector<26x512xf32>
    %add3A_1981 = arith.addf %add3A_1976, %mul3A_1980 : vector<26x512xf32>
    %add3A_1982 = vector.broadcast %get3A_17 : vector<26x1xf32> to vector<26x512xf32>
    %add3A_1983 = arith.addf %add3A_1981, %add3A_1982 : vector<26x512xf32>
    %max3A_1984 = arith.constant 0.000000e+00 : f32
    %max3A_1985 = vector.broadcast %max3A_1984 : f32 to vector<26x512xf32>
    %max3A_1986 = arith.maximumf %add3A_1983, %max3A_1985 : vector<26x512xf32>
    %add3A_1987 = arith.addf %add3A_1705, %max3A_1847 : vector<26x512xf32>
    %add3A_1988 = arith.addf %add3A_1706, %max3A_1986 : vector<26x512xf32>
    %slice3A_1989 = vector.extract_strided_slice %reshape3A {offsets = [0, 7, 0], sizes = [26, 1, 512], strides = [1, 1, 1]} : vector<26x16x512xf32> to vector<26x1x512xf32>
    %squeeze3A_1990 = vector.shape_cast %slice3A_1989 : vector<26x1x512xf32> to vector<26x512xf32>
    %dot_general3A_1991 = arith.constant dense<0.000000e+00> : vector<676x512xf32>
    %dot_general3A_1992 = tpu.matmul %get3A_8, %squeeze3A_1990, %dot_general3A_1991 {dimension_numbers = #tpu.dot_dimension_numbers<[1], [0], [0], [1], [0, 0, 1, 1], [], []>, transpose_lhs_hint = false} : vector<676x26xf32>, vector<26x512xf32>, vector<676x512xf32> -> vector<676x512xf32>
    %broadcast_in_dim3A_1993 = arith.constant 0.000000e+00 : f32
    %broadcast_in_dim3A_1994 = vector.broadcast %broadcast_in_dim3A_1993 : f32 to vector<26x512xf32>
    %slice3A_1995 = vector.extract_strided_slice %dot_general3A_1992 {offsets = [0, 0], sizes = [26, 512], strides = [1, 1]} : vector<676x512xf32> to vector<26x512xf32>
    %slice3A_1996 = vector.extract_strided_slice %squeeze3A_1990 {offsets = [0, 0], sizes = [1, 512], strides = [1, 1]} : vector<26x512xf32> to vector<1x512xf32>
    %mul3A_1997 = vector.broadcast %slice3A_1996 : vector<1x512xf32> to vector<26x512xf32>
    %mul3A_1998 = arith.mulf %slice3A_1995, %mul3A_1997 : vector<26x512xf32>
    %add3A_1999 = arith.addf %broadcast_in_dim3A_1994, %mul3A_1998 : vector<26x512xf32>
    %slice3A_2000 = vector.extract_strided_slice %dot_general3A_1992 {offsets = [26, 0], sizes = [26, 512], strides = [1, 1]} : vector<676x512xf32> to vector<26x512xf32>
    %slice3A_2001 = vector.extract_strided_slice %squeeze3A_1990 {offsets = [1, 0], sizes = [1, 512], strides = [1, 1]} : vector<26x512xf32> to vector<1x512xf32>
    %mul3A_2002 = vector.broadcast %slice3A_2001 : vector<1x512xf32> to vector<26x512xf32>
    %mul3A_2003 = arith.mulf %slice3A_2000, %mul3A_2002 : vector<26x512xf32>
    %add3A_2004 = arith.addf %add3A_1999, %mul3A_2003 : vector<26x512xf32>
    %slice3A_2005 = vector.extract_strided_slice %dot_general3A_1992 {offsets = [52, 0], sizes = [26, 512], strides = [1, 1]} : vector<676x512xf32> to vector<26x512xf32>
    %slice3A_2006 = vector.extract_strided_slice %squeeze3A_1990 {offsets = [2, 0], sizes = [1, 512], strides = [1, 1]} : vector<26x512xf32> to vector<1x512xf32>
    %mul3A_2007 = vector.broadcast %slice3A_2006 : vector<1x512xf32> to vector<26x512xf32>
    %mul3A_2008 = arith.mulf %slice3A_2005, %mul3A_2007 : vector<26x512xf32>
    %add3A_2009 = arith.addf %add3A_2004, %mul3A_2008 : vector<26x512xf32>
    %slice3A_2010 = vector.extract_strided_slice %dot_general3A_1992 {offsets = [78, 0], sizes = [26, 512], strides = [1, 1]} : vector<676x512xf32> to vector<26x512xf32>
    %slice3A_2011 = vector.extract_strided_slice %squeeze3A_1990 {offsets = [3, 0], sizes = [1, 512], strides = [1, 1]} : vector<26x512xf32> to vector<1x512xf32>
    %mul3A_2012 = vector.broadcast %slice3A_2011 : vector<1x512xf32> to vector<26x512xf32>
    %mul3A_2013 = arith.mulf %slice3A_2010, %mul3A_2012 : vector<26x512xf32>
    %add3A_2014 = arith.addf %add3A_2009, %mul3A_2013 : vector<26x512xf32>
    %slice3A_2015 = vector.extract_strided_slice %dot_general3A_1992 {offsets = [104, 0], sizes = [26, 512], strides = [1, 1]} : vector<676x512xf32> to vector<26x512xf32>
    %slice3A_2016 = vector.extract_strided_slice %squeeze3A_1990 {offsets = [4, 0], sizes = [1, 512], strides = [1, 1]} : vector<26x512xf32> to vector<1x512xf32>
    %mul3A_2017 = vector.broadcast %slice3A_2016 : vector<1x512xf32> to vector<26x512xf32>
    %mul3A_2018 = arith.mulf %slice3A_2015, %mul3A_2017 : vector<26x512xf32>
    %add3A_2019 = arith.addf %add3A_2014, %mul3A_2018 : vector<26x512xf32>
    %slice3A_2020 = vector.extract_strided_slice %dot_general3A_1992 {offsets = [130, 0], sizes = [26, 512], strides = [1, 1]} : vector<676x512xf32> to vector<26x512xf32>
    %slice3A_2021 = vector.extract_strided_slice %squeeze3A_1990 {offsets = [5, 0], sizes = [1, 512], strides = [1, 1]} : vector<26x512xf32> to vector<1x512xf32>
    %mul3A_2022 = vector.broadcast %slice3A_2021 : vector<1x512xf32> to vector<26x512xf32>
    %mul3A_2023 = arith.mulf %slice3A_2020, %mul3A_2022 : vector<26x512xf32>
    %add3A_2024 = arith.addf %add3A_2019, %mul3A_2023 : vector<26x512xf32>
    %slice3A_2025 = vector.extract_strided_slice %dot_general3A_1992 {offsets = [156, 0], sizes = [26, 512], strides = [1, 1]} : vector<676x512xf32> to vector<26x512xf32>
    %slice3A_2026 = vector.extract_strided_slice %squeeze3A_1990 {offsets = [6, 0], sizes = [1, 512], strides = [1, 1]} : vector<26x512xf32> to vector<1x512xf32>
    %mul3A_2027 = vector.broadcast %slice3A_2026 : vector<1x512xf32> to vector<26x512xf32>
    %mul3A_2028 = arith.mulf %slice3A_2025, %mul3A_2027 : vector<26x512xf32>
    %add3A_2029 = arith.addf %add3A_2024, %mul3A_2028 : vector<26x512xf32>
    %slice3A_2030 = vector.extract_strided_slice %dot_general3A_1992 {offsets = [182, 0], sizes = [26, 512], strides = [1, 1]} : vector<676x512xf32> to vector<26x512xf32>
    %slice3A_2031 = vector.extract_strided_slice %squeeze3A_1990 {offsets = [7, 0], sizes = [1, 512], strides = [1, 1]} : vector<26x512xf32> to vector<1x512xf32>
    %mul3A_2032 = vector.broadcast %slice3A_2031 : vector<1x512xf32> to vector<26x512xf32>
    %mul3A_2033 = arith.mulf %slice3A_2030, %mul3A_2032 : vector<26x512xf32>
    %add3A_2034 = arith.addf %add3A_2029, %mul3A_2033 : vector<26x512xf32>
    %slice3A_2035 = vector.extract_strided_slice %dot_general3A_1992 {offsets = [208, 0], sizes = [26, 512], strides = [1, 1]} : vector<676x512xf32> to vector<26x512xf32>
    %slice3A_2036 = vector.extract_strided_slice %squeeze3A_1990 {offsets = [8, 0], sizes = [1, 512], strides = [1, 1]} : vector<26x512xf32> to vector<1x512xf32>
    %mul3A_2037 = vector.broadcast %slice3A_2036 : vector<1x512xf32> to vector<26x512xf32>
    %mul3A_2038 = arith.mulf %slice3A_2035, %mul3A_2037 : vector<26x512xf32>
    %add3A_2039 = arith.addf %add3A_2034, %mul3A_2038 : vector<26x512xf32>
    %slice3A_2040 = vector.extract_strided_slice %dot_general3A_1992 {offsets = [234, 0], sizes = [26, 512], strides = [1, 1]} : vector<676x512xf32> to vector<26x512xf32>
    %slice3A_2041 = vector.extract_strided_slice %squeeze3A_1990 {offsets = [9, 0], sizes = [1, 512], strides = [1, 1]} : vector<26x512xf32> to vector<1x512xf32>
    %mul3A_2042 = vector.broadcast %slice3A_2041 : vector<1x512xf32> to vector<26x512xf32>
    %mul3A_2043 = arith.mulf %slice3A_2040, %mul3A_2042 : vector<26x512xf32>
    %add3A_2044 = arith.addf %add3A_2039, %mul3A_2043 : vector<26x512xf32>
    %slice3A_2045 = vector.extract_strided_slice %dot_general3A_1992 {offsets = [260, 0], sizes = [26, 512], strides = [1, 1]} : vector<676x512xf32> to vector<26x512xf32>
    %slice3A_2046 = vector.extract_strided_slice %squeeze3A_1990 {offsets = [10, 0], sizes = [1, 512], strides = [1, 1]} : vector<26x512xf32> to vector<1x512xf32>
    %mul3A_2047 = vector.broadcast %slice3A_2046 : vector<1x512xf32> to vector<26x512xf32>
    %mul3A_2048 = arith.mulf %slice3A_2045, %mul3A_2047 : vector<26x512xf32>
    %add3A_2049 = arith.addf %add3A_2044, %mul3A_2048 : vector<26x512xf32>
    %slice3A_2050 = vector.extract_strided_slice %dot_general3A_1992 {offsets = [286, 0], sizes = [26, 512], strides = [1, 1]} : vector<676x512xf32> to vector<26x512xf32>
    %slice3A_2051 = vector.extract_strided_slice %squeeze3A_1990 {offsets = [11, 0], sizes = [1, 512], strides = [1, 1]} : vector<26x512xf32> to vector<1x512xf32>
    %mul3A_2052 = vector.broadcast %slice3A_2051 : vector<1x512xf32> to vector<26x512xf32>
    %mul3A_2053 = arith.mulf %slice3A_2050, %mul3A_2052 : vector<26x512xf32>
    %add3A_2054 = arith.addf %add3A_2049, %mul3A_2053 : vector<26x512xf32>
    %slice3A_2055 = vector.extract_strided_slice %dot_general3A_1992 {offsets = [312, 0], sizes = [26, 512], strides = [1, 1]} : vector<676x512xf32> to vector<26x512xf32>
    %slice3A_2056 = vector.extract_strided_slice %squeeze3A_1990 {offsets = [12, 0], sizes = [1, 512], strides = [1, 1]} : vector<26x512xf32> to vector<1x512xf32>
    %mul3A_2057 = vector.broadcast %slice3A_2056 : vector<1x512xf32> to vector<26x512xf32>
    %mul3A_2058 = arith.mulf %slice3A_2055, %mul3A_2057 : vector<26x512xf32>
    %add3A_2059 = arith.addf %add3A_2054, %mul3A_2058 : vector<26x512xf32>
    %slice3A_2060 = vector.extract_strided_slice %dot_general3A_1992 {offsets = [338, 0], sizes = [26, 512], strides = [1, 1]} : vector<676x512xf32> to vector<26x512xf32>
    %slice3A_2061 = vector.extract_strided_slice %squeeze3A_1990 {offsets = [13, 0], sizes = [1, 512], strides = [1, 1]} : vector<26x512xf32> to vector<1x512xf32>
    %mul3A_2062 = vector.broadcast %slice3A_2061 : vector<1x512xf32> to vector<26x512xf32>
    %mul3A_2063 = arith.mulf %slice3A_2060, %mul3A_2062 : vector<26x512xf32>
    %add3A_2064 = arith.addf %add3A_2059, %mul3A_2063 : vector<26x512xf32>
    %slice3A_2065 = vector.extract_strided_slice %dot_general3A_1992 {offsets = [364, 0], sizes = [26, 512], strides = [1, 1]} : vector<676x512xf32> to vector<26x512xf32>
    %slice3A_2066 = vector.extract_strided_slice %squeeze3A_1990 {offsets = [14, 0], sizes = [1, 512], strides = [1, 1]} : vector<26x512xf32> to vector<1x512xf32>
    %mul3A_2067 = vector.broadcast %slice3A_2066 : vector<1x512xf32> to vector<26x512xf32>
    %mul3A_2068 = arith.mulf %slice3A_2065, %mul3A_2067 : vector<26x512xf32>
    %add3A_2069 = arith.addf %add3A_2064, %mul3A_2068 : vector<26x512xf32>
    %slice3A_2070 = vector.extract_strided_slice %dot_general3A_1992 {offsets = [390, 0], sizes = [26, 512], strides = [1, 1]} : vector<676x512xf32> to vector<26x512xf32>
    %slice3A_2071 = vector.extract_strided_slice %squeeze3A_1990 {offsets = [15, 0], sizes = [1, 512], strides = [1, 1]} : vector<26x512xf32> to vector<1x512xf32>
    %mul3A_2072 = vector.broadcast %slice3A_2071 : vector<1x512xf32> to vector<26x512xf32>
    %mul3A_2073 = arith.mulf %slice3A_2070, %mul3A_2072 : vector<26x512xf32>
    %add3A_2074 = arith.addf %add3A_2069, %mul3A_2073 : vector<26x512xf32>
    %slice3A_2075 = vector.extract_strided_slice %dot_general3A_1992 {offsets = [416, 0], sizes = [26, 512], strides = [1, 1]} : vector<676x512xf32> to vector<26x512xf32>
    %slice3A_2076 = vector.extract_strided_slice %squeeze3A_1990 {offsets = [16, 0], sizes = [1, 512], strides = [1, 1]} : vector<26x512xf32> to vector<1x512xf32>
    %mul3A_2077 = vector.broadcast %slice3A_2076 : vector<1x512xf32> to vector<26x512xf32>
    %mul3A_2078 = arith.mulf %slice3A_2075, %mul3A_2077 : vector<26x512xf32>
    %add3A_2079 = arith.addf %add3A_2074, %mul3A_2078 : vector<26x512xf32>
    %slice3A_2080 = vector.extract_strided_slice %dot_general3A_1992 {offsets = [442, 0], sizes = [26, 512], strides = [1, 1]} : vector<676x512xf32> to vector<26x512xf32>
    %slice3A_2081 = vector.extract_strided_slice %squeeze3A_1990 {offsets = [17, 0], sizes = [1, 512], strides = [1, 1]} : vector<26x512xf32> to vector<1x512xf32>
    %mul3A_2082 = vector.broadcast %slice3A_2081 : vector<1x512xf32> to vector<26x512xf32>
    %mul3A_2083 = arith.mulf %slice3A_2080, %mul3A_2082 : vector<26x512xf32>
    %add3A_2084 = arith.addf %add3A_2079, %mul3A_2083 : vector<26x512xf32>
    %slice3A_2085 = vector.extract_strided_slice %dot_general3A_1992 {offsets = [468, 0], sizes = [26, 512], strides = [1, 1]} : vector<676x512xf32> to vector<26x512xf32>
    %slice3A_2086 = vector.extract_strided_slice %squeeze3A_1990 {offsets = [18, 0], sizes = [1, 512], strides = [1, 1]} : vector<26x512xf32> to vector<1x512xf32>
    %mul3A_2087 = vector.broadcast %slice3A_2086 : vector<1x512xf32> to vector<26x512xf32>
    %mul3A_2088 = arith.mulf %slice3A_2085, %mul3A_2087 : vector<26x512xf32>
    %add3A_2089 = arith.addf %add3A_2084, %mul3A_2088 : vector<26x512xf32>
    %slice3A_2090 = vector.extract_strided_slice %dot_general3A_1992 {offsets = [494, 0], sizes = [26, 512], strides = [1, 1]} : vector<676x512xf32> to vector<26x512xf32>
    %slice3A_2091 = vector.extract_strided_slice %squeeze3A_1990 {offsets = [19, 0], sizes = [1, 512], strides = [1, 1]} : vector<26x512xf32> to vector<1x512xf32>
    %mul3A_2092 = vector.broadcast %slice3A_2091 : vector<1x512xf32> to vector<26x512xf32>
    %mul3A_2093 = arith.mulf %slice3A_2090, %mul3A_2092 : vector<26x512xf32>
    %add3A_2094 = arith.addf %add3A_2089, %mul3A_2093 : vector<26x512xf32>
    %slice3A_2095 = vector.extract_strided_slice %dot_general3A_1992 {offsets = [520, 0], sizes = [26, 512], strides = [1, 1]} : vector<676x512xf32> to vector<26x512xf32>
    %slice3A_2096 = vector.extract_strided_slice %squeeze3A_1990 {offsets = [20, 0], sizes = [1, 512], strides = [1, 1]} : vector<26x512xf32> to vector<1x512xf32>
    %mul3A_2097 = vector.broadcast %slice3A_2096 : vector<1x512xf32> to vector<26x512xf32>
    %mul3A_2098 = arith.mulf %slice3A_2095, %mul3A_2097 : vector<26x512xf32>
    %add3A_2099 = arith.addf %add3A_2094, %mul3A_2098 : vector<26x512xf32>
    %slice3A_2100 = vector.extract_strided_slice %dot_general3A_1992 {offsets = [546, 0], sizes = [26, 512], strides = [1, 1]} : vector<676x512xf32> to vector<26x512xf32>
    %slice3A_2101 = vector.extract_strided_slice %squeeze3A_1990 {offsets = [21, 0], sizes = [1, 512], strides = [1, 1]} : vector<26x512xf32> to vector<1x512xf32>
    %mul3A_2102 = vector.broadcast %slice3A_2101 : vector<1x512xf32> to vector<26x512xf32>
    %mul3A_2103 = arith.mulf %slice3A_2100, %mul3A_2102 : vector<26x512xf32>
    %add3A_2104 = arith.addf %add3A_2099, %mul3A_2103 : vector<26x512xf32>
    %slice3A_2105 = vector.extract_strided_slice %dot_general3A_1992 {offsets = [572, 0], sizes = [26, 512], strides = [1, 1]} : vector<676x512xf32> to vector<26x512xf32>
    %slice3A_2106 = vector.extract_strided_slice %squeeze3A_1990 {offsets = [22, 0], sizes = [1, 512], strides = [1, 1]} : vector<26x512xf32> to vector<1x512xf32>
    %mul3A_2107 = vector.broadcast %slice3A_2106 : vector<1x512xf32> to vector<26x512xf32>
    %mul3A_2108 = arith.mulf %slice3A_2105, %mul3A_2107 : vector<26x512xf32>
    %add3A_2109 = arith.addf %add3A_2104, %mul3A_2108 : vector<26x512xf32>
    %slice3A_2110 = vector.extract_strided_slice %dot_general3A_1992 {offsets = [598, 0], sizes = [26, 512], strides = [1, 1]} : vector<676x512xf32> to vector<26x512xf32>
    %slice3A_2111 = vector.extract_strided_slice %squeeze3A_1990 {offsets = [23, 0], sizes = [1, 512], strides = [1, 1]} : vector<26x512xf32> to vector<1x512xf32>
    %mul3A_2112 = vector.broadcast %slice3A_2111 : vector<1x512xf32> to vector<26x512xf32>
    %mul3A_2113 = arith.mulf %slice3A_2110, %mul3A_2112 : vector<26x512xf32>
    %add3A_2114 = arith.addf %add3A_2109, %mul3A_2113 : vector<26x512xf32>
    %slice3A_2115 = vector.extract_strided_slice %dot_general3A_1992 {offsets = [624, 0], sizes = [26, 512], strides = [1, 1]} : vector<676x512xf32> to vector<26x512xf32>
    %slice3A_2116 = vector.extract_strided_slice %squeeze3A_1990 {offsets = [24, 0], sizes = [1, 512], strides = [1, 1]} : vector<26x512xf32> to vector<1x512xf32>
    %mul3A_2117 = vector.broadcast %slice3A_2116 : vector<1x512xf32> to vector<26x512xf32>
    %mul3A_2118 = arith.mulf %slice3A_2115, %mul3A_2117 : vector<26x512xf32>
    %add3A_2119 = arith.addf %add3A_2114, %mul3A_2118 : vector<26x512xf32>
    %slice3A_2120 = vector.extract_strided_slice %dot_general3A_1992 {offsets = [650, 0], sizes = [26, 512], strides = [1, 1]} : vector<676x512xf32> to vector<26x512xf32>
    %slice3A_2121 = vector.extract_strided_slice %squeeze3A_1990 {offsets = [25, 0], sizes = [1, 512], strides = [1, 1]} : vector<26x512xf32> to vector<1x512xf32>
    %mul3A_2122 = vector.broadcast %slice3A_2121 : vector<1x512xf32> to vector<26x512xf32>
    %mul3A_2123 = arith.mulf %slice3A_2120, %mul3A_2122 : vector<26x512xf32>
    %add3A_2124 = arith.addf %add3A_2119, %mul3A_2123 : vector<26x512xf32>
    %add3A_2125 = vector.broadcast %get3A_14 : vector<26x1xf32> to vector<26x512xf32>
    %add3A_2126 = arith.addf %add3A_2124, %add3A_2125 : vector<26x512xf32>
    %max3A_2127 = arith.constant 0.000000e+00 : f32
    %max3A_2128 = vector.broadcast %max3A_2127 : f32 to vector<26x512xf32>
    %max3A_2129 = arith.maximumf %add3A_2126, %max3A_2128 : vector<26x512xf32>
    %dot_general3A_2130 = arith.constant dense<0.000000e+00> : vector<676x512xf32>
    %dot_general3A_2131 = tpu.matmul %get3A_11, %max3A_2129, %dot_general3A_2130 {dimension_numbers = #tpu.dot_dimension_numbers<[1], [0], [0], [1], [0, 0, 1, 1], [], []>, transpose_lhs_hint = false} : vector<676x26xf32>, vector<26x512xf32>, vector<676x512xf32> -> vector<676x512xf32>
    %broadcast_in_dim3A_2132 = arith.constant 0.000000e+00 : f32
    %broadcast_in_dim3A_2133 = vector.broadcast %broadcast_in_dim3A_2132 : f32 to vector<26x512xf32>
    %slice3A_2134 = vector.extract_strided_slice %dot_general3A_2131 {offsets = [0, 0], sizes = [26, 512], strides = [1, 1]} : vector<676x512xf32> to vector<26x512xf32>
    %slice3A_2135 = vector.extract_strided_slice %squeeze3A_1990 {offsets = [0, 0], sizes = [1, 512], strides = [1, 1]} : vector<26x512xf32> to vector<1x512xf32>
    %mul3A_2136 = vector.broadcast %slice3A_2135 : vector<1x512xf32> to vector<26x512xf32>
    %mul3A_2137 = arith.mulf %slice3A_2134, %mul3A_2136 : vector<26x512xf32>
    %add3A_2138 = arith.addf %broadcast_in_dim3A_2133, %mul3A_2137 : vector<26x512xf32>
    %slice3A_2139 = vector.extract_strided_slice %dot_general3A_2131 {offsets = [26, 0], sizes = [26, 512], strides = [1, 1]} : vector<676x512xf32> to vector<26x512xf32>
    %slice3A_2140 = vector.extract_strided_slice %squeeze3A_1990 {offsets = [1, 0], sizes = [1, 512], strides = [1, 1]} : vector<26x512xf32> to vector<1x512xf32>
    %mul3A_2141 = vector.broadcast %slice3A_2140 : vector<1x512xf32> to vector<26x512xf32>
    %mul3A_2142 = arith.mulf %slice3A_2139, %mul3A_2141 : vector<26x512xf32>
    %add3A_2143 = arith.addf %add3A_2138, %mul3A_2142 : vector<26x512xf32>
    %slice3A_2144 = vector.extract_strided_slice %dot_general3A_2131 {offsets = [52, 0], sizes = [26, 512], strides = [1, 1]} : vector<676x512xf32> to vector<26x512xf32>
    %slice3A_2145 = vector.extract_strided_slice %squeeze3A_1990 {offsets = [2, 0], sizes = [1, 512], strides = [1, 1]} : vector<26x512xf32> to vector<1x512xf32>
    %mul3A_2146 = vector.broadcast %slice3A_2145 : vector<1x512xf32> to vector<26x512xf32>
    %mul3A_2147 = arith.mulf %slice3A_2144, %mul3A_2146 : vector<26x512xf32>
    %add3A_2148 = arith.addf %add3A_2143, %mul3A_2147 : vector<26x512xf32>
    %slice3A_2149 = vector.extract_strided_slice %dot_general3A_2131 {offsets = [78, 0], sizes = [26, 512], strides = [1, 1]} : vector<676x512xf32> to vector<26x512xf32>
    %slice3A_2150 = vector.extract_strided_slice %squeeze3A_1990 {offsets = [3, 0], sizes = [1, 512], strides = [1, 1]} : vector<26x512xf32> to vector<1x512xf32>
    %mul3A_2151 = vector.broadcast %slice3A_2150 : vector<1x512xf32> to vector<26x512xf32>
    %mul3A_2152 = arith.mulf %slice3A_2149, %mul3A_2151 : vector<26x512xf32>
    %add3A_2153 = arith.addf %add3A_2148, %mul3A_2152 : vector<26x512xf32>
    %slice3A_2154 = vector.extract_strided_slice %dot_general3A_2131 {offsets = [104, 0], sizes = [26, 512], strides = [1, 1]} : vector<676x512xf32> to vector<26x512xf32>
    %slice3A_2155 = vector.extract_strided_slice %squeeze3A_1990 {offsets = [4, 0], sizes = [1, 512], strides = [1, 1]} : vector<26x512xf32> to vector<1x512xf32>
    %mul3A_2156 = vector.broadcast %slice3A_2155 : vector<1x512xf32> to vector<26x512xf32>
    %mul3A_2157 = arith.mulf %slice3A_2154, %mul3A_2156 : vector<26x512xf32>
    %add3A_2158 = arith.addf %add3A_2153, %mul3A_2157 : vector<26x512xf32>
    %slice3A_2159 = vector.extract_strided_slice %dot_general3A_2131 {offsets = [130, 0], sizes = [26, 512], strides = [1, 1]} : vector<676x512xf32> to vector<26x512xf32>
    %slice3A_2160 = vector.extract_strided_slice %squeeze3A_1990 {offsets = [5, 0], sizes = [1, 512], strides = [1, 1]} : vector<26x512xf32> to vector<1x512xf32>
    %mul3A_2161 = vector.broadcast %slice3A_2160 : vector<1x512xf32> to vector<26x512xf32>
    %mul3A_2162 = arith.mulf %slice3A_2159, %mul3A_2161 : vector<26x512xf32>
    %add3A_2163 = arith.addf %add3A_2158, %mul3A_2162 : vector<26x512xf32>
    %slice3A_2164 = vector.extract_strided_slice %dot_general3A_2131 {offsets = [156, 0], sizes = [26, 512], strides = [1, 1]} : vector<676x512xf32> to vector<26x512xf32>
    %slice3A_2165 = vector.extract_strided_slice %squeeze3A_1990 {offsets = [6, 0], sizes = [1, 512], strides = [1, 1]} : vector<26x512xf32> to vector<1x512xf32>
    %mul3A_2166 = vector.broadcast %slice3A_2165 : vector<1x512xf32> to vector<26x512xf32>
    %mul3A_2167 = arith.mulf %slice3A_2164, %mul3A_2166 : vector<26x512xf32>
    %add3A_2168 = arith.addf %add3A_2163, %mul3A_2167 : vector<26x512xf32>
    %slice3A_2169 = vector.extract_strided_slice %dot_general3A_2131 {offsets = [182, 0], sizes = [26, 512], strides = [1, 1]} : vector<676x512xf32> to vector<26x512xf32>
    %slice3A_2170 = vector.extract_strided_slice %squeeze3A_1990 {offsets = [7, 0], sizes = [1, 512], strides = [1, 1]} : vector<26x512xf32> to vector<1x512xf32>
    %mul3A_2171 = vector.broadcast %slice3A_2170 : vector<1x512xf32> to vector<26x512xf32>
    %mul3A_2172 = arith.mulf %slice3A_2169, %mul3A_2171 : vector<26x512xf32>
    %add3A_2173 = arith.addf %add3A_2168, %mul3A_2172 : vector<26x512xf32>
    %slice3A_2174 = vector.extract_strided_slice %dot_general3A_2131 {offsets = [208, 0], sizes = [26, 512], strides = [1, 1]} : vector<676x512xf32> to vector<26x512xf32>
    %slice3A_2175 = vector.extract_strided_slice %squeeze3A_1990 {offsets = [8, 0], sizes = [1, 512], strides = [1, 1]} : vector<26x512xf32> to vector<1x512xf32>
    %mul3A_2176 = vector.broadcast %slice3A_2175 : vector<1x512xf32> to vector<26x512xf32>
    %mul3A_2177 = arith.mulf %slice3A_2174, %mul3A_2176 : vector<26x512xf32>
    %add3A_2178 = arith.addf %add3A_2173, %mul3A_2177 : vector<26x512xf32>
    %slice3A_2179 = vector.extract_strided_slice %dot_general3A_2131 {offsets = [234, 0], sizes = [26, 512], strides = [1, 1]} : vector<676x512xf32> to vector<26x512xf32>
    %slice3A_2180 = vector.extract_strided_slice %squeeze3A_1990 {offsets = [9, 0], sizes = [1, 512], strides = [1, 1]} : vector<26x512xf32> to vector<1x512xf32>
    %mul3A_2181 = vector.broadcast %slice3A_2180 : vector<1x512xf32> to vector<26x512xf32>
    %mul3A_2182 = arith.mulf %slice3A_2179, %mul3A_2181 : vector<26x512xf32>
    %add3A_2183 = arith.addf %add3A_2178, %mul3A_2182 : vector<26x512xf32>
    %slice3A_2184 = vector.extract_strided_slice %dot_general3A_2131 {offsets = [260, 0], sizes = [26, 512], strides = [1, 1]} : vector<676x512xf32> to vector<26x512xf32>
    %slice3A_2185 = vector.extract_strided_slice %squeeze3A_1990 {offsets = [10, 0], sizes = [1, 512], strides = [1, 1]} : vector<26x512xf32> to vector<1x512xf32>
    %mul3A_2186 = vector.broadcast %slice3A_2185 : vector<1x512xf32> to vector<26x512xf32>
    %mul3A_2187 = arith.mulf %slice3A_2184, %mul3A_2186 : vector<26x512xf32>
    %add3A_2188 = arith.addf %add3A_2183, %mul3A_2187 : vector<26x512xf32>
    %slice3A_2189 = vector.extract_strided_slice %dot_general3A_2131 {offsets = [286, 0], sizes = [26, 512], strides = [1, 1]} : vector<676x512xf32> to vector<26x512xf32>
    %slice3A_2190 = vector.extract_strided_slice %squeeze3A_1990 {offsets = [11, 0], sizes = [1, 512], strides = [1, 1]} : vector<26x512xf32> to vector<1x512xf32>
    %mul3A_2191 = vector.broadcast %slice3A_2190 : vector<1x512xf32> to vector<26x512xf32>
    %mul3A_2192 = arith.mulf %slice3A_2189, %mul3A_2191 : vector<26x512xf32>
    %add3A_2193 = arith.addf %add3A_2188, %mul3A_2192 : vector<26x512xf32>
    %slice3A_2194 = vector.extract_strided_slice %dot_general3A_2131 {offsets = [312, 0], sizes = [26, 512], strides = [1, 1]} : vector<676x512xf32> to vector<26x512xf32>
    %slice3A_2195 = vector.extract_strided_slice %squeeze3A_1990 {offsets = [12, 0], sizes = [1, 512], strides = [1, 1]} : vector<26x512xf32> to vector<1x512xf32>
    %mul3A_2196 = vector.broadcast %slice3A_2195 : vector<1x512xf32> to vector<26x512xf32>
    %mul3A_2197 = arith.mulf %slice3A_2194, %mul3A_2196 : vector<26x512xf32>
    %add3A_2198 = arith.addf %add3A_2193, %mul3A_2197 : vector<26x512xf32>
    %slice3A_2199 = vector.extract_strided_slice %dot_general3A_2131 {offsets = [338, 0], sizes = [26, 512], strides = [1, 1]} : vector<676x512xf32> to vector<26x512xf32>
    %slice3A_2200 = vector.extract_strided_slice %squeeze3A_1990 {offsets = [13, 0], sizes = [1, 512], strides = [1, 1]} : vector<26x512xf32> to vector<1x512xf32>
    %mul3A_2201 = vector.broadcast %slice3A_2200 : vector<1x512xf32> to vector<26x512xf32>
    %mul3A_2202 = arith.mulf %slice3A_2199, %mul3A_2201 : vector<26x512xf32>
    %add3A_2203 = arith.addf %add3A_2198, %mul3A_2202 : vector<26x512xf32>
    %slice3A_2204 = vector.extract_strided_slice %dot_general3A_2131 {offsets = [364, 0], sizes = [26, 512], strides = [1, 1]} : vector<676x512xf32> to vector<26x512xf32>
    %slice3A_2205 = vector.extract_strided_slice %squeeze3A_1990 {offsets = [14, 0], sizes = [1, 512], strides = [1, 1]} : vector<26x512xf32> to vector<1x512xf32>
    %mul3A_2206 = vector.broadcast %slice3A_2205 : vector<1x512xf32> to vector<26x512xf32>
    %mul3A_2207 = arith.mulf %slice3A_2204, %mul3A_2206 : vector<26x512xf32>
    %add3A_2208 = arith.addf %add3A_2203, %mul3A_2207 : vector<26x512xf32>
    %slice3A_2209 = vector.extract_strided_slice %dot_general3A_2131 {offsets = [390, 0], sizes = [26, 512], strides = [1, 1]} : vector<676x512xf32> to vector<26x512xf32>
    %slice3A_2210 = vector.extract_strided_slice %squeeze3A_1990 {offsets = [15, 0], sizes = [1, 512], strides = [1, 1]} : vector<26x512xf32> to vector<1x512xf32>
    %mul3A_2211 = vector.broadcast %slice3A_2210 : vector<1x512xf32> to vector<26x512xf32>
    %mul3A_2212 = arith.mulf %slice3A_2209, %mul3A_2211 : vector<26x512xf32>
    %add3A_2213 = arith.addf %add3A_2208, %mul3A_2212 : vector<26x512xf32>
    %slice3A_2214 = vector.extract_strided_slice %dot_general3A_2131 {offsets = [416, 0], sizes = [26, 512], strides = [1, 1]} : vector<676x512xf32> to vector<26x512xf32>
    %slice3A_2215 = vector.extract_strided_slice %squeeze3A_1990 {offsets = [16, 0], sizes = [1, 512], strides = [1, 1]} : vector<26x512xf32> to vector<1x512xf32>
    %mul3A_2216 = vector.broadcast %slice3A_2215 : vector<1x512xf32> to vector<26x512xf32>
    %mul3A_2217 = arith.mulf %slice3A_2214, %mul3A_2216 : vector<26x512xf32>
    %add3A_2218 = arith.addf %add3A_2213, %mul3A_2217 : vector<26x512xf32>
    %slice3A_2219 = vector.extract_strided_slice %dot_general3A_2131 {offsets = [442, 0], sizes = [26, 512], strides = [1, 1]} : vector<676x512xf32> to vector<26x512xf32>
    %slice3A_2220 = vector.extract_strided_slice %squeeze3A_1990 {offsets = [17, 0], sizes = [1, 512], strides = [1, 1]} : vector<26x512xf32> to vector<1x512xf32>
    %mul3A_2221 = vector.broadcast %slice3A_2220 : vector<1x512xf32> to vector<26x512xf32>
    %mul3A_2222 = arith.mulf %slice3A_2219, %mul3A_2221 : vector<26x512xf32>
    %add3A_2223 = arith.addf %add3A_2218, %mul3A_2222 : vector<26x512xf32>
    %slice3A_2224 = vector.extract_strided_slice %dot_general3A_2131 {offsets = [468, 0], sizes = [26, 512], strides = [1, 1]} : vector<676x512xf32> to vector<26x512xf32>
    %slice3A_2225 = vector.extract_strided_slice %squeeze3A_1990 {offsets = [18, 0], sizes = [1, 512], strides = [1, 1]} : vector<26x512xf32> to vector<1x512xf32>
    %mul3A_2226 = vector.broadcast %slice3A_2225 : vector<1x512xf32> to vector<26x512xf32>
    %mul3A_2227 = arith.mulf %slice3A_2224, %mul3A_2226 : vector<26x512xf32>
    %add3A_2228 = arith.addf %add3A_2223, %mul3A_2227 : vector<26x512xf32>
    %slice3A_2229 = vector.extract_strided_slice %dot_general3A_2131 {offsets = [494, 0], sizes = [26, 512], strides = [1, 1]} : vector<676x512xf32> to vector<26x512xf32>
    %slice3A_2230 = vector.extract_strided_slice %squeeze3A_1990 {offsets = [19, 0], sizes = [1, 512], strides = [1, 1]} : vector<26x512xf32> to vector<1x512xf32>
    %mul3A_2231 = vector.broadcast %slice3A_2230 : vector<1x512xf32> to vector<26x512xf32>
    %mul3A_2232 = arith.mulf %slice3A_2229, %mul3A_2231 : vector<26x512xf32>
    %add3A_2233 = arith.addf %add3A_2228, %mul3A_2232 : vector<26x512xf32>
    %slice3A_2234 = vector.extract_strided_slice %dot_general3A_2131 {offsets = [520, 0], sizes = [26, 512], strides = [1, 1]} : vector<676x512xf32> to vector<26x512xf32>
    %slice3A_2235 = vector.extract_strided_slice %squeeze3A_1990 {offsets = [20, 0], sizes = [1, 512], strides = [1, 1]} : vector<26x512xf32> to vector<1x512xf32>
    %mul3A_2236 = vector.broadcast %slice3A_2235 : vector<1x512xf32> to vector<26x512xf32>
    %mul3A_2237 = arith.mulf %slice3A_2234, %mul3A_2236 : vector<26x512xf32>
    %add3A_2238 = arith.addf %add3A_2233, %mul3A_2237 : vector<26x512xf32>
    %slice3A_2239 = vector.extract_strided_slice %dot_general3A_2131 {offsets = [546, 0], sizes = [26, 512], strides = [1, 1]} : vector<676x512xf32> to vector<26x512xf32>
    %slice3A_2240 = vector.extract_strided_slice %squeeze3A_1990 {offsets = [21, 0], sizes = [1, 512], strides = [1, 1]} : vector<26x512xf32> to vector<1x512xf32>
    %mul3A_2241 = vector.broadcast %slice3A_2240 : vector<1x512xf32> to vector<26x512xf32>
    %mul3A_2242 = arith.mulf %slice3A_2239, %mul3A_2241 : vector<26x512xf32>
    %add3A_2243 = arith.addf %add3A_2238, %mul3A_2242 : vector<26x512xf32>
    %slice3A_2244 = vector.extract_strided_slice %dot_general3A_2131 {offsets = [572, 0], sizes = [26, 512], strides = [1, 1]} : vector<676x512xf32> to vector<26x512xf32>
    %slice3A_2245 = vector.extract_strided_slice %squeeze3A_1990 {offsets = [22, 0], sizes = [1, 512], strides = [1, 1]} : vector<26x512xf32> to vector<1x512xf32>
    %mul3A_2246 = vector.broadcast %slice3A_2245 : vector<1x512xf32> to vector<26x512xf32>
    %mul3A_2247 = arith.mulf %slice3A_2244, %mul3A_2246 : vector<26x512xf32>
    %add3A_2248 = arith.addf %add3A_2243, %mul3A_2247 : vector<26x512xf32>
    %slice3A_2249 = vector.extract_strided_slice %dot_general3A_2131 {offsets = [598, 0], sizes = [26, 512], strides = [1, 1]} : vector<676x512xf32> to vector<26x512xf32>
    %slice3A_2250 = vector.extract_strided_slice %squeeze3A_1990 {offsets = [23, 0], sizes = [1, 512], strides = [1, 1]} : vector<26x512xf32> to vector<1x512xf32>
    %mul3A_2251 = vector.broadcast %slice3A_2250 : vector<1x512xf32> to vector<26x512xf32>
    %mul3A_2252 = arith.mulf %slice3A_2249, %mul3A_2251 : vector<26x512xf32>
    %add3A_2253 = arith.addf %add3A_2248, %mul3A_2252 : vector<26x512xf32>
    %slice3A_2254 = vector.extract_strided_slice %dot_general3A_2131 {offsets = [624, 0], sizes = [26, 512], strides = [1, 1]} : vector<676x512xf32> to vector<26x512xf32>
    %slice3A_2255 = vector.extract_strided_slice %squeeze3A_1990 {offsets = [24, 0], sizes = [1, 512], strides = [1, 1]} : vector<26x512xf32> to vector<1x512xf32>
    %mul3A_2256 = vector.broadcast %slice3A_2255 : vector<1x512xf32> to vector<26x512xf32>
    %mul3A_2257 = arith.mulf %slice3A_2254, %mul3A_2256 : vector<26x512xf32>
    %add3A_2258 = arith.addf %add3A_2253, %mul3A_2257 : vector<26x512xf32>
    %slice3A_2259 = vector.extract_strided_slice %dot_general3A_2131 {offsets = [650, 0], sizes = [26, 512], strides = [1, 1]} : vector<676x512xf32> to vector<26x512xf32>
    %slice3A_2260 = vector.extract_strided_slice %squeeze3A_1990 {offsets = [25, 0], sizes = [1, 512], strides = [1, 1]} : vector<26x512xf32> to vector<1x512xf32>
    %mul3A_2261 = vector.broadcast %slice3A_2260 : vector<1x512xf32> to vector<26x512xf32>
    %mul3A_2262 = arith.mulf %slice3A_2259, %mul3A_2261 : vector<26x512xf32>
    %add3A_2263 = arith.addf %add3A_2258, %mul3A_2262 : vector<26x512xf32>
    %add3A_2264 = vector.broadcast %get3A_17 : vector<26x1xf32> to vector<26x512xf32>
    %add3A_2265 = arith.addf %add3A_2263, %add3A_2264 : vector<26x512xf32>
    %max3A_2266 = arith.constant 0.000000e+00 : f32
    %max3A_2267 = vector.broadcast %max3A_2266 : f32 to vector<26x512xf32>
    %max3A_2268 = arith.maximumf %add3A_2265, %max3A_2267 : vector<26x512xf32>
    %add3A_2269 = arith.addf %add3A_1987, %max3A_2129 : vector<26x512xf32>
    %add3A_2270 = arith.addf %add3A_1988, %max3A_2268 : vector<26x512xf32>
    %slice3A_2271 = vector.extract_strided_slice %reshape3A {offsets = [0, 8, 0], sizes = [26, 1, 512], strides = [1, 1, 1]} : vector<26x16x512xf32> to vector<26x1x512xf32>
    %squeeze3A_2272 = vector.shape_cast %slice3A_2271 : vector<26x1x512xf32> to vector<26x512xf32>
    %dot_general3A_2273 = arith.constant dense<0.000000e+00> : vector<676x512xf32>
    %dot_general3A_2274 = tpu.matmul %get3A_8, %squeeze3A_2272, %dot_general3A_2273 {dimension_numbers = #tpu.dot_dimension_numbers<[1], [0], [0], [1], [0, 0, 1, 1], [], []>, transpose_lhs_hint = false} : vector<676x26xf32>, vector<26x512xf32>, vector<676x512xf32> -> vector<676x512xf32>
    %broadcast_in_dim3A_2275 = arith.constant 0.000000e+00 : f32
    %broadcast_in_dim3A_2276 = vector.broadcast %broadcast_in_dim3A_2275 : f32 to vector<26x512xf32>
    %slice3A_2277 = vector.extract_strided_slice %dot_general3A_2274 {offsets = [0, 0], sizes = [26, 512], strides = [1, 1]} : vector<676x512xf32> to vector<26x512xf32>
    %slice3A_2278 = vector.extract_strided_slice %squeeze3A_2272 {offsets = [0, 0], sizes = [1, 512], strides = [1, 1]} : vector<26x512xf32> to vector<1x512xf32>
    %mul3A_2279 = vector.broadcast %slice3A_2278 : vector<1x512xf32> to vector<26x512xf32>
    %mul3A_2280 = arith.mulf %slice3A_2277, %mul3A_2279 : vector<26x512xf32>
    %add3A_2281 = arith.addf %broadcast_in_dim3A_2276, %mul3A_2280 : vector<26x512xf32>
    %slice3A_2282 = vector.extract_strided_slice %dot_general3A_2274 {offsets = [26, 0], sizes = [26, 512], strides = [1, 1]} : vector<676x512xf32> to vector<26x512xf32>
    %slice3A_2283 = vector.extract_strided_slice %squeeze3A_2272 {offsets = [1, 0], sizes = [1, 512], strides = [1, 1]} : vector<26x512xf32> to vector<1x512xf32>
    %mul3A_2284 = vector.broadcast %slice3A_2283 : vector<1x512xf32> to vector<26x512xf32>
    %mul3A_2285 = arith.mulf %slice3A_2282, %mul3A_2284 : vector<26x512xf32>
    %add3A_2286 = arith.addf %add3A_2281, %mul3A_2285 : vector<26x512xf32>
    %slice3A_2287 = vector.extract_strided_slice %dot_general3A_2274 {offsets = [52, 0], sizes = [26, 512], strides = [1, 1]} : vector<676x512xf32> to vector<26x512xf32>
    %slice3A_2288 = vector.extract_strided_slice %squeeze3A_2272 {offsets = [2, 0], sizes = [1, 512], strides = [1, 1]} : vector<26x512xf32> to vector<1x512xf32>
    %mul3A_2289 = vector.broadcast %slice3A_2288 : vector<1x512xf32> to vector<26x512xf32>
    %mul3A_2290 = arith.mulf %slice3A_2287, %mul3A_2289 : vector<26x512xf32>
    %add3A_2291 = arith.addf %add3A_2286, %mul3A_2290 : vector<26x512xf32>
    %slice3A_2292 = vector.extract_strided_slice %dot_general3A_2274 {offsets = [78, 0], sizes = [26, 512], strides = [1, 1]} : vector<676x512xf32> to vector<26x512xf32>
    %slice3A_2293 = vector.extract_strided_slice %squeeze3A_2272 {offsets = [3, 0], sizes = [1, 512], strides = [1, 1]} : vector<26x512xf32> to vector<1x512xf32>
    %mul3A_2294 = vector.broadcast %slice3A_2293 : vector<1x512xf32> to vector<26x512xf32>
    %mul3A_2295 = arith.mulf %slice3A_2292, %mul3A_2294 : vector<26x512xf32>
    %add3A_2296 = arith.addf %add3A_2291, %mul3A_2295 : vector<26x512xf32>
    %slice3A_2297 = vector.extract_strided_slice %dot_general3A_2274 {offsets = [104, 0], sizes = [26, 512], strides = [1, 1]} : vector<676x512xf32> to vector<26x512xf32>
    %slice3A_2298 = vector.extract_strided_slice %squeeze3A_2272 {offsets = [4, 0], sizes = [1, 512], strides = [1, 1]} : vector<26x512xf32> to vector<1x512xf32>
    %mul3A_2299 = vector.broadcast %slice3A_2298 : vector<1x512xf32> to vector<26x512xf32>
    %mul3A_2300 = arith.mulf %slice3A_2297, %mul3A_2299 : vector<26x512xf32>
    %add3A_2301 = arith.addf %add3A_2296, %mul3A_2300 : vector<26x512xf32>
    %slice3A_2302 = vector.extract_strided_slice %dot_general3A_2274 {offsets = [130, 0], sizes = [26, 512], strides = [1, 1]} : vector<676x512xf32> to vector<26x512xf32>
    %slice3A_2303 = vector.extract_strided_slice %squeeze3A_2272 {offsets = [5, 0], sizes = [1, 512], strides = [1, 1]} : vector<26x512xf32> to vector<1x512xf32>
    %mul3A_2304 = vector.broadcast %slice3A_2303 : vector<1x512xf32> to vector<26x512xf32>
    %mul3A_2305 = arith.mulf %slice3A_2302, %mul3A_2304 : vector<26x512xf32>
    %add3A_2306 = arith.addf %add3A_2301, %mul3A_2305 : vector<26x512xf32>
    %slice3A_2307 = vector.extract_strided_slice %dot_general3A_2274 {offsets = [156, 0], sizes = [26, 512], strides = [1, 1]} : vector<676x512xf32> to vector<26x512xf32>
    %slice3A_2308 = vector.extract_strided_slice %squeeze3A_2272 {offsets = [6, 0], sizes = [1, 512], strides = [1, 1]} : vector<26x512xf32> to vector<1x512xf32>
    %mul3A_2309 = vector.broadcast %slice3A_2308 : vector<1x512xf32> to vector<26x512xf32>
    %mul3A_2310 = arith.mulf %slice3A_2307, %mul3A_2309 : vector<26x512xf32>
    %add3A_2311 = arith.addf %add3A_2306, %mul3A_2310 : vector<26x512xf32>
    %slice3A_2312 = vector.extract_strided_slice %dot_general3A_2274 {offsets = [182, 0], sizes = [26, 512], strides = [1, 1]} : vector<676x512xf32> to vector<26x512xf32>
    %slice3A_2313 = vector.extract_strided_slice %squeeze3A_2272 {offsets = [7, 0], sizes = [1, 512], strides = [1, 1]} : vector<26x512xf32> to vector<1x512xf32>
    %mul3A_2314 = vector.broadcast %slice3A_2313 : vector<1x512xf32> to vector<26x512xf32>
    %mul3A_2315 = arith.mulf %slice3A_2312, %mul3A_2314 : vector<26x512xf32>
    %add3A_2316 = arith.addf %add3A_2311, %mul3A_2315 : vector<26x512xf32>
    %slice3A_2317 = vector.extract_strided_slice %dot_general3A_2274 {offsets = [208, 0], sizes = [26, 512], strides = [1, 1]} : vector<676x512xf32> to vector<26x512xf32>
    %slice3A_2318 = vector.extract_strided_slice %squeeze3A_2272 {offsets = [8, 0], sizes = [1, 512], strides = [1, 1]} : vector<26x512xf32> to vector<1x512xf32>
    %mul3A_2319 = vector.broadcast %slice3A_2318 : vector<1x512xf32> to vector<26x512xf32>
    %mul3A_2320 = arith.mulf %slice3A_2317, %mul3A_2319 : vector<26x512xf32>
    %add3A_2321 = arith.addf %add3A_2316, %mul3A_2320 : vector<26x512xf32>
    %slice3A_2322 = vector.extract_strided_slice %dot_general3A_2274 {offsets = [234, 0], sizes = [26, 512], strides = [1, 1]} : vector<676x512xf32> to vector<26x512xf32>
    %slice3A_2323 = vector.extract_strided_slice %squeeze3A_2272 {offsets = [9, 0], sizes = [1, 512], strides = [1, 1]} : vector<26x512xf32> to vector<1x512xf32>
    %mul3A_2324 = vector.broadcast %slice3A_2323 : vector<1x512xf32> to vector<26x512xf32>
    %mul3A_2325 = arith.mulf %slice3A_2322, %mul3A_2324 : vector<26x512xf32>
    %add3A_2326 = arith.addf %add3A_2321, %mul3A_2325 : vector<26x512xf32>
    %slice3A_2327 = vector.extract_strided_slice %dot_general3A_2274 {offsets = [260, 0], sizes = [26, 512], strides = [1, 1]} : vector<676x512xf32> to vector<26x512xf32>
    %slice3A_2328 = vector.extract_strided_slice %squeeze3A_2272 {offsets = [10, 0], sizes = [1, 512], strides = [1, 1]} : vector<26x512xf32> to vector<1x512xf32>
    %mul3A_2329 = vector.broadcast %slice3A_2328 : vector<1x512xf32> to vector<26x512xf32>
    %mul3A_2330 = arith.mulf %slice3A_2327, %mul3A_2329 : vector<26x512xf32>
    %add3A_2331 = arith.addf %add3A_2326, %mul3A_2330 : vector<26x512xf32>
    %slice3A_2332 = vector.extract_strided_slice %dot_general3A_2274 {offsets = [286, 0], sizes = [26, 512], strides = [1, 1]} : vector<676x512xf32> to vector<26x512xf32>
    %slice3A_2333 = vector.extract_strided_slice %squeeze3A_2272 {offsets = [11, 0], sizes = [1, 512], strides = [1, 1]} : vector<26x512xf32> to vector<1x512xf32>
    %mul3A_2334 = vector.broadcast %slice3A_2333 : vector<1x512xf32> to vector<26x512xf32>
    %mul3A_2335 = arith.mulf %slice3A_2332, %mul3A_2334 : vector<26x512xf32>
    %add3A_2336 = arith.addf %add3A_2331, %mul3A_2335 : vector<26x512xf32>
    %slice3A_2337 = vector.extract_strided_slice %dot_general3A_2274 {offsets = [312, 0], sizes = [26, 512], strides = [1, 1]} : vector<676x512xf32> to vector<26x512xf32>
    %slice3A_2338 = vector.extract_strided_slice %squeeze3A_2272 {offsets = [12, 0], sizes = [1, 512], strides = [1, 1]} : vector<26x512xf32> to vector<1x512xf32>
    %mul3A_2339 = vector.broadcast %slice3A_2338 : vector<1x512xf32> to vector<26x512xf32>
    %mul3A_2340 = arith.mulf %slice3A_2337, %mul3A_2339 : vector<26x512xf32>
    %add3A_2341 = arith.addf %add3A_2336, %mul3A_2340 : vector<26x512xf32>
    %slice3A_2342 = vector.extract_strided_slice %dot_general3A_2274 {offsets = [338, 0], sizes = [26, 512], strides = [1, 1]} : vector<676x512xf32> to vector<26x512xf32>
    %slice3A_2343 = vector.extract_strided_slice %squeeze3A_2272 {offsets = [13, 0], sizes = [1, 512], strides = [1, 1]} : vector<26x512xf32> to vector<1x512xf32>
    %mul3A_2344 = vector.broadcast %slice3A_2343 : vector<1x512xf32> to vector<26x512xf32>
    %mul3A_2345 = arith.mulf %slice3A_2342, %mul3A_2344 : vector<26x512xf32>
    %add3A_2346 = arith.addf %add3A_2341, %mul3A_2345 : vector<26x512xf32>
    %slice3A_2347 = vector.extract_strided_slice %dot_general3A_2274 {offsets = [364, 0], sizes = [26, 512], strides = [1, 1]} : vector<676x512xf32> to vector<26x512xf32>
    %slice3A_2348 = vector.extract_strided_slice %squeeze3A_2272 {offsets = [14, 0], sizes = [1, 512], strides = [1, 1]} : vector<26x512xf32> to vector<1x512xf32>
    %mul3A_2349 = vector.broadcast %slice3A_2348 : vector<1x512xf32> to vector<26x512xf32>
    %mul3A_2350 = arith.mulf %slice3A_2347, %mul3A_2349 : vector<26x512xf32>
    %add3A_2351 = arith.addf %add3A_2346, %mul3A_2350 : vector<26x512xf32>
    %slice3A_2352 = vector.extract_strided_slice %dot_general3A_2274 {offsets = [390, 0], sizes = [26, 512], strides = [1, 1]} : vector<676x512xf32> to vector<26x512xf32>
    %slice3A_2353 = vector.extract_strided_slice %squeeze3A_2272 {offsets = [15, 0], sizes = [1, 512], strides = [1, 1]} : vector<26x512xf32> to vector<1x512xf32>
    %mul3A_2354 = vector.broadcast %slice3A_2353 : vector<1x512xf32> to vector<26x512xf32>
    %mul3A_2355 = arith.mulf %slice3A_2352, %mul3A_2354 : vector<26x512xf32>
    %add3A_2356 = arith.addf %add3A_2351, %mul3A_2355 : vector<26x512xf32>
    %slice3A_2357 = vector.extract_strided_slice %dot_general3A_2274 {offsets = [416, 0], sizes = [26, 512], strides = [1, 1]} : vector<676x512xf32> to vector<26x512xf32>
    %slice3A_2358 = vector.extract_strided_slice %squeeze3A_2272 {offsets = [16, 0], sizes = [1, 512], strides = [1, 1]} : vector<26x512xf32> to vector<1x512xf32>
    %mul3A_2359 = vector.broadcast %slice3A_2358 : vector<1x512xf32> to vector<26x512xf32>
    %mul3A_2360 = arith.mulf %slice3A_2357, %mul3A_2359 : vector<26x512xf32>
    %add3A_2361 = arith.addf %add3A_2356, %mul3A_2360 : vector<26x512xf32>
    %slice3A_2362 = vector.extract_strided_slice %dot_general3A_2274 {offsets = [442, 0], sizes = [26, 512], strides = [1, 1]} : vector<676x512xf32> to vector<26x512xf32>
    %slice3A_2363 = vector.extract_strided_slice %squeeze3A_2272 {offsets = [17, 0], sizes = [1, 512], strides = [1, 1]} : vector<26x512xf32> to vector<1x512xf32>
    %mul3A_2364 = vector.broadcast %slice3A_2363 : vector<1x512xf32> to vector<26x512xf32>
    %mul3A_2365 = arith.mulf %slice3A_2362, %mul3A_2364 : vector<26x512xf32>
    %add3A_2366 = arith.addf %add3A_2361, %mul3A_2365 : vector<26x512xf32>
    %slice3A_2367 = vector.extract_strided_slice %dot_general3A_2274 {offsets = [468, 0], sizes = [26, 512], strides = [1, 1]} : vector<676x512xf32> to vector<26x512xf32>
    %slice3A_2368 = vector.extract_strided_slice %squeeze3A_2272 {offsets = [18, 0], sizes = [1, 512], strides = [1, 1]} : vector<26x512xf32> to vector<1x512xf32>
    %mul3A_2369 = vector.broadcast %slice3A_2368 : vector<1x512xf32> to vector<26x512xf32>
    %mul3A_2370 = arith.mulf %slice3A_2367, %mul3A_2369 : vector<26x512xf32>
    %add3A_2371 = arith.addf %add3A_2366, %mul3A_2370 : vector<26x512xf32>
    %slice3A_2372 = vector.extract_strided_slice %dot_general3A_2274 {offsets = [494, 0], sizes = [26, 512], strides = [1, 1]} : vector<676x512xf32> to vector<26x512xf32>
    %slice3A_2373 = vector.extract_strided_slice %squeeze3A_2272 {offsets = [19, 0], sizes = [1, 512], strides = [1, 1]} : vector<26x512xf32> to vector<1x512xf32>
    %mul3A_2374 = vector.broadcast %slice3A_2373 : vector<1x512xf32> to vector<26x512xf32>
    %mul3A_2375 = arith.mulf %slice3A_2372, %mul3A_2374 : vector<26x512xf32>
    %add3A_2376 = arith.addf %add3A_2371, %mul3A_2375 : vector<26x512xf32>
    %slice3A_2377 = vector.extract_strided_slice %dot_general3A_2274 {offsets = [520, 0], sizes = [26, 512], strides = [1, 1]} : vector<676x512xf32> to vector<26x512xf32>
    %slice3A_2378 = vector.extract_strided_slice %squeeze3A_2272 {offsets = [20, 0], sizes = [1, 512], strides = [1, 1]} : vector<26x512xf32> to vector<1x512xf32>
    %mul3A_2379 = vector.broadcast %slice3A_2378 : vector<1x512xf32> to vector<26x512xf32>
    %mul3A_2380 = arith.mulf %slice3A_2377, %mul3A_2379 : vector<26x512xf32>
    %add3A_2381 = arith.addf %add3A_2376, %mul3A_2380 : vector<26x512xf32>
    %slice3A_2382 = vector.extract_strided_slice %dot_general3A_2274 {offsets = [546, 0], sizes = [26, 512], strides = [1, 1]} : vector<676x512xf32> to vector<26x512xf32>
    %slice3A_2383 = vector.extract_strided_slice %squeeze3A_2272 {offsets = [21, 0], sizes = [1, 512], strides = [1, 1]} : vector<26x512xf32> to vector<1x512xf32>
    %mul3A_2384 = vector.broadcast %slice3A_2383 : vector<1x512xf32> to vector<26x512xf32>
    %mul3A_2385 = arith.mulf %slice3A_2382, %mul3A_2384 : vector<26x512xf32>
    %add3A_2386 = arith.addf %add3A_2381, %mul3A_2385 : vector<26x512xf32>
    %slice3A_2387 = vector.extract_strided_slice %dot_general3A_2274 {offsets = [572, 0], sizes = [26, 512], strides = [1, 1]} : vector<676x512xf32> to vector<26x512xf32>
    %slice3A_2388 = vector.extract_strided_slice %squeeze3A_2272 {offsets = [22, 0], sizes = [1, 512], strides = [1, 1]} : vector<26x512xf32> to vector<1x512xf32>
    %mul3A_2389 = vector.broadcast %slice3A_2388 : vector<1x512xf32> to vector<26x512xf32>
    %mul3A_2390 = arith.mulf %slice3A_2387, %mul3A_2389 : vector<26x512xf32>
    %add3A_2391 = arith.addf %add3A_2386, %mul3A_2390 : vector<26x512xf32>
    %slice3A_2392 = vector.extract_strided_slice %dot_general3A_2274 {offsets = [598, 0], sizes = [26, 512], strides = [1, 1]} : vector<676x512xf32> to vector<26x512xf32>
    %slice3A_2393 = vector.extract_strided_slice %squeeze3A_2272 {offsets = [23, 0], sizes = [1, 512], strides = [1, 1]} : vector<26x512xf32> to vector<1x512xf32>
    %mul3A_2394 = vector.broadcast %slice3A_2393 : vector<1x512xf32> to vector<26x512xf32>
    %mul3A_2395 = arith.mulf %slice3A_2392, %mul3A_2394 : vector<26x512xf32>
    %add3A_2396 = arith.addf %add3A_2391, %mul3A_2395 : vector<26x512xf32>
    %slice3A_2397 = vector.extract_strided_slice %dot_general3A_2274 {offsets = [624, 0], sizes = [26, 512], strides = [1, 1]} : vector<676x512xf32> to vector<26x512xf32>
    %slice3A_2398 = vector.extract_strided_slice %squeeze3A_2272 {offsets = [24, 0], sizes = [1, 512], strides = [1, 1]} : vector<26x512xf32> to vector<1x512xf32>
    %mul3A_2399 = vector.broadcast %slice3A_2398 : vector<1x512xf32> to vector<26x512xf32>
    %mul3A_2400 = arith.mulf %slice3A_2397, %mul3A_2399 : vector<26x512xf32>
    %add3A_2401 = arith.addf %add3A_2396, %mul3A_2400 : vector<26x512xf32>
    %slice3A_2402 = vector.extract_strided_slice %dot_general3A_2274 {offsets = [650, 0], sizes = [26, 512], strides = [1, 1]} : vector<676x512xf32> to vector<26x512xf32>
    %slice3A_2403 = vector.extract_strided_slice %squeeze3A_2272 {offsets = [25, 0], sizes = [1, 512], strides = [1, 1]} : vector<26x512xf32> to vector<1x512xf32>
    %mul3A_2404 = vector.broadcast %slice3A_2403 : vector<1x512xf32> to vector<26x512xf32>
    %mul3A_2405 = arith.mulf %slice3A_2402, %mul3A_2404 : vector<26x512xf32>
    %add3A_2406 = arith.addf %add3A_2401, %mul3A_2405 : vector<26x512xf32>
    %add3A_2407 = vector.broadcast %get3A_14 : vector<26x1xf32> to vector<26x512xf32>
    %add3A_2408 = arith.addf %add3A_2406, %add3A_2407 : vector<26x512xf32>
    %max3A_2409 = arith.constant 0.000000e+00 : f32
    %max3A_2410 = vector.broadcast %max3A_2409 : f32 to vector<26x512xf32>
    %max3A_2411 = arith.maximumf %add3A_2408, %max3A_2410 : vector<26x512xf32>
    %dot_general3A_2412 = arith.constant dense<0.000000e+00> : vector<676x512xf32>
    %dot_general3A_2413 = tpu.matmul %get3A_11, %max3A_2411, %dot_general3A_2412 {dimension_numbers = #tpu.dot_dimension_numbers<[1], [0], [0], [1], [0, 0, 1, 1], [], []>, transpose_lhs_hint = false} : vector<676x26xf32>, vector<26x512xf32>, vector<676x512xf32> -> vector<676x512xf32>
    %broadcast_in_dim3A_2414 = arith.constant 0.000000e+00 : f32
    %broadcast_in_dim3A_2415 = vector.broadcast %broadcast_in_dim3A_2414 : f32 to vector<26x512xf32>
    %slice3A_2416 = vector.extract_strided_slice %dot_general3A_2413 {offsets = [0, 0], sizes = [26, 512], strides = [1, 1]} : vector<676x512xf32> to vector<26x512xf32>
    %slice3A_2417 = vector.extract_strided_slice %squeeze3A_2272 {offsets = [0, 0], sizes = [1, 512], strides = [1, 1]} : vector<26x512xf32> to vector<1x512xf32>
    %mul3A_2418 = vector.broadcast %slice3A_2417 : vector<1x512xf32> to vector<26x512xf32>
    %mul3A_2419 = arith.mulf %slice3A_2416, %mul3A_2418 : vector<26x512xf32>
    %add3A_2420 = arith.addf %broadcast_in_dim3A_2415, %mul3A_2419 : vector<26x512xf32>
    %slice3A_2421 = vector.extract_strided_slice %dot_general3A_2413 {offsets = [26, 0], sizes = [26, 512], strides = [1, 1]} : vector<676x512xf32> to vector<26x512xf32>
    %slice3A_2422 = vector.extract_strided_slice %squeeze3A_2272 {offsets = [1, 0], sizes = [1, 512], strides = [1, 1]} : vector<26x512xf32> to vector<1x512xf32>
    %mul3A_2423 = vector.broadcast %slice3A_2422 : vector<1x512xf32> to vector<26x512xf32>
    %mul3A_2424 = arith.mulf %slice3A_2421, %mul3A_2423 : vector<26x512xf32>
    %add3A_2425 = arith.addf %add3A_2420, %mul3A_2424 : vector<26x512xf32>
    %slice3A_2426 = vector.extract_strided_slice %dot_general3A_2413 {offsets = [52, 0], sizes = [26, 512], strides = [1, 1]} : vector<676x512xf32> to vector<26x512xf32>
    %slice3A_2427 = vector.extract_strided_slice %squeeze3A_2272 {offsets = [2, 0], sizes = [1, 512], strides = [1, 1]} : vector<26x512xf32> to vector<1x512xf32>
    %mul3A_2428 = vector.broadcast %slice3A_2427 : vector<1x512xf32> to vector<26x512xf32>
    %mul3A_2429 = arith.mulf %slice3A_2426, %mul3A_2428 : vector<26x512xf32>
    %add3A_2430 = arith.addf %add3A_2425, %mul3A_2429 : vector<26x512xf32>
    %slice3A_2431 = vector.extract_strided_slice %dot_general3A_2413 {offsets = [78, 0], sizes = [26, 512], strides = [1, 1]} : vector<676x512xf32> to vector<26x512xf32>
    %slice3A_2432 = vector.extract_strided_slice %squeeze3A_2272 {offsets = [3, 0], sizes = [1, 512], strides = [1, 1]} : vector<26x512xf32> to vector<1x512xf32>
    %mul3A_2433 = vector.broadcast %slice3A_2432 : vector<1x512xf32> to vector<26x512xf32>
    %mul3A_2434 = arith.mulf %slice3A_2431, %mul3A_2433 : vector<26x512xf32>
    %add3A_2435 = arith.addf %add3A_2430, %mul3A_2434 : vector<26x512xf32>
    %slice3A_2436 = vector.extract_strided_slice %dot_general3A_2413 {offsets = [104, 0], sizes = [26, 512], strides = [1, 1]} : vector<676x512xf32> to vector<26x512xf32>
    %slice3A_2437 = vector.extract_strided_slice %squeeze3A_2272 {offsets = [4, 0], sizes = [1, 512], strides = [1, 1]} : vector<26x512xf32> to vector<1x512xf32>
    %mul3A_2438 = vector.broadcast %slice3A_2437 : vector<1x512xf32> to vector<26x512xf32>
    %mul3A_2439 = arith.mulf %slice3A_2436, %mul3A_2438 : vector<26x512xf32>
    %add3A_2440 = arith.addf %add3A_2435, %mul3A_2439 : vector<26x512xf32>
    %slice3A_2441 = vector.extract_strided_slice %dot_general3A_2413 {offsets = [130, 0], sizes = [26, 512], strides = [1, 1]} : vector<676x512xf32> to vector<26x512xf32>
    %slice3A_2442 = vector.extract_strided_slice %squeeze3A_2272 {offsets = [5, 0], sizes = [1, 512], strides = [1, 1]} : vector<26x512xf32> to vector<1x512xf32>
    %mul3A_2443 = vector.broadcast %slice3A_2442 : vector<1x512xf32> to vector<26x512xf32>
    %mul3A_2444 = arith.mulf %slice3A_2441, %mul3A_2443 : vector<26x512xf32>
    %add3A_2445 = arith.addf %add3A_2440, %mul3A_2444 : vector<26x512xf32>
    %slice3A_2446 = vector.extract_strided_slice %dot_general3A_2413 {offsets = [156, 0], sizes = [26, 512], strides = [1, 1]} : vector<676x512xf32> to vector<26x512xf32>
    %slice3A_2447 = vector.extract_strided_slice %squeeze3A_2272 {offsets = [6, 0], sizes = [1, 512], strides = [1, 1]} : vector<26x512xf32> to vector<1x512xf32>
    %mul3A_2448 = vector.broadcast %slice3A_2447 : vector<1x512xf32> to vector<26x512xf32>
    %mul3A_2449 = arith.mulf %slice3A_2446, %mul3A_2448 : vector<26x512xf32>
    %add3A_2450 = arith.addf %add3A_2445, %mul3A_2449 : vector<26x512xf32>
    %slice3A_2451 = vector.extract_strided_slice %dot_general3A_2413 {offsets = [182, 0], sizes = [26, 512], strides = [1, 1]} : vector<676x512xf32> to vector<26x512xf32>
    %slice3A_2452 = vector.extract_strided_slice %squeeze3A_2272 {offsets = [7, 0], sizes = [1, 512], strides = [1, 1]} : vector<26x512xf32> to vector<1x512xf32>
    %mul3A_2453 = vector.broadcast %slice3A_2452 : vector<1x512xf32> to vector<26x512xf32>
    %mul3A_2454 = arith.mulf %slice3A_2451, %mul3A_2453 : vector<26x512xf32>
    %add3A_2455 = arith.addf %add3A_2450, %mul3A_2454 : vector<26x512xf32>
    %slice3A_2456 = vector.extract_strided_slice %dot_general3A_2413 {offsets = [208, 0], sizes = [26, 512], strides = [1, 1]} : vector<676x512xf32> to vector<26x512xf32>
    %slice3A_2457 = vector.extract_strided_slice %squeeze3A_2272 {offsets = [8, 0], sizes = [1, 512], strides = [1, 1]} : vector<26x512xf32> to vector<1x512xf32>
    %mul3A_2458 = vector.broadcast %slice3A_2457 : vector<1x512xf32> to vector<26x512xf32>
    %mul3A_2459 = arith.mulf %slice3A_2456, %mul3A_2458 : vector<26x512xf32>
    %add3A_2460 = arith.addf %add3A_2455, %mul3A_2459 : vector<26x512xf32>
    %slice3A_2461 = vector.extract_strided_slice %dot_general3A_2413 {offsets = [234, 0], sizes = [26, 512], strides = [1, 1]} : vector<676x512xf32> to vector<26x512xf32>
    %slice3A_2462 = vector.extract_strided_slice %squeeze3A_2272 {offsets = [9, 0], sizes = [1, 512], strides = [1, 1]} : vector<26x512xf32> to vector<1x512xf32>
    %mul3A_2463 = vector.broadcast %slice3A_2462 : vector<1x512xf32> to vector<26x512xf32>
    %mul3A_2464 = arith.mulf %slice3A_2461, %mul3A_2463 : vector<26x512xf32>
    %add3A_2465 = arith.addf %add3A_2460, %mul3A_2464 : vector<26x512xf32>
    %slice3A_2466 = vector.extract_strided_slice %dot_general3A_2413 {offsets = [260, 0], sizes = [26, 512], strides = [1, 1]} : vector<676x512xf32> to vector<26x512xf32>
    %slice3A_2467 = vector.extract_strided_slice %squeeze3A_2272 {offsets = [10, 0], sizes = [1, 512], strides = [1, 1]} : vector<26x512xf32> to vector<1x512xf32>
    %mul3A_2468 = vector.broadcast %slice3A_2467 : vector<1x512xf32> to vector<26x512xf32>
    %mul3A_2469 = arith.mulf %slice3A_2466, %mul3A_2468 : vector<26x512xf32>
    %add3A_2470 = arith.addf %add3A_2465, %mul3A_2469 : vector<26x512xf32>
    %slice3A_2471 = vector.extract_strided_slice %dot_general3A_2413 {offsets = [286, 0], sizes = [26, 512], strides = [1, 1]} : vector<676x512xf32> to vector<26x512xf32>
    %slice3A_2472 = vector.extract_strided_slice %squeeze3A_2272 {offsets = [11, 0], sizes = [1, 512], strides = [1, 1]} : vector<26x512xf32> to vector<1x512xf32>
    %mul3A_2473 = vector.broadcast %slice3A_2472 : vector<1x512xf32> to vector<26x512xf32>
    %mul3A_2474 = arith.mulf %slice3A_2471, %mul3A_2473 : vector<26x512xf32>
    %add3A_2475 = arith.addf %add3A_2470, %mul3A_2474 : vector<26x512xf32>
    %slice3A_2476 = vector.extract_strided_slice %dot_general3A_2413 {offsets = [312, 0], sizes = [26, 512], strides = [1, 1]} : vector<676x512xf32> to vector<26x512xf32>
    %slice3A_2477 = vector.extract_strided_slice %squeeze3A_2272 {offsets = [12, 0], sizes = [1, 512], strides = [1, 1]} : vector<26x512xf32> to vector<1x512xf32>
    %mul3A_2478 = vector.broadcast %slice3A_2477 : vector<1x512xf32> to vector<26x512xf32>
    %mul3A_2479 = arith.mulf %slice3A_2476, %mul3A_2478 : vector<26x512xf32>
    %add3A_2480 = arith.addf %add3A_2475, %mul3A_2479 : vector<26x512xf32>
    %slice3A_2481 = vector.extract_strided_slice %dot_general3A_2413 {offsets = [338, 0], sizes = [26, 512], strides = [1, 1]} : vector<676x512xf32> to vector<26x512xf32>
    %slice3A_2482 = vector.extract_strided_slice %squeeze3A_2272 {offsets = [13, 0], sizes = [1, 512], strides = [1, 1]} : vector<26x512xf32> to vector<1x512xf32>
    %mul3A_2483 = vector.broadcast %slice3A_2482 : vector<1x512xf32> to vector<26x512xf32>
    %mul3A_2484 = arith.mulf %slice3A_2481, %mul3A_2483 : vector<26x512xf32>
    %add3A_2485 = arith.addf %add3A_2480, %mul3A_2484 : vector<26x512xf32>
    %slice3A_2486 = vector.extract_strided_slice %dot_general3A_2413 {offsets = [364, 0], sizes = [26, 512], strides = [1, 1]} : vector<676x512xf32> to vector<26x512xf32>
    %slice3A_2487 = vector.extract_strided_slice %squeeze3A_2272 {offsets = [14, 0], sizes = [1, 512], strides = [1, 1]} : vector<26x512xf32> to vector<1x512xf32>
    %mul3A_2488 = vector.broadcast %slice3A_2487 : vector<1x512xf32> to vector<26x512xf32>
    %mul3A_2489 = arith.mulf %slice3A_2486, %mul3A_2488 : vector<26x512xf32>
    %add3A_2490 = arith.addf %add3A_2485, %mul3A_2489 : vector<26x512xf32>
    %slice3A_2491 = vector.extract_strided_slice %dot_general3A_2413 {offsets = [390, 0], sizes = [26, 512], strides = [1, 1]} : vector<676x512xf32> to vector<26x512xf32>
    %slice3A_2492 = vector.extract_strided_slice %squeeze3A_2272 {offsets = [15, 0], sizes = [1, 512], strides = [1, 1]} : vector<26x512xf32> to vector<1x512xf32>
    %mul3A_2493 = vector.broadcast %slice3A_2492 : vector<1x512xf32> to vector<26x512xf32>
    %mul3A_2494 = arith.mulf %slice3A_2491, %mul3A_2493 : vector<26x512xf32>
    %add3A_2495 = arith.addf %add3A_2490, %mul3A_2494 : vector<26x512xf32>
    %slice3A_2496 = vector.extract_strided_slice %dot_general3A_2413 {offsets = [416, 0], sizes = [26, 512], strides = [1, 1]} : vector<676x512xf32> to vector<26x512xf32>
    %slice3A_2497 = vector.extract_strided_slice %squeeze3A_2272 {offsets = [16, 0], sizes = [1, 512], strides = [1, 1]} : vector<26x512xf32> to vector<1x512xf32>
    %mul3A_2498 = vector.broadcast %slice3A_2497 : vector<1x512xf32> to vector<26x512xf32>
    %mul3A_2499 = arith.mulf %slice3A_2496, %mul3A_2498 : vector<26x512xf32>
    %add3A_2500 = arith.addf %add3A_2495, %mul3A_2499 : vector<26x512xf32>
    %slice3A_2501 = vector.extract_strided_slice %dot_general3A_2413 {offsets = [442, 0], sizes = [26, 512], strides = [1, 1]} : vector<676x512xf32> to vector<26x512xf32>
    %slice3A_2502 = vector.extract_strided_slice %squeeze3A_2272 {offsets = [17, 0], sizes = [1, 512], strides = [1, 1]} : vector<26x512xf32> to vector<1x512xf32>
    %mul3A_2503 = vector.broadcast %slice3A_2502 : vector<1x512xf32> to vector<26x512xf32>
    %mul3A_2504 = arith.mulf %slice3A_2501, %mul3A_2503 : vector<26x512xf32>
    %add3A_2505 = arith.addf %add3A_2500, %mul3A_2504 : vector<26x512xf32>
    %slice3A_2506 = vector.extract_strided_slice %dot_general3A_2413 {offsets = [468, 0], sizes = [26, 512], strides = [1, 1]} : vector<676x512xf32> to vector<26x512xf32>
    %slice3A_2507 = vector.extract_strided_slice %squeeze3A_2272 {offsets = [18, 0], sizes = [1, 512], strides = [1, 1]} : vector<26x512xf32> to vector<1x512xf32>
    %mul3A_2508 = vector.broadcast %slice3A_2507 : vector<1x512xf32> to vector<26x512xf32>
    %mul3A_2509 = arith.mulf %slice3A_2506, %mul3A_2508 : vector<26x512xf32>
    %add3A_2510 = arith.addf %add3A_2505, %mul3A_2509 : vector<26x512xf32>
    %slice3A_2511 = vector.extract_strided_slice %dot_general3A_2413 {offsets = [494, 0], sizes = [26, 512], strides = [1, 1]} : vector<676x512xf32> to vector<26x512xf32>
    %slice3A_2512 = vector.extract_strided_slice %squeeze3A_2272 {offsets = [19, 0], sizes = [1, 512], strides = [1, 1]} : vector<26x512xf32> to vector<1x512xf32>
    %mul3A_2513 = vector.broadcast %slice3A_2512 : vector<1x512xf32> to vector<26x512xf32>
    %mul3A_2514 = arith.mulf %slice3A_2511, %mul3A_2513 : vector<26x512xf32>
    %add3A_2515 = arith.addf %add3A_2510, %mul3A_2514 : vector<26x512xf32>
    %slice3A_2516 = vector.extract_strided_slice %dot_general3A_2413 {offsets = [520, 0], sizes = [26, 512], strides = [1, 1]} : vector<676x512xf32> to vector<26x512xf32>
    %slice3A_2517 = vector.extract_strided_slice %squeeze3A_2272 {offsets = [20, 0], sizes = [1, 512], strides = [1, 1]} : vector<26x512xf32> to vector<1x512xf32>
    %mul3A_2518 = vector.broadcast %slice3A_2517 : vector<1x512xf32> to vector<26x512xf32>
    %mul3A_2519 = arith.mulf %slice3A_2516, %mul3A_2518 : vector<26x512xf32>
    %add3A_2520 = arith.addf %add3A_2515, %mul3A_2519 : vector<26x512xf32>
    %slice3A_2521 = vector.extract_strided_slice %dot_general3A_2413 {offsets = [546, 0], sizes = [26, 512], strides = [1, 1]} : vector<676x512xf32> to vector<26x512xf32>
    %slice3A_2522 = vector.extract_strided_slice %squeeze3A_2272 {offsets = [21, 0], sizes = [1, 512], strides = [1, 1]} : vector<26x512xf32> to vector<1x512xf32>
    %mul3A_2523 = vector.broadcast %slice3A_2522 : vector<1x512xf32> to vector<26x512xf32>
    %mul3A_2524 = arith.mulf %slice3A_2521, %mul3A_2523 : vector<26x512xf32>
    %add3A_2525 = arith.addf %add3A_2520, %mul3A_2524 : vector<26x512xf32>
    %slice3A_2526 = vector.extract_strided_slice %dot_general3A_2413 {offsets = [572, 0], sizes = [26, 512], strides = [1, 1]} : vector<676x512xf32> to vector<26x512xf32>
    %slice3A_2527 = vector.extract_strided_slice %squeeze3A_2272 {offsets = [22, 0], sizes = [1, 512], strides = [1, 1]} : vector<26x512xf32> to vector<1x512xf32>
    %mul3A_2528 = vector.broadcast %slice3A_2527 : vector<1x512xf32> to vector<26x512xf32>
    %mul3A_2529 = arith.mulf %slice3A_2526, %mul3A_2528 : vector<26x512xf32>
    %add3A_2530 = arith.addf %add3A_2525, %mul3A_2529 : vector<26x512xf32>
    %slice3A_2531 = vector.extract_strided_slice %dot_general3A_2413 {offsets = [598, 0], sizes = [26, 512], strides = [1, 1]} : vector<676x512xf32> to vector<26x512xf32>
    %slice3A_2532 = vector.extract_strided_slice %squeeze3A_2272 {offsets = [23, 0], sizes = [1, 512], strides = [1, 1]} : vector<26x512xf32> to vector<1x512xf32>
    %mul3A_2533 = vector.broadcast %slice3A_2532 : vector<1x512xf32> to vector<26x512xf32>
    %mul3A_2534 = arith.mulf %slice3A_2531, %mul3A_2533 : vector<26x512xf32>
    %add3A_2535 = arith.addf %add3A_2530, %mul3A_2534 : vector<26x512xf32>
    %slice3A_2536 = vector.extract_strided_slice %dot_general3A_2413 {offsets = [624, 0], sizes = [26, 512], strides = [1, 1]} : vector<676x512xf32> to vector<26x512xf32>
    %slice3A_2537 = vector.extract_strided_slice %squeeze3A_2272 {offsets = [24, 0], sizes = [1, 512], strides = [1, 1]} : vector<26x512xf32> to vector<1x512xf32>
    %mul3A_2538 = vector.broadcast %slice3A_2537 : vector<1x512xf32> to vector<26x512xf32>
    %mul3A_2539 = arith.mulf %slice3A_2536, %mul3A_2538 : vector<26x512xf32>
    %add3A_2540 = arith.addf %add3A_2535, %mul3A_2539 : vector<26x512xf32>
    %slice3A_2541 = vector.extract_strided_slice %dot_general3A_2413 {offsets = [650, 0], sizes = [26, 512], strides = [1, 1]} : vector<676x512xf32> to vector<26x512xf32>
    %slice3A_2542 = vector.extract_strided_slice %squeeze3A_2272 {offsets = [25, 0], sizes = [1, 512], strides = [1, 1]} : vector<26x512xf32> to vector<1x512xf32>
    %mul3A_2543 = vector.broadcast %slice3A_2542 : vector<1x512xf32> to vector<26x512xf32>
    %mul3A_2544 = arith.mulf %slice3A_2541, %mul3A_2543 : vector<26x512xf32>
    %add3A_2545 = arith.addf %add3A_2540, %mul3A_2544 : vector<26x512xf32>
    %add3A_2546 = vector.broadcast %get3A_17 : vector<26x1xf32> to vector<26x512xf32>
    %add3A_2547 = arith.addf %add3A_2545, %add3A_2546 : vector<26x512xf32>
    %max3A_2548 = arith.constant 0.000000e+00 : f32
    %max3A_2549 = vector.broadcast %max3A_2548 : f32 to vector<26x512xf32>
    %max3A_2550 = arith.maximumf %add3A_2547, %max3A_2549 : vector<26x512xf32>
    %add3A_2551 = arith.addf %add3A_2269, %max3A_2411 : vector<26x512xf32>
    %add3A_2552 = arith.addf %add3A_2270, %max3A_2550 : vector<26x512xf32>
    %slice3A_2553 = vector.extract_strided_slice %reshape3A {offsets = [0, 9, 0], sizes = [26, 1, 512], strides = [1, 1, 1]} : vector<26x16x512xf32> to vector<26x1x512xf32>
    %squeeze3A_2554 = vector.shape_cast %slice3A_2553 : vector<26x1x512xf32> to vector<26x512xf32>
    %dot_general3A_2555 = arith.constant dense<0.000000e+00> : vector<676x512xf32>
    %dot_general3A_2556 = tpu.matmul %get3A_8, %squeeze3A_2554, %dot_general3A_2555 {dimension_numbers = #tpu.dot_dimension_numbers<[1], [0], [0], [1], [0, 0, 1, 1], [], []>, transpose_lhs_hint = false} : vector<676x26xf32>, vector<26x512xf32>, vector<676x512xf32> -> vector<676x512xf32>
    %broadcast_in_dim3A_2557 = arith.constant 0.000000e+00 : f32
    %broadcast_in_dim3A_2558 = vector.broadcast %broadcast_in_dim3A_2557 : f32 to vector<26x512xf32>
    %slice3A_2559 = vector.extract_strided_slice %dot_general3A_2556 {offsets = [0, 0], sizes = [26, 512], strides = [1, 1]} : vector<676x512xf32> to vector<26x512xf32>
    %slice3A_2560 = vector.extract_strided_slice %squeeze3A_2554 {offsets = [0, 0], sizes = [1, 512], strides = [1, 1]} : vector<26x512xf32> to vector<1x512xf32>
    %mul3A_2561 = vector.broadcast %slice3A_2560 : vector<1x512xf32> to vector<26x512xf32>
    %mul3A_2562 = arith.mulf %slice3A_2559, %mul3A_2561 : vector<26x512xf32>
    %add3A_2563 = arith.addf %broadcast_in_dim3A_2558, %mul3A_2562 : vector<26x512xf32>
    %slice3A_2564 = vector.extract_strided_slice %dot_general3A_2556 {offsets = [26, 0], sizes = [26, 512], strides = [1, 1]} : vector<676x512xf32> to vector<26x512xf32>
    %slice3A_2565 = vector.extract_strided_slice %squeeze3A_2554 {offsets = [1, 0], sizes = [1, 512], strides = [1, 1]} : vector<26x512xf32> to vector<1x512xf32>
    %mul3A_2566 = vector.broadcast %slice3A_2565 : vector<1x512xf32> to vector<26x512xf32>
    %mul3A_2567 = arith.mulf %slice3A_2564, %mul3A_2566 : vector<26x512xf32>
    %add3A_2568 = arith.addf %add3A_2563, %mul3A_2567 : vector<26x512xf32>
    %slice3A_2569 = vector.extract_strided_slice %dot_general3A_2556 {offsets = [52, 0], sizes = [26, 512], strides = [1, 1]} : vector<676x512xf32> to vector<26x512xf32>
    %slice3A_2570 = vector.extract_strided_slice %squeeze3A_2554 {offsets = [2, 0], sizes = [1, 512], strides = [1, 1]} : vector<26x512xf32> to vector<1x512xf32>
    %mul3A_2571 = vector.broadcast %slice3A_2570 : vector<1x512xf32> to vector<26x512xf32>
    %mul3A_2572 = arith.mulf %slice3A_2569, %mul3A_2571 : vector<26x512xf32>
    %add3A_2573 = arith.addf %add3A_2568, %mul3A_2572 : vector<26x512xf32>
    %slice3A_2574 = vector.extract_strided_slice %dot_general3A_2556 {offsets = [78, 0], sizes = [26, 512], strides = [1, 1]} : vector<676x512xf32> to vector<26x512xf32>
    %slice3A_2575 = vector.extract_strided_slice %squeeze3A_2554 {offsets = [3, 0], sizes = [1, 512], strides = [1, 1]} : vector<26x512xf32> to vector<1x512xf32>
    %mul3A_2576 = vector.broadcast %slice3A_2575 : vector<1x512xf32> to vector<26x512xf32>
    %mul3A_2577 = arith.mulf %slice3A_2574, %mul3A_2576 : vector<26x512xf32>
    %add3A_2578 = arith.addf %add3A_2573, %mul3A_2577 : vector<26x512xf32>
    %slice3A_2579 = vector.extract_strided_slice %dot_general3A_2556 {offsets = [104, 0], sizes = [26, 512], strides = [1, 1]} : vector<676x512xf32> to vector<26x512xf32>
    %slice3A_2580 = vector.extract_strided_slice %squeeze3A_2554 {offsets = [4, 0], sizes = [1, 512], strides = [1, 1]} : vector<26x512xf32> to vector<1x512xf32>
    %mul3A_2581 = vector.broadcast %slice3A_2580 : vector<1x512xf32> to vector<26x512xf32>
    %mul3A_2582 = arith.mulf %slice3A_2579, %mul3A_2581 : vector<26x512xf32>
    %add3A_2583 = arith.addf %add3A_2578, %mul3A_2582 : vector<26x512xf32>
    %slice3A_2584 = vector.extract_strided_slice %dot_general3A_2556 {offsets = [130, 0], sizes = [26, 512], strides = [1, 1]} : vector<676x512xf32> to vector<26x512xf32>
    %slice3A_2585 = vector.extract_strided_slice %squeeze3A_2554 {offsets = [5, 0], sizes = [1, 512], strides = [1, 1]} : vector<26x512xf32> to vector<1x512xf32>
    %mul3A_2586 = vector.broadcast %slice3A_2585 : vector<1x512xf32> to vector<26x512xf32>
    %mul3A_2587 = arith.mulf %slice3A_2584, %mul3A_2586 : vector<26x512xf32>
    %add3A_2588 = arith.addf %add3A_2583, %mul3A_2587 : vector<26x512xf32>
    %slice3A_2589 = vector.extract_strided_slice %dot_general3A_2556 {offsets = [156, 0], sizes = [26, 512], strides = [1, 1]} : vector<676x512xf32> to vector<26x512xf32>
    %slice3A_2590 = vector.extract_strided_slice %squeeze3A_2554 {offsets = [6, 0], sizes = [1, 512], strides = [1, 1]} : vector<26x512xf32> to vector<1x512xf32>
    %mul3A_2591 = vector.broadcast %slice3A_2590 : vector<1x512xf32> to vector<26x512xf32>
    %mul3A_2592 = arith.mulf %slice3A_2589, %mul3A_2591 : vector<26x512xf32>
    %add3A_2593 = arith.addf %add3A_2588, %mul3A_2592 : vector<26x512xf32>
    %slice3A_2594 = vector.extract_strided_slice %dot_general3A_2556 {offsets = [182, 0], sizes = [26, 512], strides = [1, 1]} : vector<676x512xf32> to vector<26x512xf32>
    %slice3A_2595 = vector.extract_strided_slice %squeeze3A_2554 {offsets = [7, 0], sizes = [1, 512], strides = [1, 1]} : vector<26x512xf32> to vector<1x512xf32>
    %mul3A_2596 = vector.broadcast %slice3A_2595 : vector<1x512xf32> to vector<26x512xf32>
    %mul3A_2597 = arith.mulf %slice3A_2594, %mul3A_2596 : vector<26x512xf32>
    %add3A_2598 = arith.addf %add3A_2593, %mul3A_2597 : vector<26x512xf32>
    %slice3A_2599 = vector.extract_strided_slice %dot_general3A_2556 {offsets = [208, 0], sizes = [26, 512], strides = [1, 1]} : vector<676x512xf32> to vector<26x512xf32>
    %slice3A_2600 = vector.extract_strided_slice %squeeze3A_2554 {offsets = [8, 0], sizes = [1, 512], strides = [1, 1]} : vector<26x512xf32> to vector<1x512xf32>
    %mul3A_2601 = vector.broadcast %slice3A_2600 : vector<1x512xf32> to vector<26x512xf32>
    %mul3A_2602 = arith.mulf %slice3A_2599, %mul3A_2601 : vector<26x512xf32>
    %add3A_2603 = arith.addf %add3A_2598, %mul3A_2602 : vector<26x512xf32>
    %slice3A_2604 = vector.extract_strided_slice %dot_general3A_2556 {offsets = [234, 0], sizes = [26, 512], strides = [1, 1]} : vector<676x512xf32> to vector<26x512xf32>
    %slice3A_2605 = vector.extract_strided_slice %squeeze3A_2554 {offsets = [9, 0], sizes = [1, 512], strides = [1, 1]} : vector<26x512xf32> to vector<1x512xf32>
    %mul3A_2606 = vector.broadcast %slice3A_2605 : vector<1x512xf32> to vector<26x512xf32>
    %mul3A_2607 = arith.mulf %slice3A_2604, %mul3A_2606 : vector<26x512xf32>
    %add3A_2608 = arith.addf %add3A_2603, %mul3A_2607 : vector<26x512xf32>
    %slice3A_2609 = vector.extract_strided_slice %dot_general3A_2556 {offsets = [260, 0], sizes = [26, 512], strides = [1, 1]} : vector<676x512xf32> to vector<26x512xf32>
    %slice3A_2610 = vector.extract_strided_slice %squeeze3A_2554 {offsets = [10, 0], sizes = [1, 512], strides = [1, 1]} : vector<26x512xf32> to vector<1x512xf32>
    %mul3A_2611 = vector.broadcast %slice3A_2610 : vector<1x512xf32> to vector<26x512xf32>
    %mul3A_2612 = arith.mulf %slice3A_2609, %mul3A_2611 : vector<26x512xf32>
    %add3A_2613 = arith.addf %add3A_2608, %mul3A_2612 : vector<26x512xf32>
    %slice3A_2614 = vector.extract_strided_slice %dot_general3A_2556 {offsets = [286, 0], sizes = [26, 512], strides = [1, 1]} : vector<676x512xf32> to vector<26x512xf32>
    %slice3A_2615 = vector.extract_strided_slice %squeeze3A_2554 {offsets = [11, 0], sizes = [1, 512], strides = [1, 1]} : vector<26x512xf32> to vector<1x512xf32>
    %mul3A_2616 = vector.broadcast %slice3A_2615 : vector<1x512xf32> to vector<26x512xf32>
    %mul3A_2617 = arith.mulf %slice3A_2614, %mul3A_2616 : vector<26x512xf32>
    %add3A_2618 = arith.addf %add3A_2613, %mul3A_2617 : vector<26x512xf32>
    %slice3A_2619 = vector.extract_strided_slice %dot_general3A_2556 {offsets = [312, 0], sizes = [26, 512], strides = [1, 1]} : vector<676x512xf32> to vector<26x512xf32>
    %slice3A_2620 = vector.extract_strided_slice %squeeze3A_2554 {offsets = [12, 0], sizes = [1, 512], strides = [1, 1]} : vector<26x512xf32> to vector<1x512xf32>
    %mul3A_2621 = vector.broadcast %slice3A_2620 : vector<1x512xf32> to vector<26x512xf32>
    %mul3A_2622 = arith.mulf %slice3A_2619, %mul3A_2621 : vector<26x512xf32>
    %add3A_2623 = arith.addf %add3A_2618, %mul3A_2622 : vector<26x512xf32>
    %slice3A_2624 = vector.extract_strided_slice %dot_general3A_2556 {offsets = [338, 0], sizes = [26, 512], strides = [1, 1]} : vector<676x512xf32> to vector<26x512xf32>
    %slice3A_2625 = vector.extract_strided_slice %squeeze3A_2554 {offsets = [13, 0], sizes = [1, 512], strides = [1, 1]} : vector<26x512xf32> to vector<1x512xf32>
    %mul3A_2626 = vector.broadcast %slice3A_2625 : vector<1x512xf32> to vector<26x512xf32>
    %mul3A_2627 = arith.mulf %slice3A_2624, %mul3A_2626 : vector<26x512xf32>
    %add3A_2628 = arith.addf %add3A_2623, %mul3A_2627 : vector<26x512xf32>
    %slice3A_2629 = vector.extract_strided_slice %dot_general3A_2556 {offsets = [364, 0], sizes = [26, 512], strides = [1, 1]} : vector<676x512xf32> to vector<26x512xf32>
    %slice3A_2630 = vector.extract_strided_slice %squeeze3A_2554 {offsets = [14, 0], sizes = [1, 512], strides = [1, 1]} : vector<26x512xf32> to vector<1x512xf32>
    %mul3A_2631 = vector.broadcast %slice3A_2630 : vector<1x512xf32> to vector<26x512xf32>
    %mul3A_2632 = arith.mulf %slice3A_2629, %mul3A_2631 : vector<26x512xf32>
    %add3A_2633 = arith.addf %add3A_2628, %mul3A_2632 : vector<26x512xf32>
    %slice3A_2634 = vector.extract_strided_slice %dot_general3A_2556 {offsets = [390, 0], sizes = [26, 512], strides = [1, 1]} : vector<676x512xf32> to vector<26x512xf32>
    %slice3A_2635 = vector.extract_strided_slice %squeeze3A_2554 {offsets = [15, 0], sizes = [1, 512], strides = [1, 1]} : vector<26x512xf32> to vector<1x512xf32>
    %mul3A_2636 = vector.broadcast %slice3A_2635 : vector<1x512xf32> to vector<26x512xf32>
    %mul3A_2637 = arith.mulf %slice3A_2634, %mul3A_2636 : vector<26x512xf32>
    %add3A_2638 = arith.addf %add3A_2633, %mul3A_2637 : vector<26x512xf32>
    %slice3A_2639 = vector.extract_strided_slice %dot_general3A_2556 {offsets = [416, 0], sizes = [26, 512], strides = [1, 1]} : vector<676x512xf32> to vector<26x512xf32>
    %slice3A_2640 = vector.extract_strided_slice %squeeze3A_2554 {offsets = [16, 0], sizes = [1, 512], strides = [1, 1]} : vector<26x512xf32> to vector<1x512xf32>
    %mul3A_2641 = vector.broadcast %slice3A_2640 : vector<1x512xf32> to vector<26x512xf32>
    %mul3A_2642 = arith.mulf %slice3A_2639, %mul3A_2641 : vector<26x512xf32>
    %add3A_2643 = arith.addf %add3A_2638, %mul3A_2642 : vector<26x512xf32>
    %slice3A_2644 = vector.extract_strided_slice %dot_general3A_2556 {offsets = [442, 0], sizes = [26, 512], strides = [1, 1]} : vector<676x512xf32> to vector<26x512xf32>
    %slice3A_2645 = vector.extract_strided_slice %squeeze3A_2554 {offsets = [17, 0], sizes = [1, 512], strides = [1, 1]} : vector<26x512xf32> to vector<1x512xf32>
    %mul3A_2646 = vector.broadcast %slice3A_2645 : vector<1x512xf32> to vector<26x512xf32>
    %mul3A_2647 = arith.mulf %slice3A_2644, %mul3A_2646 : vector<26x512xf32>
    %add3A_2648 = arith.addf %add3A_2643, %mul3A_2647 : vector<26x512xf32>
    %slice3A_2649 = vector.extract_strided_slice %dot_general3A_2556 {offsets = [468, 0], sizes = [26, 512], strides = [1, 1]} : vector<676x512xf32> to vector<26x512xf32>
    %slice3A_2650 = vector.extract_strided_slice %squeeze3A_2554 {offsets = [18, 0], sizes = [1, 512], strides = [1, 1]} : vector<26x512xf32> to vector<1x512xf32>
    %mul3A_2651 = vector.broadcast %slice3A_2650 : vector<1x512xf32> to vector<26x512xf32>
    %mul3A_2652 = arith.mulf %slice3A_2649, %mul3A_2651 : vector<26x512xf32>
    %add3A_2653 = arith.addf %add3A_2648, %mul3A_2652 : vector<26x512xf32>
    %slice3A_2654 = vector.extract_strided_slice %dot_general3A_2556 {offsets = [494, 0], sizes = [26, 512], strides = [1, 1]} : vector<676x512xf32> to vector<26x512xf32>
    %slice3A_2655 = vector.extract_strided_slice %squeeze3A_2554 {offsets = [19, 0], sizes = [1, 512], strides = [1, 1]} : vector<26x512xf32> to vector<1x512xf32>
    %mul3A_2656 = vector.broadcast %slice3A_2655 : vector<1x512xf32> to vector<26x512xf32>
    %mul3A_2657 = arith.mulf %slice3A_2654, %mul3A_2656 : vector<26x512xf32>
    %add3A_2658 = arith.addf %add3A_2653, %mul3A_2657 : vector<26x512xf32>
    %slice3A_2659 = vector.extract_strided_slice %dot_general3A_2556 {offsets = [520, 0], sizes = [26, 512], strides = [1, 1]} : vector<676x512xf32> to vector<26x512xf32>
    %slice3A_2660 = vector.extract_strided_slice %squeeze3A_2554 {offsets = [20, 0], sizes = [1, 512], strides = [1, 1]} : vector<26x512xf32> to vector<1x512xf32>
    %mul3A_2661 = vector.broadcast %slice3A_2660 : vector<1x512xf32> to vector<26x512xf32>
    %mul3A_2662 = arith.mulf %slice3A_2659, %mul3A_2661 : vector<26x512xf32>
    %add3A_2663 = arith.addf %add3A_2658, %mul3A_2662 : vector<26x512xf32>
    %slice3A_2664 = vector.extract_strided_slice %dot_general3A_2556 {offsets = [546, 0], sizes = [26, 512], strides = [1, 1]} : vector<676x512xf32> to vector<26x512xf32>
    %slice3A_2665 = vector.extract_strided_slice %squeeze3A_2554 {offsets = [21, 0], sizes = [1, 512], strides = [1, 1]} : vector<26x512xf32> to vector<1x512xf32>
    %mul3A_2666 = vector.broadcast %slice3A_2665 : vector<1x512xf32> to vector<26x512xf32>
    %mul3A_2667 = arith.mulf %slice3A_2664, %mul3A_2666 : vector<26x512xf32>
    %add3A_2668 = arith.addf %add3A_2663, %mul3A_2667 : vector<26x512xf32>
    %slice3A_2669 = vector.extract_strided_slice %dot_general3A_2556 {offsets = [572, 0], sizes = [26, 512], strides = [1, 1]} : vector<676x512xf32> to vector<26x512xf32>
    %slice3A_2670 = vector.extract_strided_slice %squeeze3A_2554 {offsets = [22, 0], sizes = [1, 512], strides = [1, 1]} : vector<26x512xf32> to vector<1x512xf32>
    %mul3A_2671 = vector.broadcast %slice3A_2670 : vector<1x512xf32> to vector<26x512xf32>
    %mul3A_2672 = arith.mulf %slice3A_2669, %mul3A_2671 : vector<26x512xf32>
    %add3A_2673 = arith.addf %add3A_2668, %mul3A_2672 : vector<26x512xf32>
    %slice3A_2674 = vector.extract_strided_slice %dot_general3A_2556 {offsets = [598, 0], sizes = [26, 512], strides = [1, 1]} : vector<676x512xf32> to vector<26x512xf32>
    %slice3A_2675 = vector.extract_strided_slice %squeeze3A_2554 {offsets = [23, 0], sizes = [1, 512], strides = [1, 1]} : vector<26x512xf32> to vector<1x512xf32>
    %mul3A_2676 = vector.broadcast %slice3A_2675 : vector<1x512xf32> to vector<26x512xf32>
    %mul3A_2677 = arith.mulf %slice3A_2674, %mul3A_2676 : vector<26x512xf32>
    %add3A_2678 = arith.addf %add3A_2673, %mul3A_2677 : vector<26x512xf32>
    %slice3A_2679 = vector.extract_strided_slice %dot_general3A_2556 {offsets = [624, 0], sizes = [26, 512], strides = [1, 1]} : vector<676x512xf32> to vector<26x512xf32>
    %slice3A_2680 = vector.extract_strided_slice %squeeze3A_2554 {offsets = [24, 0], sizes = [1, 512], strides = [1, 1]} : vector<26x512xf32> to vector<1x512xf32>
    %mul3A_2681 = vector.broadcast %slice3A_2680 : vector<1x512xf32> to vector<26x512xf32>
    %mul3A_2682 = arith.mulf %slice3A_2679, %mul3A_2681 : vector<26x512xf32>
    %add3A_2683 = arith.addf %add3A_2678, %mul3A_2682 : vector<26x512xf32>
    %slice3A_2684 = vector.extract_strided_slice %dot_general3A_2556 {offsets = [650, 0], sizes = [26, 512], strides = [1, 1]} : vector<676x512xf32> to vector<26x512xf32>
    %slice3A_2685 = vector.extract_strided_slice %squeeze3A_2554 {offsets = [25, 0], sizes = [1, 512], strides = [1, 1]} : vector<26x512xf32> to vector<1x512xf32>
    %mul3A_2686 = vector.broadcast %slice3A_2685 : vector<1x512xf32> to vector<26x512xf32>
    %mul3A_2687 = arith.mulf %slice3A_2684, %mul3A_2686 : vector<26x512xf32>
    %add3A_2688 = arith.addf %add3A_2683, %mul3A_2687 : vector<26x512xf32>
    %add3A_2689 = vector.broadcast %get3A_14 : vector<26x1xf32> to vector<26x512xf32>
    %add3A_2690 = arith.addf %add3A_2688, %add3A_2689 : vector<26x512xf32>
    %max3A_2691 = arith.constant 0.000000e+00 : f32
    %max3A_2692 = vector.broadcast %max3A_2691 : f32 to vector<26x512xf32>
    %max3A_2693 = arith.maximumf %add3A_2690, %max3A_2692 : vector<26x512xf32>
    %dot_general3A_2694 = arith.constant dense<0.000000e+00> : vector<676x512xf32>
    %dot_general3A_2695 = tpu.matmul %get3A_11, %max3A_2693, %dot_general3A_2694 {dimension_numbers = #tpu.dot_dimension_numbers<[1], [0], [0], [1], [0, 0, 1, 1], [], []>, transpose_lhs_hint = false} : vector<676x26xf32>, vector<26x512xf32>, vector<676x512xf32> -> vector<676x512xf32>
    %broadcast_in_dim3A_2696 = arith.constant 0.000000e+00 : f32
    %broadcast_in_dim3A_2697 = vector.broadcast %broadcast_in_dim3A_2696 : f32 to vector<26x512xf32>
    %slice3A_2698 = vector.extract_strided_slice %dot_general3A_2695 {offsets = [0, 0], sizes = [26, 512], strides = [1, 1]} : vector<676x512xf32> to vector<26x512xf32>
    %slice3A_2699 = vector.extract_strided_slice %squeeze3A_2554 {offsets = [0, 0], sizes = [1, 512], strides = [1, 1]} : vector<26x512xf32> to vector<1x512xf32>
    %mul3A_2700 = vector.broadcast %slice3A_2699 : vector<1x512xf32> to vector<26x512xf32>
    %mul3A_2701 = arith.mulf %slice3A_2698, %mul3A_2700 : vector<26x512xf32>
    %add3A_2702 = arith.addf %broadcast_in_dim3A_2697, %mul3A_2701 : vector<26x512xf32>
    %slice3A_2703 = vector.extract_strided_slice %dot_general3A_2695 {offsets = [26, 0], sizes = [26, 512], strides = [1, 1]} : vector<676x512xf32> to vector<26x512xf32>
    %slice3A_2704 = vector.extract_strided_slice %squeeze3A_2554 {offsets = [1, 0], sizes = [1, 512], strides = [1, 1]} : vector<26x512xf32> to vector<1x512xf32>
    %mul3A_2705 = vector.broadcast %slice3A_2704 : vector<1x512xf32> to vector<26x512xf32>
    %mul3A_2706 = arith.mulf %slice3A_2703, %mul3A_2705 : vector<26x512xf32>
    %add3A_2707 = arith.addf %add3A_2702, %mul3A_2706 : vector<26x512xf32>
    %slice3A_2708 = vector.extract_strided_slice %dot_general3A_2695 {offsets = [52, 0], sizes = [26, 512], strides = [1, 1]} : vector<676x512xf32> to vector<26x512xf32>
    %slice3A_2709 = vector.extract_strided_slice %squeeze3A_2554 {offsets = [2, 0], sizes = [1, 512], strides = [1, 1]} : vector<26x512xf32> to vector<1x512xf32>
    %mul3A_2710 = vector.broadcast %slice3A_2709 : vector<1x512xf32> to vector<26x512xf32>
    %mul3A_2711 = arith.mulf %slice3A_2708, %mul3A_2710 : vector<26x512xf32>
    %add3A_2712 = arith.addf %add3A_2707, %mul3A_2711 : vector<26x512xf32>
    %slice3A_2713 = vector.extract_strided_slice %dot_general3A_2695 {offsets = [78, 0], sizes = [26, 512], strides = [1, 1]} : vector<676x512xf32> to vector<26x512xf32>
    %slice3A_2714 = vector.extract_strided_slice %squeeze3A_2554 {offsets = [3, 0], sizes = [1, 512], strides = [1, 1]} : vector<26x512xf32> to vector<1x512xf32>
    %mul3A_2715 = vector.broadcast %slice3A_2714 : vector<1x512xf32> to vector<26x512xf32>
    %mul3A_2716 = arith.mulf %slice3A_2713, %mul3A_2715 : vector<26x512xf32>
    %add3A_2717 = arith.addf %add3A_2712, %mul3A_2716 : vector<26x512xf32>
    %slice3A_2718 = vector.extract_strided_slice %dot_general3A_2695 {offsets = [104, 0], sizes = [26, 512], strides = [1, 1]} : vector<676x512xf32> to vector<26x512xf32>
    %slice3A_2719 = vector.extract_strided_slice %squeeze3A_2554 {offsets = [4, 0], sizes = [1, 512], strides = [1, 1]} : vector<26x512xf32> to vector<1x512xf32>
    %mul3A_2720 = vector.broadcast %slice3A_2719 : vector<1x512xf32> to vector<26x512xf32>
    %mul3A_2721 = arith.mulf %slice3A_2718, %mul3A_2720 : vector<26x512xf32>
    %add3A_2722 = arith.addf %add3A_2717, %mul3A_2721 : vector<26x512xf32>
    %slice3A_2723 = vector.extract_strided_slice %dot_general3A_2695 {offsets = [130, 0], sizes = [26, 512], strides = [1, 1]} : vector<676x512xf32> to vector<26x512xf32>
    %slice3A_2724 = vector.extract_strided_slice %squeeze3A_2554 {offsets = [5, 0], sizes = [1, 512], strides = [1, 1]} : vector<26x512xf32> to vector<1x512xf32>
    %mul3A_2725 = vector.broadcast %slice3A_2724 : vector<1x512xf32> to vector<26x512xf32>
    %mul3A_2726 = arith.mulf %slice3A_2723, %mul3A_2725 : vector<26x512xf32>
    %add3A_2727 = arith.addf %add3A_2722, %mul3A_2726 : vector<26x512xf32>
    %slice3A_2728 = vector.extract_strided_slice %dot_general3A_2695 {offsets = [156, 0], sizes = [26, 512], strides = [1, 1]} : vector<676x512xf32> to vector<26x512xf32>
    %slice3A_2729 = vector.extract_strided_slice %squeeze3A_2554 {offsets = [6, 0], sizes = [1, 512], strides = [1, 1]} : vector<26x512xf32> to vector<1x512xf32>
    %mul3A_2730 = vector.broadcast %slice3A_2729 : vector<1x512xf32> to vector<26x512xf32>
    %mul3A_2731 = arith.mulf %slice3A_2728, %mul3A_2730 : vector<26x512xf32>
    %add3A_2732 = arith.addf %add3A_2727, %mul3A_2731 : vector<26x512xf32>
    %slice3A_2733 = vector.extract_strided_slice %dot_general3A_2695 {offsets = [182, 0], sizes = [26, 512], strides = [1, 1]} : vector<676x512xf32> to vector<26x512xf32>
    %slice3A_2734 = vector.extract_strided_slice %squeeze3A_2554 {offsets = [7, 0], sizes = [1, 512], strides = [1, 1]} : vector<26x512xf32> to vector<1x512xf32>
    %mul3A_2735 = vector.broadcast %slice3A_2734 : vector<1x512xf32> to vector<26x512xf32>
    %mul3A_2736 = arith.mulf %slice3A_2733, %mul3A_2735 : vector<26x512xf32>
    %add3A_2737 = arith.addf %add3A_2732, %mul3A_2736 : vector<26x512xf32>
    %slice3A_2738 = vector.extract_strided_slice %dot_general3A_2695 {offsets = [208, 0], sizes = [26, 512], strides = [1, 1]} : vector<676x512xf32> to vector<26x512xf32>
    %slice3A_2739 = vector.extract_strided_slice %squeeze3A_2554 {offsets = [8, 0], sizes = [1, 512], strides = [1, 1]} : vector<26x512xf32> to vector<1x512xf32>
    %mul3A_2740 = vector.broadcast %slice3A_2739 : vector<1x512xf32> to vector<26x512xf32>
    %mul3A_2741 = arith.mulf %slice3A_2738, %mul3A_2740 : vector<26x512xf32>
    %add3A_2742 = arith.addf %add3A_2737, %mul3A_2741 : vector<26x512xf32>
    %slice3A_2743 = vector.extract_strided_slice %dot_general3A_2695 {offsets = [234, 0], sizes = [26, 512], strides = [1, 1]} : vector<676x512xf32> to vector<26x512xf32>
    %slice3A_2744 = vector.extract_strided_slice %squeeze3A_2554 {offsets = [9, 0], sizes = [1, 512], strides = [1, 1]} : vector<26x512xf32> to vector<1x512xf32>
    %mul3A_2745 = vector.broadcast %slice3A_2744 : vector<1x512xf32> to vector<26x512xf32>
    %mul3A_2746 = arith.mulf %slice3A_2743, %mul3A_2745 : vector<26x512xf32>
    %add3A_2747 = arith.addf %add3A_2742, %mul3A_2746 : vector<26x512xf32>
    %slice3A_2748 = vector.extract_strided_slice %dot_general3A_2695 {offsets = [260, 0], sizes = [26, 512], strides = [1, 1]} : vector<676x512xf32> to vector<26x512xf32>
    %slice3A_2749 = vector.extract_strided_slice %squeeze3A_2554 {offsets = [10, 0], sizes = [1, 512], strides = [1, 1]} : vector<26x512xf32> to vector<1x512xf32>
    %mul3A_2750 = vector.broadcast %slice3A_2749 : vector<1x512xf32> to vector<26x512xf32>
    %mul3A_2751 = arith.mulf %slice3A_2748, %mul3A_2750 : vector<26x512xf32>
    %add3A_2752 = arith.addf %add3A_2747, %mul3A_2751 : vector<26x512xf32>
    %slice3A_2753 = vector.extract_strided_slice %dot_general3A_2695 {offsets = [286, 0], sizes = [26, 512], strides = [1, 1]} : vector<676x512xf32> to vector<26x512xf32>
    %slice3A_2754 = vector.extract_strided_slice %squeeze3A_2554 {offsets = [11, 0], sizes = [1, 512], strides = [1, 1]} : vector<26x512xf32> to vector<1x512xf32>
    %mul3A_2755 = vector.broadcast %slice3A_2754 : vector<1x512xf32> to vector<26x512xf32>
    %mul3A_2756 = arith.mulf %slice3A_2753, %mul3A_2755 : vector<26x512xf32>
    %add3A_2757 = arith.addf %add3A_2752, %mul3A_2756 : vector<26x512xf32>
    %slice3A_2758 = vector.extract_strided_slice %dot_general3A_2695 {offsets = [312, 0], sizes = [26, 512], strides = [1, 1]} : vector<676x512xf32> to vector<26x512xf32>
    %slice3A_2759 = vector.extract_strided_slice %squeeze3A_2554 {offsets = [12, 0], sizes = [1, 512], strides = [1, 1]} : vector<26x512xf32> to vector<1x512xf32>
    %mul3A_2760 = vector.broadcast %slice3A_2759 : vector<1x512xf32> to vector<26x512xf32>
    %mul3A_2761 = arith.mulf %slice3A_2758, %mul3A_2760 : vector<26x512xf32>
    %add3A_2762 = arith.addf %add3A_2757, %mul3A_2761 : vector<26x512xf32>
    %slice3A_2763 = vector.extract_strided_slice %dot_general3A_2695 {offsets = [338, 0], sizes = [26, 512], strides = [1, 1]} : vector<676x512xf32> to vector<26x512xf32>
    %slice3A_2764 = vector.extract_strided_slice %squeeze3A_2554 {offsets = [13, 0], sizes = [1, 512], strides = [1, 1]} : vector<26x512xf32> to vector<1x512xf32>
    %mul3A_2765 = vector.broadcast %slice3A_2764 : vector<1x512xf32> to vector<26x512xf32>
    %mul3A_2766 = arith.mulf %slice3A_2763, %mul3A_2765 : vector<26x512xf32>
    %add3A_2767 = arith.addf %add3A_2762, %mul3A_2766 : vector<26x512xf32>
    %slice3A_2768 = vector.extract_strided_slice %dot_general3A_2695 {offsets = [364, 0], sizes = [26, 512], strides = [1, 1]} : vector<676x512xf32> to vector<26x512xf32>
    %slice3A_2769 = vector.extract_strided_slice %squeeze3A_2554 {offsets = [14, 0], sizes = [1, 512], strides = [1, 1]} : vector<26x512xf32> to vector<1x512xf32>
    %mul3A_2770 = vector.broadcast %slice3A_2769 : vector<1x512xf32> to vector<26x512xf32>
    %mul3A_2771 = arith.mulf %slice3A_2768, %mul3A_2770 : vector<26x512xf32>
    %add3A_2772 = arith.addf %add3A_2767, %mul3A_2771 : vector<26x512xf32>
    %slice3A_2773 = vector.extract_strided_slice %dot_general3A_2695 {offsets = [390, 0], sizes = [26, 512], strides = [1, 1]} : vector<676x512xf32> to vector<26x512xf32>
    %slice3A_2774 = vector.extract_strided_slice %squeeze3A_2554 {offsets = [15, 0], sizes = [1, 512], strides = [1, 1]} : vector<26x512xf32> to vector<1x512xf32>
    %mul3A_2775 = vector.broadcast %slice3A_2774 : vector<1x512xf32> to vector<26x512xf32>
    %mul3A_2776 = arith.mulf %slice3A_2773, %mul3A_2775 : vector<26x512xf32>
    %add3A_2777 = arith.addf %add3A_2772, %mul3A_2776 : vector<26x512xf32>
    %slice3A_2778 = vector.extract_strided_slice %dot_general3A_2695 {offsets = [416, 0], sizes = [26, 512], strides = [1, 1]} : vector<676x512xf32> to vector<26x512xf32>
    %slice3A_2779 = vector.extract_strided_slice %squeeze3A_2554 {offsets = [16, 0], sizes = [1, 512], strides = [1, 1]} : vector<26x512xf32> to vector<1x512xf32>
    %mul3A_2780 = vector.broadcast %slice3A_2779 : vector<1x512xf32> to vector<26x512xf32>
    %mul3A_2781 = arith.mulf %slice3A_2778, %mul3A_2780 : vector<26x512xf32>
    %add3A_2782 = arith.addf %add3A_2777, %mul3A_2781 : vector<26x512xf32>
    %slice3A_2783 = vector.extract_strided_slice %dot_general3A_2695 {offsets = [442, 0], sizes = [26, 512], strides = [1, 1]} : vector<676x512xf32> to vector<26x512xf32>
    %slice3A_2784 = vector.extract_strided_slice %squeeze3A_2554 {offsets = [17, 0], sizes = [1, 512], strides = [1, 1]} : vector<26x512xf32> to vector<1x512xf32>
    %mul3A_2785 = vector.broadcast %slice3A_2784 : vector<1x512xf32> to vector<26x512xf32>
    %mul3A_2786 = arith.mulf %slice3A_2783, %mul3A_2785 : vector<26x512xf32>
    %add3A_2787 = arith.addf %add3A_2782, %mul3A_2786 : vector<26x512xf32>
    %slice3A_2788 = vector.extract_strided_slice %dot_general3A_2695 {offsets = [468, 0], sizes = [26, 512], strides = [1, 1]} : vector<676x512xf32> to vector<26x512xf32>
    %slice3A_2789 = vector.extract_strided_slice %squeeze3A_2554 {offsets = [18, 0], sizes = [1, 512], strides = [1, 1]} : vector<26x512xf32> to vector<1x512xf32>
    %mul3A_2790 = vector.broadcast %slice3A_2789 : vector<1x512xf32> to vector<26x512xf32>
    %mul3A_2791 = arith.mulf %slice3A_2788, %mul3A_2790 : vector<26x512xf32>
    %add3A_2792 = arith.addf %add3A_2787, %mul3A_2791 : vector<26x512xf32>
    %slice3A_2793 = vector.extract_strided_slice %dot_general3A_2695 {offsets = [494, 0], sizes = [26, 512], strides = [1, 1]} : vector<676x512xf32> to vector<26x512xf32>
    %slice3A_2794 = vector.extract_strided_slice %squeeze3A_2554 {offsets = [19, 0], sizes = [1, 512], strides = [1, 1]} : vector<26x512xf32> to vector<1x512xf32>
    %mul3A_2795 = vector.broadcast %slice3A_2794 : vector<1x512xf32> to vector<26x512xf32>
    %mul3A_2796 = arith.mulf %slice3A_2793, %mul3A_2795 : vector<26x512xf32>
    %add3A_2797 = arith.addf %add3A_2792, %mul3A_2796 : vector<26x512xf32>
    %slice3A_2798 = vector.extract_strided_slice %dot_general3A_2695 {offsets = [520, 0], sizes = [26, 512], strides = [1, 1]} : vector<676x512xf32> to vector<26x512xf32>
    %slice3A_2799 = vector.extract_strided_slice %squeeze3A_2554 {offsets = [20, 0], sizes = [1, 512], strides = [1, 1]} : vector<26x512xf32> to vector<1x512xf32>
    %mul3A_2800 = vector.broadcast %slice3A_2799 : vector<1x512xf32> to vector<26x512xf32>
    %mul3A_2801 = arith.mulf %slice3A_2798, %mul3A_2800 : vector<26x512xf32>
    %add3A_2802 = arith.addf %add3A_2797, %mul3A_2801 : vector<26x512xf32>
    %slice3A_2803 = vector.extract_strided_slice %dot_general3A_2695 {offsets = [546, 0], sizes = [26, 512], strides = [1, 1]} : vector<676x512xf32> to vector<26x512xf32>
    %slice3A_2804 = vector.extract_strided_slice %squeeze3A_2554 {offsets = [21, 0], sizes = [1, 512], strides = [1, 1]} : vector<26x512xf32> to vector<1x512xf32>
    %mul3A_2805 = vector.broadcast %slice3A_2804 : vector<1x512xf32> to vector<26x512xf32>
    %mul3A_2806 = arith.mulf %slice3A_2803, %mul3A_2805 : vector<26x512xf32>
    %add3A_2807 = arith.addf %add3A_2802, %mul3A_2806 : vector<26x512xf32>
    %slice3A_2808 = vector.extract_strided_slice %dot_general3A_2695 {offsets = [572, 0], sizes = [26, 512], strides = [1, 1]} : vector<676x512xf32> to vector<26x512xf32>
    %slice3A_2809 = vector.extract_strided_slice %squeeze3A_2554 {offsets = [22, 0], sizes = [1, 512], strides = [1, 1]} : vector<26x512xf32> to vector<1x512xf32>
    %mul3A_2810 = vector.broadcast %slice3A_2809 : vector<1x512xf32> to vector<26x512xf32>
    %mul3A_2811 = arith.mulf %slice3A_2808, %mul3A_2810 : vector<26x512xf32>
    %add3A_2812 = arith.addf %add3A_2807, %mul3A_2811 : vector<26x512xf32>
    %slice3A_2813 = vector.extract_strided_slice %dot_general3A_2695 {offsets = [598, 0], sizes = [26, 512], strides = [1, 1]} : vector<676x512xf32> to vector<26x512xf32>
    %slice3A_2814 = vector.extract_strided_slice %squeeze3A_2554 {offsets = [23, 0], sizes = [1, 512], strides = [1, 1]} : vector<26x512xf32> to vector<1x512xf32>
    %mul3A_2815 = vector.broadcast %slice3A_2814 : vector<1x512xf32> to vector<26x512xf32>
    %mul3A_2816 = arith.mulf %slice3A_2813, %mul3A_2815 : vector<26x512xf32>
    %add3A_2817 = arith.addf %add3A_2812, %mul3A_2816 : vector<26x512xf32>
    %slice3A_2818 = vector.extract_strided_slice %dot_general3A_2695 {offsets = [624, 0], sizes = [26, 512], strides = [1, 1]} : vector<676x512xf32> to vector<26x512xf32>
    %slice3A_2819 = vector.extract_strided_slice %squeeze3A_2554 {offsets = [24, 0], sizes = [1, 512], strides = [1, 1]} : vector<26x512xf32> to vector<1x512xf32>
    %mul3A_2820 = vector.broadcast %slice3A_2819 : vector<1x512xf32> to vector<26x512xf32>
    %mul3A_2821 = arith.mulf %slice3A_2818, %mul3A_2820 : vector<26x512xf32>
    %add3A_2822 = arith.addf %add3A_2817, %mul3A_2821 : vector<26x512xf32>
    %slice3A_2823 = vector.extract_strided_slice %dot_general3A_2695 {offsets = [650, 0], sizes = [26, 512], strides = [1, 1]} : vector<676x512xf32> to vector<26x512xf32>
    %slice3A_2824 = vector.extract_strided_slice %squeeze3A_2554 {offsets = [25, 0], sizes = [1, 512], strides = [1, 1]} : vector<26x512xf32> to vector<1x512xf32>
    %mul3A_2825 = vector.broadcast %slice3A_2824 : vector<1x512xf32> to vector<26x512xf32>
    %mul3A_2826 = arith.mulf %slice3A_2823, %mul3A_2825 : vector<26x512xf32>
    %add3A_2827 = arith.addf %add3A_2822, %mul3A_2826 : vector<26x512xf32>
    %add3A_2828 = vector.broadcast %get3A_17 : vector<26x1xf32> to vector<26x512xf32>
    %add3A_2829 = arith.addf %add3A_2827, %add3A_2828 : vector<26x512xf32>
    %max3A_2830 = arith.constant 0.000000e+00 : f32
    %max3A_2831 = vector.broadcast %max3A_2830 : f32 to vector<26x512xf32>
    %max3A_2832 = arith.maximumf %add3A_2829, %max3A_2831 : vector<26x512xf32>
    %add3A_2833 = arith.addf %add3A_2551, %max3A_2693 : vector<26x512xf32>
    %add3A_2834 = arith.addf %add3A_2552, %max3A_2832 : vector<26x512xf32>
    %slice3A_2835 = vector.extract_strided_slice %reshape3A {offsets = [0, 10, 0], sizes = [26, 1, 512], strides = [1, 1, 1]} : vector<26x16x512xf32> to vector<26x1x512xf32>
    %squeeze3A_2836 = vector.shape_cast %slice3A_2835 : vector<26x1x512xf32> to vector<26x512xf32>
    %dot_general3A_2837 = arith.constant dense<0.000000e+00> : vector<676x512xf32>
    %dot_general3A_2838 = tpu.matmul %get3A_8, %squeeze3A_2836, %dot_general3A_2837 {dimension_numbers = #tpu.dot_dimension_numbers<[1], [0], [0], [1], [0, 0, 1, 1], [], []>, transpose_lhs_hint = false} : vector<676x26xf32>, vector<26x512xf32>, vector<676x512xf32> -> vector<676x512xf32>
    %broadcast_in_dim3A_2839 = arith.constant 0.000000e+00 : f32
    %broadcast_in_dim3A_2840 = vector.broadcast %broadcast_in_dim3A_2839 : f32 to vector<26x512xf32>
    %slice3A_2841 = vector.extract_strided_slice %dot_general3A_2838 {offsets = [0, 0], sizes = [26, 512], strides = [1, 1]} : vector<676x512xf32> to vector<26x512xf32>
    %slice3A_2842 = vector.extract_strided_slice %squeeze3A_2836 {offsets = [0, 0], sizes = [1, 512], strides = [1, 1]} : vector<26x512xf32> to vector<1x512xf32>
    %mul3A_2843 = vector.broadcast %slice3A_2842 : vector<1x512xf32> to vector<26x512xf32>
    %mul3A_2844 = arith.mulf %slice3A_2841, %mul3A_2843 : vector<26x512xf32>
    %add3A_2845 = arith.addf %broadcast_in_dim3A_2840, %mul3A_2844 : vector<26x512xf32>
    %slice3A_2846 = vector.extract_strided_slice %dot_general3A_2838 {offsets = [26, 0], sizes = [26, 512], strides = [1, 1]} : vector<676x512xf32> to vector<26x512xf32>
    %slice3A_2847 = vector.extract_strided_slice %squeeze3A_2836 {offsets = [1, 0], sizes = [1, 512], strides = [1, 1]} : vector<26x512xf32> to vector<1x512xf32>
    %mul3A_2848 = vector.broadcast %slice3A_2847 : vector<1x512xf32> to vector<26x512xf32>
    %mul3A_2849 = arith.mulf %slice3A_2846, %mul3A_2848 : vector<26x512xf32>
    %add3A_2850 = arith.addf %add3A_2845, %mul3A_2849 : vector<26x512xf32>
    %slice3A_2851 = vector.extract_strided_slice %dot_general3A_2838 {offsets = [52, 0], sizes = [26, 512], strides = [1, 1]} : vector<676x512xf32> to vector<26x512xf32>
    %slice3A_2852 = vector.extract_strided_slice %squeeze3A_2836 {offsets = [2, 0], sizes = [1, 512], strides = [1, 1]} : vector<26x512xf32> to vector<1x512xf32>
    %mul3A_2853 = vector.broadcast %slice3A_2852 : vector<1x512xf32> to vector<26x512xf32>
    %mul3A_2854 = arith.mulf %slice3A_2851, %mul3A_2853 : vector<26x512xf32>
    %add3A_2855 = arith.addf %add3A_2850, %mul3A_2854 : vector<26x512xf32>
    %slice3A_2856 = vector.extract_strided_slice %dot_general3A_2838 {offsets = [78, 0], sizes = [26, 512], strides = [1, 1]} : vector<676x512xf32> to vector<26x512xf32>
    %slice3A_2857 = vector.extract_strided_slice %squeeze3A_2836 {offsets = [3, 0], sizes = [1, 512], strides = [1, 1]} : vector<26x512xf32> to vector<1x512xf32>
    %mul3A_2858 = vector.broadcast %slice3A_2857 : vector<1x512xf32> to vector<26x512xf32>
    %mul3A_2859 = arith.mulf %slice3A_2856, %mul3A_2858 : vector<26x512xf32>
    %add3A_2860 = arith.addf %add3A_2855, %mul3A_2859 : vector<26x512xf32>
    %slice3A_2861 = vector.extract_strided_slice %dot_general3A_2838 {offsets = [104, 0], sizes = [26, 512], strides = [1, 1]} : vector<676x512xf32> to vector<26x512xf32>
    %slice3A_2862 = vector.extract_strided_slice %squeeze3A_2836 {offsets = [4, 0], sizes = [1, 512], strides = [1, 1]} : vector<26x512xf32> to vector<1x512xf32>
    %mul3A_2863 = vector.broadcast %slice3A_2862 : vector<1x512xf32> to vector<26x512xf32>
    %mul3A_2864 = arith.mulf %slice3A_2861, %mul3A_2863 : vector<26x512xf32>
    %add3A_2865 = arith.addf %add3A_2860, %mul3A_2864 : vector<26x512xf32>
    %slice3A_2866 = vector.extract_strided_slice %dot_general3A_2838 {offsets = [130, 0], sizes = [26, 512], strides = [1, 1]} : vector<676x512xf32> to vector<26x512xf32>
    %slice3A_2867 = vector.extract_strided_slice %squeeze3A_2836 {offsets = [5, 0], sizes = [1, 512], strides = [1, 1]} : vector<26x512xf32> to vector<1x512xf32>
    %mul3A_2868 = vector.broadcast %slice3A_2867 : vector<1x512xf32> to vector<26x512xf32>
    %mul3A_2869 = arith.mulf %slice3A_2866, %mul3A_2868 : vector<26x512xf32>
    %add3A_2870 = arith.addf %add3A_2865, %mul3A_2869 : vector<26x512xf32>
    %slice3A_2871 = vector.extract_strided_slice %dot_general3A_2838 {offsets = [156, 0], sizes = [26, 512], strides = [1, 1]} : vector<676x512xf32> to vector<26x512xf32>
    %slice3A_2872 = vector.extract_strided_slice %squeeze3A_2836 {offsets = [6, 0], sizes = [1, 512], strides = [1, 1]} : vector<26x512xf32> to vector<1x512xf32>
    %mul3A_2873 = vector.broadcast %slice3A_2872 : vector<1x512xf32> to vector<26x512xf32>
    %mul3A_2874 = arith.mulf %slice3A_2871, %mul3A_2873 : vector<26x512xf32>
    %add3A_2875 = arith.addf %add3A_2870, %mul3A_2874 : vector<26x512xf32>
    %slice3A_2876 = vector.extract_strided_slice %dot_general3A_2838 {offsets = [182, 0], sizes = [26, 512], strides = [1, 1]} : vector<676x512xf32> to vector<26x512xf32>
    %slice3A_2877 = vector.extract_strided_slice %squeeze3A_2836 {offsets = [7, 0], sizes = [1, 512], strides = [1, 1]} : vector<26x512xf32> to vector<1x512xf32>
    %mul3A_2878 = vector.broadcast %slice3A_2877 : vector<1x512xf32> to vector<26x512xf32>
    %mul3A_2879 = arith.mulf %slice3A_2876, %mul3A_2878 : vector<26x512xf32>
    %add3A_2880 = arith.addf %add3A_2875, %mul3A_2879 : vector<26x512xf32>
    %slice3A_2881 = vector.extract_strided_slice %dot_general3A_2838 {offsets = [208, 0], sizes = [26, 512], strides = [1, 1]} : vector<676x512xf32> to vector<26x512xf32>
    %slice3A_2882 = vector.extract_strided_slice %squeeze3A_2836 {offsets = [8, 0], sizes = [1, 512], strides = [1, 1]} : vector<26x512xf32> to vector<1x512xf32>
    %mul3A_2883 = vector.broadcast %slice3A_2882 : vector<1x512xf32> to vector<26x512xf32>
    %mul3A_2884 = arith.mulf %slice3A_2881, %mul3A_2883 : vector<26x512xf32>
    %add3A_2885 = arith.addf %add3A_2880, %mul3A_2884 : vector<26x512xf32>
    %slice3A_2886 = vector.extract_strided_slice %dot_general3A_2838 {offsets = [234, 0], sizes = [26, 512], strides = [1, 1]} : vector<676x512xf32> to vector<26x512xf32>
    %slice3A_2887 = vector.extract_strided_slice %squeeze3A_2836 {offsets = [9, 0], sizes = [1, 512], strides = [1, 1]} : vector<26x512xf32> to vector<1x512xf32>
    %mul3A_2888 = vector.broadcast %slice3A_2887 : vector<1x512xf32> to vector<26x512xf32>
    %mul3A_2889 = arith.mulf %slice3A_2886, %mul3A_2888 : vector<26x512xf32>
    %add3A_2890 = arith.addf %add3A_2885, %mul3A_2889 : vector<26x512xf32>
    %slice3A_2891 = vector.extract_strided_slice %dot_general3A_2838 {offsets = [260, 0], sizes = [26, 512], strides = [1, 1]} : vector<676x512xf32> to vector<26x512xf32>
    %slice3A_2892 = vector.extract_strided_slice %squeeze3A_2836 {offsets = [10, 0], sizes = [1, 512], strides = [1, 1]} : vector<26x512xf32> to vector<1x512xf32>
    %mul3A_2893 = vector.broadcast %slice3A_2892 : vector<1x512xf32> to vector<26x512xf32>
    %mul3A_2894 = arith.mulf %slice3A_2891, %mul3A_2893 : vector<26x512xf32>
    %add3A_2895 = arith.addf %add3A_2890, %mul3A_2894 : vector<26x512xf32>
    %slice3A_2896 = vector.extract_strided_slice %dot_general3A_2838 {offsets = [286, 0], sizes = [26, 512], strides = [1, 1]} : vector<676x512xf32> to vector<26x512xf32>
    %slice3A_2897 = vector.extract_strided_slice %squeeze3A_2836 {offsets = [11, 0], sizes = [1, 512], strides = [1, 1]} : vector<26x512xf32> to vector<1x512xf32>
    %mul3A_2898 = vector.broadcast %slice3A_2897 : vector<1x512xf32> to vector<26x512xf32>
    %mul3A_2899 = arith.mulf %slice3A_2896, %mul3A_2898 : vector<26x512xf32>
    %add3A_2900 = arith.addf %add3A_2895, %mul3A_2899 : vector<26x512xf32>
    %slice3A_2901 = vector.extract_strided_slice %dot_general3A_2838 {offsets = [312, 0], sizes = [26, 512], strides = [1, 1]} : vector<676x512xf32> to vector<26x512xf32>
    %slice3A_2902 = vector.extract_strided_slice %squeeze3A_2836 {offsets = [12, 0], sizes = [1, 512], strides = [1, 1]} : vector<26x512xf32> to vector<1x512xf32>
    %mul3A_2903 = vector.broadcast %slice3A_2902 : vector<1x512xf32> to vector<26x512xf32>
    %mul3A_2904 = arith.mulf %slice3A_2901, %mul3A_2903 : vector<26x512xf32>
    %add3A_2905 = arith.addf %add3A_2900, %mul3A_2904 : vector<26x512xf32>
    %slice3A_2906 = vector.extract_strided_slice %dot_general3A_2838 {offsets = [338, 0], sizes = [26, 512], strides = [1, 1]} : vector<676x512xf32> to vector<26x512xf32>
    %slice3A_2907 = vector.extract_strided_slice %squeeze3A_2836 {offsets = [13, 0], sizes = [1, 512], strides = [1, 1]} : vector<26x512xf32> to vector<1x512xf32>
    %mul3A_2908 = vector.broadcast %slice3A_2907 : vector<1x512xf32> to vector<26x512xf32>
    %mul3A_2909 = arith.mulf %slice3A_2906, %mul3A_2908 : vector<26x512xf32>
    %add3A_2910 = arith.addf %add3A_2905, %mul3A_2909 : vector<26x512xf32>
    %slice3A_2911 = vector.extract_strided_slice %dot_general3A_2838 {offsets = [364, 0], sizes = [26, 512], strides = [1, 1]} : vector<676x512xf32> to vector<26x512xf32>
    %slice3A_2912 = vector.extract_strided_slice %squeeze3A_2836 {offsets = [14, 0], sizes = [1, 512], strides = [1, 1]} : vector<26x512xf32> to vector<1x512xf32>
    %mul3A_2913 = vector.broadcast %slice3A_2912 : vector<1x512xf32> to vector<26x512xf32>
    %mul3A_2914 = arith.mulf %slice3A_2911, %mul3A_2913 : vector<26x512xf32>
    %add3A_2915 = arith.addf %add3A_2910, %mul3A_2914 : vector<26x512xf32>
    %slice3A_2916 = vector.extract_strided_slice %dot_general3A_2838 {offsets = [390, 0], sizes = [26, 512], strides = [1, 1]} : vector<676x512xf32> to vector<26x512xf32>
    %slice3A_2917 = vector.extract_strided_slice %squeeze3A_2836 {offsets = [15, 0], sizes = [1, 512], strides = [1, 1]} : vector<26x512xf32> to vector<1x512xf32>
    %mul3A_2918 = vector.broadcast %slice3A_2917 : vector<1x512xf32> to vector<26x512xf32>
    %mul3A_2919 = arith.mulf %slice3A_2916, %mul3A_2918 : vector<26x512xf32>
    %add3A_2920 = arith.addf %add3A_2915, %mul3A_2919 : vector<26x512xf32>
    %slice3A_2921 = vector.extract_strided_slice %dot_general3A_2838 {offsets = [416, 0], sizes = [26, 512], strides = [1, 1]} : vector<676x512xf32> to vector<26x512xf32>
    %slice3A_2922 = vector.extract_strided_slice %squeeze3A_2836 {offsets = [16, 0], sizes = [1, 512], strides = [1, 1]} : vector<26x512xf32> to vector<1x512xf32>
    %mul3A_2923 = vector.broadcast %slice3A_2922 : vector<1x512xf32> to vector<26x512xf32>
    %mul3A_2924 = arith.mulf %slice3A_2921, %mul3A_2923 : vector<26x512xf32>
    %add3A_2925 = arith.addf %add3A_2920, %mul3A_2924 : vector<26x512xf32>
    %slice3A_2926 = vector.extract_strided_slice %dot_general3A_2838 {offsets = [442, 0], sizes = [26, 512], strides = [1, 1]} : vector<676x512xf32> to vector<26x512xf32>
    %slice3A_2927 = vector.extract_strided_slice %squeeze3A_2836 {offsets = [17, 0], sizes = [1, 512], strides = [1, 1]} : vector<26x512xf32> to vector<1x512xf32>
    %mul3A_2928 = vector.broadcast %slice3A_2927 : vector<1x512xf32> to vector<26x512xf32>
    %mul3A_2929 = arith.mulf %slice3A_2926, %mul3A_2928 : vector<26x512xf32>
    %add3A_2930 = arith.addf %add3A_2925, %mul3A_2929 : vector<26x512xf32>
    %slice3A_2931 = vector.extract_strided_slice %dot_general3A_2838 {offsets = [468, 0], sizes = [26, 512], strides = [1, 1]} : vector<676x512xf32> to vector<26x512xf32>
    %slice3A_2932 = vector.extract_strided_slice %squeeze3A_2836 {offsets = [18, 0], sizes = [1, 512], strides = [1, 1]} : vector<26x512xf32> to vector<1x512xf32>
    %mul3A_2933 = vector.broadcast %slice3A_2932 : vector<1x512xf32> to vector<26x512xf32>
    %mul3A_2934 = arith.mulf %slice3A_2931, %mul3A_2933 : vector<26x512xf32>
    %add3A_2935 = arith.addf %add3A_2930, %mul3A_2934 : vector<26x512xf32>
    %slice3A_2936 = vector.extract_strided_slice %dot_general3A_2838 {offsets = [494, 0], sizes = [26, 512], strides = [1, 1]} : vector<676x512xf32> to vector<26x512xf32>
    %slice3A_2937 = vector.extract_strided_slice %squeeze3A_2836 {offsets = [19, 0], sizes = [1, 512], strides = [1, 1]} : vector<26x512xf32> to vector<1x512xf32>
    %mul3A_2938 = vector.broadcast %slice3A_2937 : vector<1x512xf32> to vector<26x512xf32>
    %mul3A_2939 = arith.mulf %slice3A_2936, %mul3A_2938 : vector<26x512xf32>
    %add3A_2940 = arith.addf %add3A_2935, %mul3A_2939 : vector<26x512xf32>
    %slice3A_2941 = vector.extract_strided_slice %dot_general3A_2838 {offsets = [520, 0], sizes = [26, 512], strides = [1, 1]} : vector<676x512xf32> to vector<26x512xf32>
    %slice3A_2942 = vector.extract_strided_slice %squeeze3A_2836 {offsets = [20, 0], sizes = [1, 512], strides = [1, 1]} : vector<26x512xf32> to vector<1x512xf32>
    %mul3A_2943 = vector.broadcast %slice3A_2942 : vector<1x512xf32> to vector<26x512xf32>
    %mul3A_2944 = arith.mulf %slice3A_2941, %mul3A_2943 : vector<26x512xf32>
    %add3A_2945 = arith.addf %add3A_2940, %mul3A_2944 : vector<26x512xf32>
    %slice3A_2946 = vector.extract_strided_slice %dot_general3A_2838 {offsets = [546, 0], sizes = [26, 512], strides = [1, 1]} : vector<676x512xf32> to vector<26x512xf32>
    %slice3A_2947 = vector.extract_strided_slice %squeeze3A_2836 {offsets = [21, 0], sizes = [1, 512], strides = [1, 1]} : vector<26x512xf32> to vector<1x512xf32>
    %mul3A_2948 = vector.broadcast %slice3A_2947 : vector<1x512xf32> to vector<26x512xf32>
    %mul3A_2949 = arith.mulf %slice3A_2946, %mul3A_2948 : vector<26x512xf32>
    %add3A_2950 = arith.addf %add3A_2945, %mul3A_2949 : vector<26x512xf32>
    %slice3A_2951 = vector.extract_strided_slice %dot_general3A_2838 {offsets = [572, 0], sizes = [26, 512], strides = [1, 1]} : vector<676x512xf32> to vector<26x512xf32>
    %slice3A_2952 = vector.extract_strided_slice %squeeze3A_2836 {offsets = [22, 0], sizes = [1, 512], strides = [1, 1]} : vector<26x512xf32> to vector<1x512xf32>
    %mul3A_2953 = vector.broadcast %slice3A_2952 : vector<1x512xf32> to vector<26x512xf32>
    %mul3A_2954 = arith.mulf %slice3A_2951, %mul3A_2953 : vector<26x512xf32>
    %add3A_2955 = arith.addf %add3A_2950, %mul3A_2954 : vector<26x512xf32>
    %slice3A_2956 = vector.extract_strided_slice %dot_general3A_2838 {offsets = [598, 0], sizes = [26, 512], strides = [1, 1]} : vector<676x512xf32> to vector<26x512xf32>
    %slice3A_2957 = vector.extract_strided_slice %squeeze3A_2836 {offsets = [23, 0], sizes = [1, 512], strides = [1, 1]} : vector<26x512xf32> to vector<1x512xf32>
    %mul3A_2958 = vector.broadcast %slice3A_2957 : vector<1x512xf32> to vector<26x512xf32>
    %mul3A_2959 = arith.mulf %slice3A_2956, %mul3A_2958 : vector<26x512xf32>
    %add3A_2960 = arith.addf %add3A_2955, %mul3A_2959 : vector<26x512xf32>
    %slice3A_2961 = vector.extract_strided_slice %dot_general3A_2838 {offsets = [624, 0], sizes = [26, 512], strides = [1, 1]} : vector<676x512xf32> to vector<26x512xf32>
    %slice3A_2962 = vector.extract_strided_slice %squeeze3A_2836 {offsets = [24, 0], sizes = [1, 512], strides = [1, 1]} : vector<26x512xf32> to vector<1x512xf32>
    %mul3A_2963 = vector.broadcast %slice3A_2962 : vector<1x512xf32> to vector<26x512xf32>
    %mul3A_2964 = arith.mulf %slice3A_2961, %mul3A_2963 : vector<26x512xf32>
    %add3A_2965 = arith.addf %add3A_2960, %mul3A_2964 : vector<26x512xf32>
    %slice3A_2966 = vector.extract_strided_slice %dot_general3A_2838 {offsets = [650, 0], sizes = [26, 512], strides = [1, 1]} : vector<676x512xf32> to vector<26x512xf32>
    %slice3A_2967 = vector.extract_strided_slice %squeeze3A_2836 {offsets = [25, 0], sizes = [1, 512], strides = [1, 1]} : vector<26x512xf32> to vector<1x512xf32>
    %mul3A_2968 = vector.broadcast %slice3A_2967 : vector<1x512xf32> to vector<26x512xf32>
    %mul3A_2969 = arith.mulf %slice3A_2966, %mul3A_2968 : vector<26x512xf32>
    %add3A_2970 = arith.addf %add3A_2965, %mul3A_2969 : vector<26x512xf32>
    %add3A_2971 = vector.broadcast %get3A_14 : vector<26x1xf32> to vector<26x512xf32>
    %add3A_2972 = arith.addf %add3A_2970, %add3A_2971 : vector<26x512xf32>
    %max3A_2973 = arith.constant 0.000000e+00 : f32
    %max3A_2974 = vector.broadcast %max3A_2973 : f32 to vector<26x512xf32>
    %max3A_2975 = arith.maximumf %add3A_2972, %max3A_2974 : vector<26x512xf32>
    %dot_general3A_2976 = arith.constant dense<0.000000e+00> : vector<676x512xf32>
    %dot_general3A_2977 = tpu.matmul %get3A_11, %max3A_2975, %dot_general3A_2976 {dimension_numbers = #tpu.dot_dimension_numbers<[1], [0], [0], [1], [0, 0, 1, 1], [], []>, transpose_lhs_hint = false} : vector<676x26xf32>, vector<26x512xf32>, vector<676x512xf32> -> vector<676x512xf32>
    %broadcast_in_dim3A_2978 = arith.constant 0.000000e+00 : f32
    %broadcast_in_dim3A_2979 = vector.broadcast %broadcast_in_dim3A_2978 : f32 to vector<26x512xf32>
    %slice3A_2980 = vector.extract_strided_slice %dot_general3A_2977 {offsets = [0, 0], sizes = [26, 512], strides = [1, 1]} : vector<676x512xf32> to vector<26x512xf32>
    %slice3A_2981 = vector.extract_strided_slice %squeeze3A_2836 {offsets = [0, 0], sizes = [1, 512], strides = [1, 1]} : vector<26x512xf32> to vector<1x512xf32>
    %mul3A_2982 = vector.broadcast %slice3A_2981 : vector<1x512xf32> to vector<26x512xf32>
    %mul3A_2983 = arith.mulf %slice3A_2980, %mul3A_2982 : vector<26x512xf32>
    %add3A_2984 = arith.addf %broadcast_in_dim3A_2979, %mul3A_2983 : vector<26x512xf32>
    %slice3A_2985 = vector.extract_strided_slice %dot_general3A_2977 {offsets = [26, 0], sizes = [26, 512], strides = [1, 1]} : vector<676x512xf32> to vector<26x512xf32>
    %slice3A_2986 = vector.extract_strided_slice %squeeze3A_2836 {offsets = [1, 0], sizes = [1, 512], strides = [1, 1]} : vector<26x512xf32> to vector<1x512xf32>
    %mul3A_2987 = vector.broadcast %slice3A_2986 : vector<1x512xf32> to vector<26x512xf32>
    %mul3A_2988 = arith.mulf %slice3A_2985, %mul3A_2987 : vector<26x512xf32>
    %add3A_2989 = arith.addf %add3A_2984, %mul3A_2988 : vector<26x512xf32>
    %slice3A_2990 = vector.extract_strided_slice %dot_general3A_2977 {offsets = [52, 0], sizes = [26, 512], strides = [1, 1]} : vector<676x512xf32> to vector<26x512xf32>
    %slice3A_2991 = vector.extract_strided_slice %squeeze3A_2836 {offsets = [2, 0], sizes = [1, 512], strides = [1, 1]} : vector<26x512xf32> to vector<1x512xf32>
    %mul3A_2992 = vector.broadcast %slice3A_2991 : vector<1x512xf32> to vector<26x512xf32>
    %mul3A_2993 = arith.mulf %slice3A_2990, %mul3A_2992 : vector<26x512xf32>
    %add3A_2994 = arith.addf %add3A_2989, %mul3A_2993 : vector<26x512xf32>
    %slice3A_2995 = vector.extract_strided_slice %dot_general3A_2977 {offsets = [78, 0], sizes = [26, 512], strides = [1, 1]} : vector<676x512xf32> to vector<26x512xf32>
    %slice3A_2996 = vector.extract_strided_slice %squeeze3A_2836 {offsets = [3, 0], sizes = [1, 512], strides = [1, 1]} : vector<26x512xf32> to vector<1x512xf32>
    %mul3A_2997 = vector.broadcast %slice3A_2996 : vector<1x512xf32> to vector<26x512xf32>
    %mul3A_2998 = arith.mulf %slice3A_2995, %mul3A_2997 : vector<26x512xf32>
    %add3A_2999 = arith.addf %add3A_2994, %mul3A_2998 : vector<26x512xf32>
    %slice3A_3000 = vector.extract_strided_slice %dot_general3A_2977 {offsets = [104, 0], sizes = [26, 512], strides = [1, 1]} : vector<676x512xf32> to vector<26x512xf32>
    %slice3A_3001 = vector.extract_strided_slice %squeeze3A_2836 {offsets = [4, 0], sizes = [1, 512], strides = [1, 1]} : vector<26x512xf32> to vector<1x512xf32>
    %mul3A_3002 = vector.broadcast %slice3A_3001 : vector<1x512xf32> to vector<26x512xf32>
    %mul3A_3003 = arith.mulf %slice3A_3000, %mul3A_3002 : vector<26x512xf32>
    %add3A_3004 = arith.addf %add3A_2999, %mul3A_3003 : vector<26x512xf32>
    %slice3A_3005 = vector.extract_strided_slice %dot_general3A_2977 {offsets = [130, 0], sizes = [26, 512], strides = [1, 1]} : vector<676x512xf32> to vector<26x512xf32>
    %slice3A_3006 = vector.extract_strided_slice %squeeze3A_2836 {offsets = [5, 0], sizes = [1, 512], strides = [1, 1]} : vector<26x512xf32> to vector<1x512xf32>
    %mul3A_3007 = vector.broadcast %slice3A_3006 : vector<1x512xf32> to vector<26x512xf32>
    %mul3A_3008 = arith.mulf %slice3A_3005, %mul3A_3007 : vector<26x512xf32>
    %add3A_3009 = arith.addf %add3A_3004, %mul3A_3008 : vector<26x512xf32>
    %slice3A_3010 = vector.extract_strided_slice %dot_general3A_2977 {offsets = [156, 0], sizes = [26, 512], strides = [1, 1]} : vector<676x512xf32> to vector<26x512xf32>
    %slice3A_3011 = vector.extract_strided_slice %squeeze3A_2836 {offsets = [6, 0], sizes = [1, 512], strides = [1, 1]} : vector<26x512xf32> to vector<1x512xf32>
    %mul3A_3012 = vector.broadcast %slice3A_3011 : vector<1x512xf32> to vector<26x512xf32>
    %mul3A_3013 = arith.mulf %slice3A_3010, %mul3A_3012 : vector<26x512xf32>
    %add3A_3014 = arith.addf %add3A_3009, %mul3A_3013 : vector<26x512xf32>
    %slice3A_3015 = vector.extract_strided_slice %dot_general3A_2977 {offsets = [182, 0], sizes = [26, 512], strides = [1, 1]} : vector<676x512xf32> to vector<26x512xf32>
    %slice3A_3016 = vector.extract_strided_slice %squeeze3A_2836 {offsets = [7, 0], sizes = [1, 512], strides = [1, 1]} : vector<26x512xf32> to vector<1x512xf32>
    %mul3A_3017 = vector.broadcast %slice3A_3016 : vector<1x512xf32> to vector<26x512xf32>
    %mul3A_3018 = arith.mulf %slice3A_3015, %mul3A_3017 : vector<26x512xf32>
    %add3A_3019 = arith.addf %add3A_3014, %mul3A_3018 : vector<26x512xf32>
    %slice3A_3020 = vector.extract_strided_slice %dot_general3A_2977 {offsets = [208, 0], sizes = [26, 512], strides = [1, 1]} : vector<676x512xf32> to vector<26x512xf32>
    %slice3A_3021 = vector.extract_strided_slice %squeeze3A_2836 {offsets = [8, 0], sizes = [1, 512], strides = [1, 1]} : vector<26x512xf32> to vector<1x512xf32>
    %mul3A_3022 = vector.broadcast %slice3A_3021 : vector<1x512xf32> to vector<26x512xf32>
    %mul3A_3023 = arith.mulf %slice3A_3020, %mul3A_3022 : vector<26x512xf32>
    %add3A_3024 = arith.addf %add3A_3019, %mul3A_3023 : vector<26x512xf32>
    %slice3A_3025 = vector.extract_strided_slice %dot_general3A_2977 {offsets = [234, 0], sizes = [26, 512], strides = [1, 1]} : vector<676x512xf32> to vector<26x512xf32>
    %slice3A_3026 = vector.extract_strided_slice %squeeze3A_2836 {offsets = [9, 0], sizes = [1, 512], strides = [1, 1]} : vector<26x512xf32> to vector<1x512xf32>
    %mul3A_3027 = vector.broadcast %slice3A_3026 : vector<1x512xf32> to vector<26x512xf32>
    %mul3A_3028 = arith.mulf %slice3A_3025, %mul3A_3027 : vector<26x512xf32>
    %add3A_3029 = arith.addf %add3A_3024, %mul3A_3028 : vector<26x512xf32>
    %slice3A_3030 = vector.extract_strided_slice %dot_general3A_2977 {offsets = [260, 0], sizes = [26, 512], strides = [1, 1]} : vector<676x512xf32> to vector<26x512xf32>
    %slice3A_3031 = vector.extract_strided_slice %squeeze3A_2836 {offsets = [10, 0], sizes = [1, 512], strides = [1, 1]} : vector<26x512xf32> to vector<1x512xf32>
    %mul3A_3032 = vector.broadcast %slice3A_3031 : vector<1x512xf32> to vector<26x512xf32>
    %mul3A_3033 = arith.mulf %slice3A_3030, %mul3A_3032 : vector<26x512xf32>
    %add3A_3034 = arith.addf %add3A_3029, %mul3A_3033 : vector<26x512xf32>
    %slice3A_3035 = vector.extract_strided_slice %dot_general3A_2977 {offsets = [286, 0], sizes = [26, 512], strides = [1, 1]} : vector<676x512xf32> to vector<26x512xf32>
    %slice3A_3036 = vector.extract_strided_slice %squeeze3A_2836 {offsets = [11, 0], sizes = [1, 512], strides = [1, 1]} : vector<26x512xf32> to vector<1x512xf32>
    %mul3A_3037 = vector.broadcast %slice3A_3036 : vector<1x512xf32> to vector<26x512xf32>
    %mul3A_3038 = arith.mulf %slice3A_3035, %mul3A_3037 : vector<26x512xf32>
    %add3A_3039 = arith.addf %add3A_3034, %mul3A_3038 : vector<26x512xf32>
    %slice3A_3040 = vector.extract_strided_slice %dot_general3A_2977 {offsets = [312, 0], sizes = [26, 512], strides = [1, 1]} : vector<676x512xf32> to vector<26x512xf32>
    %slice3A_3041 = vector.extract_strided_slice %squeeze3A_2836 {offsets = [12, 0], sizes = [1, 512], strides = [1, 1]} : vector<26x512xf32> to vector<1x512xf32>
    %mul3A_3042 = vector.broadcast %slice3A_3041 : vector<1x512xf32> to vector<26x512xf32>
    %mul3A_3043 = arith.mulf %slice3A_3040, %mul3A_3042 : vector<26x512xf32>
    %add3A_3044 = arith.addf %add3A_3039, %mul3A_3043 : vector<26x512xf32>
    %slice3A_3045 = vector.extract_strided_slice %dot_general3A_2977 {offsets = [338, 0], sizes = [26, 512], strides = [1, 1]} : vector<676x512xf32> to vector<26x512xf32>
    %slice3A_3046 = vector.extract_strided_slice %squeeze3A_2836 {offsets = [13, 0], sizes = [1, 512], strides = [1, 1]} : vector<26x512xf32> to vector<1x512xf32>
    %mul3A_3047 = vector.broadcast %slice3A_3046 : vector<1x512xf32> to vector<26x512xf32>
    %mul3A_3048 = arith.mulf %slice3A_3045, %mul3A_3047 : vector<26x512xf32>
    %add3A_3049 = arith.addf %add3A_3044, %mul3A_3048 : vector<26x512xf32>
    %slice3A_3050 = vector.extract_strided_slice %dot_general3A_2977 {offsets = [364, 0], sizes = [26, 512], strides = [1, 1]} : vector<676x512xf32> to vector<26x512xf32>
    %slice3A_3051 = vector.extract_strided_slice %squeeze3A_2836 {offsets = [14, 0], sizes = [1, 512], strides = [1, 1]} : vector<26x512xf32> to vector<1x512xf32>
    %mul3A_3052 = vector.broadcast %slice3A_3051 : vector<1x512xf32> to vector<26x512xf32>
    %mul3A_3053 = arith.mulf %slice3A_3050, %mul3A_3052 : vector<26x512xf32>
    %add3A_3054 = arith.addf %add3A_3049, %mul3A_3053 : vector<26x512xf32>
    %slice3A_3055 = vector.extract_strided_slice %dot_general3A_2977 {offsets = [390, 0], sizes = [26, 512], strides = [1, 1]} : vector<676x512xf32> to vector<26x512xf32>
    %slice3A_3056 = vector.extract_strided_slice %squeeze3A_2836 {offsets = [15, 0], sizes = [1, 512], strides = [1, 1]} : vector<26x512xf32> to vector<1x512xf32>
    %mul3A_3057 = vector.broadcast %slice3A_3056 : vector<1x512xf32> to vector<26x512xf32>
    %mul3A_3058 = arith.mulf %slice3A_3055, %mul3A_3057 : vector<26x512xf32>
    %add3A_3059 = arith.addf %add3A_3054, %mul3A_3058 : vector<26x512xf32>
    %slice3A_3060 = vector.extract_strided_slice %dot_general3A_2977 {offsets = [416, 0], sizes = [26, 512], strides = [1, 1]} : vector<676x512xf32> to vector<26x512xf32>
    %slice3A_3061 = vector.extract_strided_slice %squeeze3A_2836 {offsets = [16, 0], sizes = [1, 512], strides = [1, 1]} : vector<26x512xf32> to vector<1x512xf32>
    %mul3A_3062 = vector.broadcast %slice3A_3061 : vector<1x512xf32> to vector<26x512xf32>
    %mul3A_3063 = arith.mulf %slice3A_3060, %mul3A_3062 : vector<26x512xf32>
    %add3A_3064 = arith.addf %add3A_3059, %mul3A_3063 : vector<26x512xf32>
    %slice3A_3065 = vector.extract_strided_slice %dot_general3A_2977 {offsets = [442, 0], sizes = [26, 512], strides = [1, 1]} : vector<676x512xf32> to vector<26x512xf32>
    %slice3A_3066 = vector.extract_strided_slice %squeeze3A_2836 {offsets = [17, 0], sizes = [1, 512], strides = [1, 1]} : vector<26x512xf32> to vector<1x512xf32>
    %mul3A_3067 = vector.broadcast %slice3A_3066 : vector<1x512xf32> to vector<26x512xf32>
    %mul3A_3068 = arith.mulf %slice3A_3065, %mul3A_3067 : vector<26x512xf32>
    %add3A_3069 = arith.addf %add3A_3064, %mul3A_3068 : vector<26x512xf32>
    %slice3A_3070 = vector.extract_strided_slice %dot_general3A_2977 {offsets = [468, 0], sizes = [26, 512], strides = [1, 1]} : vector<676x512xf32> to vector<26x512xf32>
    %slice3A_3071 = vector.extract_strided_slice %squeeze3A_2836 {offsets = [18, 0], sizes = [1, 512], strides = [1, 1]} : vector<26x512xf32> to vector<1x512xf32>
    %mul3A_3072 = vector.broadcast %slice3A_3071 : vector<1x512xf32> to vector<26x512xf32>
    %mul3A_3073 = arith.mulf %slice3A_3070, %mul3A_3072 : vector<26x512xf32>
    %add3A_3074 = arith.addf %add3A_3069, %mul3A_3073 : vector<26x512xf32>
    %slice3A_3075 = vector.extract_strided_slice %dot_general3A_2977 {offsets = [494, 0], sizes = [26, 512], strides = [1, 1]} : vector<676x512xf32> to vector<26x512xf32>
    %slice3A_3076 = vector.extract_strided_slice %squeeze3A_2836 {offsets = [19, 0], sizes = [1, 512], strides = [1, 1]} : vector<26x512xf32> to vector<1x512xf32>
    %mul3A_3077 = vector.broadcast %slice3A_3076 : vector<1x512xf32> to vector<26x512xf32>
    %mul3A_3078 = arith.mulf %slice3A_3075, %mul3A_3077 : vector<26x512xf32>
    %add3A_3079 = arith.addf %add3A_3074, %mul3A_3078 : vector<26x512xf32>
    %slice3A_3080 = vector.extract_strided_slice %dot_general3A_2977 {offsets = [520, 0], sizes = [26, 512], strides = [1, 1]} : vector<676x512xf32> to vector<26x512xf32>
    %slice3A_3081 = vector.extract_strided_slice %squeeze3A_2836 {offsets = [20, 0], sizes = [1, 512], strides = [1, 1]} : vector<26x512xf32> to vector<1x512xf32>
    %mul3A_3082 = vector.broadcast %slice3A_3081 : vector<1x512xf32> to vector<26x512xf32>
    %mul3A_3083 = arith.mulf %slice3A_3080, %mul3A_3082 : vector<26x512xf32>
    %add3A_3084 = arith.addf %add3A_3079, %mul3A_3083 : vector<26x512xf32>
    %slice3A_3085 = vector.extract_strided_slice %dot_general3A_2977 {offsets = [546, 0], sizes = [26, 512], strides = [1, 1]} : vector<676x512xf32> to vector<26x512xf32>
    %slice3A_3086 = vector.extract_strided_slice %squeeze3A_2836 {offsets = [21, 0], sizes = [1, 512], strides = [1, 1]} : vector<26x512xf32> to vector<1x512xf32>
    %mul3A_3087 = vector.broadcast %slice3A_3086 : vector<1x512xf32> to vector<26x512xf32>
    %mul3A_3088 = arith.mulf %slice3A_3085, %mul3A_3087 : vector<26x512xf32>
    %add3A_3089 = arith.addf %add3A_3084, %mul3A_3088 : vector<26x512xf32>
    %slice3A_3090 = vector.extract_strided_slice %dot_general3A_2977 {offsets = [572, 0], sizes = [26, 512], strides = [1, 1]} : vector<676x512xf32> to vector<26x512xf32>
    %slice3A_3091 = vector.extract_strided_slice %squeeze3A_2836 {offsets = [22, 0], sizes = [1, 512], strides = [1, 1]} : vector<26x512xf32> to vector<1x512xf32>
    %mul3A_3092 = vector.broadcast %slice3A_3091 : vector<1x512xf32> to vector<26x512xf32>
    %mul3A_3093 = arith.mulf %slice3A_3090, %mul3A_3092 : vector<26x512xf32>
    %add3A_3094 = arith.addf %add3A_3089, %mul3A_3093 : vector<26x512xf32>
    %slice3A_3095 = vector.extract_strided_slice %dot_general3A_2977 {offsets = [598, 0], sizes = [26, 512], strides = [1, 1]} : vector<676x512xf32> to vector<26x512xf32>
    %slice3A_3096 = vector.extract_strided_slice %squeeze3A_2836 {offsets = [23, 0], sizes = [1, 512], strides = [1, 1]} : vector<26x512xf32> to vector<1x512xf32>
    %mul3A_3097 = vector.broadcast %slice3A_3096 : vector<1x512xf32> to vector<26x512xf32>
    %mul3A_3098 = arith.mulf %slice3A_3095, %mul3A_3097 : vector<26x512xf32>
    %add3A_3099 = arith.addf %add3A_3094, %mul3A_3098 : vector<26x512xf32>
    %slice3A_3100 = vector.extract_strided_slice %dot_general3A_2977 {offsets = [624, 0], sizes = [26, 512], strides = [1, 1]} : vector<676x512xf32> to vector<26x512xf32>
    %slice3A_3101 = vector.extract_strided_slice %squeeze3A_2836 {offsets = [24, 0], sizes = [1, 512], strides = [1, 1]} : vector<26x512xf32> to vector<1x512xf32>
    %mul3A_3102 = vector.broadcast %slice3A_3101 : vector<1x512xf32> to vector<26x512xf32>
    %mul3A_3103 = arith.mulf %slice3A_3100, %mul3A_3102 : vector<26x512xf32>
    %add3A_3104 = arith.addf %add3A_3099, %mul3A_3103 : vector<26x512xf32>
    %slice3A_3105 = vector.extract_strided_slice %dot_general3A_2977 {offsets = [650, 0], sizes = [26, 512], strides = [1, 1]} : vector<676x512xf32> to vector<26x512xf32>
    %slice3A_3106 = vector.extract_strided_slice %squeeze3A_2836 {offsets = [25, 0], sizes = [1, 512], strides = [1, 1]} : vector<26x512xf32> to vector<1x512xf32>
    %mul3A_3107 = vector.broadcast %slice3A_3106 : vector<1x512xf32> to vector<26x512xf32>
    %mul3A_3108 = arith.mulf %slice3A_3105, %mul3A_3107 : vector<26x512xf32>
    %add3A_3109 = arith.addf %add3A_3104, %mul3A_3108 : vector<26x512xf32>
    %add3A_3110 = vector.broadcast %get3A_17 : vector<26x1xf32> to vector<26x512xf32>
    %add3A_3111 = arith.addf %add3A_3109, %add3A_3110 : vector<26x512xf32>
    %max3A_3112 = arith.constant 0.000000e+00 : f32
    %max3A_3113 = vector.broadcast %max3A_3112 : f32 to vector<26x512xf32>
    %max3A_3114 = arith.maximumf %add3A_3111, %max3A_3113 : vector<26x512xf32>
    %add3A_3115 = arith.addf %add3A_2833, %max3A_2975 : vector<26x512xf32>
    %add3A_3116 = arith.addf %add3A_2834, %max3A_3114 : vector<26x512xf32>
    %slice3A_3117 = vector.extract_strided_slice %reshape3A {offsets = [0, 11, 0], sizes = [26, 1, 512], strides = [1, 1, 1]} : vector<26x16x512xf32> to vector<26x1x512xf32>
    %squeeze3A_3118 = vector.shape_cast %slice3A_3117 : vector<26x1x512xf32> to vector<26x512xf32>
    %dot_general3A_3119 = arith.constant dense<0.000000e+00> : vector<676x512xf32>
    %dot_general3A_3120 = tpu.matmul %get3A_8, %squeeze3A_3118, %dot_general3A_3119 {dimension_numbers = #tpu.dot_dimension_numbers<[1], [0], [0], [1], [0, 0, 1, 1], [], []>, transpose_lhs_hint = false} : vector<676x26xf32>, vector<26x512xf32>, vector<676x512xf32> -> vector<676x512xf32>
    %broadcast_in_dim3A_3121 = arith.constant 0.000000e+00 : f32
    %broadcast_in_dim3A_3122 = vector.broadcast %broadcast_in_dim3A_3121 : f32 to vector<26x512xf32>
    %slice3A_3123 = vector.extract_strided_slice %dot_general3A_3120 {offsets = [0, 0], sizes = [26, 512], strides = [1, 1]} : vector<676x512xf32> to vector<26x512xf32>
    %slice3A_3124 = vector.extract_strided_slice %squeeze3A_3118 {offsets = [0, 0], sizes = [1, 512], strides = [1, 1]} : vector<26x512xf32> to vector<1x512xf32>
    %mul3A_3125 = vector.broadcast %slice3A_3124 : vector<1x512xf32> to vector<26x512xf32>
    %mul3A_3126 = arith.mulf %slice3A_3123, %mul3A_3125 : vector<26x512xf32>
    %add3A_3127 = arith.addf %broadcast_in_dim3A_3122, %mul3A_3126 : vector<26x512xf32>
    %slice3A_3128 = vector.extract_strided_slice %dot_general3A_3120 {offsets = [26, 0], sizes = [26, 512], strides = [1, 1]} : vector<676x512xf32> to vector<26x512xf32>
    %slice3A_3129 = vector.extract_strided_slice %squeeze3A_3118 {offsets = [1, 0], sizes = [1, 512], strides = [1, 1]} : vector<26x512xf32> to vector<1x512xf32>
    %mul3A_3130 = vector.broadcast %slice3A_3129 : vector<1x512xf32> to vector<26x512xf32>
    %mul3A_3131 = arith.mulf %slice3A_3128, %mul3A_3130 : vector<26x512xf32>
    %add3A_3132 = arith.addf %add3A_3127, %mul3A_3131 : vector<26x512xf32>
    %slice3A_3133 = vector.extract_strided_slice %dot_general3A_3120 {offsets = [52, 0], sizes = [26, 512], strides = [1, 1]} : vector<676x512xf32> to vector<26x512xf32>
    %slice3A_3134 = vector.extract_strided_slice %squeeze3A_3118 {offsets = [2, 0], sizes = [1, 512], strides = [1, 1]} : vector<26x512xf32> to vector<1x512xf32>
    %mul3A_3135 = vector.broadcast %slice3A_3134 : vector<1x512xf32> to vector<26x512xf32>
    %mul3A_3136 = arith.mulf %slice3A_3133, %mul3A_3135 : vector<26x512xf32>
    %add3A_3137 = arith.addf %add3A_3132, %mul3A_3136 : vector<26x512xf32>
    %slice3A_3138 = vector.extract_strided_slice %dot_general3A_3120 {offsets = [78, 0], sizes = [26, 512], strides = [1, 1]} : vector<676x512xf32> to vector<26x512xf32>
    %slice3A_3139 = vector.extract_strided_slice %squeeze3A_3118 {offsets = [3, 0], sizes = [1, 512], strides = [1, 1]} : vector<26x512xf32> to vector<1x512xf32>
    %mul3A_3140 = vector.broadcast %slice3A_3139 : vector<1x512xf32> to vector<26x512xf32>
    %mul3A_3141 = arith.mulf %slice3A_3138, %mul3A_3140 : vector<26x512xf32>
    %add3A_3142 = arith.addf %add3A_3137, %mul3A_3141 : vector<26x512xf32>
    %slice3A_3143 = vector.extract_strided_slice %dot_general3A_3120 {offsets = [104, 0], sizes = [26, 512], strides = [1, 1]} : vector<676x512xf32> to vector<26x512xf32>
    %slice3A_3144 = vector.extract_strided_slice %squeeze3A_3118 {offsets = [4, 0], sizes = [1, 512], strides = [1, 1]} : vector<26x512xf32> to vector<1x512xf32>
    %mul3A_3145 = vector.broadcast %slice3A_3144 : vector<1x512xf32> to vector<26x512xf32>
    %mul3A_3146 = arith.mulf %slice3A_3143, %mul3A_3145 : vector<26x512xf32>
    %add3A_3147 = arith.addf %add3A_3142, %mul3A_3146 : vector<26x512xf32>
    %slice3A_3148 = vector.extract_strided_slice %dot_general3A_3120 {offsets = [130, 0], sizes = [26, 512], strides = [1, 1]} : vector<676x512xf32> to vector<26x512xf32>
    %slice3A_3149 = vector.extract_strided_slice %squeeze3A_3118 {offsets = [5, 0], sizes = [1, 512], strides = [1, 1]} : vector<26x512xf32> to vector<1x512xf32>
    %mul3A_3150 = vector.broadcast %slice3A_3149 : vector<1x512xf32> to vector<26x512xf32>
    %mul3A_3151 = arith.mulf %slice3A_3148, %mul3A_3150 : vector<26x512xf32>
    %add3A_3152 = arith.addf %add3A_3147, %mul3A_3151 : vector<26x512xf32>
    %slice3A_3153 = vector.extract_strided_slice %dot_general3A_3120 {offsets = [156, 0], sizes = [26, 512], strides = [1, 1]} : vector<676x512xf32> to vector<26x512xf32>
    %slice3A_3154 = vector.extract_strided_slice %squeeze3A_3118 {offsets = [6, 0], sizes = [1, 512], strides = [1, 1]} : vector<26x512xf32> to vector<1x512xf32>
    %mul3A_3155 = vector.broadcast %slice3A_3154 : vector<1x512xf32> to vector<26x512xf32>
    %mul3A_3156 = arith.mulf %slice3A_3153, %mul3A_3155 : vector<26x512xf32>
    %add3A_3157 = arith.addf %add3A_3152, %mul3A_3156 : vector<26x512xf32>
    %slice3A_3158 = vector.extract_strided_slice %dot_general3A_3120 {offsets = [182, 0], sizes = [26, 512], strides = [1, 1]} : vector<676x512xf32> to vector<26x512xf32>
    %slice3A_3159 = vector.extract_strided_slice %squeeze3A_3118 {offsets = [7, 0], sizes = [1, 512], strides = [1, 1]} : vector<26x512xf32> to vector<1x512xf32>
    %mul3A_3160 = vector.broadcast %slice3A_3159 : vector<1x512xf32> to vector<26x512xf32>
    %mul3A_3161 = arith.mulf %slice3A_3158, %mul3A_3160 : vector<26x512xf32>
    %add3A_3162 = arith.addf %add3A_3157, %mul3A_3161 : vector<26x512xf32>
    %slice3A_3163 = vector.extract_strided_slice %dot_general3A_3120 {offsets = [208, 0], sizes = [26, 512], strides = [1, 1]} : vector<676x512xf32> to vector<26x512xf32>
    %slice3A_3164 = vector.extract_strided_slice %squeeze3A_3118 {offsets = [8, 0], sizes = [1, 512], strides = [1, 1]} : vector<26x512xf32> to vector<1x512xf32>
    %mul3A_3165 = vector.broadcast %slice3A_3164 : vector<1x512xf32> to vector<26x512xf32>
    %mul3A_3166 = arith.mulf %slice3A_3163, %mul3A_3165 : vector<26x512xf32>
    %add3A_3167 = arith.addf %add3A_3162, %mul3A_3166 : vector<26x512xf32>
    %slice3A_3168 = vector.extract_strided_slice %dot_general3A_3120 {offsets = [234, 0], sizes = [26, 512], strides = [1, 1]} : vector<676x512xf32> to vector<26x512xf32>
    %slice3A_3169 = vector.extract_strided_slice %squeeze3A_3118 {offsets = [9, 0], sizes = [1, 512], strides = [1, 1]} : vector<26x512xf32> to vector<1x512xf32>
    %mul3A_3170 = vector.broadcast %slice3A_3169 : vector<1x512xf32> to vector<26x512xf32>
    %mul3A_3171 = arith.mulf %slice3A_3168, %mul3A_3170 : vector<26x512xf32>
    %add3A_3172 = arith.addf %add3A_3167, %mul3A_3171 : vector<26x512xf32>
    %slice3A_3173 = vector.extract_strided_slice %dot_general3A_3120 {offsets = [260, 0], sizes = [26, 512], strides = [1, 1]} : vector<676x512xf32> to vector<26x512xf32>
    %slice3A_3174 = vector.extract_strided_slice %squeeze3A_3118 {offsets = [10, 0], sizes = [1, 512], strides = [1, 1]} : vector<26x512xf32> to vector<1x512xf32>
    %mul3A_3175 = vector.broadcast %slice3A_3174 : vector<1x512xf32> to vector<26x512xf32>
    %mul3A_3176 = arith.mulf %slice3A_3173, %mul3A_3175 : vector<26x512xf32>
    %add3A_3177 = arith.addf %add3A_3172, %mul3A_3176 : vector<26x512xf32>
    %slice3A_3178 = vector.extract_strided_slice %dot_general3A_3120 {offsets = [286, 0], sizes = [26, 512], strides = [1, 1]} : vector<676x512xf32> to vector<26x512xf32>
    %slice3A_3179 = vector.extract_strided_slice %squeeze3A_3118 {offsets = [11, 0], sizes = [1, 512], strides = [1, 1]} : vector<26x512xf32> to vector<1x512xf32>
    %mul3A_3180 = vector.broadcast %slice3A_3179 : vector<1x512xf32> to vector<26x512xf32>
    %mul3A_3181 = arith.mulf %slice3A_3178, %mul3A_3180 : vector<26x512xf32>
    %add3A_3182 = arith.addf %add3A_3177, %mul3A_3181 : vector<26x512xf32>
    %slice3A_3183 = vector.extract_strided_slice %dot_general3A_3120 {offsets = [312, 0], sizes = [26, 512], strides = [1, 1]} : vector<676x512xf32> to vector<26x512xf32>
    %slice3A_3184 = vector.extract_strided_slice %squeeze3A_3118 {offsets = [12, 0], sizes = [1, 512], strides = [1, 1]} : vector<26x512xf32> to vector<1x512xf32>
    %mul3A_3185 = vector.broadcast %slice3A_3184 : vector<1x512xf32> to vector<26x512xf32>
    %mul3A_3186 = arith.mulf %slice3A_3183, %mul3A_3185 : vector<26x512xf32>
    %add3A_3187 = arith.addf %add3A_3182, %mul3A_3186 : vector<26x512xf32>
    %slice3A_3188 = vector.extract_strided_slice %dot_general3A_3120 {offsets = [338, 0], sizes = [26, 512], strides = [1, 1]} : vector<676x512xf32> to vector<26x512xf32>
    %slice3A_3189 = vector.extract_strided_slice %squeeze3A_3118 {offsets = [13, 0], sizes = [1, 512], strides = [1, 1]} : vector<26x512xf32> to vector<1x512xf32>
    %mul3A_3190 = vector.broadcast %slice3A_3189 : vector<1x512xf32> to vector<26x512xf32>
    %mul3A_3191 = arith.mulf %slice3A_3188, %mul3A_3190 : vector<26x512xf32>
    %add3A_3192 = arith.addf %add3A_3187, %mul3A_3191 : vector<26x512xf32>
    %slice3A_3193 = vector.extract_strided_slice %dot_general3A_3120 {offsets = [364, 0], sizes = [26, 512], strides = [1, 1]} : vector<676x512xf32> to vector<26x512xf32>
    %slice3A_3194 = vector.extract_strided_slice %squeeze3A_3118 {offsets = [14, 0], sizes = [1, 512], strides = [1, 1]} : vector<26x512xf32> to vector<1x512xf32>
    %mul3A_3195 = vector.broadcast %slice3A_3194 : vector<1x512xf32> to vector<26x512xf32>
    %mul3A_3196 = arith.mulf %slice3A_3193, %mul3A_3195 : vector<26x512xf32>
    %add3A_3197 = arith.addf %add3A_3192, %mul3A_3196 : vector<26x512xf32>
    %slice3A_3198 = vector.extract_strided_slice %dot_general3A_3120 {offsets = [390, 0], sizes = [26, 512], strides = [1, 1]} : vector<676x512xf32> to vector<26x512xf32>
    %slice3A_3199 = vector.extract_strided_slice %squeeze3A_3118 {offsets = [15, 0], sizes = [1, 512], strides = [1, 1]} : vector<26x512xf32> to vector<1x512xf32>
    %mul3A_3200 = vector.broadcast %slice3A_3199 : vector<1x512xf32> to vector<26x512xf32>
    %mul3A_3201 = arith.mulf %slice3A_3198, %mul3A_3200 : vector<26x512xf32>
    %add3A_3202 = arith.addf %add3A_3197, %mul3A_3201 : vector<26x512xf32>
    %slice3A_3203 = vector.extract_strided_slice %dot_general3A_3120 {offsets = [416, 0], sizes = [26, 512], strides = [1, 1]} : vector<676x512xf32> to vector<26x512xf32>
    %slice3A_3204 = vector.extract_strided_slice %squeeze3A_3118 {offsets = [16, 0], sizes = [1, 512], strides = [1, 1]} : vector<26x512xf32> to vector<1x512xf32>
    %mul3A_3205 = vector.broadcast %slice3A_3204 : vector<1x512xf32> to vector<26x512xf32>
    %mul3A_3206 = arith.mulf %slice3A_3203, %mul3A_3205 : vector<26x512xf32>
    %add3A_3207 = arith.addf %add3A_3202, %mul3A_3206 : vector<26x512xf32>
    %slice3A_3208 = vector.extract_strided_slice %dot_general3A_3120 {offsets = [442, 0], sizes = [26, 512], strides = [1, 1]} : vector<676x512xf32> to vector<26x512xf32>
    %slice3A_3209 = vector.extract_strided_slice %squeeze3A_3118 {offsets = [17, 0], sizes = [1, 512], strides = [1, 1]} : vector<26x512xf32> to vector<1x512xf32>
    %mul3A_3210 = vector.broadcast %slice3A_3209 : vector<1x512xf32> to vector<26x512xf32>
    %mul3A_3211 = arith.mulf %slice3A_3208, %mul3A_3210 : vector<26x512xf32>
    %add3A_3212 = arith.addf %add3A_3207, %mul3A_3211 : vector<26x512xf32>
    %slice3A_3213 = vector.extract_strided_slice %dot_general3A_3120 {offsets = [468, 0], sizes = [26, 512], strides = [1, 1]} : vector<676x512xf32> to vector<26x512xf32>
    %slice3A_3214 = vector.extract_strided_slice %squeeze3A_3118 {offsets = [18, 0], sizes = [1, 512], strides = [1, 1]} : vector<26x512xf32> to vector<1x512xf32>
    %mul3A_3215 = vector.broadcast %slice3A_3214 : vector<1x512xf32> to vector<26x512xf32>
    %mul3A_3216 = arith.mulf %slice3A_3213, %mul3A_3215 : vector<26x512xf32>
    %add3A_3217 = arith.addf %add3A_3212, %mul3A_3216 : vector<26x512xf32>
    %slice3A_3218 = vector.extract_strided_slice %dot_general3A_3120 {offsets = [494, 0], sizes = [26, 512], strides = [1, 1]} : vector<676x512xf32> to vector<26x512xf32>
    %slice3A_3219 = vector.extract_strided_slice %squeeze3A_3118 {offsets = [19, 0], sizes = [1, 512], strides = [1, 1]} : vector<26x512xf32> to vector<1x512xf32>
    %mul3A_3220 = vector.broadcast %slice3A_3219 : vector<1x512xf32> to vector<26x512xf32>
    %mul3A_3221 = arith.mulf %slice3A_3218, %mul3A_3220 : vector<26x512xf32>
    %add3A_3222 = arith.addf %add3A_3217, %mul3A_3221 : vector<26x512xf32>
    %slice3A_3223 = vector.extract_strided_slice %dot_general3A_3120 {offsets = [520, 0], sizes = [26, 512], strides = [1, 1]} : vector<676x512xf32> to vector<26x512xf32>
    %slice3A_3224 = vector.extract_strided_slice %squeeze3A_3118 {offsets = [20, 0], sizes = [1, 512], strides = [1, 1]} : vector<26x512xf32> to vector<1x512xf32>
    %mul3A_3225 = vector.broadcast %slice3A_3224 : vector<1x512xf32> to vector<26x512xf32>
    %mul3A_3226 = arith.mulf %slice3A_3223, %mul3A_3225 : vector<26x512xf32>
    %add3A_3227 = arith.addf %add3A_3222, %mul3A_3226 : vector<26x512xf32>
    %slice3A_3228 = vector.extract_strided_slice %dot_general3A_3120 {offsets = [546, 0], sizes = [26, 512], strides = [1, 1]} : vector<676x512xf32> to vector<26x512xf32>
    %slice3A_3229 = vector.extract_strided_slice %squeeze3A_3118 {offsets = [21, 0], sizes = [1, 512], strides = [1, 1]} : vector<26x512xf32> to vector<1x512xf32>
    %mul3A_3230 = vector.broadcast %slice3A_3229 : vector<1x512xf32> to vector<26x512xf32>
    %mul3A_3231 = arith.mulf %slice3A_3228, %mul3A_3230 : vector<26x512xf32>
    %add3A_3232 = arith.addf %add3A_3227, %mul3A_3231 : vector<26x512xf32>
    %slice3A_3233 = vector.extract_strided_slice %dot_general3A_3120 {offsets = [572, 0], sizes = [26, 512], strides = [1, 1]} : vector<676x512xf32> to vector<26x512xf32>
    %slice3A_3234 = vector.extract_strided_slice %squeeze3A_3118 {offsets = [22, 0], sizes = [1, 512], strides = [1, 1]} : vector<26x512xf32> to vector<1x512xf32>
    %mul3A_3235 = vector.broadcast %slice3A_3234 : vector<1x512xf32> to vector<26x512xf32>
    %mul3A_3236 = arith.mulf %slice3A_3233, %mul3A_3235 : vector<26x512xf32>
    %add3A_3237 = arith.addf %add3A_3232, %mul3A_3236 : vector<26x512xf32>
    %slice3A_3238 = vector.extract_strided_slice %dot_general3A_3120 {offsets = [598, 0], sizes = [26, 512], strides = [1, 1]} : vector<676x512xf32> to vector<26x512xf32>
    %slice3A_3239 = vector.extract_strided_slice %squeeze3A_3118 {offsets = [23, 0], sizes = [1, 512], strides = [1, 1]} : vector<26x512xf32> to vector<1x512xf32>
    %mul3A_3240 = vector.broadcast %slice3A_3239 : vector<1x512xf32> to vector<26x512xf32>
    %mul3A_3241 = arith.mulf %slice3A_3238, %mul3A_3240 : vector<26x512xf32>
    %add3A_3242 = arith.addf %add3A_3237, %mul3A_3241 : vector<26x512xf32>
    %slice3A_3243 = vector.extract_strided_slice %dot_general3A_3120 {offsets = [624, 0], sizes = [26, 512], strides = [1, 1]} : vector<676x512xf32> to vector<26x512xf32>
    %slice3A_3244 = vector.extract_strided_slice %squeeze3A_3118 {offsets = [24, 0], sizes = [1, 512], strides = [1, 1]} : vector<26x512xf32> to vector<1x512xf32>
    %mul3A_3245 = vector.broadcast %slice3A_3244 : vector<1x512xf32> to vector<26x512xf32>
    %mul3A_3246 = arith.mulf %slice3A_3243, %mul3A_3245 : vector<26x512xf32>
    %add3A_3247 = arith.addf %add3A_3242, %mul3A_3246 : vector<26x512xf32>
    %slice3A_3248 = vector.extract_strided_slice %dot_general3A_3120 {offsets = [650, 0], sizes = [26, 512], strides = [1, 1]} : vector<676x512xf32> to vector<26x512xf32>
    %slice3A_3249 = vector.extract_strided_slice %squeeze3A_3118 {offsets = [25, 0], sizes = [1, 512], strides = [1, 1]} : vector<26x512xf32> to vector<1x512xf32>
    %mul3A_3250 = vector.broadcast %slice3A_3249 : vector<1x512xf32> to vector<26x512xf32>
    %mul3A_3251 = arith.mulf %slice3A_3248, %mul3A_3250 : vector<26x512xf32>
    %add3A_3252 = arith.addf %add3A_3247, %mul3A_3251 : vector<26x512xf32>
    %add3A_3253 = vector.broadcast %get3A_14 : vector<26x1xf32> to vector<26x512xf32>
    %add3A_3254 = arith.addf %add3A_3252, %add3A_3253 : vector<26x512xf32>
    %max3A_3255 = arith.constant 0.000000e+00 : f32
    %max3A_3256 = vector.broadcast %max3A_3255 : f32 to vector<26x512xf32>
    %max3A_3257 = arith.maximumf %add3A_3254, %max3A_3256 : vector<26x512xf32>
    %dot_general3A_3258 = arith.constant dense<0.000000e+00> : vector<676x512xf32>
    %dot_general3A_3259 = tpu.matmul %get3A_11, %max3A_3257, %dot_general3A_3258 {dimension_numbers = #tpu.dot_dimension_numbers<[1], [0], [0], [1], [0, 0, 1, 1], [], []>, transpose_lhs_hint = false} : vector<676x26xf32>, vector<26x512xf32>, vector<676x512xf32> -> vector<676x512xf32>
    %broadcast_in_dim3A_3260 = arith.constant 0.000000e+00 : f32
    %broadcast_in_dim3A_3261 = vector.broadcast %broadcast_in_dim3A_3260 : f32 to vector<26x512xf32>
    %slice3A_3262 = vector.extract_strided_slice %dot_general3A_3259 {offsets = [0, 0], sizes = [26, 512], strides = [1, 1]} : vector<676x512xf32> to vector<26x512xf32>
    %slice3A_3263 = vector.extract_strided_slice %squeeze3A_3118 {offsets = [0, 0], sizes = [1, 512], strides = [1, 1]} : vector<26x512xf32> to vector<1x512xf32>
    %mul3A_3264 = vector.broadcast %slice3A_3263 : vector<1x512xf32> to vector<26x512xf32>
    %mul3A_3265 = arith.mulf %slice3A_3262, %mul3A_3264 : vector<26x512xf32>
    %add3A_3266 = arith.addf %broadcast_in_dim3A_3261, %mul3A_3265 : vector<26x512xf32>
    %slice3A_3267 = vector.extract_strided_slice %dot_general3A_3259 {offsets = [26, 0], sizes = [26, 512], strides = [1, 1]} : vector<676x512xf32> to vector<26x512xf32>
    %slice3A_3268 = vector.extract_strided_slice %squeeze3A_3118 {offsets = [1, 0], sizes = [1, 512], strides = [1, 1]} : vector<26x512xf32> to vector<1x512xf32>
    %mul3A_3269 = vector.broadcast %slice3A_3268 : vector<1x512xf32> to vector<26x512xf32>
    %mul3A_3270 = arith.mulf %slice3A_3267, %mul3A_3269 : vector<26x512xf32>
    %add3A_3271 = arith.addf %add3A_3266, %mul3A_3270 : vector<26x512xf32>
    %slice3A_3272 = vector.extract_strided_slice %dot_general3A_3259 {offsets = [52, 0], sizes = [26, 512], strides = [1, 1]} : vector<676x512xf32> to vector<26x512xf32>
    %slice3A_3273 = vector.extract_strided_slice %squeeze3A_3118 {offsets = [2, 0], sizes = [1, 512], strides = [1, 1]} : vector<26x512xf32> to vector<1x512xf32>
    %mul3A_3274 = vector.broadcast %slice3A_3273 : vector<1x512xf32> to vector<26x512xf32>
    %mul3A_3275 = arith.mulf %slice3A_3272, %mul3A_3274 : vector<26x512xf32>
    %add3A_3276 = arith.addf %add3A_3271, %mul3A_3275 : vector<26x512xf32>
    %slice3A_3277 = vector.extract_strided_slice %dot_general3A_3259 {offsets = [78, 0], sizes = [26, 512], strides = [1, 1]} : vector<676x512xf32> to vector<26x512xf32>
    %slice3A_3278 = vector.extract_strided_slice %squeeze3A_3118 {offsets = [3, 0], sizes = [1, 512], strides = [1, 1]} : vector<26x512xf32> to vector<1x512xf32>
    %mul3A_3279 = vector.broadcast %slice3A_3278 : vector<1x512xf32> to vector<26x512xf32>
    %mul3A_3280 = arith.mulf %slice3A_3277, %mul3A_3279 : vector<26x512xf32>
    %add3A_3281 = arith.addf %add3A_3276, %mul3A_3280 : vector<26x512xf32>
    %slice3A_3282 = vector.extract_strided_slice %dot_general3A_3259 {offsets = [104, 0], sizes = [26, 512], strides = [1, 1]} : vector<676x512xf32> to vector<26x512xf32>
    %slice3A_3283 = vector.extract_strided_slice %squeeze3A_3118 {offsets = [4, 0], sizes = [1, 512], strides = [1, 1]} : vector<26x512xf32> to vector<1x512xf32>
    %mul3A_3284 = vector.broadcast %slice3A_3283 : vector<1x512xf32> to vector<26x512xf32>
    %mul3A_3285 = arith.mulf %slice3A_3282, %mul3A_3284 : vector<26x512xf32>
    %add3A_3286 = arith.addf %add3A_3281, %mul3A_3285 : vector<26x512xf32>
    %slice3A_3287 = vector.extract_strided_slice %dot_general3A_3259 {offsets = [130, 0], sizes = [26, 512], strides = [1, 1]} : vector<676x512xf32> to vector<26x512xf32>
    %slice3A_3288 = vector.extract_strided_slice %squeeze3A_3118 {offsets = [5, 0], sizes = [1, 512], strides = [1, 1]} : vector<26x512xf32> to vector<1x512xf32>
    %mul3A_3289 = vector.broadcast %slice3A_3288 : vector<1x512xf32> to vector<26x512xf32>
    %mul3A_3290 = arith.mulf %slice3A_3287, %mul3A_3289 : vector<26x512xf32>
    %add3A_3291 = arith.addf %add3A_3286, %mul3A_3290 : vector<26x512xf32>
    %slice3A_3292 = vector.extract_strided_slice %dot_general3A_3259 {offsets = [156, 0], sizes = [26, 512], strides = [1, 1]} : vector<676x512xf32> to vector<26x512xf32>
    %slice3A_3293 = vector.extract_strided_slice %squeeze3A_3118 {offsets = [6, 0], sizes = [1, 512], strides = [1, 1]} : vector<26x512xf32> to vector<1x512xf32>
    %mul3A_3294 = vector.broadcast %slice3A_3293 : vector<1x512xf32> to vector<26x512xf32>
    %mul3A_3295 = arith.mulf %slice3A_3292, %mul3A_3294 : vector<26x512xf32>
    %add3A_3296 = arith.addf %add3A_3291, %mul3A_3295 : vector<26x512xf32>
    %slice3A_3297 = vector.extract_strided_slice %dot_general3A_3259 {offsets = [182, 0], sizes = [26, 512], strides = [1, 1]} : vector<676x512xf32> to vector<26x512xf32>
    %slice3A_3298 = vector.extract_strided_slice %squeeze3A_3118 {offsets = [7, 0], sizes = [1, 512], strides = [1, 1]} : vector<26x512xf32> to vector<1x512xf32>
    %mul3A_3299 = vector.broadcast %slice3A_3298 : vector<1x512xf32> to vector<26x512xf32>
    %mul3A_3300 = arith.mulf %slice3A_3297, %mul3A_3299 : vector<26x512xf32>
    %add3A_3301 = arith.addf %add3A_3296, %mul3A_3300 : vector<26x512xf32>
    %slice3A_3302 = vector.extract_strided_slice %dot_general3A_3259 {offsets = [208, 0], sizes = [26, 512], strides = [1, 1]} : vector<676x512xf32> to vector<26x512xf32>
    %slice3A_3303 = vector.extract_strided_slice %squeeze3A_3118 {offsets = [8, 0], sizes = [1, 512], strides = [1, 1]} : vector<26x512xf32> to vector<1x512xf32>
    %mul3A_3304 = vector.broadcast %slice3A_3303 : vector<1x512xf32> to vector<26x512xf32>
    %mul3A_3305 = arith.mulf %slice3A_3302, %mul3A_3304 : vector<26x512xf32>
    %add3A_3306 = arith.addf %add3A_3301, %mul3A_3305 : vector<26x512xf32>
    %slice3A_3307 = vector.extract_strided_slice %dot_general3A_3259 {offsets = [234, 0], sizes = [26, 512], strides = [1, 1]} : vector<676x512xf32> to vector<26x512xf32>
    %slice3A_3308 = vector.extract_strided_slice %squeeze3A_3118 {offsets = [9, 0], sizes = [1, 512], strides = [1, 1]} : vector<26x512xf32> to vector<1x512xf32>
    %mul3A_3309 = vector.broadcast %slice3A_3308 : vector<1x512xf32> to vector<26x512xf32>
    %mul3A_3310 = arith.mulf %slice3A_3307, %mul3A_3309 : vector<26x512xf32>
    %add3A_3311 = arith.addf %add3A_3306, %mul3A_3310 : vector<26x512xf32>
    %slice3A_3312 = vector.extract_strided_slice %dot_general3A_3259 {offsets = [260, 0], sizes = [26, 512], strides = [1, 1]} : vector<676x512xf32> to vector<26x512xf32>
    %slice3A_3313 = vector.extract_strided_slice %squeeze3A_3118 {offsets = [10, 0], sizes = [1, 512], strides = [1, 1]} : vector<26x512xf32> to vector<1x512xf32>
    %mul3A_3314 = vector.broadcast %slice3A_3313 : vector<1x512xf32> to vector<26x512xf32>
    %mul3A_3315 = arith.mulf %slice3A_3312, %mul3A_3314 : vector<26x512xf32>
    %add3A_3316 = arith.addf %add3A_3311, %mul3A_3315 : vector<26x512xf32>
    %slice3A_3317 = vector.extract_strided_slice %dot_general3A_3259 {offsets = [286, 0], sizes = [26, 512], strides = [1, 1]} : vector<676x512xf32> to vector<26x512xf32>
    %slice3A_3318 = vector.extract_strided_slice %squeeze3A_3118 {offsets = [11, 0], sizes = [1, 512], strides = [1, 1]} : vector<26x512xf32> to vector<1x512xf32>
    %mul3A_3319 = vector.broadcast %slice3A_3318 : vector<1x512xf32> to vector<26x512xf32>
    %mul3A_3320 = arith.mulf %slice3A_3317, %mul3A_3319 : vector<26x512xf32>
    %add3A_3321 = arith.addf %add3A_3316, %mul3A_3320 : vector<26x512xf32>
    %slice3A_3322 = vector.extract_strided_slice %dot_general3A_3259 {offsets = [312, 0], sizes = [26, 512], strides = [1, 1]} : vector<676x512xf32> to vector<26x512xf32>
    %slice3A_3323 = vector.extract_strided_slice %squeeze3A_3118 {offsets = [12, 0], sizes = [1, 512], strides = [1, 1]} : vector<26x512xf32> to vector<1x512xf32>
    %mul3A_3324 = vector.broadcast %slice3A_3323 : vector<1x512xf32> to vector<26x512xf32>
    %mul3A_3325 = arith.mulf %slice3A_3322, %mul3A_3324 : vector<26x512xf32>
    %add3A_3326 = arith.addf %add3A_3321, %mul3A_3325 : vector<26x512xf32>
    %slice3A_3327 = vector.extract_strided_slice %dot_general3A_3259 {offsets = [338, 0], sizes = [26, 512], strides = [1, 1]} : vector<676x512xf32> to vector<26x512xf32>
    %slice3A_3328 = vector.extract_strided_slice %squeeze3A_3118 {offsets = [13, 0], sizes = [1, 512], strides = [1, 1]} : vector<26x512xf32> to vector<1x512xf32>
    %mul3A_3329 = vector.broadcast %slice3A_3328 : vector<1x512xf32> to vector<26x512xf32>
    %mul3A_3330 = arith.mulf %slice3A_3327, %mul3A_3329 : vector<26x512xf32>
    %add3A_3331 = arith.addf %add3A_3326, %mul3A_3330 : vector<26x512xf32>
    %slice3A_3332 = vector.extract_strided_slice %dot_general3A_3259 {offsets = [364, 0], sizes = [26, 512], strides = [1, 1]} : vector<676x512xf32> to vector<26x512xf32>
    %slice3A_3333 = vector.extract_strided_slice %squeeze3A_3118 {offsets = [14, 0], sizes = [1, 512], strides = [1, 1]} : vector<26x512xf32> to vector<1x512xf32>
    %mul3A_3334 = vector.broadcast %slice3A_3333 : vector<1x512xf32> to vector<26x512xf32>
    %mul3A_3335 = arith.mulf %slice3A_3332, %mul3A_3334 : vector<26x512xf32>
    %add3A_3336 = arith.addf %add3A_3331, %mul3A_3335 : vector<26x512xf32>
    %slice3A_3337 = vector.extract_strided_slice %dot_general3A_3259 {offsets = [390, 0], sizes = [26, 512], strides = [1, 1]} : vector<676x512xf32> to vector<26x512xf32>
    %slice3A_3338 = vector.extract_strided_slice %squeeze3A_3118 {offsets = [15, 0], sizes = [1, 512], strides = [1, 1]} : vector<26x512xf32> to vector<1x512xf32>
    %mul3A_3339 = vector.broadcast %slice3A_3338 : vector<1x512xf32> to vector<26x512xf32>
    %mul3A_3340 = arith.mulf %slice3A_3337, %mul3A_3339 : vector<26x512xf32>
    %add3A_3341 = arith.addf %add3A_3336, %mul3A_3340 : vector<26x512xf32>
    %slice3A_3342 = vector.extract_strided_slice %dot_general3A_3259 {offsets = [416, 0], sizes = [26, 512], strides = [1, 1]} : vector<676x512xf32> to vector<26x512xf32>
    %slice3A_3343 = vector.extract_strided_slice %squeeze3A_3118 {offsets = [16, 0], sizes = [1, 512], strides = [1, 1]} : vector<26x512xf32> to vector<1x512xf32>
    %mul3A_3344 = vector.broadcast %slice3A_3343 : vector<1x512xf32> to vector<26x512xf32>
    %mul3A_3345 = arith.mulf %slice3A_3342, %mul3A_3344 : vector<26x512xf32>
    %add3A_3346 = arith.addf %add3A_3341, %mul3A_3345 : vector<26x512xf32>
    %slice3A_3347 = vector.extract_strided_slice %dot_general3A_3259 {offsets = [442, 0], sizes = [26, 512], strides = [1, 1]} : vector<676x512xf32> to vector<26x512xf32>
    %slice3A_3348 = vector.extract_strided_slice %squeeze3A_3118 {offsets = [17, 0], sizes = [1, 512], strides = [1, 1]} : vector<26x512xf32> to vector<1x512xf32>
    %mul3A_3349 = vector.broadcast %slice3A_3348 : vector<1x512xf32> to vector<26x512xf32>
    %mul3A_3350 = arith.mulf %slice3A_3347, %mul3A_3349 : vector<26x512xf32>
    %add3A_3351 = arith.addf %add3A_3346, %mul3A_3350 : vector<26x512xf32>
    %slice3A_3352 = vector.extract_strided_slice %dot_general3A_3259 {offsets = [468, 0], sizes = [26, 512], strides = [1, 1]} : vector<676x512xf32> to vector<26x512xf32>
    %slice3A_3353 = vector.extract_strided_slice %squeeze3A_3118 {offsets = [18, 0], sizes = [1, 512], strides = [1, 1]} : vector<26x512xf32> to vector<1x512xf32>
    %mul3A_3354 = vector.broadcast %slice3A_3353 : vector<1x512xf32> to vector<26x512xf32>
    %mul3A_3355 = arith.mulf %slice3A_3352, %mul3A_3354 : vector<26x512xf32>
    %add3A_3356 = arith.addf %add3A_3351, %mul3A_3355 : vector<26x512xf32>
    %slice3A_3357 = vector.extract_strided_slice %dot_general3A_3259 {offsets = [494, 0], sizes = [26, 512], strides = [1, 1]} : vector<676x512xf32> to vector<26x512xf32>
    %slice3A_3358 = vector.extract_strided_slice %squeeze3A_3118 {offsets = [19, 0], sizes = [1, 512], strides = [1, 1]} : vector<26x512xf32> to vector<1x512xf32>
    %mul3A_3359 = vector.broadcast %slice3A_3358 : vector<1x512xf32> to vector<26x512xf32>
    %mul3A_3360 = arith.mulf %slice3A_3357, %mul3A_3359 : vector<26x512xf32>
    %add3A_3361 = arith.addf %add3A_3356, %mul3A_3360 : vector<26x512xf32>
    %slice3A_3362 = vector.extract_strided_slice %dot_general3A_3259 {offsets = [520, 0], sizes = [26, 512], strides = [1, 1]} : vector<676x512xf32> to vector<26x512xf32>
    %slice3A_3363 = vector.extract_strided_slice %squeeze3A_3118 {offsets = [20, 0], sizes = [1, 512], strides = [1, 1]} : vector<26x512xf32> to vector<1x512xf32>
    %mul3A_3364 = vector.broadcast %slice3A_3363 : vector<1x512xf32> to vector<26x512xf32>
    %mul3A_3365 = arith.mulf %slice3A_3362, %mul3A_3364 : vector<26x512xf32>
    %add3A_3366 = arith.addf %add3A_3361, %mul3A_3365 : vector<26x512xf32>
    %slice3A_3367 = vector.extract_strided_slice %dot_general3A_3259 {offsets = [546, 0], sizes = [26, 512], strides = [1, 1]} : vector<676x512xf32> to vector<26x512xf32>
    %slice3A_3368 = vector.extract_strided_slice %squeeze3A_3118 {offsets = [21, 0], sizes = [1, 512], strides = [1, 1]} : vector<26x512xf32> to vector<1x512xf32>
    %mul3A_3369 = vector.broadcast %slice3A_3368 : vector<1x512xf32> to vector<26x512xf32>
    %mul3A_3370 = arith.mulf %slice3A_3367, %mul3A_3369 : vector<26x512xf32>
    %add3A_3371 = arith.addf %add3A_3366, %mul3A_3370 : vector<26x512xf32>
    %slice3A_3372 = vector.extract_strided_slice %dot_general3A_3259 {offsets = [572, 0], sizes = [26, 512], strides = [1, 1]} : vector<676x512xf32> to vector<26x512xf32>
    %slice3A_3373 = vector.extract_strided_slice %squeeze3A_3118 {offsets = [22, 0], sizes = [1, 512], strides = [1, 1]} : vector<26x512xf32> to vector<1x512xf32>
    %mul3A_3374 = vector.broadcast %slice3A_3373 : vector<1x512xf32> to vector<26x512xf32>
    %mul3A_3375 = arith.mulf %slice3A_3372, %mul3A_3374 : vector<26x512xf32>
    %add3A_3376 = arith.addf %add3A_3371, %mul3A_3375 : vector<26x512xf32>
    %slice3A_3377 = vector.extract_strided_slice %dot_general3A_3259 {offsets = [598, 0], sizes = [26, 512], strides = [1, 1]} : vector<676x512xf32> to vector<26x512xf32>
    %slice3A_3378 = vector.extract_strided_slice %squeeze3A_3118 {offsets = [23, 0], sizes = [1, 512], strides = [1, 1]} : vector<26x512xf32> to vector<1x512xf32>
    %mul3A_3379 = vector.broadcast %slice3A_3378 : vector<1x512xf32> to vector<26x512xf32>
    %mul3A_3380 = arith.mulf %slice3A_3377, %mul3A_3379 : vector<26x512xf32>
    %add3A_3381 = arith.addf %add3A_3376, %mul3A_3380 : vector<26x512xf32>
    %slice3A_3382 = vector.extract_strided_slice %dot_general3A_3259 {offsets = [624, 0], sizes = [26, 512], strides = [1, 1]} : vector<676x512xf32> to vector<26x512xf32>
    %slice3A_3383 = vector.extract_strided_slice %squeeze3A_3118 {offsets = [24, 0], sizes = [1, 512], strides = [1, 1]} : vector<26x512xf32> to vector<1x512xf32>
    %mul3A_3384 = vector.broadcast %slice3A_3383 : vector<1x512xf32> to vector<26x512xf32>
    %mul3A_3385 = arith.mulf %slice3A_3382, %mul3A_3384 : vector<26x512xf32>
    %add3A_3386 = arith.addf %add3A_3381, %mul3A_3385 : vector<26x512xf32>
    %slice3A_3387 = vector.extract_strided_slice %dot_general3A_3259 {offsets = [650, 0], sizes = [26, 512], strides = [1, 1]} : vector<676x512xf32> to vector<26x512xf32>
    %slice3A_3388 = vector.extract_strided_slice %squeeze3A_3118 {offsets = [25, 0], sizes = [1, 512], strides = [1, 1]} : vector<26x512xf32> to vector<1x512xf32>
    %mul3A_3389 = vector.broadcast %slice3A_3388 : vector<1x512xf32> to vector<26x512xf32>
    %mul3A_3390 = arith.mulf %slice3A_3387, %mul3A_3389 : vector<26x512xf32>
    %add3A_3391 = arith.addf %add3A_3386, %mul3A_3390 : vector<26x512xf32>
    %add3A_3392 = vector.broadcast %get3A_17 : vector<26x1xf32> to vector<26x512xf32>
    %add3A_3393 = arith.addf %add3A_3391, %add3A_3392 : vector<26x512xf32>
    %max3A_3394 = arith.constant 0.000000e+00 : f32
    %max3A_3395 = vector.broadcast %max3A_3394 : f32 to vector<26x512xf32>
    %max3A_3396 = arith.maximumf %add3A_3393, %max3A_3395 : vector<26x512xf32>
    %add3A_3397 = arith.addf %add3A_3115, %max3A_3257 : vector<26x512xf32>
    %add3A_3398 = arith.addf %add3A_3116, %max3A_3396 : vector<26x512xf32>
    %slice3A_3399 = vector.extract_strided_slice %reshape3A {offsets = [0, 12, 0], sizes = [26, 1, 512], strides = [1, 1, 1]} : vector<26x16x512xf32> to vector<26x1x512xf32>
    %squeeze3A_3400 = vector.shape_cast %slice3A_3399 : vector<26x1x512xf32> to vector<26x512xf32>
    %dot_general3A_3401 = arith.constant dense<0.000000e+00> : vector<676x512xf32>
    %dot_general3A_3402 = tpu.matmul %get3A_8, %squeeze3A_3400, %dot_general3A_3401 {dimension_numbers = #tpu.dot_dimension_numbers<[1], [0], [0], [1], [0, 0, 1, 1], [], []>, transpose_lhs_hint = false} : vector<676x26xf32>, vector<26x512xf32>, vector<676x512xf32> -> vector<676x512xf32>
    %broadcast_in_dim3A_3403 = arith.constant 0.000000e+00 : f32
    %broadcast_in_dim3A_3404 = vector.broadcast %broadcast_in_dim3A_3403 : f32 to vector<26x512xf32>
    %slice3A_3405 = vector.extract_strided_slice %dot_general3A_3402 {offsets = [0, 0], sizes = [26, 512], strides = [1, 1]} : vector<676x512xf32> to vector<26x512xf32>
    %slice3A_3406 = vector.extract_strided_slice %squeeze3A_3400 {offsets = [0, 0], sizes = [1, 512], strides = [1, 1]} : vector<26x512xf32> to vector<1x512xf32>
    %mul3A_3407 = vector.broadcast %slice3A_3406 : vector<1x512xf32> to vector<26x512xf32>
    %mul3A_3408 = arith.mulf %slice3A_3405, %mul3A_3407 : vector<26x512xf32>
    %add3A_3409 = arith.addf %broadcast_in_dim3A_3404, %mul3A_3408 : vector<26x512xf32>
    %slice3A_3410 = vector.extract_strided_slice %dot_general3A_3402 {offsets = [26, 0], sizes = [26, 512], strides = [1, 1]} : vector<676x512xf32> to vector<26x512xf32>
    %slice3A_3411 = vector.extract_strided_slice %squeeze3A_3400 {offsets = [1, 0], sizes = [1, 512], strides = [1, 1]} : vector<26x512xf32> to vector<1x512xf32>
    %mul3A_3412 = vector.broadcast %slice3A_3411 : vector<1x512xf32> to vector<26x512xf32>
    %mul3A_3413 = arith.mulf %slice3A_3410, %mul3A_3412 : vector<26x512xf32>
    %add3A_3414 = arith.addf %add3A_3409, %mul3A_3413 : vector<26x512xf32>
    %slice3A_3415 = vector.extract_strided_slice %dot_general3A_3402 {offsets = [52, 0], sizes = [26, 512], strides = [1, 1]} : vector<676x512xf32> to vector<26x512xf32>
    %slice3A_3416 = vector.extract_strided_slice %squeeze3A_3400 {offsets = [2, 0], sizes = [1, 512], strides = [1, 1]} : vector<26x512xf32> to vector<1x512xf32>
    %mul3A_3417 = vector.broadcast %slice3A_3416 : vector<1x512xf32> to vector<26x512xf32>
    %mul3A_3418 = arith.mulf %slice3A_3415, %mul3A_3417 : vector<26x512xf32>
    %add3A_3419 = arith.addf %add3A_3414, %mul3A_3418 : vector<26x512xf32>
    %slice3A_3420 = vector.extract_strided_slice %dot_general3A_3402 {offsets = [78, 0], sizes = [26, 512], strides = [1, 1]} : vector<676x512xf32> to vector<26x512xf32>
    %slice3A_3421 = vector.extract_strided_slice %squeeze3A_3400 {offsets = [3, 0], sizes = [1, 512], strides = [1, 1]} : vector<26x512xf32> to vector<1x512xf32>
    %mul3A_3422 = vector.broadcast %slice3A_3421 : vector<1x512xf32> to vector<26x512xf32>
    %mul3A_3423 = arith.mulf %slice3A_3420, %mul3A_3422 : vector<26x512xf32>
    %add3A_3424 = arith.addf %add3A_3419, %mul3A_3423 : vector<26x512xf32>
    %slice3A_3425 = vector.extract_strided_slice %dot_general3A_3402 {offsets = [104, 0], sizes = [26, 512], strides = [1, 1]} : vector<676x512xf32> to vector<26x512xf32>
    %slice3A_3426 = vector.extract_strided_slice %squeeze3A_3400 {offsets = [4, 0], sizes = [1, 512], strides = [1, 1]} : vector<26x512xf32> to vector<1x512xf32>
    %mul3A_3427 = vector.broadcast %slice3A_3426 : vector<1x512xf32> to vector<26x512xf32>
    %mul3A_3428 = arith.mulf %slice3A_3425, %mul3A_3427 : vector<26x512xf32>
    %add3A_3429 = arith.addf %add3A_3424, %mul3A_3428 : vector<26x512xf32>
    %slice3A_3430 = vector.extract_strided_slice %dot_general3A_3402 {offsets = [130, 0], sizes = [26, 512], strides = [1, 1]} : vector<676x512xf32> to vector<26x512xf32>
    %slice3A_3431 = vector.extract_strided_slice %squeeze3A_3400 {offsets = [5, 0], sizes = [1, 512], strides = [1, 1]} : vector<26x512xf32> to vector<1x512xf32>
    %mul3A_3432 = vector.broadcast %slice3A_3431 : vector<1x512xf32> to vector<26x512xf32>
    %mul3A_3433 = arith.mulf %slice3A_3430, %mul3A_3432 : vector<26x512xf32>
    %add3A_3434 = arith.addf %add3A_3429, %mul3A_3433 : vector<26x512xf32>
    %slice3A_3435 = vector.extract_strided_slice %dot_general3A_3402 {offsets = [156, 0], sizes = [26, 512], strides = [1, 1]} : vector<676x512xf32> to vector<26x512xf32>
    %slice3A_3436 = vector.extract_strided_slice %squeeze3A_3400 {offsets = [6, 0], sizes = [1, 512], strides = [1, 1]} : vector<26x512xf32> to vector<1x512xf32>
    %mul3A_3437 = vector.broadcast %slice3A_3436 : vector<1x512xf32> to vector<26x512xf32>
    %mul3A_3438 = arith.mulf %slice3A_3435, %mul3A_3437 : vector<26x512xf32>
    %add3A_3439 = arith.addf %add3A_3434, %mul3A_3438 : vector<26x512xf32>
    %slice3A_3440 = vector.extract_strided_slice %dot_general3A_3402 {offsets = [182, 0], sizes = [26, 512], strides = [1, 1]} : vector<676x512xf32> to vector<26x512xf32>
    %slice3A_3441 = vector.extract_strided_slice %squeeze3A_3400 {offsets = [7, 0], sizes = [1, 512], strides = [1, 1]} : vector<26x512xf32> to vector<1x512xf32>
    %mul3A_3442 = vector.broadcast %slice3A_3441 : vector<1x512xf32> to vector<26x512xf32>
    %mul3A_3443 = arith.mulf %slice3A_3440, %mul3A_3442 : vector<26x512xf32>
    %add3A_3444 = arith.addf %add3A_3439, %mul3A_3443 : vector<26x512xf32>
    %slice3A_3445 = vector.extract_strided_slice %dot_general3A_3402 {offsets = [208, 0], sizes = [26, 512], strides = [1, 1]} : vector<676x512xf32> to vector<26x512xf32>
    %slice3A_3446 = vector.extract_strided_slice %squeeze3A_3400 {offsets = [8, 0], sizes = [1, 512], strides = [1, 1]} : vector<26x512xf32> to vector<1x512xf32>
    %mul3A_3447 = vector.broadcast %slice3A_3446 : vector<1x512xf32> to vector<26x512xf32>
    %mul3A_3448 = arith.mulf %slice3A_3445, %mul3A_3447 : vector<26x512xf32>
    %add3A_3449 = arith.addf %add3A_3444, %mul3A_3448 : vector<26x512xf32>
    %slice3A_3450 = vector.extract_strided_slice %dot_general3A_3402 {offsets = [234, 0], sizes = [26, 512], strides = [1, 1]} : vector<676x512xf32> to vector<26x512xf32>
    %slice3A_3451 = vector.extract_strided_slice %squeeze3A_3400 {offsets = [9, 0], sizes = [1, 512], strides = [1, 1]} : vector<26x512xf32> to vector<1x512xf32>
    %mul3A_3452 = vector.broadcast %slice3A_3451 : vector<1x512xf32> to vector<26x512xf32>
    %mul3A_3453 = arith.mulf %slice3A_3450, %mul3A_3452 : vector<26x512xf32>
    %add3A_3454 = arith.addf %add3A_3449, %mul3A_3453 : vector<26x512xf32>
    %slice3A_3455 = vector.extract_strided_slice %dot_general3A_3402 {offsets = [260, 0], sizes = [26, 512], strides = [1, 1]} : vector<676x512xf32> to vector<26x512xf32>
    %slice3A_3456 = vector.extract_strided_slice %squeeze3A_3400 {offsets = [10, 0], sizes = [1, 512], strides = [1, 1]} : vector<26x512xf32> to vector<1x512xf32>
    %mul3A_3457 = vector.broadcast %slice3A_3456 : vector<1x512xf32> to vector<26x512xf32>
    %mul3A_3458 = arith.mulf %slice3A_3455, %mul3A_3457 : vector<26x512xf32>
    %add3A_3459 = arith.addf %add3A_3454, %mul3A_3458 : vector<26x512xf32>
    %slice3A_3460 = vector.extract_strided_slice %dot_general3A_3402 {offsets = [286, 0], sizes = [26, 512], strides = [1, 1]} : vector<676x512xf32> to vector<26x512xf32>
    %slice3A_3461 = vector.extract_strided_slice %squeeze3A_3400 {offsets = [11, 0], sizes = [1, 512], strides = [1, 1]} : vector<26x512xf32> to vector<1x512xf32>
    %mul3A_3462 = vector.broadcast %slice3A_3461 : vector<1x512xf32> to vector<26x512xf32>
    %mul3A_3463 = arith.mulf %slice3A_3460, %mul3A_3462 : vector<26x512xf32>
    %add3A_3464 = arith.addf %add3A_3459, %mul3A_3463 : vector<26x512xf32>
    %slice3A_3465 = vector.extract_strided_slice %dot_general3A_3402 {offsets = [312, 0], sizes = [26, 512], strides = [1, 1]} : vector<676x512xf32> to vector<26x512xf32>
    %slice3A_3466 = vector.extract_strided_slice %squeeze3A_3400 {offsets = [12, 0], sizes = [1, 512], strides = [1, 1]} : vector<26x512xf32> to vector<1x512xf32>
    %mul3A_3467 = vector.broadcast %slice3A_3466 : vector<1x512xf32> to vector<26x512xf32>
    %mul3A_3468 = arith.mulf %slice3A_3465, %mul3A_3467 : vector<26x512xf32>
    %add3A_3469 = arith.addf %add3A_3464, %mul3A_3468 : vector<26x512xf32>
    %slice3A_3470 = vector.extract_strided_slice %dot_general3A_3402 {offsets = [338, 0], sizes = [26, 512], strides = [1, 1]} : vector<676x512xf32> to vector<26x512xf32>
    %slice3A_3471 = vector.extract_strided_slice %squeeze3A_3400 {offsets = [13, 0], sizes = [1, 512], strides = [1, 1]} : vector<26x512xf32> to vector<1x512xf32>
    %mul3A_3472 = vector.broadcast %slice3A_3471 : vector<1x512xf32> to vector<26x512xf32>
    %mul3A_3473 = arith.mulf %slice3A_3470, %mul3A_3472 : vector<26x512xf32>
    %add3A_3474 = arith.addf %add3A_3469, %mul3A_3473 : vector<26x512xf32>
    %slice3A_3475 = vector.extract_strided_slice %dot_general3A_3402 {offsets = [364, 0], sizes = [26, 512], strides = [1, 1]} : vector<676x512xf32> to vector<26x512xf32>
    %slice3A_3476 = vector.extract_strided_slice %squeeze3A_3400 {offsets = [14, 0], sizes = [1, 512], strides = [1, 1]} : vector<26x512xf32> to vector<1x512xf32>
    %mul3A_3477 = vector.broadcast %slice3A_3476 : vector<1x512xf32> to vector<26x512xf32>
    %mul3A_3478 = arith.mulf %slice3A_3475, %mul3A_3477 : vector<26x512xf32>
    %add3A_3479 = arith.addf %add3A_3474, %mul3A_3478 : vector<26x512xf32>
    %slice3A_3480 = vector.extract_strided_slice %dot_general3A_3402 {offsets = [390, 0], sizes = [26, 512], strides = [1, 1]} : vector<676x512xf32> to vector<26x512xf32>
    %slice3A_3481 = vector.extract_strided_slice %squeeze3A_3400 {offsets = [15, 0], sizes = [1, 512], strides = [1, 1]} : vector<26x512xf32> to vector<1x512xf32>
    %mul3A_3482 = vector.broadcast %slice3A_3481 : vector<1x512xf32> to vector<26x512xf32>
    %mul3A_3483 = arith.mulf %slice3A_3480, %mul3A_3482 : vector<26x512xf32>
    %add3A_3484 = arith.addf %add3A_3479, %mul3A_3483 : vector<26x512xf32>
    %slice3A_3485 = vector.extract_strided_slice %dot_general3A_3402 {offsets = [416, 0], sizes = [26, 512], strides = [1, 1]} : vector<676x512xf32> to vector<26x512xf32>
    %slice3A_3486 = vector.extract_strided_slice %squeeze3A_3400 {offsets = [16, 0], sizes = [1, 512], strides = [1, 1]} : vector<26x512xf32> to vector<1x512xf32>
    %mul3A_3487 = vector.broadcast %slice3A_3486 : vector<1x512xf32> to vector<26x512xf32>
    %mul3A_3488 = arith.mulf %slice3A_3485, %mul3A_3487 : vector<26x512xf32>
    %add3A_3489 = arith.addf %add3A_3484, %mul3A_3488 : vector<26x512xf32>
    %slice3A_3490 = vector.extract_strided_slice %dot_general3A_3402 {offsets = [442, 0], sizes = [26, 512], strides = [1, 1]} : vector<676x512xf32> to vector<26x512xf32>
    %slice3A_3491 = vector.extract_strided_slice %squeeze3A_3400 {offsets = [17, 0], sizes = [1, 512], strides = [1, 1]} : vector<26x512xf32> to vector<1x512xf32>
    %mul3A_3492 = vector.broadcast %slice3A_3491 : vector<1x512xf32> to vector<26x512xf32>
    %mul3A_3493 = arith.mulf %slice3A_3490, %mul3A_3492 : vector<26x512xf32>
    %add3A_3494 = arith.addf %add3A_3489, %mul3A_3493 : vector<26x512xf32>
    %slice3A_3495 = vector.extract_strided_slice %dot_general3A_3402 {offsets = [468, 0], sizes = [26, 512], strides = [1, 1]} : vector<676x512xf32> to vector<26x512xf32>
    %slice3A_3496 = vector.extract_strided_slice %squeeze3A_3400 {offsets = [18, 0], sizes = [1, 512], strides = [1, 1]} : vector<26x512xf32> to vector<1x512xf32>
    %mul3A_3497 = vector.broadcast %slice3A_3496 : vector<1x512xf32> to vector<26x512xf32>
    %mul3A_3498 = arith.mulf %slice3A_3495, %mul3A_3497 : vector<26x512xf32>
    %add3A_3499 = arith.addf %add3A_3494, %mul3A_3498 : vector<26x512xf32>
    %slice3A_3500 = vector.extract_strided_slice %dot_general3A_3402 {offsets = [494, 0], sizes = [26, 512], strides = [1, 1]} : vector<676x512xf32> to vector<26x512xf32>
    %slice3A_3501 = vector.extract_strided_slice %squeeze3A_3400 {offsets = [19, 0], sizes = [1, 512], strides = [1, 1]} : vector<26x512xf32> to vector<1x512xf32>
    %mul3A_3502 = vector.broadcast %slice3A_3501 : vector<1x512xf32> to vector<26x512xf32>
    %mul3A_3503 = arith.mulf %slice3A_3500, %mul3A_3502 : vector<26x512xf32>
    %add3A_3504 = arith.addf %add3A_3499, %mul3A_3503 : vector<26x512xf32>
    %slice3A_3505 = vector.extract_strided_slice %dot_general3A_3402 {offsets = [520, 0], sizes = [26, 512], strides = [1, 1]} : vector<676x512xf32> to vector<26x512xf32>
    %slice3A_3506 = vector.extract_strided_slice %squeeze3A_3400 {offsets = [20, 0], sizes = [1, 512], strides = [1, 1]} : vector<26x512xf32> to vector<1x512xf32>
    %mul3A_3507 = vector.broadcast %slice3A_3506 : vector<1x512xf32> to vector<26x512xf32>
    %mul3A_3508 = arith.mulf %slice3A_3505, %mul3A_3507 : vector<26x512xf32>
    %add3A_3509 = arith.addf %add3A_3504, %mul3A_3508 : vector<26x512xf32>
    %slice3A_3510 = vector.extract_strided_slice %dot_general3A_3402 {offsets = [546, 0], sizes = [26, 512], strides = [1, 1]} : vector<676x512xf32> to vector<26x512xf32>
    %slice3A_3511 = vector.extract_strided_slice %squeeze3A_3400 {offsets = [21, 0], sizes = [1, 512], strides = [1, 1]} : vector<26x512xf32> to vector<1x512xf32>
    %mul3A_3512 = vector.broadcast %slice3A_3511 : vector<1x512xf32> to vector<26x512xf32>
    %mul3A_3513 = arith.mulf %slice3A_3510, %mul3A_3512 : vector<26x512xf32>
    %add3A_3514 = arith.addf %add3A_3509, %mul3A_3513 : vector<26x512xf32>
    %slice3A_3515 = vector.extract_strided_slice %dot_general3A_3402 {offsets = [572, 0], sizes = [26, 512], strides = [1, 1]} : vector<676x512xf32> to vector<26x512xf32>
    %slice3A_3516 = vector.extract_strided_slice %squeeze3A_3400 {offsets = [22, 0], sizes = [1, 512], strides = [1, 1]} : vector<26x512xf32> to vector<1x512xf32>
    %mul3A_3517 = vector.broadcast %slice3A_3516 : vector<1x512xf32> to vector<26x512xf32>
    %mul3A_3518 = arith.mulf %slice3A_3515, %mul3A_3517 : vector<26x512xf32>
    %add3A_3519 = arith.addf %add3A_3514, %mul3A_3518 : vector<26x512xf32>
    %slice3A_3520 = vector.extract_strided_slice %dot_general3A_3402 {offsets = [598, 0], sizes = [26, 512], strides = [1, 1]} : vector<676x512xf32> to vector<26x512xf32>
    %slice3A_3521 = vector.extract_strided_slice %squeeze3A_3400 {offsets = [23, 0], sizes = [1, 512], strides = [1, 1]} : vector<26x512xf32> to vector<1x512xf32>
    %mul3A_3522 = vector.broadcast %slice3A_3521 : vector<1x512xf32> to vector<26x512xf32>
    %mul3A_3523 = arith.mulf %slice3A_3520, %mul3A_3522 : vector<26x512xf32>
    %add3A_3524 = arith.addf %add3A_3519, %mul3A_3523 : vector<26x512xf32>
    %slice3A_3525 = vector.extract_strided_slice %dot_general3A_3402 {offsets = [624, 0], sizes = [26, 512], strides = [1, 1]} : vector<676x512xf32> to vector<26x512xf32>
    %slice3A_3526 = vector.extract_strided_slice %squeeze3A_3400 {offsets = [24, 0], sizes = [1, 512], strides = [1, 1]} : vector<26x512xf32> to vector<1x512xf32>
    %mul3A_3527 = vector.broadcast %slice3A_3526 : vector<1x512xf32> to vector<26x512xf32>
    %mul3A_3528 = arith.mulf %slice3A_3525, %mul3A_3527 : vector<26x512xf32>
    %add3A_3529 = arith.addf %add3A_3524, %mul3A_3528 : vector<26x512xf32>
    %slice3A_3530 = vector.extract_strided_slice %dot_general3A_3402 {offsets = [650, 0], sizes = [26, 512], strides = [1, 1]} : vector<676x512xf32> to vector<26x512xf32>
    %slice3A_3531 = vector.extract_strided_slice %squeeze3A_3400 {offsets = [25, 0], sizes = [1, 512], strides = [1, 1]} : vector<26x512xf32> to vector<1x512xf32>
    %mul3A_3532 = vector.broadcast %slice3A_3531 : vector<1x512xf32> to vector<26x512xf32>
    %mul3A_3533 = arith.mulf %slice3A_3530, %mul3A_3532 : vector<26x512xf32>
    %add3A_3534 = arith.addf %add3A_3529, %mul3A_3533 : vector<26x512xf32>
    %add3A_3535 = vector.broadcast %get3A_14 : vector<26x1xf32> to vector<26x512xf32>
    %add3A_3536 = arith.addf %add3A_3534, %add3A_3535 : vector<26x512xf32>
    %max3A_3537 = arith.constant 0.000000e+00 : f32
    %max3A_3538 = vector.broadcast %max3A_3537 : f32 to vector<26x512xf32>
    %max3A_3539 = arith.maximumf %add3A_3536, %max3A_3538 : vector<26x512xf32>
    %dot_general3A_3540 = arith.constant dense<0.000000e+00> : vector<676x512xf32>
    %dot_general3A_3541 = tpu.matmul %get3A_11, %max3A_3539, %dot_general3A_3540 {dimension_numbers = #tpu.dot_dimension_numbers<[1], [0], [0], [1], [0, 0, 1, 1], [], []>, transpose_lhs_hint = false} : vector<676x26xf32>, vector<26x512xf32>, vector<676x512xf32> -> vector<676x512xf32>
    %broadcast_in_dim3A_3542 = arith.constant 0.000000e+00 : f32
    %broadcast_in_dim3A_3543 = vector.broadcast %broadcast_in_dim3A_3542 : f32 to vector<26x512xf32>
    %slice3A_3544 = vector.extract_strided_slice %dot_general3A_3541 {offsets = [0, 0], sizes = [26, 512], strides = [1, 1]} : vector<676x512xf32> to vector<26x512xf32>
    %slice3A_3545 = vector.extract_strided_slice %squeeze3A_3400 {offsets = [0, 0], sizes = [1, 512], strides = [1, 1]} : vector<26x512xf32> to vector<1x512xf32>
    %mul3A_3546 = vector.broadcast %slice3A_3545 : vector<1x512xf32> to vector<26x512xf32>
    %mul3A_3547 = arith.mulf %slice3A_3544, %mul3A_3546 : vector<26x512xf32>
    %add3A_3548 = arith.addf %broadcast_in_dim3A_3543, %mul3A_3547 : vector<26x512xf32>
    %slice3A_3549 = vector.extract_strided_slice %dot_general3A_3541 {offsets = [26, 0], sizes = [26, 512], strides = [1, 1]} : vector<676x512xf32> to vector<26x512xf32>
    %slice3A_3550 = vector.extract_strided_slice %squeeze3A_3400 {offsets = [1, 0], sizes = [1, 512], strides = [1, 1]} : vector<26x512xf32> to vector<1x512xf32>
    %mul3A_3551 = vector.broadcast %slice3A_3550 : vector<1x512xf32> to vector<26x512xf32>
    %mul3A_3552 = arith.mulf %slice3A_3549, %mul3A_3551 : vector<26x512xf32>
    %add3A_3553 = arith.addf %add3A_3548, %mul3A_3552 : vector<26x512xf32>
    %slice3A_3554 = vector.extract_strided_slice %dot_general3A_3541 {offsets = [52, 0], sizes = [26, 512], strides = [1, 1]} : vector<676x512xf32> to vector<26x512xf32>
    %slice3A_3555 = vector.extract_strided_slice %squeeze3A_3400 {offsets = [2, 0], sizes = [1, 512], strides = [1, 1]} : vector<26x512xf32> to vector<1x512xf32>
    %mul3A_3556 = vector.broadcast %slice3A_3555 : vector<1x512xf32> to vector<26x512xf32>
    %mul3A_3557 = arith.mulf %slice3A_3554, %mul3A_3556 : vector<26x512xf32>
    %add3A_3558 = arith.addf %add3A_3553, %mul3A_3557 : vector<26x512xf32>
    %slice3A_3559 = vector.extract_strided_slice %dot_general3A_3541 {offsets = [78, 0], sizes = [26, 512], strides = [1, 1]} : vector<676x512xf32> to vector<26x512xf32>
    %slice3A_3560 = vector.extract_strided_slice %squeeze3A_3400 {offsets = [3, 0], sizes = [1, 512], strides = [1, 1]} : vector<26x512xf32> to vector<1x512xf32>
    %mul3A_3561 = vector.broadcast %slice3A_3560 : vector<1x512xf32> to vector<26x512xf32>
    %mul3A_3562 = arith.mulf %slice3A_3559, %mul3A_3561 : vector<26x512xf32>
    %add3A_3563 = arith.addf %add3A_3558, %mul3A_3562 : vector<26x512xf32>
    %slice3A_3564 = vector.extract_strided_slice %dot_general3A_3541 {offsets = [104, 0], sizes = [26, 512], strides = [1, 1]} : vector<676x512xf32> to vector<26x512xf32>
    %slice3A_3565 = vector.extract_strided_slice %squeeze3A_3400 {offsets = [4, 0], sizes = [1, 512], strides = [1, 1]} : vector<26x512xf32> to vector<1x512xf32>
    %mul3A_3566 = vector.broadcast %slice3A_3565 : vector<1x512xf32> to vector<26x512xf32>
    %mul3A_3567 = arith.mulf %slice3A_3564, %mul3A_3566 : vector<26x512xf32>
    %add3A_3568 = arith.addf %add3A_3563, %mul3A_3567 : vector<26x512xf32>
    %slice3A_3569 = vector.extract_strided_slice %dot_general3A_3541 {offsets = [130, 0], sizes = [26, 512], strides = [1, 1]} : vector<676x512xf32> to vector<26x512xf32>
    %slice3A_3570 = vector.extract_strided_slice %squeeze3A_3400 {offsets = [5, 0], sizes = [1, 512], strides = [1, 1]} : vector<26x512xf32> to vector<1x512xf32>
    %mul3A_3571 = vector.broadcast %slice3A_3570 : vector<1x512xf32> to vector<26x512xf32>
    %mul3A_3572 = arith.mulf %slice3A_3569, %mul3A_3571 : vector<26x512xf32>
    %add3A_3573 = arith.addf %add3A_3568, %mul3A_3572 : vector<26x512xf32>
    %slice3A_3574 = vector.extract_strided_slice %dot_general3A_3541 {offsets = [156, 0], sizes = [26, 512], strides = [1, 1]} : vector<676x512xf32> to vector<26x512xf32>
    %slice3A_3575 = vector.extract_strided_slice %squeeze3A_3400 {offsets = [6, 0], sizes = [1, 512], strides = [1, 1]} : vector<26x512xf32> to vector<1x512xf32>
    %mul3A_3576 = vector.broadcast %slice3A_3575 : vector<1x512xf32> to vector<26x512xf32>
    %mul3A_3577 = arith.mulf %slice3A_3574, %mul3A_3576 : vector<26x512xf32>
    %add3A_3578 = arith.addf %add3A_3573, %mul3A_3577 : vector<26x512xf32>
    %slice3A_3579 = vector.extract_strided_slice %dot_general3A_3541 {offsets = [182, 0], sizes = [26, 512], strides = [1, 1]} : vector<676x512xf32> to vector<26x512xf32>
    %slice3A_3580 = vector.extract_strided_slice %squeeze3A_3400 {offsets = [7, 0], sizes = [1, 512], strides = [1, 1]} : vector<26x512xf32> to vector<1x512xf32>
    %mul3A_3581 = vector.broadcast %slice3A_3580 : vector<1x512xf32> to vector<26x512xf32>
    %mul3A_3582 = arith.mulf %slice3A_3579, %mul3A_3581 : vector<26x512xf32>
    %add3A_3583 = arith.addf %add3A_3578, %mul3A_3582 : vector<26x512xf32>
    %slice3A_3584 = vector.extract_strided_slice %dot_general3A_3541 {offsets = [208, 0], sizes = [26, 512], strides = [1, 1]} : vector<676x512xf32> to vector<26x512xf32>
    %slice3A_3585 = vector.extract_strided_slice %squeeze3A_3400 {offsets = [8, 0], sizes = [1, 512], strides = [1, 1]} : vector<26x512xf32> to vector<1x512xf32>
    %mul3A_3586 = vector.broadcast %slice3A_3585 : vector<1x512xf32> to vector<26x512xf32>
    %mul3A_3587 = arith.mulf %slice3A_3584, %mul3A_3586 : vector<26x512xf32>
    %add3A_3588 = arith.addf %add3A_3583, %mul3A_3587 : vector<26x512xf32>
    %slice3A_3589 = vector.extract_strided_slice %dot_general3A_3541 {offsets = [234, 0], sizes = [26, 512], strides = [1, 1]} : vector<676x512xf32> to vector<26x512xf32>
    %slice3A_3590 = vector.extract_strided_slice %squeeze3A_3400 {offsets = [9, 0], sizes = [1, 512], strides = [1, 1]} : vector<26x512xf32> to vector<1x512xf32>
    %mul3A_3591 = vector.broadcast %slice3A_3590 : vector<1x512xf32> to vector<26x512xf32>
    %mul3A_3592 = arith.mulf %slice3A_3589, %mul3A_3591 : vector<26x512xf32>
    %add3A_3593 = arith.addf %add3A_3588, %mul3A_3592 : vector<26x512xf32>
    %slice3A_3594 = vector.extract_strided_slice %dot_general3A_3541 {offsets = [260, 0], sizes = [26, 512], strides = [1, 1]} : vector<676x512xf32> to vector<26x512xf32>
    %slice3A_3595 = vector.extract_strided_slice %squeeze3A_3400 {offsets = [10, 0], sizes = [1, 512], strides = [1, 1]} : vector<26x512xf32> to vector<1x512xf32>
    %mul3A_3596 = vector.broadcast %slice3A_3595 : vector<1x512xf32> to vector<26x512xf32>
    %mul3A_3597 = arith.mulf %slice3A_3594, %mul3A_3596 : vector<26x512xf32>
    %add3A_3598 = arith.addf %add3A_3593, %mul3A_3597 : vector<26x512xf32>
    %slice3A_3599 = vector.extract_strided_slice %dot_general3A_3541 {offsets = [286, 0], sizes = [26, 512], strides = [1, 1]} : vector<676x512xf32> to vector<26x512xf32>
    %slice3A_3600 = vector.extract_strided_slice %squeeze3A_3400 {offsets = [11, 0], sizes = [1, 512], strides = [1, 1]} : vector<26x512xf32> to vector<1x512xf32>
    %mul3A_3601 = vector.broadcast %slice3A_3600 : vector<1x512xf32> to vector<26x512xf32>
    %mul3A_3602 = arith.mulf %slice3A_3599, %mul3A_3601 : vector<26x512xf32>
    %add3A_3603 = arith.addf %add3A_3598, %mul3A_3602 : vector<26x512xf32>
    %slice3A_3604 = vector.extract_strided_slice %dot_general3A_3541 {offsets = [312, 0], sizes = [26, 512], strides = [1, 1]} : vector<676x512xf32> to vector<26x512xf32>
    %slice3A_3605 = vector.extract_strided_slice %squeeze3A_3400 {offsets = [12, 0], sizes = [1, 512], strides = [1, 1]} : vector<26x512xf32> to vector<1x512xf32>
    %mul3A_3606 = vector.broadcast %slice3A_3605 : vector<1x512xf32> to vector<26x512xf32>
    %mul3A_3607 = arith.mulf %slice3A_3604, %mul3A_3606 : vector<26x512xf32>
    %add3A_3608 = arith.addf %add3A_3603, %mul3A_3607 : vector<26x512xf32>
    %slice3A_3609 = vector.extract_strided_slice %dot_general3A_3541 {offsets = [338, 0], sizes = [26, 512], strides = [1, 1]} : vector<676x512xf32> to vector<26x512xf32>
    %slice3A_3610 = vector.extract_strided_slice %squeeze3A_3400 {offsets = [13, 0], sizes = [1, 512], strides = [1, 1]} : vector<26x512xf32> to vector<1x512xf32>
    %mul3A_3611 = vector.broadcast %slice3A_3610 : vector<1x512xf32> to vector<26x512xf32>
    %mul3A_3612 = arith.mulf %slice3A_3609, %mul3A_3611 : vector<26x512xf32>
    %add3A_3613 = arith.addf %add3A_3608, %mul3A_3612 : vector<26x512xf32>
    %slice3A_3614 = vector.extract_strided_slice %dot_general3A_3541 {offsets = [364, 0], sizes = [26, 512], strides = [1, 1]} : vector<676x512xf32> to vector<26x512xf32>
    %slice3A_3615 = vector.extract_strided_slice %squeeze3A_3400 {offsets = [14, 0], sizes = [1, 512], strides = [1, 1]} : vector<26x512xf32> to vector<1x512xf32>
    %mul3A_3616 = vector.broadcast %slice3A_3615 : vector<1x512xf32> to vector<26x512xf32>
    %mul3A_3617 = arith.mulf %slice3A_3614, %mul3A_3616 : vector<26x512xf32>
    %add3A_3618 = arith.addf %add3A_3613, %mul3A_3617 : vector<26x512xf32>
    %slice3A_3619 = vector.extract_strided_slice %dot_general3A_3541 {offsets = [390, 0], sizes = [26, 512], strides = [1, 1]} : vector<676x512xf32> to vector<26x512xf32>
    %slice3A_3620 = vector.extract_strided_slice %squeeze3A_3400 {offsets = [15, 0], sizes = [1, 512], strides = [1, 1]} : vector<26x512xf32> to vector<1x512xf32>
    %mul3A_3621 = vector.broadcast %slice3A_3620 : vector<1x512xf32> to vector<26x512xf32>
    %mul3A_3622 = arith.mulf %slice3A_3619, %mul3A_3621 : vector<26x512xf32>
    %add3A_3623 = arith.addf %add3A_3618, %mul3A_3622 : vector<26x512xf32>
    %slice3A_3624 = vector.extract_strided_slice %dot_general3A_3541 {offsets = [416, 0], sizes = [26, 512], strides = [1, 1]} : vector<676x512xf32> to vector<26x512xf32>
    %slice3A_3625 = vector.extract_strided_slice %squeeze3A_3400 {offsets = [16, 0], sizes = [1, 512], strides = [1, 1]} : vector<26x512xf32> to vector<1x512xf32>
    %mul3A_3626 = vector.broadcast %slice3A_3625 : vector<1x512xf32> to vector<26x512xf32>
    %mul3A_3627 = arith.mulf %slice3A_3624, %mul3A_3626 : vector<26x512xf32>
    %add3A_3628 = arith.addf %add3A_3623, %mul3A_3627 : vector<26x512xf32>
    %slice3A_3629 = vector.extract_strided_slice %dot_general3A_3541 {offsets = [442, 0], sizes = [26, 512], strides = [1, 1]} : vector<676x512xf32> to vector<26x512xf32>
    %slice3A_3630 = vector.extract_strided_slice %squeeze3A_3400 {offsets = [17, 0], sizes = [1, 512], strides = [1, 1]} : vector<26x512xf32> to vector<1x512xf32>
    %mul3A_3631 = vector.broadcast %slice3A_3630 : vector<1x512xf32> to vector<26x512xf32>
    %mul3A_3632 = arith.mulf %slice3A_3629, %mul3A_3631 : vector<26x512xf32>
    %add3A_3633 = arith.addf %add3A_3628, %mul3A_3632 : vector<26x512xf32>
    %slice3A_3634 = vector.extract_strided_slice %dot_general3A_3541 {offsets = [468, 0], sizes = [26, 512], strides = [1, 1]} : vector<676x512xf32> to vector<26x512xf32>
    %slice3A_3635 = vector.extract_strided_slice %squeeze3A_3400 {offsets = [18, 0], sizes = [1, 512], strides = [1, 1]} : vector<26x512xf32> to vector<1x512xf32>
    %mul3A_3636 = vector.broadcast %slice3A_3635 : vector<1x512xf32> to vector<26x512xf32>
    %mul3A_3637 = arith.mulf %slice3A_3634, %mul3A_3636 : vector<26x512xf32>
    %add3A_3638 = arith.addf %add3A_3633, %mul3A_3637 : vector<26x512xf32>
    %slice3A_3639 = vector.extract_strided_slice %dot_general3A_3541 {offsets = [494, 0], sizes = [26, 512], strides = [1, 1]} : vector<676x512xf32> to vector<26x512xf32>
    %slice3A_3640 = vector.extract_strided_slice %squeeze3A_3400 {offsets = [19, 0], sizes = [1, 512], strides = [1, 1]} : vector<26x512xf32> to vector<1x512xf32>
    %mul3A_3641 = vector.broadcast %slice3A_3640 : vector<1x512xf32> to vector<26x512xf32>
    %mul3A_3642 = arith.mulf %slice3A_3639, %mul3A_3641 : vector<26x512xf32>
    %add3A_3643 = arith.addf %add3A_3638, %mul3A_3642 : vector<26x512xf32>
    %slice3A_3644 = vector.extract_strided_slice %dot_general3A_3541 {offsets = [520, 0], sizes = [26, 512], strides = [1, 1]} : vector<676x512xf32> to vector<26x512xf32>
    %slice3A_3645 = vector.extract_strided_slice %squeeze3A_3400 {offsets = [20, 0], sizes = [1, 512], strides = [1, 1]} : vector<26x512xf32> to vector<1x512xf32>
    %mul3A_3646 = vector.broadcast %slice3A_3645 : vector<1x512xf32> to vector<26x512xf32>
    %mul3A_3647 = arith.mulf %slice3A_3644, %mul3A_3646 : vector<26x512xf32>
    %add3A_3648 = arith.addf %add3A_3643, %mul3A_3647 : vector<26x512xf32>
    %slice3A_3649 = vector.extract_strided_slice %dot_general3A_3541 {offsets = [546, 0], sizes = [26, 512], strides = [1, 1]} : vector<676x512xf32> to vector<26x512xf32>
    %slice3A_3650 = vector.extract_strided_slice %squeeze3A_3400 {offsets = [21, 0], sizes = [1, 512], strides = [1, 1]} : vector<26x512xf32> to vector<1x512xf32>
    %mul3A_3651 = vector.broadcast %slice3A_3650 : vector<1x512xf32> to vector<26x512xf32>
    %mul3A_3652 = arith.mulf %slice3A_3649, %mul3A_3651 : vector<26x512xf32>
    %add3A_3653 = arith.addf %add3A_3648, %mul3A_3652 : vector<26x512xf32>
    %slice3A_3654 = vector.extract_strided_slice %dot_general3A_3541 {offsets = [572, 0], sizes = [26, 512], strides = [1, 1]} : vector<676x512xf32> to vector<26x512xf32>
    %slice3A_3655 = vector.extract_strided_slice %squeeze3A_3400 {offsets = [22, 0], sizes = [1, 512], strides = [1, 1]} : vector<26x512xf32> to vector<1x512xf32>
    %mul3A_3656 = vector.broadcast %slice3A_3655 : vector<1x512xf32> to vector<26x512xf32>
    %mul3A_3657 = arith.mulf %slice3A_3654, %mul3A_3656 : vector<26x512xf32>
    %add3A_3658 = arith.addf %add3A_3653, %mul3A_3657 : vector<26x512xf32>
    %slice3A_3659 = vector.extract_strided_slice %dot_general3A_3541 {offsets = [598, 0], sizes = [26, 512], strides = [1, 1]} : vector<676x512xf32> to vector<26x512xf32>
    %slice3A_3660 = vector.extract_strided_slice %squeeze3A_3400 {offsets = [23, 0], sizes = [1, 512], strides = [1, 1]} : vector<26x512xf32> to vector<1x512xf32>
    %mul3A_3661 = vector.broadcast %slice3A_3660 : vector<1x512xf32> to vector<26x512xf32>
    %mul3A_3662 = arith.mulf %slice3A_3659, %mul3A_3661 : vector<26x512xf32>
    %add3A_3663 = arith.addf %add3A_3658, %mul3A_3662 : vector<26x512xf32>
    %slice3A_3664 = vector.extract_strided_slice %dot_general3A_3541 {offsets = [624, 0], sizes = [26, 512], strides = [1, 1]} : vector<676x512xf32> to vector<26x512xf32>
    %slice3A_3665 = vector.extract_strided_slice %squeeze3A_3400 {offsets = [24, 0], sizes = [1, 512], strides = [1, 1]} : vector<26x512xf32> to vector<1x512xf32>
    %mul3A_3666 = vector.broadcast %slice3A_3665 : vector<1x512xf32> to vector<26x512xf32>
    %mul3A_3667 = arith.mulf %slice3A_3664, %mul3A_3666 : vector<26x512xf32>
    %add3A_3668 = arith.addf %add3A_3663, %mul3A_3667 : vector<26x512xf32>
    %slice3A_3669 = vector.extract_strided_slice %dot_general3A_3541 {offsets = [650, 0], sizes = [26, 512], strides = [1, 1]} : vector<676x512xf32> to vector<26x512xf32>
    %slice3A_3670 = vector.extract_strided_slice %squeeze3A_3400 {offsets = [25, 0], sizes = [1, 512], strides = [1, 1]} : vector<26x512xf32> to vector<1x512xf32>
    %mul3A_3671 = vector.broadcast %slice3A_3670 : vector<1x512xf32> to vector<26x512xf32>
    %mul3A_3672 = arith.mulf %slice3A_3669, %mul3A_3671 : vector<26x512xf32>
    %add3A_3673 = arith.addf %add3A_3668, %mul3A_3672 : vector<26x512xf32>
    %add3A_3674 = vector.broadcast %get3A_17 : vector<26x1xf32> to vector<26x512xf32>
    %add3A_3675 = arith.addf %add3A_3673, %add3A_3674 : vector<26x512xf32>
    %max3A_3676 = arith.constant 0.000000e+00 : f32
    %max3A_3677 = vector.broadcast %max3A_3676 : f32 to vector<26x512xf32>
    %max3A_3678 = arith.maximumf %add3A_3675, %max3A_3677 : vector<26x512xf32>
    %add3A_3679 = arith.addf %add3A_3397, %max3A_3539 : vector<26x512xf32>
    %add3A_3680 = arith.addf %add3A_3398, %max3A_3678 : vector<26x512xf32>
    %slice3A_3681 = vector.extract_strided_slice %reshape3A {offsets = [0, 13, 0], sizes = [26, 1, 512], strides = [1, 1, 1]} : vector<26x16x512xf32> to vector<26x1x512xf32>
    %squeeze3A_3682 = vector.shape_cast %slice3A_3681 : vector<26x1x512xf32> to vector<26x512xf32>
    %dot_general3A_3683 = arith.constant dense<0.000000e+00> : vector<676x512xf32>
    %dot_general3A_3684 = tpu.matmul %get3A_8, %squeeze3A_3682, %dot_general3A_3683 {dimension_numbers = #tpu.dot_dimension_numbers<[1], [0], [0], [1], [0, 0, 1, 1], [], []>, transpose_lhs_hint = false} : vector<676x26xf32>, vector<26x512xf32>, vector<676x512xf32> -> vector<676x512xf32>
    %broadcast_in_dim3A_3685 = arith.constant 0.000000e+00 : f32
    %broadcast_in_dim3A_3686 = vector.broadcast %broadcast_in_dim3A_3685 : f32 to vector<26x512xf32>
    %slice3A_3687 = vector.extract_strided_slice %dot_general3A_3684 {offsets = [0, 0], sizes = [26, 512], strides = [1, 1]} : vector<676x512xf32> to vector<26x512xf32>
    %slice3A_3688 = vector.extract_strided_slice %squeeze3A_3682 {offsets = [0, 0], sizes = [1, 512], strides = [1, 1]} : vector<26x512xf32> to vector<1x512xf32>
    %mul3A_3689 = vector.broadcast %slice3A_3688 : vector<1x512xf32> to vector<26x512xf32>
    %mul3A_3690 = arith.mulf %slice3A_3687, %mul3A_3689 : vector<26x512xf32>
    %add3A_3691 = arith.addf %broadcast_in_dim3A_3686, %mul3A_3690 : vector<26x512xf32>
    %slice3A_3692 = vector.extract_strided_slice %dot_general3A_3684 {offsets = [26, 0], sizes = [26, 512], strides = [1, 1]} : vector<676x512xf32> to vector<26x512xf32>
    %slice3A_3693 = vector.extract_strided_slice %squeeze3A_3682 {offsets = [1, 0], sizes = [1, 512], strides = [1, 1]} : vector<26x512xf32> to vector<1x512xf32>
    %mul3A_3694 = vector.broadcast %slice3A_3693 : vector<1x512xf32> to vector<26x512xf32>
    %mul3A_3695 = arith.mulf %slice3A_3692, %mul3A_3694 : vector<26x512xf32>
    %add3A_3696 = arith.addf %add3A_3691, %mul3A_3695 : vector<26x512xf32>
    %slice3A_3697 = vector.extract_strided_slice %dot_general3A_3684 {offsets = [52, 0], sizes = [26, 512], strides = [1, 1]} : vector<676x512xf32> to vector<26x512xf32>
    %slice3A_3698 = vector.extract_strided_slice %squeeze3A_3682 {offsets = [2, 0], sizes = [1, 512], strides = [1, 1]} : vector<26x512xf32> to vector<1x512xf32>
    %mul3A_3699 = vector.broadcast %slice3A_3698 : vector<1x512xf32> to vector<26x512xf32>
    %mul3A_3700 = arith.mulf %slice3A_3697, %mul3A_3699 : vector<26x512xf32>
    %add3A_3701 = arith.addf %add3A_3696, %mul3A_3700 : vector<26x512xf32>
    %slice3A_3702 = vector.extract_strided_slice %dot_general3A_3684 {offsets = [78, 0], sizes = [26, 512], strides = [1, 1]} : vector<676x512xf32> to vector<26x512xf32>
    %slice3A_3703 = vector.extract_strided_slice %squeeze3A_3682 {offsets = [3, 0], sizes = [1, 512], strides = [1, 1]} : vector<26x512xf32> to vector<1x512xf32>
    %mul3A_3704 = vector.broadcast %slice3A_3703 : vector<1x512xf32> to vector<26x512xf32>
    %mul3A_3705 = arith.mulf %slice3A_3702, %mul3A_3704 : vector<26x512xf32>
    %add3A_3706 = arith.addf %add3A_3701, %mul3A_3705 : vector<26x512xf32>
    %slice3A_3707 = vector.extract_strided_slice %dot_general3A_3684 {offsets = [104, 0], sizes = [26, 512], strides = [1, 1]} : vector<676x512xf32> to vector<26x512xf32>
    %slice3A_3708 = vector.extract_strided_slice %squeeze3A_3682 {offsets = [4, 0], sizes = [1, 512], strides = [1, 1]} : vector<26x512xf32> to vector<1x512xf32>
    %mul3A_3709 = vector.broadcast %slice3A_3708 : vector<1x512xf32> to vector<26x512xf32>
    %mul3A_3710 = arith.mulf %slice3A_3707, %mul3A_3709 : vector<26x512xf32>
    %add3A_3711 = arith.addf %add3A_3706, %mul3A_3710 : vector<26x512xf32>
    %slice3A_3712 = vector.extract_strided_slice %dot_general3A_3684 {offsets = [130, 0], sizes = [26, 512], strides = [1, 1]} : vector<676x512xf32> to vector<26x512xf32>
    %slice3A_3713 = vector.extract_strided_slice %squeeze3A_3682 {offsets = [5, 0], sizes = [1, 512], strides = [1, 1]} : vector<26x512xf32> to vector<1x512xf32>
    %mul3A_3714 = vector.broadcast %slice3A_3713 : vector<1x512xf32> to vector<26x512xf32>
    %mul3A_3715 = arith.mulf %slice3A_3712, %mul3A_3714 : vector<26x512xf32>
    %add3A_3716 = arith.addf %add3A_3711, %mul3A_3715 : vector<26x512xf32>
    %slice3A_3717 = vector.extract_strided_slice %dot_general3A_3684 {offsets = [156, 0], sizes = [26, 512], strides = [1, 1]} : vector<676x512xf32> to vector<26x512xf32>
    %slice3A_3718 = vector.extract_strided_slice %squeeze3A_3682 {offsets = [6, 0], sizes = [1, 512], strides = [1, 1]} : vector<26x512xf32> to vector<1x512xf32>
    %mul3A_3719 = vector.broadcast %slice3A_3718 : vector<1x512xf32> to vector<26x512xf32>
    %mul3A_3720 = arith.mulf %slice3A_3717, %mul3A_3719 : vector<26x512xf32>
    %add3A_3721 = arith.addf %add3A_3716, %mul3A_3720 : vector<26x512xf32>
    %slice3A_3722 = vector.extract_strided_slice %dot_general3A_3684 {offsets = [182, 0], sizes = [26, 512], strides = [1, 1]} : vector<676x512xf32> to vector<26x512xf32>
    %slice3A_3723 = vector.extract_strided_slice %squeeze3A_3682 {offsets = [7, 0], sizes = [1, 512], strides = [1, 1]} : vector<26x512xf32> to vector<1x512xf32>
    %mul3A_3724 = vector.broadcast %slice3A_3723 : vector<1x512xf32> to vector<26x512xf32>
    %mul3A_3725 = arith.mulf %slice3A_3722, %mul3A_3724 : vector<26x512xf32>
    %add3A_3726 = arith.addf %add3A_3721, %mul3A_3725 : vector<26x512xf32>
    %slice3A_3727 = vector.extract_strided_slice %dot_general3A_3684 {offsets = [208, 0], sizes = [26, 512], strides = [1, 1]} : vector<676x512xf32> to vector<26x512xf32>
    %slice3A_3728 = vector.extract_strided_slice %squeeze3A_3682 {offsets = [8, 0], sizes = [1, 512], strides = [1, 1]} : vector<26x512xf32> to vector<1x512xf32>
    %mul3A_3729 = vector.broadcast %slice3A_3728 : vector<1x512xf32> to vector<26x512xf32>
    %mul3A_3730 = arith.mulf %slice3A_3727, %mul3A_3729 : vector<26x512xf32>
    %add3A_3731 = arith.addf %add3A_3726, %mul3A_3730 : vector<26x512xf32>
    %slice3A_3732 = vector.extract_strided_slice %dot_general3A_3684 {offsets = [234, 0], sizes = [26, 512], strides = [1, 1]} : vector<676x512xf32> to vector<26x512xf32>
    %slice3A_3733 = vector.extract_strided_slice %squeeze3A_3682 {offsets = [9, 0], sizes = [1, 512], strides = [1, 1]} : vector<26x512xf32> to vector<1x512xf32>
    %mul3A_3734 = vector.broadcast %slice3A_3733 : vector<1x512xf32> to vector<26x512xf32>
    %mul3A_3735 = arith.mulf %slice3A_3732, %mul3A_3734 : vector<26x512xf32>
    %add3A_3736 = arith.addf %add3A_3731, %mul3A_3735 : vector<26x512xf32>
    %slice3A_3737 = vector.extract_strided_slice %dot_general3A_3684 {offsets = [260, 0], sizes = [26, 512], strides = [1, 1]} : vector<676x512xf32> to vector<26x512xf32>
    %slice3A_3738 = vector.extract_strided_slice %squeeze3A_3682 {offsets = [10, 0], sizes = [1, 512], strides = [1, 1]} : vector<26x512xf32> to vector<1x512xf32>
    %mul3A_3739 = vector.broadcast %slice3A_3738 : vector<1x512xf32> to vector<26x512xf32>
    %mul3A_3740 = arith.mulf %slice3A_3737, %mul3A_3739 : vector<26x512xf32>
    %add3A_3741 = arith.addf %add3A_3736, %mul3A_3740 : vector<26x512xf32>
    %slice3A_3742 = vector.extract_strided_slice %dot_general3A_3684 {offsets = [286, 0], sizes = [26, 512], strides = [1, 1]} : vector<676x512xf32> to vector<26x512xf32>
    %slice3A_3743 = vector.extract_strided_slice %squeeze3A_3682 {offsets = [11, 0], sizes = [1, 512], strides = [1, 1]} : vector<26x512xf32> to vector<1x512xf32>
    %mul3A_3744 = vector.broadcast %slice3A_3743 : vector<1x512xf32> to vector<26x512xf32>
    %mul3A_3745 = arith.mulf %slice3A_3742, %mul3A_3744 : vector<26x512xf32>
    %add3A_3746 = arith.addf %add3A_3741, %mul3A_3745 : vector<26x512xf32>
    %slice3A_3747 = vector.extract_strided_slice %dot_general3A_3684 {offsets = [312, 0], sizes = [26, 512], strides = [1, 1]} : vector<676x512xf32> to vector<26x512xf32>
    %slice3A_3748 = vector.extract_strided_slice %squeeze3A_3682 {offsets = [12, 0], sizes = [1, 512], strides = [1, 1]} : vector<26x512xf32> to vector<1x512xf32>
    %mul3A_3749 = vector.broadcast %slice3A_3748 : vector<1x512xf32> to vector<26x512xf32>
    %mul3A_3750 = arith.mulf %slice3A_3747, %mul3A_3749 : vector<26x512xf32>
    %add3A_3751 = arith.addf %add3A_3746, %mul3A_3750 : vector<26x512xf32>
    %slice3A_3752 = vector.extract_strided_slice %dot_general3A_3684 {offsets = [338, 0], sizes = [26, 512], strides = [1, 1]} : vector<676x512xf32> to vector<26x512xf32>
    %slice3A_3753 = vector.extract_strided_slice %squeeze3A_3682 {offsets = [13, 0], sizes = [1, 512], strides = [1, 1]} : vector<26x512xf32> to vector<1x512xf32>
    %mul3A_3754 = vector.broadcast %slice3A_3753 : vector<1x512xf32> to vector<26x512xf32>
    %mul3A_3755 = arith.mulf %slice3A_3752, %mul3A_3754 : vector<26x512xf32>
    %add3A_3756 = arith.addf %add3A_3751, %mul3A_3755 : vector<26x512xf32>
    %slice3A_3757 = vector.extract_strided_slice %dot_general3A_3684 {offsets = [364, 0], sizes = [26, 512], strides = [1, 1]} : vector<676x512xf32> to vector<26x512xf32>
    %slice3A_3758 = vector.extract_strided_slice %squeeze3A_3682 {offsets = [14, 0], sizes = [1, 512], strides = [1, 1]} : vector<26x512xf32> to vector<1x512xf32>
    %mul3A_3759 = vector.broadcast %slice3A_3758 : vector<1x512xf32> to vector<26x512xf32>
    %mul3A_3760 = arith.mulf %slice3A_3757, %mul3A_3759 : vector<26x512xf32>
    %add3A_3761 = arith.addf %add3A_3756, %mul3A_3760 : vector<26x512xf32>
    %slice3A_3762 = vector.extract_strided_slice %dot_general3A_3684 {offsets = [390, 0], sizes = [26, 512], strides = [1, 1]} : vector<676x512xf32> to vector<26x512xf32>
    %slice3A_3763 = vector.extract_strided_slice %squeeze3A_3682 {offsets = [15, 0], sizes = [1, 512], strides = [1, 1]} : vector<26x512xf32> to vector<1x512xf32>
    %mul3A_3764 = vector.broadcast %slice3A_3763 : vector<1x512xf32> to vector<26x512xf32>
    %mul3A_3765 = arith.mulf %slice3A_3762, %mul3A_3764 : vector<26x512xf32>
    %add3A_3766 = arith.addf %add3A_3761, %mul3A_3765 : vector<26x512xf32>
    %slice3A_3767 = vector.extract_strided_slice %dot_general3A_3684 {offsets = [416, 0], sizes = [26, 512], strides = [1, 1]} : vector<676x512xf32> to vector<26x512xf32>
    %slice3A_3768 = vector.extract_strided_slice %squeeze3A_3682 {offsets = [16, 0], sizes = [1, 512], strides = [1, 1]} : vector<26x512xf32> to vector<1x512xf32>
    %mul3A_3769 = vector.broadcast %slice3A_3768 : vector<1x512xf32> to vector<26x512xf32>
    %mul3A_3770 = arith.mulf %slice3A_3767, %mul3A_3769 : vector<26x512xf32>
    %add3A_3771 = arith.addf %add3A_3766, %mul3A_3770 : vector<26x512xf32>
    %slice3A_3772 = vector.extract_strided_slice %dot_general3A_3684 {offsets = [442, 0], sizes = [26, 512], strides = [1, 1]} : vector<676x512xf32> to vector<26x512xf32>
    %slice3A_3773 = vector.extract_strided_slice %squeeze3A_3682 {offsets = [17, 0], sizes = [1, 512], strides = [1, 1]} : vector<26x512xf32> to vector<1x512xf32>
    %mul3A_3774 = vector.broadcast %slice3A_3773 : vector<1x512xf32> to vector<26x512xf32>
    %mul3A_3775 = arith.mulf %slice3A_3772, %mul3A_3774 : vector<26x512xf32>
    %add3A_3776 = arith.addf %add3A_3771, %mul3A_3775 : vector<26x512xf32>
    %slice3A_3777 = vector.extract_strided_slice %dot_general3A_3684 {offsets = [468, 0], sizes = [26, 512], strides = [1, 1]} : vector<676x512xf32> to vector<26x512xf32>
    %slice3A_3778 = vector.extract_strided_slice %squeeze3A_3682 {offsets = [18, 0], sizes = [1, 512], strides = [1, 1]} : vector<26x512xf32> to vector<1x512xf32>
    %mul3A_3779 = vector.broadcast %slice3A_3778 : vector<1x512xf32> to vector<26x512xf32>
    %mul3A_3780 = arith.mulf %slice3A_3777, %mul3A_3779 : vector<26x512xf32>
    %add3A_3781 = arith.addf %add3A_3776, %mul3A_3780 : vector<26x512xf32>
    %slice3A_3782 = vector.extract_strided_slice %dot_general3A_3684 {offsets = [494, 0], sizes = [26, 512], strides = [1, 1]} : vector<676x512xf32> to vector<26x512xf32>
    %slice3A_3783 = vector.extract_strided_slice %squeeze3A_3682 {offsets = [19, 0], sizes = [1, 512], strides = [1, 1]} : vector<26x512xf32> to vector<1x512xf32>
    %mul3A_3784 = vector.broadcast %slice3A_3783 : vector<1x512xf32> to vector<26x512xf32>
    %mul3A_3785 = arith.mulf %slice3A_3782, %mul3A_3784 : vector<26x512xf32>
    %add3A_3786 = arith.addf %add3A_3781, %mul3A_3785 : vector<26x512xf32>
    %slice3A_3787 = vector.extract_strided_slice %dot_general3A_3684 {offsets = [520, 0], sizes = [26, 512], strides = [1, 1]} : vector<676x512xf32> to vector<26x512xf32>
    %slice3A_3788 = vector.extract_strided_slice %squeeze3A_3682 {offsets = [20, 0], sizes = [1, 512], strides = [1, 1]} : vector<26x512xf32> to vector<1x512xf32>
    %mul3A_3789 = vector.broadcast %slice3A_3788 : vector<1x512xf32> to vector<26x512xf32>
    %mul3A_3790 = arith.mulf %slice3A_3787, %mul3A_3789 : vector<26x512xf32>
    %add3A_3791 = arith.addf %add3A_3786, %mul3A_3790 : vector<26x512xf32>
    %slice3A_3792 = vector.extract_strided_slice %dot_general3A_3684 {offsets = [546, 0], sizes = [26, 512], strides = [1, 1]} : vector<676x512xf32> to vector<26x512xf32>
    %slice3A_3793 = vector.extract_strided_slice %squeeze3A_3682 {offsets = [21, 0], sizes = [1, 512], strides = [1, 1]} : vector<26x512xf32> to vector<1x512xf32>
    %mul3A_3794 = vector.broadcast %slice3A_3793 : vector<1x512xf32> to vector<26x512xf32>
    %mul3A_3795 = arith.mulf %slice3A_3792, %mul3A_3794 : vector<26x512xf32>
    %add3A_3796 = arith.addf %add3A_3791, %mul3A_3795 : vector<26x512xf32>
    %slice3A_3797 = vector.extract_strided_slice %dot_general3A_3684 {offsets = [572, 0], sizes = [26, 512], strides = [1, 1]} : vector<676x512xf32> to vector<26x512xf32>
    %slice3A_3798 = vector.extract_strided_slice %squeeze3A_3682 {offsets = [22, 0], sizes = [1, 512], strides = [1, 1]} : vector<26x512xf32> to vector<1x512xf32>
    %mul3A_3799 = vector.broadcast %slice3A_3798 : vector<1x512xf32> to vector<26x512xf32>
    %mul3A_3800 = arith.mulf %slice3A_3797, %mul3A_3799 : vector<26x512xf32>
    %add3A_3801 = arith.addf %add3A_3796, %mul3A_3800 : vector<26x512xf32>
    %slice3A_3802 = vector.extract_strided_slice %dot_general3A_3684 {offsets = [598, 0], sizes = [26, 512], strides = [1, 1]} : vector<676x512xf32> to vector<26x512xf32>
    %slice3A_3803 = vector.extract_strided_slice %squeeze3A_3682 {offsets = [23, 0], sizes = [1, 512], strides = [1, 1]} : vector<26x512xf32> to vector<1x512xf32>
    %mul3A_3804 = vector.broadcast %slice3A_3803 : vector<1x512xf32> to vector<26x512xf32>
    %mul3A_3805 = arith.mulf %slice3A_3802, %mul3A_3804 : vector<26x512xf32>
    %add3A_3806 = arith.addf %add3A_3801, %mul3A_3805 : vector<26x512xf32>
    %slice3A_3807 = vector.extract_strided_slice %dot_general3A_3684 {offsets = [624, 0], sizes = [26, 512], strides = [1, 1]} : vector<676x512xf32> to vector<26x512xf32>
    %slice3A_3808 = vector.extract_strided_slice %squeeze3A_3682 {offsets = [24, 0], sizes = [1, 512], strides = [1, 1]} : vector<26x512xf32> to vector<1x512xf32>
    %mul3A_3809 = vector.broadcast %slice3A_3808 : vector<1x512xf32> to vector<26x512xf32>
    %mul3A_3810 = arith.mulf %slice3A_3807, %mul3A_3809 : vector<26x512xf32>
    %add3A_3811 = arith.addf %add3A_3806, %mul3A_3810 : vector<26x512xf32>
    %slice3A_3812 = vector.extract_strided_slice %dot_general3A_3684 {offsets = [650, 0], sizes = [26, 512], strides = [1, 1]} : vector<676x512xf32> to vector<26x512xf32>
    %slice3A_3813 = vector.extract_strided_slice %squeeze3A_3682 {offsets = [25, 0], sizes = [1, 512], strides = [1, 1]} : vector<26x512xf32> to vector<1x512xf32>
    %mul3A_3814 = vector.broadcast %slice3A_3813 : vector<1x512xf32> to vector<26x512xf32>
    %mul3A_3815 = arith.mulf %slice3A_3812, %mul3A_3814 : vector<26x512xf32>
    %add3A_3816 = arith.addf %add3A_3811, %mul3A_3815 : vector<26x512xf32>
    %add3A_3817 = vector.broadcast %get3A_14 : vector<26x1xf32> to vector<26x512xf32>
    %add3A_3818 = arith.addf %add3A_3816, %add3A_3817 : vector<26x512xf32>
    %max3A_3819 = arith.constant 0.000000e+00 : f32
    %max3A_3820 = vector.broadcast %max3A_3819 : f32 to vector<26x512xf32>
    %max3A_3821 = arith.maximumf %add3A_3818, %max3A_3820 : vector<26x512xf32>
    %dot_general3A_3822 = arith.constant dense<0.000000e+00> : vector<676x512xf32>
    %dot_general3A_3823 = tpu.matmul %get3A_11, %max3A_3821, %dot_general3A_3822 {dimension_numbers = #tpu.dot_dimension_numbers<[1], [0], [0], [1], [0, 0, 1, 1], [], []>, transpose_lhs_hint = false} : vector<676x26xf32>, vector<26x512xf32>, vector<676x512xf32> -> vector<676x512xf32>
    %broadcast_in_dim3A_3824 = arith.constant 0.000000e+00 : f32
    %broadcast_in_dim3A_3825 = vector.broadcast %broadcast_in_dim3A_3824 : f32 to vector<26x512xf32>
    %slice3A_3826 = vector.extract_strided_slice %dot_general3A_3823 {offsets = [0, 0], sizes = [26, 512], strides = [1, 1]} : vector<676x512xf32> to vector<26x512xf32>
    %slice3A_3827 = vector.extract_strided_slice %squeeze3A_3682 {offsets = [0, 0], sizes = [1, 512], strides = [1, 1]} : vector<26x512xf32> to vector<1x512xf32>
    %mul3A_3828 = vector.broadcast %slice3A_3827 : vector<1x512xf32> to vector<26x512xf32>
    %mul3A_3829 = arith.mulf %slice3A_3826, %mul3A_3828 : vector<26x512xf32>
    %add3A_3830 = arith.addf %broadcast_in_dim3A_3825, %mul3A_3829 : vector<26x512xf32>
    %slice3A_3831 = vector.extract_strided_slice %dot_general3A_3823 {offsets = [26, 0], sizes = [26, 512], strides = [1, 1]} : vector<676x512xf32> to vector<26x512xf32>
    %slice3A_3832 = vector.extract_strided_slice %squeeze3A_3682 {offsets = [1, 0], sizes = [1, 512], strides = [1, 1]} : vector<26x512xf32> to vector<1x512xf32>
    %mul3A_3833 = vector.broadcast %slice3A_3832 : vector<1x512xf32> to vector<26x512xf32>
    %mul3A_3834 = arith.mulf %slice3A_3831, %mul3A_3833 : vector<26x512xf32>
    %add3A_3835 = arith.addf %add3A_3830, %mul3A_3834 : vector<26x512xf32>
    %slice3A_3836 = vector.extract_strided_slice %dot_general3A_3823 {offsets = [52, 0], sizes = [26, 512], strides = [1, 1]} : vector<676x512xf32> to vector<26x512xf32>
    %slice3A_3837 = vector.extract_strided_slice %squeeze3A_3682 {offsets = [2, 0], sizes = [1, 512], strides = [1, 1]} : vector<26x512xf32> to vector<1x512xf32>
    %mul3A_3838 = vector.broadcast %slice3A_3837 : vector<1x512xf32> to vector<26x512xf32>
    %mul3A_3839 = arith.mulf %slice3A_3836, %mul3A_3838 : vector<26x512xf32>
    %add3A_3840 = arith.addf %add3A_3835, %mul3A_3839 : vector<26x512xf32>
    %slice3A_3841 = vector.extract_strided_slice %dot_general3A_3823 {offsets = [78, 0], sizes = [26, 512], strides = [1, 1]} : vector<676x512xf32> to vector<26x512xf32>
    %slice3A_3842 = vector.extract_strided_slice %squeeze3A_3682 {offsets = [3, 0], sizes = [1, 512], strides = [1, 1]} : vector<26x512xf32> to vector<1x512xf32>
    %mul3A_3843 = vector.broadcast %slice3A_3842 : vector<1x512xf32> to vector<26x512xf32>
    %mul3A_3844 = arith.mulf %slice3A_3841, %mul3A_3843 : vector<26x512xf32>
    %add3A_3845 = arith.addf %add3A_3840, %mul3A_3844 : vector<26x512xf32>
    %slice3A_3846 = vector.extract_strided_slice %dot_general3A_3823 {offsets = [104, 0], sizes = [26, 512], strides = [1, 1]} : vector<676x512xf32> to vector<26x512xf32>
    %slice3A_3847 = vector.extract_strided_slice %squeeze3A_3682 {offsets = [4, 0], sizes = [1, 512], strides = [1, 1]} : vector<26x512xf32> to vector<1x512xf32>
    %mul3A_3848 = vector.broadcast %slice3A_3847 : vector<1x512xf32> to vector<26x512xf32>
    %mul3A_3849 = arith.mulf %slice3A_3846, %mul3A_3848 : vector<26x512xf32>
    %add3A_3850 = arith.addf %add3A_3845, %mul3A_3849 : vector<26x512xf32>
    %slice3A_3851 = vector.extract_strided_slice %dot_general3A_3823 {offsets = [130, 0], sizes = [26, 512], strides = [1, 1]} : vector<676x512xf32> to vector<26x512xf32>
    %slice3A_3852 = vector.extract_strided_slice %squeeze3A_3682 {offsets = [5, 0], sizes = [1, 512], strides = [1, 1]} : vector<26x512xf32> to vector<1x512xf32>
    %mul3A_3853 = vector.broadcast %slice3A_3852 : vector<1x512xf32> to vector<26x512xf32>
    %mul3A_3854 = arith.mulf %slice3A_3851, %mul3A_3853 : vector<26x512xf32>
    %add3A_3855 = arith.addf %add3A_3850, %mul3A_3854 : vector<26x512xf32>
    %slice3A_3856 = vector.extract_strided_slice %dot_general3A_3823 {offsets = [156, 0], sizes = [26, 512], strides = [1, 1]} : vector<676x512xf32> to vector<26x512xf32>
    %slice3A_3857 = vector.extract_strided_slice %squeeze3A_3682 {offsets = [6, 0], sizes = [1, 512], strides = [1, 1]} : vector<26x512xf32> to vector<1x512xf32>
    %mul3A_3858 = vector.broadcast %slice3A_3857 : vector<1x512xf32> to vector<26x512xf32>
    %mul3A_3859 = arith.mulf %slice3A_3856, %mul3A_3858 : vector<26x512xf32>
    %add3A_3860 = arith.addf %add3A_3855, %mul3A_3859 : vector<26x512xf32>
    %slice3A_3861 = vector.extract_strided_slice %dot_general3A_3823 {offsets = [182, 0], sizes = [26, 512], strides = [1, 1]} : vector<676x512xf32> to vector<26x512xf32>
    %slice3A_3862 = vector.extract_strided_slice %squeeze3A_3682 {offsets = [7, 0], sizes = [1, 512], strides = [1, 1]} : vector<26x512xf32> to vector<1x512xf32>
    %mul3A_3863 = vector.broadcast %slice3A_3862 : vector<1x512xf32> to vector<26x512xf32>
    %mul3A_3864 = arith.mulf %slice3A_3861, %mul3A_3863 : vector<26x512xf32>
    %add3A_3865 = arith.addf %add3A_3860, %mul3A_3864 : vector<26x512xf32>
    %slice3A_3866 = vector.extract_strided_slice %dot_general3A_3823 {offsets = [208, 0], sizes = [26, 512], strides = [1, 1]} : vector<676x512xf32> to vector<26x512xf32>
    %slice3A_3867 = vector.extract_strided_slice %squeeze3A_3682 {offsets = [8, 0], sizes = [1, 512], strides = [1, 1]} : vector<26x512xf32> to vector<1x512xf32>
    %mul3A_3868 = vector.broadcast %slice3A_3867 : vector<1x512xf32> to vector<26x512xf32>
    %mul3A_3869 = arith.mulf %slice3A_3866, %mul3A_3868 : vector<26x512xf32>
    %add3A_3870 = arith.addf %add3A_3865, %mul3A_3869 : vector<26x512xf32>
    %slice3A_3871 = vector.extract_strided_slice %dot_general3A_3823 {offsets = [234, 0], sizes = [26, 512], strides = [1, 1]} : vector<676x512xf32> to vector<26x512xf32>
    %slice3A_3872 = vector.extract_strided_slice %squeeze3A_3682 {offsets = [9, 0], sizes = [1, 512], strides = [1, 1]} : vector<26x512xf32> to vector<1x512xf32>
    %mul3A_3873 = vector.broadcast %slice3A_3872 : vector<1x512xf32> to vector<26x512xf32>
    %mul3A_3874 = arith.mulf %slice3A_3871, %mul3A_3873 : vector<26x512xf32>
    %add3A_3875 = arith.addf %add3A_3870, %mul3A_3874 : vector<26x512xf32>
    %slice3A_3876 = vector.extract_strided_slice %dot_general3A_3823 {offsets = [260, 0], sizes = [26, 512], strides = [1, 1]} : vector<676x512xf32> to vector<26x512xf32>
    %slice3A_3877 = vector.extract_strided_slice %squeeze3A_3682 {offsets = [10, 0], sizes = [1, 512], strides = [1, 1]} : vector<26x512xf32> to vector<1x512xf32>
    %mul3A_3878 = vector.broadcast %slice3A_3877 : vector<1x512xf32> to vector<26x512xf32>
    %mul3A_3879 = arith.mulf %slice3A_3876, %mul3A_3878 : vector<26x512xf32>
    %add3A_3880 = arith.addf %add3A_3875, %mul3A_3879 : vector<26x512xf32>
    %slice3A_3881 = vector.extract_strided_slice %dot_general3A_3823 {offsets = [286, 0], sizes = [26, 512], strides = [1, 1]} : vector<676x512xf32> to vector<26x512xf32>
    %slice3A_3882 = vector.extract_strided_slice %squeeze3A_3682 {offsets = [11, 0], sizes = [1, 512], strides = [1, 1]} : vector<26x512xf32> to vector<1x512xf32>
    %mul3A_3883 = vector.broadcast %slice3A_3882 : vector<1x512xf32> to vector<26x512xf32>
    %mul3A_3884 = arith.mulf %slice3A_3881, %mul3A_3883 : vector<26x512xf32>
    %add3A_3885 = arith.addf %add3A_3880, %mul3A_3884 : vector<26x512xf32>
    %slice3A_3886 = vector.extract_strided_slice %dot_general3A_3823 {offsets = [312, 0], sizes = [26, 512], strides = [1, 1]} : vector<676x512xf32> to vector<26x512xf32>
    %slice3A_3887 = vector.extract_strided_slice %squeeze3A_3682 {offsets = [12, 0], sizes = [1, 512], strides = [1, 1]} : vector<26x512xf32> to vector<1x512xf32>
    %mul3A_3888 = vector.broadcast %slice3A_3887 : vector<1x512xf32> to vector<26x512xf32>
    %mul3A_3889 = arith.mulf %slice3A_3886, %mul3A_3888 : vector<26x512xf32>
    %add3A_3890 = arith.addf %add3A_3885, %mul3A_3889 : vector<26x512xf32>
    %slice3A_3891 = vector.extract_strided_slice %dot_general3A_3823 {offsets = [338, 0], sizes = [26, 512], strides = [1, 1]} : vector<676x512xf32> to vector<26x512xf32>
    %slice3A_3892 = vector.extract_strided_slice %squeeze3A_3682 {offsets = [13, 0], sizes = [1, 512], strides = [1, 1]} : vector<26x512xf32> to vector<1x512xf32>
    %mul3A_3893 = vector.broadcast %slice3A_3892 : vector<1x512xf32> to vector<26x512xf32>
    %mul3A_3894 = arith.mulf %slice3A_3891, %mul3A_3893 : vector<26x512xf32>
    %add3A_3895 = arith.addf %add3A_3890, %mul3A_3894 : vector<26x512xf32>
    %slice3A_3896 = vector.extract_strided_slice %dot_general3A_3823 {offsets = [364, 0], sizes = [26, 512], strides = [1, 1]} : vector<676x512xf32> to vector<26x512xf32>
    %slice3A_3897 = vector.extract_strided_slice %squeeze3A_3682 {offsets = [14, 0], sizes = [1, 512], strides = [1, 1]} : vector<26x512xf32> to vector<1x512xf32>
    %mul3A_3898 = vector.broadcast %slice3A_3897 : vector<1x512xf32> to vector<26x512xf32>
    %mul3A_3899 = arith.mulf %slice3A_3896, %mul3A_3898 : vector<26x512xf32>
    %add3A_3900 = arith.addf %add3A_3895, %mul3A_3899 : vector<26x512xf32>
    %slice3A_3901 = vector.extract_strided_slice %dot_general3A_3823 {offsets = [390, 0], sizes = [26, 512], strides = [1, 1]} : vector<676x512xf32> to vector<26x512xf32>
    %slice3A_3902 = vector.extract_strided_slice %squeeze3A_3682 {offsets = [15, 0], sizes = [1, 512], strides = [1, 1]} : vector<26x512xf32> to vector<1x512xf32>
    %mul3A_3903 = vector.broadcast %slice3A_3902 : vector<1x512xf32> to vector<26x512xf32>
    %mul3A_3904 = arith.mulf %slice3A_3901, %mul3A_3903 : vector<26x512xf32>
    %add3A_3905 = arith.addf %add3A_3900, %mul3A_3904 : vector<26x512xf32>
    %slice3A_3906 = vector.extract_strided_slice %dot_general3A_3823 {offsets = [416, 0], sizes = [26, 512], strides = [1, 1]} : vector<676x512xf32> to vector<26x512xf32>
    %slice3A_3907 = vector.extract_strided_slice %squeeze3A_3682 {offsets = [16, 0], sizes = [1, 512], strides = [1, 1]} : vector<26x512xf32> to vector<1x512xf32>
    %mul3A_3908 = vector.broadcast %slice3A_3907 : vector<1x512xf32> to vector<26x512xf32>
    %mul3A_3909 = arith.mulf %slice3A_3906, %mul3A_3908 : vector<26x512xf32>
    %add3A_3910 = arith.addf %add3A_3905, %mul3A_3909 : vector<26x512xf32>
    %slice3A_3911 = vector.extract_strided_slice %dot_general3A_3823 {offsets = [442, 0], sizes = [26, 512], strides = [1, 1]} : vector<676x512xf32> to vector<26x512xf32>
    %slice3A_3912 = vector.extract_strided_slice %squeeze3A_3682 {offsets = [17, 0], sizes = [1, 512], strides = [1, 1]} : vector<26x512xf32> to vector<1x512xf32>
    %mul3A_3913 = vector.broadcast %slice3A_3912 : vector<1x512xf32> to vector<26x512xf32>
    %mul3A_3914 = arith.mulf %slice3A_3911, %mul3A_3913 : vector<26x512xf32>
    %add3A_3915 = arith.addf %add3A_3910, %mul3A_3914 : vector<26x512xf32>
    %slice3A_3916 = vector.extract_strided_slice %dot_general3A_3823 {offsets = [468, 0], sizes = [26, 512], strides = [1, 1]} : vector<676x512xf32> to vector<26x512xf32>
    %slice3A_3917 = vector.extract_strided_slice %squeeze3A_3682 {offsets = [18, 0], sizes = [1, 512], strides = [1, 1]} : vector<26x512xf32> to vector<1x512xf32>
    %mul3A_3918 = vector.broadcast %slice3A_3917 : vector<1x512xf32> to vector<26x512xf32>
    %mul3A_3919 = arith.mulf %slice3A_3916, %mul3A_3918 : vector<26x512xf32>
    %add3A_3920 = arith.addf %add3A_3915, %mul3A_3919 : vector<26x512xf32>
    %slice3A_3921 = vector.extract_strided_slice %dot_general3A_3823 {offsets = [494, 0], sizes = [26, 512], strides = [1, 1]} : vector<676x512xf32> to vector<26x512xf32>
    %slice3A_3922 = vector.extract_strided_slice %squeeze3A_3682 {offsets = [19, 0], sizes = [1, 512], strides = [1, 1]} : vector<26x512xf32> to vector<1x512xf32>
    %mul3A_3923 = vector.broadcast %slice3A_3922 : vector<1x512xf32> to vector<26x512xf32>
    %mul3A_3924 = arith.mulf %slice3A_3921, %mul3A_3923 : vector<26x512xf32>
    %add3A_3925 = arith.addf %add3A_3920, %mul3A_3924 : vector<26x512xf32>
    %slice3A_3926 = vector.extract_strided_slice %dot_general3A_3823 {offsets = [520, 0], sizes = [26, 512], strides = [1, 1]} : vector<676x512xf32> to vector<26x512xf32>
    %slice3A_3927 = vector.extract_strided_slice %squeeze3A_3682 {offsets = [20, 0], sizes = [1, 512], strides = [1, 1]} : vector<26x512xf32> to vector<1x512xf32>
    %mul3A_3928 = vector.broadcast %slice3A_3927 : vector<1x512xf32> to vector<26x512xf32>
    %mul3A_3929 = arith.mulf %slice3A_3926, %mul3A_3928 : vector<26x512xf32>
    %add3A_3930 = arith.addf %add3A_3925, %mul3A_3929 : vector<26x512xf32>
    %slice3A_3931 = vector.extract_strided_slice %dot_general3A_3823 {offsets = [546, 0], sizes = [26, 512], strides = [1, 1]} : vector<676x512xf32> to vector<26x512xf32>
    %slice3A_3932 = vector.extract_strided_slice %squeeze3A_3682 {offsets = [21, 0], sizes = [1, 512], strides = [1, 1]} : vector<26x512xf32> to vector<1x512xf32>
    %mul3A_3933 = vector.broadcast %slice3A_3932 : vector<1x512xf32> to vector<26x512xf32>
    %mul3A_3934 = arith.mulf %slice3A_3931, %mul3A_3933 : vector<26x512xf32>
    %add3A_3935 = arith.addf %add3A_3930, %mul3A_3934 : vector<26x512xf32>
    %slice3A_3936 = vector.extract_strided_slice %dot_general3A_3823 {offsets = [572, 0], sizes = [26, 512], strides = [1, 1]} : vector<676x512xf32> to vector<26x512xf32>
    %slice3A_3937 = vector.extract_strided_slice %squeeze3A_3682 {offsets = [22, 0], sizes = [1, 512], strides = [1, 1]} : vector<26x512xf32> to vector<1x512xf32>
    %mul3A_3938 = vector.broadcast %slice3A_3937 : vector<1x512xf32> to vector<26x512xf32>
    %mul3A_3939 = arith.mulf %slice3A_3936, %mul3A_3938 : vector<26x512xf32>
    %add3A_3940 = arith.addf %add3A_3935, %mul3A_3939 : vector<26x512xf32>
    %slice3A_3941 = vector.extract_strided_slice %dot_general3A_3823 {offsets = [598, 0], sizes = [26, 512], strides = [1, 1]} : vector<676x512xf32> to vector<26x512xf32>
    %slice3A_3942 = vector.extract_strided_slice %squeeze3A_3682 {offsets = [23, 0], sizes = [1, 512], strides = [1, 1]} : vector<26x512xf32> to vector<1x512xf32>
    %mul3A_3943 = vector.broadcast %slice3A_3942 : vector<1x512xf32> to vector<26x512xf32>
    %mul3A_3944 = arith.mulf %slice3A_3941, %mul3A_3943 : vector<26x512xf32>
    %add3A_3945 = arith.addf %add3A_3940, %mul3A_3944 : vector<26x512xf32>
    %slice3A_3946 = vector.extract_strided_slice %dot_general3A_3823 {offsets = [624, 0], sizes = [26, 512], strides = [1, 1]} : vector<676x512xf32> to vector<26x512xf32>
    %slice3A_3947 = vector.extract_strided_slice %squeeze3A_3682 {offsets = [24, 0], sizes = [1, 512], strides = [1, 1]} : vector<26x512xf32> to vector<1x512xf32>
    %mul3A_3948 = vector.broadcast %slice3A_3947 : vector<1x512xf32> to vector<26x512xf32>
    %mul3A_3949 = arith.mulf %slice3A_3946, %mul3A_3948 : vector<26x512xf32>
    %add3A_3950 = arith.addf %add3A_3945, %mul3A_3949 : vector<26x512xf32>
    %slice3A_3951 = vector.extract_strided_slice %dot_general3A_3823 {offsets = [650, 0], sizes = [26, 512], strides = [1, 1]} : vector<676x512xf32> to vector<26x512xf32>
    %slice3A_3952 = vector.extract_strided_slice %squeeze3A_3682 {offsets = [25, 0], sizes = [1, 512], strides = [1, 1]} : vector<26x512xf32> to vector<1x512xf32>
    %mul3A_3953 = vector.broadcast %slice3A_3952 : vector<1x512xf32> to vector<26x512xf32>
    %mul3A_3954 = arith.mulf %slice3A_3951, %mul3A_3953 : vector<26x512xf32>
    %add3A_3955 = arith.addf %add3A_3950, %mul3A_3954 : vector<26x512xf32>
    %add3A_3956 = vector.broadcast %get3A_17 : vector<26x1xf32> to vector<26x512xf32>
    %add3A_3957 = arith.addf %add3A_3955, %add3A_3956 : vector<26x512xf32>
    %max3A_3958 = arith.constant 0.000000e+00 : f32
    %max3A_3959 = vector.broadcast %max3A_3958 : f32 to vector<26x512xf32>
    %max3A_3960 = arith.maximumf %add3A_3957, %max3A_3959 : vector<26x512xf32>
    %add3A_3961 = arith.addf %add3A_3679, %max3A_3821 : vector<26x512xf32>
    %add3A_3962 = arith.addf %add3A_3680, %max3A_3960 : vector<26x512xf32>
    %slice3A_3963 = vector.extract_strided_slice %reshape3A {offsets = [0, 14, 0], sizes = [26, 1, 512], strides = [1, 1, 1]} : vector<26x16x512xf32> to vector<26x1x512xf32>
    %squeeze3A_3964 = vector.shape_cast %slice3A_3963 : vector<26x1x512xf32> to vector<26x512xf32>
    %dot_general3A_3965 = arith.constant dense<0.000000e+00> : vector<676x512xf32>
    %dot_general3A_3966 = tpu.matmul %get3A_8, %squeeze3A_3964, %dot_general3A_3965 {dimension_numbers = #tpu.dot_dimension_numbers<[1], [0], [0], [1], [0, 0, 1, 1], [], []>, transpose_lhs_hint = false} : vector<676x26xf32>, vector<26x512xf32>, vector<676x512xf32> -> vector<676x512xf32>
    %broadcast_in_dim3A_3967 = arith.constant 0.000000e+00 : f32
    %broadcast_in_dim3A_3968 = vector.broadcast %broadcast_in_dim3A_3967 : f32 to vector<26x512xf32>
    %slice3A_3969 = vector.extract_strided_slice %dot_general3A_3966 {offsets = [0, 0], sizes = [26, 512], strides = [1, 1]} : vector<676x512xf32> to vector<26x512xf32>
    %slice3A_3970 = vector.extract_strided_slice %squeeze3A_3964 {offsets = [0, 0], sizes = [1, 512], strides = [1, 1]} : vector<26x512xf32> to vector<1x512xf32>
    %mul3A_3971 = vector.broadcast %slice3A_3970 : vector<1x512xf32> to vector<26x512xf32>
    %mul3A_3972 = arith.mulf %slice3A_3969, %mul3A_3971 : vector<26x512xf32>
    %add3A_3973 = arith.addf %broadcast_in_dim3A_3968, %mul3A_3972 : vector<26x512xf32>
    %slice3A_3974 = vector.extract_strided_slice %dot_general3A_3966 {offsets = [26, 0], sizes = [26, 512], strides = [1, 1]} : vector<676x512xf32> to vector<26x512xf32>
    %slice3A_3975 = vector.extract_strided_slice %squeeze3A_3964 {offsets = [1, 0], sizes = [1, 512], strides = [1, 1]} : vector<26x512xf32> to vector<1x512xf32>
    %mul3A_3976 = vector.broadcast %slice3A_3975 : vector<1x512xf32> to vector<26x512xf32>
    %mul3A_3977 = arith.mulf %slice3A_3974, %mul3A_3976 : vector<26x512xf32>
    %add3A_3978 = arith.addf %add3A_3973, %mul3A_3977 : vector<26x512xf32>
    %slice3A_3979 = vector.extract_strided_slice %dot_general3A_3966 {offsets = [52, 0], sizes = [26, 512], strides = [1, 1]} : vector<676x512xf32> to vector<26x512xf32>
    %slice3A_3980 = vector.extract_strided_slice %squeeze3A_3964 {offsets = [2, 0], sizes = [1, 512], strides = [1, 1]} : vector<26x512xf32> to vector<1x512xf32>
    %mul3A_3981 = vector.broadcast %slice3A_3980 : vector<1x512xf32> to vector<26x512xf32>
    %mul3A_3982 = arith.mulf %slice3A_3979, %mul3A_3981 : vector<26x512xf32>
    %add3A_3983 = arith.addf %add3A_3978, %mul3A_3982 : vector<26x512xf32>
    %slice3A_3984 = vector.extract_strided_slice %dot_general3A_3966 {offsets = [78, 0], sizes = [26, 512], strides = [1, 1]} : vector<676x512xf32> to vector<26x512xf32>
    %slice3A_3985 = vector.extract_strided_slice %squeeze3A_3964 {offsets = [3, 0], sizes = [1, 512], strides = [1, 1]} : vector<26x512xf32> to vector<1x512xf32>
    %mul3A_3986 = vector.broadcast %slice3A_3985 : vector<1x512xf32> to vector<26x512xf32>
    %mul3A_3987 = arith.mulf %slice3A_3984, %mul3A_3986 : vector<26x512xf32>
    %add3A_3988 = arith.addf %add3A_3983, %mul3A_3987 : vector<26x512xf32>
    %slice3A_3989 = vector.extract_strided_slice %dot_general3A_3966 {offsets = [104, 0], sizes = [26, 512], strides = [1, 1]} : vector<676x512xf32> to vector<26x512xf32>
    %slice3A_3990 = vector.extract_strided_slice %squeeze3A_3964 {offsets = [4, 0], sizes = [1, 512], strides = [1, 1]} : vector<26x512xf32> to vector<1x512xf32>
    %mul3A_3991 = vector.broadcast %slice3A_3990 : vector<1x512xf32> to vector<26x512xf32>
    %mul3A_3992 = arith.mulf %slice3A_3989, %mul3A_3991 : vector<26x512xf32>
    %add3A_3993 = arith.addf %add3A_3988, %mul3A_3992 : vector<26x512xf32>
    %slice3A_3994 = vector.extract_strided_slice %dot_general3A_3966 {offsets = [130, 0], sizes = [26, 512], strides = [1, 1]} : vector<676x512xf32> to vector<26x512xf32>
    %slice3A_3995 = vector.extract_strided_slice %squeeze3A_3964 {offsets = [5, 0], sizes = [1, 512], strides = [1, 1]} : vector<26x512xf32> to vector<1x512xf32>
    %mul3A_3996 = vector.broadcast %slice3A_3995 : vector<1x512xf32> to vector<26x512xf32>
    %mul3A_3997 = arith.mulf %slice3A_3994, %mul3A_3996 : vector<26x512xf32>
    %add3A_3998 = arith.addf %add3A_3993, %mul3A_3997 : vector<26x512xf32>
    %slice3A_3999 = vector.extract_strided_slice %dot_general3A_3966 {offsets = [156, 0], sizes = [26, 512], strides = [1, 1]} : vector<676x512xf32> to vector<26x512xf32>
    %slice3A_4000 = vector.extract_strided_slice %squeeze3A_3964 {offsets = [6, 0], sizes = [1, 512], strides = [1, 1]} : vector<26x512xf32> to vector<1x512xf32>
    %mul3A_4001 = vector.broadcast %slice3A_4000 : vector<1x512xf32> to vector<26x512xf32>
    %mul3A_4002 = arith.mulf %slice3A_3999, %mul3A_4001 : vector<26x512xf32>
    %add3A_4003 = arith.addf %add3A_3998, %mul3A_4002 : vector<26x512xf32>
    %slice3A_4004 = vector.extract_strided_slice %dot_general3A_3966 {offsets = [182, 0], sizes = [26, 512], strides = [1, 1]} : vector<676x512xf32> to vector<26x512xf32>
    %slice3A_4005 = vector.extract_strided_slice %squeeze3A_3964 {offsets = [7, 0], sizes = [1, 512], strides = [1, 1]} : vector<26x512xf32> to vector<1x512xf32>
    %mul3A_4006 = vector.broadcast %slice3A_4005 : vector<1x512xf32> to vector<26x512xf32>
    %mul3A_4007 = arith.mulf %slice3A_4004, %mul3A_4006 : vector<26x512xf32>
    %add3A_4008 = arith.addf %add3A_4003, %mul3A_4007 : vector<26x512xf32>
    %slice3A_4009 = vector.extract_strided_slice %dot_general3A_3966 {offsets = [208, 0], sizes = [26, 512], strides = [1, 1]} : vector<676x512xf32> to vector<26x512xf32>
    %slice3A_4010 = vector.extract_strided_slice %squeeze3A_3964 {offsets = [8, 0], sizes = [1, 512], strides = [1, 1]} : vector<26x512xf32> to vector<1x512xf32>
    %mul3A_4011 = vector.broadcast %slice3A_4010 : vector<1x512xf32> to vector<26x512xf32>
    %mul3A_4012 = arith.mulf %slice3A_4009, %mul3A_4011 : vector<26x512xf32>
    %add3A_4013 = arith.addf %add3A_4008, %mul3A_4012 : vector<26x512xf32>
    %slice3A_4014 = vector.extract_strided_slice %dot_general3A_3966 {offsets = [234, 0], sizes = [26, 512], strides = [1, 1]} : vector<676x512xf32> to vector<26x512xf32>
    %slice3A_4015 = vector.extract_strided_slice %squeeze3A_3964 {offsets = [9, 0], sizes = [1, 512], strides = [1, 1]} : vector<26x512xf32> to vector<1x512xf32>
    %mul3A_4016 = vector.broadcast %slice3A_4015 : vector<1x512xf32> to vector<26x512xf32>
    %mul3A_4017 = arith.mulf %slice3A_4014, %mul3A_4016 : vector<26x512xf32>
    %add3A_4018 = arith.addf %add3A_4013, %mul3A_4017 : vector<26x512xf32>
    %slice3A_4019 = vector.extract_strided_slice %dot_general3A_3966 {offsets = [260, 0], sizes = [26, 512], strides = [1, 1]} : vector<676x512xf32> to vector<26x512xf32>
    %slice3A_4020 = vector.extract_strided_slice %squeeze3A_3964 {offsets = [10, 0], sizes = [1, 512], strides = [1, 1]} : vector<26x512xf32> to vector<1x512xf32>
    %mul3A_4021 = vector.broadcast %slice3A_4020 : vector<1x512xf32> to vector<26x512xf32>
    %mul3A_4022 = arith.mulf %slice3A_4019, %mul3A_4021 : vector<26x512xf32>
    %add3A_4023 = arith.addf %add3A_4018, %mul3A_4022 : vector<26x512xf32>
    %slice3A_4024 = vector.extract_strided_slice %dot_general3A_3966 {offsets = [286, 0], sizes = [26, 512], strides = [1, 1]} : vector<676x512xf32> to vector<26x512xf32>
    %slice3A_4025 = vector.extract_strided_slice %squeeze3A_3964 {offsets = [11, 0], sizes = [1, 512], strides = [1, 1]} : vector<26x512xf32> to vector<1x512xf32>
    %mul3A_4026 = vector.broadcast %slice3A_4025 : vector<1x512xf32> to vector<26x512xf32>
    %mul3A_4027 = arith.mulf %slice3A_4024, %mul3A_4026 : vector<26x512xf32>
    %add3A_4028 = arith.addf %add3A_4023, %mul3A_4027 : vector<26x512xf32>
    %slice3A_4029 = vector.extract_strided_slice %dot_general3A_3966 {offsets = [312, 0], sizes = [26, 512], strides = [1, 1]} : vector<676x512xf32> to vector<26x512xf32>
    %slice3A_4030 = vector.extract_strided_slice %squeeze3A_3964 {offsets = [12, 0], sizes = [1, 512], strides = [1, 1]} : vector<26x512xf32> to vector<1x512xf32>
    %mul3A_4031 = vector.broadcast %slice3A_4030 : vector<1x512xf32> to vector<26x512xf32>
    %mul3A_4032 = arith.mulf %slice3A_4029, %mul3A_4031 : vector<26x512xf32>
    %add3A_4033 = arith.addf %add3A_4028, %mul3A_4032 : vector<26x512xf32>
    %slice3A_4034 = vector.extract_strided_slice %dot_general3A_3966 {offsets = [338, 0], sizes = [26, 512], strides = [1, 1]} : vector<676x512xf32> to vector<26x512xf32>
    %slice3A_4035 = vector.extract_strided_slice %squeeze3A_3964 {offsets = [13, 0], sizes = [1, 512], strides = [1, 1]} : vector<26x512xf32> to vector<1x512xf32>
    %mul3A_4036 = vector.broadcast %slice3A_4035 : vector<1x512xf32> to vector<26x512xf32>
    %mul3A_4037 = arith.mulf %slice3A_4034, %mul3A_4036 : vector<26x512xf32>
    %add3A_4038 = arith.addf %add3A_4033, %mul3A_4037 : vector<26x512xf32>
    %slice3A_4039 = vector.extract_strided_slice %dot_general3A_3966 {offsets = [364, 0], sizes = [26, 512], strides = [1, 1]} : vector<676x512xf32> to vector<26x512xf32>
    %slice3A_4040 = vector.extract_strided_slice %squeeze3A_3964 {offsets = [14, 0], sizes = [1, 512], strides = [1, 1]} : vector<26x512xf32> to vector<1x512xf32>
    %mul3A_4041 = vector.broadcast %slice3A_4040 : vector<1x512xf32> to vector<26x512xf32>
    %mul3A_4042 = arith.mulf %slice3A_4039, %mul3A_4041 : vector<26x512xf32>
    %add3A_4043 = arith.addf %add3A_4038, %mul3A_4042 : vector<26x512xf32>
    %slice3A_4044 = vector.extract_strided_slice %dot_general3A_3966 {offsets = [390, 0], sizes = [26, 512], strides = [1, 1]} : vector<676x512xf32> to vector<26x512xf32>
    %slice3A_4045 = vector.extract_strided_slice %squeeze3A_3964 {offsets = [15, 0], sizes = [1, 512], strides = [1, 1]} : vector<26x512xf32> to vector<1x512xf32>
    %mul3A_4046 = vector.broadcast %slice3A_4045 : vector<1x512xf32> to vector<26x512xf32>
    %mul3A_4047 = arith.mulf %slice3A_4044, %mul3A_4046 : vector<26x512xf32>
    %add3A_4048 = arith.addf %add3A_4043, %mul3A_4047 : vector<26x512xf32>
    %slice3A_4049 = vector.extract_strided_slice %dot_general3A_3966 {offsets = [416, 0], sizes = [26, 512], strides = [1, 1]} : vector<676x512xf32> to vector<26x512xf32>
    %slice3A_4050 = vector.extract_strided_slice %squeeze3A_3964 {offsets = [16, 0], sizes = [1, 512], strides = [1, 1]} : vector<26x512xf32> to vector<1x512xf32>
    %mul3A_4051 = vector.broadcast %slice3A_4050 : vector<1x512xf32> to vector<26x512xf32>
    %mul3A_4052 = arith.mulf %slice3A_4049, %mul3A_4051 : vector<26x512xf32>
    %add3A_4053 = arith.addf %add3A_4048, %mul3A_4052 : vector<26x512xf32>
    %slice3A_4054 = vector.extract_strided_slice %dot_general3A_3966 {offsets = [442, 0], sizes = [26, 512], strides = [1, 1]} : vector<676x512xf32> to vector<26x512xf32>
    %slice3A_4055 = vector.extract_strided_slice %squeeze3A_3964 {offsets = [17, 0], sizes = [1, 512], strides = [1, 1]} : vector<26x512xf32> to vector<1x512xf32>
    %mul3A_4056 = vector.broadcast %slice3A_4055 : vector<1x512xf32> to vector<26x512xf32>
    %mul3A_4057 = arith.mulf %slice3A_4054, %mul3A_4056 : vector<26x512xf32>
    %add3A_4058 = arith.addf %add3A_4053, %mul3A_4057 : vector<26x512xf32>
    %slice3A_4059 = vector.extract_strided_slice %dot_general3A_3966 {offsets = [468, 0], sizes = [26, 512], strides = [1, 1]} : vector<676x512xf32> to vector<26x512xf32>
    %slice3A_4060 = vector.extract_strided_slice %squeeze3A_3964 {offsets = [18, 0], sizes = [1, 512], strides = [1, 1]} : vector<26x512xf32> to vector<1x512xf32>
    %mul3A_4061 = vector.broadcast %slice3A_4060 : vector<1x512xf32> to vector<26x512xf32>
    %mul3A_4062 = arith.mulf %slice3A_4059, %mul3A_4061 : vector<26x512xf32>
    %add3A_4063 = arith.addf %add3A_4058, %mul3A_4062 : vector<26x512xf32>
    %slice3A_4064 = vector.extract_strided_slice %dot_general3A_3966 {offsets = [494, 0], sizes = [26, 512], strides = [1, 1]} : vector<676x512xf32> to vector<26x512xf32>
    %slice3A_4065 = vector.extract_strided_slice %squeeze3A_3964 {offsets = [19, 0], sizes = [1, 512], strides = [1, 1]} : vector<26x512xf32> to vector<1x512xf32>
    %mul3A_4066 = vector.broadcast %slice3A_4065 : vector<1x512xf32> to vector<26x512xf32>
    %mul3A_4067 = arith.mulf %slice3A_4064, %mul3A_4066 : vector<26x512xf32>
    %add3A_4068 = arith.addf %add3A_4063, %mul3A_4067 : vector<26x512xf32>
    %slice3A_4069 = vector.extract_strided_slice %dot_general3A_3966 {offsets = [520, 0], sizes = [26, 512], strides = [1, 1]} : vector<676x512xf32> to vector<26x512xf32>
    %slice3A_4070 = vector.extract_strided_slice %squeeze3A_3964 {offsets = [20, 0], sizes = [1, 512], strides = [1, 1]} : vector<26x512xf32> to vector<1x512xf32>
    %mul3A_4071 = vector.broadcast %slice3A_4070 : vector<1x512xf32> to vector<26x512xf32>
    %mul3A_4072 = arith.mulf %slice3A_4069, %mul3A_4071 : vector<26x512xf32>
    %add3A_4073 = arith.addf %add3A_4068, %mul3A_4072 : vector<26x512xf32>
    %slice3A_4074 = vector.extract_strided_slice %dot_general3A_3966 {offsets = [546, 0], sizes = [26, 512], strides = [1, 1]} : vector<676x512xf32> to vector<26x512xf32>
    %slice3A_4075 = vector.extract_strided_slice %squeeze3A_3964 {offsets = [21, 0], sizes = [1, 512], strides = [1, 1]} : vector<26x512xf32> to vector<1x512xf32>
    %mul3A_4076 = vector.broadcast %slice3A_4075 : vector<1x512xf32> to vector<26x512xf32>
    %mul3A_4077 = arith.mulf %slice3A_4074, %mul3A_4076 : vector<26x512xf32>
    %add3A_4078 = arith.addf %add3A_4073, %mul3A_4077 : vector<26x512xf32>
    %slice3A_4079 = vector.extract_strided_slice %dot_general3A_3966 {offsets = [572, 0], sizes = [26, 512], strides = [1, 1]} : vector<676x512xf32> to vector<26x512xf32>
    %slice3A_4080 = vector.extract_strided_slice %squeeze3A_3964 {offsets = [22, 0], sizes = [1, 512], strides = [1, 1]} : vector<26x512xf32> to vector<1x512xf32>
    %mul3A_4081 = vector.broadcast %slice3A_4080 : vector<1x512xf32> to vector<26x512xf32>
    %mul3A_4082 = arith.mulf %slice3A_4079, %mul3A_4081 : vector<26x512xf32>
    %add3A_4083 = arith.addf %add3A_4078, %mul3A_4082 : vector<26x512xf32>
    %slice3A_4084 = vector.extract_strided_slice %dot_general3A_3966 {offsets = [598, 0], sizes = [26, 512], strides = [1, 1]} : vector<676x512xf32> to vector<26x512xf32>
    %slice3A_4085 = vector.extract_strided_slice %squeeze3A_3964 {offsets = [23, 0], sizes = [1, 512], strides = [1, 1]} : vector<26x512xf32> to vector<1x512xf32>
    %mul3A_4086 = vector.broadcast %slice3A_4085 : vector<1x512xf32> to vector<26x512xf32>
    %mul3A_4087 = arith.mulf %slice3A_4084, %mul3A_4086 : vector<26x512xf32>
    %add3A_4088 = arith.addf %add3A_4083, %mul3A_4087 : vector<26x512xf32>
    %slice3A_4089 = vector.extract_strided_slice %dot_general3A_3966 {offsets = [624, 0], sizes = [26, 512], strides = [1, 1]} : vector<676x512xf32> to vector<26x512xf32>
    %slice3A_4090 = vector.extract_strided_slice %squeeze3A_3964 {offsets = [24, 0], sizes = [1, 512], strides = [1, 1]} : vector<26x512xf32> to vector<1x512xf32>
    %mul3A_4091 = vector.broadcast %slice3A_4090 : vector<1x512xf32> to vector<26x512xf32>
    %mul3A_4092 = arith.mulf %slice3A_4089, %mul3A_4091 : vector<26x512xf32>
    %add3A_4093 = arith.addf %add3A_4088, %mul3A_4092 : vector<26x512xf32>
    %slice3A_4094 = vector.extract_strided_slice %dot_general3A_3966 {offsets = [650, 0], sizes = [26, 512], strides = [1, 1]} : vector<676x512xf32> to vector<26x512xf32>
    %slice3A_4095 = vector.extract_strided_slice %squeeze3A_3964 {offsets = [25, 0], sizes = [1, 512], strides = [1, 1]} : vector<26x512xf32> to vector<1x512xf32>
    %mul3A_4096 = vector.broadcast %slice3A_4095 : vector<1x512xf32> to vector<26x512xf32>
    %mul3A_4097 = arith.mulf %slice3A_4094, %mul3A_4096 : vector<26x512xf32>
    %add3A_4098 = arith.addf %add3A_4093, %mul3A_4097 : vector<26x512xf32>
    %add3A_4099 = vector.broadcast %get3A_14 : vector<26x1xf32> to vector<26x512xf32>
    %add3A_4100 = arith.addf %add3A_4098, %add3A_4099 : vector<26x512xf32>
    %max3A_4101 = arith.constant 0.000000e+00 : f32
    %max3A_4102 = vector.broadcast %max3A_4101 : f32 to vector<26x512xf32>
    %max3A_4103 = arith.maximumf %add3A_4100, %max3A_4102 : vector<26x512xf32>
    %dot_general3A_4104 = arith.constant dense<0.000000e+00> : vector<676x512xf32>
    %dot_general3A_4105 = tpu.matmul %get3A_11, %max3A_4103, %dot_general3A_4104 {dimension_numbers = #tpu.dot_dimension_numbers<[1], [0], [0], [1], [0, 0, 1, 1], [], []>, transpose_lhs_hint = false} : vector<676x26xf32>, vector<26x512xf32>, vector<676x512xf32> -> vector<676x512xf32>
    %broadcast_in_dim3A_4106 = arith.constant 0.000000e+00 : f32
    %broadcast_in_dim3A_4107 = vector.broadcast %broadcast_in_dim3A_4106 : f32 to vector<26x512xf32>
    %slice3A_4108 = vector.extract_strided_slice %dot_general3A_4105 {offsets = [0, 0], sizes = [26, 512], strides = [1, 1]} : vector<676x512xf32> to vector<26x512xf32>
    %slice3A_4109 = vector.extract_strided_slice %squeeze3A_3964 {offsets = [0, 0], sizes = [1, 512], strides = [1, 1]} : vector<26x512xf32> to vector<1x512xf32>
    %mul3A_4110 = vector.broadcast %slice3A_4109 : vector<1x512xf32> to vector<26x512xf32>
    %mul3A_4111 = arith.mulf %slice3A_4108, %mul3A_4110 : vector<26x512xf32>
    %add3A_4112 = arith.addf %broadcast_in_dim3A_4107, %mul3A_4111 : vector<26x512xf32>
    %slice3A_4113 = vector.extract_strided_slice %dot_general3A_4105 {offsets = [26, 0], sizes = [26, 512], strides = [1, 1]} : vector<676x512xf32> to vector<26x512xf32>
    %slice3A_4114 = vector.extract_strided_slice %squeeze3A_3964 {offsets = [1, 0], sizes = [1, 512], strides = [1, 1]} : vector<26x512xf32> to vector<1x512xf32>
    %mul3A_4115 = vector.broadcast %slice3A_4114 : vector<1x512xf32> to vector<26x512xf32>
    %mul3A_4116 = arith.mulf %slice3A_4113, %mul3A_4115 : vector<26x512xf32>
    %add3A_4117 = arith.addf %add3A_4112, %mul3A_4116 : vector<26x512xf32>
    %slice3A_4118 = vector.extract_strided_slice %dot_general3A_4105 {offsets = [52, 0], sizes = [26, 512], strides = [1, 1]} : vector<676x512xf32> to vector<26x512xf32>
    %slice3A_4119 = vector.extract_strided_slice %squeeze3A_3964 {offsets = [2, 0], sizes = [1, 512], strides = [1, 1]} : vector<26x512xf32> to vector<1x512xf32>
    %mul3A_4120 = vector.broadcast %slice3A_4119 : vector<1x512xf32> to vector<26x512xf32>
    %mul3A_4121 = arith.mulf %slice3A_4118, %mul3A_4120 : vector<26x512xf32>
    %add3A_4122 = arith.addf %add3A_4117, %mul3A_4121 : vector<26x512xf32>
    %slice3A_4123 = vector.extract_strided_slice %dot_general3A_4105 {offsets = [78, 0], sizes = [26, 512], strides = [1, 1]} : vector<676x512xf32> to vector<26x512xf32>
    %slice3A_4124 = vector.extract_strided_slice %squeeze3A_3964 {offsets = [3, 0], sizes = [1, 512], strides = [1, 1]} : vector<26x512xf32> to vector<1x512xf32>
    %mul3A_4125 = vector.broadcast %slice3A_4124 : vector<1x512xf32> to vector<26x512xf32>
    %mul3A_4126 = arith.mulf %slice3A_4123, %mul3A_4125 : vector<26x512xf32>
    %add3A_4127 = arith.addf %add3A_4122, %mul3A_4126 : vector<26x512xf32>
    %slice3A_4128 = vector.extract_strided_slice %dot_general3A_4105 {offsets = [104, 0], sizes = [26, 512], strides = [1, 1]} : vector<676x512xf32> to vector<26x512xf32>
    %slice3A_4129 = vector.extract_strided_slice %squeeze3A_3964 {offsets = [4, 0], sizes = [1, 512], strides = [1, 1]} : vector<26x512xf32> to vector<1x512xf32>
    %mul3A_4130 = vector.broadcast %slice3A_4129 : vector<1x512xf32> to vector<26x512xf32>
    %mul3A_4131 = arith.mulf %slice3A_4128, %mul3A_4130 : vector<26x512xf32>
    %add3A_4132 = arith.addf %add3A_4127, %mul3A_4131 : vector<26x512xf32>
    %slice3A_4133 = vector.extract_strided_slice %dot_general3A_4105 {offsets = [130, 0], sizes = [26, 512], strides = [1, 1]} : vector<676x512xf32> to vector<26x512xf32>
    %slice3A_4134 = vector.extract_strided_slice %squeeze3A_3964 {offsets = [5, 0], sizes = [1, 512], strides = [1, 1]} : vector<26x512xf32> to vector<1x512xf32>
    %mul3A_4135 = vector.broadcast %slice3A_4134 : vector<1x512xf32> to vector<26x512xf32>
    %mul3A_4136 = arith.mulf %slice3A_4133, %mul3A_4135 : vector<26x512xf32>
    %add3A_4137 = arith.addf %add3A_4132, %mul3A_4136 : vector<26x512xf32>
    %slice3A_4138 = vector.extract_strided_slice %dot_general3A_4105 {offsets = [156, 0], sizes = [26, 512], strides = [1, 1]} : vector<676x512xf32> to vector<26x512xf32>
    %slice3A_4139 = vector.extract_strided_slice %squeeze3A_3964 {offsets = [6, 0], sizes = [1, 512], strides = [1, 1]} : vector<26x512xf32> to vector<1x512xf32>
    %mul3A_4140 = vector.broadcast %slice3A_4139 : vector<1x512xf32> to vector<26x512xf32>
    %mul3A_4141 = arith.mulf %slice3A_4138, %mul3A_4140 : vector<26x512xf32>
    %add3A_4142 = arith.addf %add3A_4137, %mul3A_4141 : vector<26x512xf32>
    %slice3A_4143 = vector.extract_strided_slice %dot_general3A_4105 {offsets = [182, 0], sizes = [26, 512], strides = [1, 1]} : vector<676x512xf32> to vector<26x512xf32>
    %slice3A_4144 = vector.extract_strided_slice %squeeze3A_3964 {offsets = [7, 0], sizes = [1, 512], strides = [1, 1]} : vector<26x512xf32> to vector<1x512xf32>
    %mul3A_4145 = vector.broadcast %slice3A_4144 : vector<1x512xf32> to vector<26x512xf32>
    %mul3A_4146 = arith.mulf %slice3A_4143, %mul3A_4145 : vector<26x512xf32>
    %add3A_4147 = arith.addf %add3A_4142, %mul3A_4146 : vector<26x512xf32>
    %slice3A_4148 = vector.extract_strided_slice %dot_general3A_4105 {offsets = [208, 0], sizes = [26, 512], strides = [1, 1]} : vector<676x512xf32> to vector<26x512xf32>
    %slice3A_4149 = vector.extract_strided_slice %squeeze3A_3964 {offsets = [8, 0], sizes = [1, 512], strides = [1, 1]} : vector<26x512xf32> to vector<1x512xf32>
    %mul3A_4150 = vector.broadcast %slice3A_4149 : vector<1x512xf32> to vector<26x512xf32>
    %mul3A_4151 = arith.mulf %slice3A_4148, %mul3A_4150 : vector<26x512xf32>
    %add3A_4152 = arith.addf %add3A_4147, %mul3A_4151 : vector<26x512xf32>
    %slice3A_4153 = vector.extract_strided_slice %dot_general3A_4105 {offsets = [234, 0], sizes = [26, 512], strides = [1, 1]} : vector<676x512xf32> to vector<26x512xf32>
    %slice3A_4154 = vector.extract_strided_slice %squeeze3A_3964 {offsets = [9, 0], sizes = [1, 512], strides = [1, 1]} : vector<26x512xf32> to vector<1x512xf32>
    %mul3A_4155 = vector.broadcast %slice3A_4154 : vector<1x512xf32> to vector<26x512xf32>
    %mul3A_4156 = arith.mulf %slice3A_4153, %mul3A_4155 : vector<26x512xf32>
    %add3A_4157 = arith.addf %add3A_4152, %mul3A_4156 : vector<26x512xf32>
    %slice3A_4158 = vector.extract_strided_slice %dot_general3A_4105 {offsets = [260, 0], sizes = [26, 512], strides = [1, 1]} : vector<676x512xf32> to vector<26x512xf32>
    %slice3A_4159 = vector.extract_strided_slice %squeeze3A_3964 {offsets = [10, 0], sizes = [1, 512], strides = [1, 1]} : vector<26x512xf32> to vector<1x512xf32>
    %mul3A_4160 = vector.broadcast %slice3A_4159 : vector<1x512xf32> to vector<26x512xf32>
    %mul3A_4161 = arith.mulf %slice3A_4158, %mul3A_4160 : vector<26x512xf32>
    %add3A_4162 = arith.addf %add3A_4157, %mul3A_4161 : vector<26x512xf32>
    %slice3A_4163 = vector.extract_strided_slice %dot_general3A_4105 {offsets = [286, 0], sizes = [26, 512], strides = [1, 1]} : vector<676x512xf32> to vector<26x512xf32>
    %slice3A_4164 = vector.extract_strided_slice %squeeze3A_3964 {offsets = [11, 0], sizes = [1, 512], strides = [1, 1]} : vector<26x512xf32> to vector<1x512xf32>
    %mul3A_4165 = vector.broadcast %slice3A_4164 : vector<1x512xf32> to vector<26x512xf32>
    %mul3A_4166 = arith.mulf %slice3A_4163, %mul3A_4165 : vector<26x512xf32>
    %add3A_4167 = arith.addf %add3A_4162, %mul3A_4166 : vector<26x512xf32>
    %slice3A_4168 = vector.extract_strided_slice %dot_general3A_4105 {offsets = [312, 0], sizes = [26, 512], strides = [1, 1]} : vector<676x512xf32> to vector<26x512xf32>
    %slice3A_4169 = vector.extract_strided_slice %squeeze3A_3964 {offsets = [12, 0], sizes = [1, 512], strides = [1, 1]} : vector<26x512xf32> to vector<1x512xf32>
    %mul3A_4170 = vector.broadcast %slice3A_4169 : vector<1x512xf32> to vector<26x512xf32>
    %mul3A_4171 = arith.mulf %slice3A_4168, %mul3A_4170 : vector<26x512xf32>
    %add3A_4172 = arith.addf %add3A_4167, %mul3A_4171 : vector<26x512xf32>
    %slice3A_4173 = vector.extract_strided_slice %dot_general3A_4105 {offsets = [338, 0], sizes = [26, 512], strides = [1, 1]} : vector<676x512xf32> to vector<26x512xf32>
    %slice3A_4174 = vector.extract_strided_slice %squeeze3A_3964 {offsets = [13, 0], sizes = [1, 512], strides = [1, 1]} : vector<26x512xf32> to vector<1x512xf32>
    %mul3A_4175 = vector.broadcast %slice3A_4174 : vector<1x512xf32> to vector<26x512xf32>
    %mul3A_4176 = arith.mulf %slice3A_4173, %mul3A_4175 : vector<26x512xf32>
    %add3A_4177 = arith.addf %add3A_4172, %mul3A_4176 : vector<26x512xf32>
    %slice3A_4178 = vector.extract_strided_slice %dot_general3A_4105 {offsets = [364, 0], sizes = [26, 512], strides = [1, 1]} : vector<676x512xf32> to vector<26x512xf32>
    %slice3A_4179 = vector.extract_strided_slice %squeeze3A_3964 {offsets = [14, 0], sizes = [1, 512], strides = [1, 1]} : vector<26x512xf32> to vector<1x512xf32>
    %mul3A_4180 = vector.broadcast %slice3A_4179 : vector<1x512xf32> to vector<26x512xf32>
    %mul3A_4181 = arith.mulf %slice3A_4178, %mul3A_4180 : vector<26x512xf32>
    %add3A_4182 = arith.addf %add3A_4177, %mul3A_4181 : vector<26x512xf32>
    %slice3A_4183 = vector.extract_strided_slice %dot_general3A_4105 {offsets = [390, 0], sizes = [26, 512], strides = [1, 1]} : vector<676x512xf32> to vector<26x512xf32>
    %slice3A_4184 = vector.extract_strided_slice %squeeze3A_3964 {offsets = [15, 0], sizes = [1, 512], strides = [1, 1]} : vector<26x512xf32> to vector<1x512xf32>
    %mul3A_4185 = vector.broadcast %slice3A_4184 : vector<1x512xf32> to vector<26x512xf32>
    %mul3A_4186 = arith.mulf %slice3A_4183, %mul3A_4185 : vector<26x512xf32>
    %add3A_4187 = arith.addf %add3A_4182, %mul3A_4186 : vector<26x512xf32>
    %slice3A_4188 = vector.extract_strided_slice %dot_general3A_4105 {offsets = [416, 0], sizes = [26, 512], strides = [1, 1]} : vector<676x512xf32> to vector<26x512xf32>
    %slice3A_4189 = vector.extract_strided_slice %squeeze3A_3964 {offsets = [16, 0], sizes = [1, 512], strides = [1, 1]} : vector<26x512xf32> to vector<1x512xf32>
    %mul3A_4190 = vector.broadcast %slice3A_4189 : vector<1x512xf32> to vector<26x512xf32>
    %mul3A_4191 = arith.mulf %slice3A_4188, %mul3A_4190 : vector<26x512xf32>
    %add3A_4192 = arith.addf %add3A_4187, %mul3A_4191 : vector<26x512xf32>
    %slice3A_4193 = vector.extract_strided_slice %dot_general3A_4105 {offsets = [442, 0], sizes = [26, 512], strides = [1, 1]} : vector<676x512xf32> to vector<26x512xf32>
    %slice3A_4194 = vector.extract_strided_slice %squeeze3A_3964 {offsets = [17, 0], sizes = [1, 512], strides = [1, 1]} : vector<26x512xf32> to vector<1x512xf32>
    %mul3A_4195 = vector.broadcast %slice3A_4194 : vector<1x512xf32> to vector<26x512xf32>
    %mul3A_4196 = arith.mulf %slice3A_4193, %mul3A_4195 : vector<26x512xf32>
    %add3A_4197 = arith.addf %add3A_4192, %mul3A_4196 : vector<26x512xf32>
    %slice3A_4198 = vector.extract_strided_slice %dot_general3A_4105 {offsets = [468, 0], sizes = [26, 512], strides = [1, 1]} : vector<676x512xf32> to vector<26x512xf32>
    %slice3A_4199 = vector.extract_strided_slice %squeeze3A_3964 {offsets = [18, 0], sizes = [1, 512], strides = [1, 1]} : vector<26x512xf32> to vector<1x512xf32>
    %mul3A_4200 = vector.broadcast %slice3A_4199 : vector<1x512xf32> to vector<26x512xf32>
    %mul3A_4201 = arith.mulf %slice3A_4198, %mul3A_4200 : vector<26x512xf32>
    %add3A_4202 = arith.addf %add3A_4197, %mul3A_4201 : vector<26x512xf32>
    %slice3A_4203 = vector.extract_strided_slice %dot_general3A_4105 {offsets = [494, 0], sizes = [26, 512], strides = [1, 1]} : vector<676x512xf32> to vector<26x512xf32>
    %slice3A_4204 = vector.extract_strided_slice %squeeze3A_3964 {offsets = [19, 0], sizes = [1, 512], strides = [1, 1]} : vector<26x512xf32> to vector<1x512xf32>
    %mul3A_4205 = vector.broadcast %slice3A_4204 : vector<1x512xf32> to vector<26x512xf32>
    %mul3A_4206 = arith.mulf %slice3A_4203, %mul3A_4205 : vector<26x512xf32>
    %add3A_4207 = arith.addf %add3A_4202, %mul3A_4206 : vector<26x512xf32>
    %slice3A_4208 = vector.extract_strided_slice %dot_general3A_4105 {offsets = [520, 0], sizes = [26, 512], strides = [1, 1]} : vector<676x512xf32> to vector<26x512xf32>
    %slice3A_4209 = vector.extract_strided_slice %squeeze3A_3964 {offsets = [20, 0], sizes = [1, 512], strides = [1, 1]} : vector<26x512xf32> to vector<1x512xf32>
    %mul3A_4210 = vector.broadcast %slice3A_4209 : vector<1x512xf32> to vector<26x512xf32>
    %mul3A_4211 = arith.mulf %slice3A_4208, %mul3A_4210 : vector<26x512xf32>
    %add3A_4212 = arith.addf %add3A_4207, %mul3A_4211 : vector<26x512xf32>
    %slice3A_4213 = vector.extract_strided_slice %dot_general3A_4105 {offsets = [546, 0], sizes = [26, 512], strides = [1, 1]} : vector<676x512xf32> to vector<26x512xf32>
    %slice3A_4214 = vector.extract_strided_slice %squeeze3A_3964 {offsets = [21, 0], sizes = [1, 512], strides = [1, 1]} : vector<26x512xf32> to vector<1x512xf32>
    %mul3A_4215 = vector.broadcast %slice3A_4214 : vector<1x512xf32> to vector<26x512xf32>
    %mul3A_4216 = arith.mulf %slice3A_4213, %mul3A_4215 : vector<26x512xf32>
    %add3A_4217 = arith.addf %add3A_4212, %mul3A_4216 : vector<26x512xf32>
    %slice3A_4218 = vector.extract_strided_slice %dot_general3A_4105 {offsets = [572, 0], sizes = [26, 512], strides = [1, 1]} : vector<676x512xf32> to vector<26x512xf32>
    %slice3A_4219 = vector.extract_strided_slice %squeeze3A_3964 {offsets = [22, 0], sizes = [1, 512], strides = [1, 1]} : vector<26x512xf32> to vector<1x512xf32>
    %mul3A_4220 = vector.broadcast %slice3A_4219 : vector<1x512xf32> to vector<26x512xf32>
    %mul3A_4221 = arith.mulf %slice3A_4218, %mul3A_4220 : vector<26x512xf32>
    %add3A_4222 = arith.addf %add3A_4217, %mul3A_4221 : vector<26x512xf32>
    %slice3A_4223 = vector.extract_strided_slice %dot_general3A_4105 {offsets = [598, 0], sizes = [26, 512], strides = [1, 1]} : vector<676x512xf32> to vector<26x512xf32>
    %slice3A_4224 = vector.extract_strided_slice %squeeze3A_3964 {offsets = [23, 0], sizes = [1, 512], strides = [1, 1]} : vector<26x512xf32> to vector<1x512xf32>
    %mul3A_4225 = vector.broadcast %slice3A_4224 : vector<1x512xf32> to vector<26x512xf32>
    %mul3A_4226 = arith.mulf %slice3A_4223, %mul3A_4225 : vector<26x512xf32>
    %add3A_4227 = arith.addf %add3A_4222, %mul3A_4226 : vector<26x512xf32>
    %slice3A_4228 = vector.extract_strided_slice %dot_general3A_4105 {offsets = [624, 0], sizes = [26, 512], strides = [1, 1]} : vector<676x512xf32> to vector<26x512xf32>
    %slice3A_4229 = vector.extract_strided_slice %squeeze3A_3964 {offsets = [24, 0], sizes = [1, 512], strides = [1, 1]} : vector<26x512xf32> to vector<1x512xf32>
    %mul3A_4230 = vector.broadcast %slice3A_4229 : vector<1x512xf32> to vector<26x512xf32>
    %mul3A_4231 = arith.mulf %slice3A_4228, %mul3A_4230 : vector<26x512xf32>
    %add3A_4232 = arith.addf %add3A_4227, %mul3A_4231 : vector<26x512xf32>
    %slice3A_4233 = vector.extract_strided_slice %dot_general3A_4105 {offsets = [650, 0], sizes = [26, 512], strides = [1, 1]} : vector<676x512xf32> to vector<26x512xf32>
    %slice3A_4234 = vector.extract_strided_slice %squeeze3A_3964 {offsets = [25, 0], sizes = [1, 512], strides = [1, 1]} : vector<26x512xf32> to vector<1x512xf32>
    %mul3A_4235 = vector.broadcast %slice3A_4234 : vector<1x512xf32> to vector<26x512xf32>
    %mul3A_4236 = arith.mulf %slice3A_4233, %mul3A_4235 : vector<26x512xf32>
    %add3A_4237 = arith.addf %add3A_4232, %mul3A_4236 : vector<26x512xf32>
    %add3A_4238 = vector.broadcast %get3A_17 : vector<26x1xf32> to vector<26x512xf32>
    %add3A_4239 = arith.addf %add3A_4237, %add3A_4238 : vector<26x512xf32>
    %max3A_4240 = arith.constant 0.000000e+00 : f32
    %max3A_4241 = vector.broadcast %max3A_4240 : f32 to vector<26x512xf32>
    %max3A_4242 = arith.maximumf %add3A_4239, %max3A_4241 : vector<26x512xf32>
    %add3A_4243 = arith.addf %add3A_3961, %max3A_4103 : vector<26x512xf32>
    %add3A_4244 = arith.addf %add3A_3962, %max3A_4242 : vector<26x512xf32>
    %slice3A_4245 = vector.extract_strided_slice %reshape3A {offsets = [0, 15, 0], sizes = [26, 1, 512], strides = [1, 1, 1]} : vector<26x16x512xf32> to vector<26x1x512xf32>
    %squeeze3A_4246 = vector.shape_cast %slice3A_4245 : vector<26x1x512xf32> to vector<26x512xf32>
    %dot_general3A_4247 = arith.constant dense<0.000000e+00> : vector<676x512xf32>
    %dot_general3A_4248 = tpu.matmul %get3A_8, %squeeze3A_4246, %dot_general3A_4247 {dimension_numbers = #tpu.dot_dimension_numbers<[1], [0], [0], [1], [0, 0, 1, 1], [], []>, transpose_lhs_hint = false} : vector<676x26xf32>, vector<26x512xf32>, vector<676x512xf32> -> vector<676x512xf32>
    %broadcast_in_dim3A_4249 = arith.constant 0.000000e+00 : f32
    %broadcast_in_dim3A_4250 = vector.broadcast %broadcast_in_dim3A_4249 : f32 to vector<26x512xf32>
    %slice3A_4251 = vector.extract_strided_slice %dot_general3A_4248 {offsets = [0, 0], sizes = [26, 512], strides = [1, 1]} : vector<676x512xf32> to vector<26x512xf32>
    %slice3A_4252 = vector.extract_strided_slice %squeeze3A_4246 {offsets = [0, 0], sizes = [1, 512], strides = [1, 1]} : vector<26x512xf32> to vector<1x512xf32>
    %mul3A_4253 = vector.broadcast %slice3A_4252 : vector<1x512xf32> to vector<26x512xf32>
    %mul3A_4254 = arith.mulf %slice3A_4251, %mul3A_4253 : vector<26x512xf32>
    %add3A_4255 = arith.addf %broadcast_in_dim3A_4250, %mul3A_4254 : vector<26x512xf32>
    %slice3A_4256 = vector.extract_strided_slice %dot_general3A_4248 {offsets = [26, 0], sizes = [26, 512], strides = [1, 1]} : vector<676x512xf32> to vector<26x512xf32>
    %slice3A_4257 = vector.extract_strided_slice %squeeze3A_4246 {offsets = [1, 0], sizes = [1, 512], strides = [1, 1]} : vector<26x512xf32> to vector<1x512xf32>
    %mul3A_4258 = vector.broadcast %slice3A_4257 : vector<1x512xf32> to vector<26x512xf32>
    %mul3A_4259 = arith.mulf %slice3A_4256, %mul3A_4258 : vector<26x512xf32>
    %add3A_4260 = arith.addf %add3A_4255, %mul3A_4259 : vector<26x512xf32>
    %slice3A_4261 = vector.extract_strided_slice %dot_general3A_4248 {offsets = [52, 0], sizes = [26, 512], strides = [1, 1]} : vector<676x512xf32> to vector<26x512xf32>
    %slice3A_4262 = vector.extract_strided_slice %squeeze3A_4246 {offsets = [2, 0], sizes = [1, 512], strides = [1, 1]} : vector<26x512xf32> to vector<1x512xf32>
    %mul3A_4263 = vector.broadcast %slice3A_4262 : vector<1x512xf32> to vector<26x512xf32>
    %mul3A_4264 = arith.mulf %slice3A_4261, %mul3A_4263 : vector<26x512xf32>
    %add3A_4265 = arith.addf %add3A_4260, %mul3A_4264 : vector<26x512xf32>
    %slice3A_4266 = vector.extract_strided_slice %dot_general3A_4248 {offsets = [78, 0], sizes = [26, 512], strides = [1, 1]} : vector<676x512xf32> to vector<26x512xf32>
    %slice3A_4267 = vector.extract_strided_slice %squeeze3A_4246 {offsets = [3, 0], sizes = [1, 512], strides = [1, 1]} : vector<26x512xf32> to vector<1x512xf32>
    %mul3A_4268 = vector.broadcast %slice3A_4267 : vector<1x512xf32> to vector<26x512xf32>
    %mul3A_4269 = arith.mulf %slice3A_4266, %mul3A_4268 : vector<26x512xf32>
    %add3A_4270 = arith.addf %add3A_4265, %mul3A_4269 : vector<26x512xf32>
    %slice3A_4271 = vector.extract_strided_slice %dot_general3A_4248 {offsets = [104, 0], sizes = [26, 512], strides = [1, 1]} : vector<676x512xf32> to vector<26x512xf32>
    %slice3A_4272 = vector.extract_strided_slice %squeeze3A_4246 {offsets = [4, 0], sizes = [1, 512], strides = [1, 1]} : vector<26x512xf32> to vector<1x512xf32>
    %mul3A_4273 = vector.broadcast %slice3A_4272 : vector<1x512xf32> to vector<26x512xf32>
    %mul3A_4274 = arith.mulf %slice3A_4271, %mul3A_4273 : vector<26x512xf32>
    %add3A_4275 = arith.addf %add3A_4270, %mul3A_4274 : vector<26x512xf32>
    %slice3A_4276 = vector.extract_strided_slice %dot_general3A_4248 {offsets = [130, 0], sizes = [26, 512], strides = [1, 1]} : vector<676x512xf32> to vector<26x512xf32>
    %slice3A_4277 = vector.extract_strided_slice %squeeze3A_4246 {offsets = [5, 0], sizes = [1, 512], strides = [1, 1]} : vector<26x512xf32> to vector<1x512xf32>
    %mul3A_4278 = vector.broadcast %slice3A_4277 : vector<1x512xf32> to vector<26x512xf32>
    %mul3A_4279 = arith.mulf %slice3A_4276, %mul3A_4278 : vector<26x512xf32>
    %add3A_4280 = arith.addf %add3A_4275, %mul3A_4279 : vector<26x512xf32>
    %slice3A_4281 = vector.extract_strided_slice %dot_general3A_4248 {offsets = [156, 0], sizes = [26, 512], strides = [1, 1]} : vector<676x512xf32> to vector<26x512xf32>
    %slice3A_4282 = vector.extract_strided_slice %squeeze3A_4246 {offsets = [6, 0], sizes = [1, 512], strides = [1, 1]} : vector<26x512xf32> to vector<1x512xf32>
    %mul3A_4283 = vector.broadcast %slice3A_4282 : vector<1x512xf32> to vector<26x512xf32>
    %mul3A_4284 = arith.mulf %slice3A_4281, %mul3A_4283 : vector<26x512xf32>
    %add3A_4285 = arith.addf %add3A_4280, %mul3A_4284 : vector<26x512xf32>
    %slice3A_4286 = vector.extract_strided_slice %dot_general3A_4248 {offsets = [182, 0], sizes = [26, 512], strides = [1, 1]} : vector<676x512xf32> to vector<26x512xf32>
    %slice3A_4287 = vector.extract_strided_slice %squeeze3A_4246 {offsets = [7, 0], sizes = [1, 512], strides = [1, 1]} : vector<26x512xf32> to vector<1x512xf32>
    %mul3A_4288 = vector.broadcast %slice3A_4287 : vector<1x512xf32> to vector<26x512xf32>
    %mul3A_4289 = arith.mulf %slice3A_4286, %mul3A_4288 : vector<26x512xf32>
    %add3A_4290 = arith.addf %add3A_4285, %mul3A_4289 : vector<26x512xf32>
    %slice3A_4291 = vector.extract_strided_slice %dot_general3A_4248 {offsets = [208, 0], sizes = [26, 512], strides = [1, 1]} : vector<676x512xf32> to vector<26x512xf32>
    %slice3A_4292 = vector.extract_strided_slice %squeeze3A_4246 {offsets = [8, 0], sizes = [1, 512], strides = [1, 1]} : vector<26x512xf32> to vector<1x512xf32>
    %mul3A_4293 = vector.broadcast %slice3A_4292 : vector<1x512xf32> to vector<26x512xf32>
    %mul3A_4294 = arith.mulf %slice3A_4291, %mul3A_4293 : vector<26x512xf32>
    %add3A_4295 = arith.addf %add3A_4290, %mul3A_4294 : vector<26x512xf32>
    %slice3A_4296 = vector.extract_strided_slice %dot_general3A_4248 {offsets = [234, 0], sizes = [26, 512], strides = [1, 1]} : vector<676x512xf32> to vector<26x512xf32>
    %slice3A_4297 = vector.extract_strided_slice %squeeze3A_4246 {offsets = [9, 0], sizes = [1, 512], strides = [1, 1]} : vector<26x512xf32> to vector<1x512xf32>
    %mul3A_4298 = vector.broadcast %slice3A_4297 : vector<1x512xf32> to vector<26x512xf32>
    %mul3A_4299 = arith.mulf %slice3A_4296, %mul3A_4298 : vector<26x512xf32>
    %add3A_4300 = arith.addf %add3A_4295, %mul3A_4299 : vector<26x512xf32>
    %slice3A_4301 = vector.extract_strided_slice %dot_general3A_4248 {offsets = [260, 0], sizes = [26, 512], strides = [1, 1]} : vector<676x512xf32> to vector<26x512xf32>
    %slice3A_4302 = vector.extract_strided_slice %squeeze3A_4246 {offsets = [10, 0], sizes = [1, 512], strides = [1, 1]} : vector<26x512xf32> to vector<1x512xf32>
    %mul3A_4303 = vector.broadcast %slice3A_4302 : vector<1x512xf32> to vector<26x512xf32>
    %mul3A_4304 = arith.mulf %slice3A_4301, %mul3A_4303 : vector<26x512xf32>
    %add3A_4305 = arith.addf %add3A_4300, %mul3A_4304 : vector<26x512xf32>
    %slice3A_4306 = vector.extract_strided_slice %dot_general3A_4248 {offsets = [286, 0], sizes = [26, 512], strides = [1, 1]} : vector<676x512xf32> to vector<26x512xf32>
    %slice3A_4307 = vector.extract_strided_slice %squeeze3A_4246 {offsets = [11, 0], sizes = [1, 512], strides = [1, 1]} : vector<26x512xf32> to vector<1x512xf32>
    %mul3A_4308 = vector.broadcast %slice3A_4307 : vector<1x512xf32> to vector<26x512xf32>
    %mul3A_4309 = arith.mulf %slice3A_4306, %mul3A_4308 : vector<26x512xf32>
    %add3A_4310 = arith.addf %add3A_4305, %mul3A_4309 : vector<26x512xf32>
    %slice3A_4311 = vector.extract_strided_slice %dot_general3A_4248 {offsets = [312, 0], sizes = [26, 512], strides = [1, 1]} : vector<676x512xf32> to vector<26x512xf32>
    %slice3A_4312 = vector.extract_strided_slice %squeeze3A_4246 {offsets = [12, 0], sizes = [1, 512], strides = [1, 1]} : vector<26x512xf32> to vector<1x512xf32>
    %mul3A_4313 = vector.broadcast %slice3A_4312 : vector<1x512xf32> to vector<26x512xf32>
    %mul3A_4314 = arith.mulf %slice3A_4311, %mul3A_4313 : vector<26x512xf32>
    %add3A_4315 = arith.addf %add3A_4310, %mul3A_4314 : vector<26x512xf32>
    %slice3A_4316 = vector.extract_strided_slice %dot_general3A_4248 {offsets = [338, 0], sizes = [26, 512], strides = [1, 1]} : vector<676x512xf32> to vector<26x512xf32>
    %slice3A_4317 = vector.extract_strided_slice %squeeze3A_4246 {offsets = [13, 0], sizes = [1, 512], strides = [1, 1]} : vector<26x512xf32> to vector<1x512xf32>
    %mul3A_4318 = vector.broadcast %slice3A_4317 : vector<1x512xf32> to vector<26x512xf32>
    %mul3A_4319 = arith.mulf %slice3A_4316, %mul3A_4318 : vector<26x512xf32>
    %add3A_4320 = arith.addf %add3A_4315, %mul3A_4319 : vector<26x512xf32>
    %slice3A_4321 = vector.extract_strided_slice %dot_general3A_4248 {offsets = [364, 0], sizes = [26, 512], strides = [1, 1]} : vector<676x512xf32> to vector<26x512xf32>
    %slice3A_4322 = vector.extract_strided_slice %squeeze3A_4246 {offsets = [14, 0], sizes = [1, 512], strides = [1, 1]} : vector<26x512xf32> to vector<1x512xf32>
    %mul3A_4323 = vector.broadcast %slice3A_4322 : vector<1x512xf32> to vector<26x512xf32>
    %mul3A_4324 = arith.mulf %slice3A_4321, %mul3A_4323 : vector<26x512xf32>
    %add3A_4325 = arith.addf %add3A_4320, %mul3A_4324 : vector<26x512xf32>
    %slice3A_4326 = vector.extract_strided_slice %dot_general3A_4248 {offsets = [390, 0], sizes = [26, 512], strides = [1, 1]} : vector<676x512xf32> to vector<26x512xf32>
    %slice3A_4327 = vector.extract_strided_slice %squeeze3A_4246 {offsets = [15, 0], sizes = [1, 512], strides = [1, 1]} : vector<26x512xf32> to vector<1x512xf32>
    %mul3A_4328 = vector.broadcast %slice3A_4327 : vector<1x512xf32> to vector<26x512xf32>
    %mul3A_4329 = arith.mulf %slice3A_4326, %mul3A_4328 : vector<26x512xf32>
    %add3A_4330 = arith.addf %add3A_4325, %mul3A_4329 : vector<26x512xf32>
    %slice3A_4331 = vector.extract_strided_slice %dot_general3A_4248 {offsets = [416, 0], sizes = [26, 512], strides = [1, 1]} : vector<676x512xf32> to vector<26x512xf32>
    %slice3A_4332 = vector.extract_strided_slice %squeeze3A_4246 {offsets = [16, 0], sizes = [1, 512], strides = [1, 1]} : vector<26x512xf32> to vector<1x512xf32>
    %mul3A_4333 = vector.broadcast %slice3A_4332 : vector<1x512xf32> to vector<26x512xf32>
    %mul3A_4334 = arith.mulf %slice3A_4331, %mul3A_4333 : vector<26x512xf32>
    %add3A_4335 = arith.addf %add3A_4330, %mul3A_4334 : vector<26x512xf32>
    %slice3A_4336 = vector.extract_strided_slice %dot_general3A_4248 {offsets = [442, 0], sizes = [26, 512], strides = [1, 1]} : vector<676x512xf32> to vector<26x512xf32>
    %slice3A_4337 = vector.extract_strided_slice %squeeze3A_4246 {offsets = [17, 0], sizes = [1, 512], strides = [1, 1]} : vector<26x512xf32> to vector<1x512xf32>
    %mul3A_4338 = vector.broadcast %slice3A_4337 : vector<1x512xf32> to vector<26x512xf32>
    %mul3A_4339 = arith.mulf %slice3A_4336, %mul3A_4338 : vector<26x512xf32>
    %add3A_4340 = arith.addf %add3A_4335, %mul3A_4339 : vector<26x512xf32>
    %slice3A_4341 = vector.extract_strided_slice %dot_general3A_4248 {offsets = [468, 0], sizes = [26, 512], strides = [1, 1]} : vector<676x512xf32> to vector<26x512xf32>
    %slice3A_4342 = vector.extract_strided_slice %squeeze3A_4246 {offsets = [18, 0], sizes = [1, 512], strides = [1, 1]} : vector<26x512xf32> to vector<1x512xf32>
    %mul3A_4343 = vector.broadcast %slice3A_4342 : vector<1x512xf32> to vector<26x512xf32>
    %mul3A_4344 = arith.mulf %slice3A_4341, %mul3A_4343 : vector<26x512xf32>
    %add3A_4345 = arith.addf %add3A_4340, %mul3A_4344 : vector<26x512xf32>
    %slice3A_4346 = vector.extract_strided_slice %dot_general3A_4248 {offsets = [494, 0], sizes = [26, 512], strides = [1, 1]} : vector<676x512xf32> to vector<26x512xf32>
    %slice3A_4347 = vector.extract_strided_slice %squeeze3A_4246 {offsets = [19, 0], sizes = [1, 512], strides = [1, 1]} : vector<26x512xf32> to vector<1x512xf32>
    %mul3A_4348 = vector.broadcast %slice3A_4347 : vector<1x512xf32> to vector<26x512xf32>
    %mul3A_4349 = arith.mulf %slice3A_4346, %mul3A_4348 : vector<26x512xf32>
    %add3A_4350 = arith.addf %add3A_4345, %mul3A_4349 : vector<26x512xf32>
    %slice3A_4351 = vector.extract_strided_slice %dot_general3A_4248 {offsets = [520, 0], sizes = [26, 512], strides = [1, 1]} : vector<676x512xf32> to vector<26x512xf32>
    %slice3A_4352 = vector.extract_strided_slice %squeeze3A_4246 {offsets = [20, 0], sizes = [1, 512], strides = [1, 1]} : vector<26x512xf32> to vector<1x512xf32>
    %mul3A_4353 = vector.broadcast %slice3A_4352 : vector<1x512xf32> to vector<26x512xf32>
    %mul3A_4354 = arith.mulf %slice3A_4351, %mul3A_4353 : vector<26x512xf32>
    %add3A_4355 = arith.addf %add3A_4350, %mul3A_4354 : vector<26x512xf32>
    %slice3A_4356 = vector.extract_strided_slice %dot_general3A_4248 {offsets = [546, 0], sizes = [26, 512], strides = [1, 1]} : vector<676x512xf32> to vector<26x512xf32>
    %slice3A_4357 = vector.extract_strided_slice %squeeze3A_4246 {offsets = [21, 0], sizes = [1, 512], strides = [1, 1]} : vector<26x512xf32> to vector<1x512xf32>
    %mul3A_4358 = vector.broadcast %slice3A_4357 : vector<1x512xf32> to vector<26x512xf32>
    %mul3A_4359 = arith.mulf %slice3A_4356, %mul3A_4358 : vector<26x512xf32>
    %add3A_4360 = arith.addf %add3A_4355, %mul3A_4359 : vector<26x512xf32>
    %slice3A_4361 = vector.extract_strided_slice %dot_general3A_4248 {offsets = [572, 0], sizes = [26, 512], strides = [1, 1]} : vector<676x512xf32> to vector<26x512xf32>
    %slice3A_4362 = vector.extract_strided_slice %squeeze3A_4246 {offsets = [22, 0], sizes = [1, 512], strides = [1, 1]} : vector<26x512xf32> to vector<1x512xf32>
    %mul3A_4363 = vector.broadcast %slice3A_4362 : vector<1x512xf32> to vector<26x512xf32>
    %mul3A_4364 = arith.mulf %slice3A_4361, %mul3A_4363 : vector<26x512xf32>
    %add3A_4365 = arith.addf %add3A_4360, %mul3A_4364 : vector<26x512xf32>
    %slice3A_4366 = vector.extract_strided_slice %dot_general3A_4248 {offsets = [598, 0], sizes = [26, 512], strides = [1, 1]} : vector<676x512xf32> to vector<26x512xf32>
    %slice3A_4367 = vector.extract_strided_slice %squeeze3A_4246 {offsets = [23, 0], sizes = [1, 512], strides = [1, 1]} : vector<26x512xf32> to vector<1x512xf32>
    %mul3A_4368 = vector.broadcast %slice3A_4367 : vector<1x512xf32> to vector<26x512xf32>
    %mul3A_4369 = arith.mulf %slice3A_4366, %mul3A_4368 : vector<26x512xf32>
    %add3A_4370 = arith.addf %add3A_4365, %mul3A_4369 : vector<26x512xf32>
    %slice3A_4371 = vector.extract_strided_slice %dot_general3A_4248 {offsets = [624, 0], sizes = [26, 512], strides = [1, 1]} : vector<676x512xf32> to vector<26x512xf32>
    %slice3A_4372 = vector.extract_strided_slice %squeeze3A_4246 {offsets = [24, 0], sizes = [1, 512], strides = [1, 1]} : vector<26x512xf32> to vector<1x512xf32>
    %mul3A_4373 = vector.broadcast %slice3A_4372 : vector<1x512xf32> to vector<26x512xf32>
    %mul3A_4374 = arith.mulf %slice3A_4371, %mul3A_4373 : vector<26x512xf32>
    %add3A_4375 = arith.addf %add3A_4370, %mul3A_4374 : vector<26x512xf32>
    %slice3A_4376 = vector.extract_strided_slice %dot_general3A_4248 {offsets = [650, 0], sizes = [26, 512], strides = [1, 1]} : vector<676x512xf32> to vector<26x512xf32>
    %slice3A_4377 = vector.extract_strided_slice %squeeze3A_4246 {offsets = [25, 0], sizes = [1, 512], strides = [1, 1]} : vector<26x512xf32> to vector<1x512xf32>
    %mul3A_4378 = vector.broadcast %slice3A_4377 : vector<1x512xf32> to vector<26x512xf32>
    %mul3A_4379 = arith.mulf %slice3A_4376, %mul3A_4378 : vector<26x512xf32>
    %add3A_4380 = arith.addf %add3A_4375, %mul3A_4379 : vector<26x512xf32>
    %add3A_4381 = vector.broadcast %get3A_14 : vector<26x1xf32> to vector<26x512xf32>
    %add3A_4382 = arith.addf %add3A_4380, %add3A_4381 : vector<26x512xf32>
    %max3A_4383 = arith.constant 0.000000e+00 : f32
    %max3A_4384 = vector.broadcast %max3A_4383 : f32 to vector<26x512xf32>
    %max3A_4385 = arith.maximumf %add3A_4382, %max3A_4384 : vector<26x512xf32>
    %dot_general3A_4386 = arith.constant dense<0.000000e+00> : vector<676x512xf32>
    %dot_general3A_4387 = tpu.matmul %get3A_11, %max3A_4385, %dot_general3A_4386 {dimension_numbers = #tpu.dot_dimension_numbers<[1], [0], [0], [1], [0, 0, 1, 1], [], []>, transpose_lhs_hint = false} : vector<676x26xf32>, vector<26x512xf32>, vector<676x512xf32> -> vector<676x512xf32>
    %broadcast_in_dim3A_4388 = arith.constant 0.000000e+00 : f32
    %broadcast_in_dim3A_4389 = vector.broadcast %broadcast_in_dim3A_4388 : f32 to vector<26x512xf32>
    %slice3A_4390 = vector.extract_strided_slice %dot_general3A_4387 {offsets = [0, 0], sizes = [26, 512], strides = [1, 1]} : vector<676x512xf32> to vector<26x512xf32>
    %slice3A_4391 = vector.extract_strided_slice %squeeze3A_4246 {offsets = [0, 0], sizes = [1, 512], strides = [1, 1]} : vector<26x512xf32> to vector<1x512xf32>
    %mul3A_4392 = vector.broadcast %slice3A_4391 : vector<1x512xf32> to vector<26x512xf32>
    %mul3A_4393 = arith.mulf %slice3A_4390, %mul3A_4392 : vector<26x512xf32>
    %add3A_4394 = arith.addf %broadcast_in_dim3A_4389, %mul3A_4393 : vector<26x512xf32>
    %slice3A_4395 = vector.extract_strided_slice %dot_general3A_4387 {offsets = [26, 0], sizes = [26, 512], strides = [1, 1]} : vector<676x512xf32> to vector<26x512xf32>
    %slice3A_4396 = vector.extract_strided_slice %squeeze3A_4246 {offsets = [1, 0], sizes = [1, 512], strides = [1, 1]} : vector<26x512xf32> to vector<1x512xf32>
    %mul3A_4397 = vector.broadcast %slice3A_4396 : vector<1x512xf32> to vector<26x512xf32>
    %mul3A_4398 = arith.mulf %slice3A_4395, %mul3A_4397 : vector<26x512xf32>
    %add3A_4399 = arith.addf %add3A_4394, %mul3A_4398 : vector<26x512xf32>
    %slice3A_4400 = vector.extract_strided_slice %dot_general3A_4387 {offsets = [52, 0], sizes = [26, 512], strides = [1, 1]} : vector<676x512xf32> to vector<26x512xf32>
    %slice3A_4401 = vector.extract_strided_slice %squeeze3A_4246 {offsets = [2, 0], sizes = [1, 512], strides = [1, 1]} : vector<26x512xf32> to vector<1x512xf32>
    %mul3A_4402 = vector.broadcast %slice3A_4401 : vector<1x512xf32> to vector<26x512xf32>
    %mul3A_4403 = arith.mulf %slice3A_4400, %mul3A_4402 : vector<26x512xf32>
    %add3A_4404 = arith.addf %add3A_4399, %mul3A_4403 : vector<26x512xf32>
    %slice3A_4405 = vector.extract_strided_slice %dot_general3A_4387 {offsets = [78, 0], sizes = [26, 512], strides = [1, 1]} : vector<676x512xf32> to vector<26x512xf32>
    %slice3A_4406 = vector.extract_strided_slice %squeeze3A_4246 {offsets = [3, 0], sizes = [1, 512], strides = [1, 1]} : vector<26x512xf32> to vector<1x512xf32>
    %mul3A_4407 = vector.broadcast %slice3A_4406 : vector<1x512xf32> to vector<26x512xf32>
    %mul3A_4408 = arith.mulf %slice3A_4405, %mul3A_4407 : vector<26x512xf32>
    %add3A_4409 = arith.addf %add3A_4404, %mul3A_4408 : vector<26x512xf32>
    %slice3A_4410 = vector.extract_strided_slice %dot_general3A_4387 {offsets = [104, 0], sizes = [26, 512], strides = [1, 1]} : vector<676x512xf32> to vector<26x512xf32>
    %slice3A_4411 = vector.extract_strided_slice %squeeze3A_4246 {offsets = [4, 0], sizes = [1, 512], strides = [1, 1]} : vector<26x512xf32> to vector<1x512xf32>
    %mul3A_4412 = vector.broadcast %slice3A_4411 : vector<1x512xf32> to vector<26x512xf32>
    %mul3A_4413 = arith.mulf %slice3A_4410, %mul3A_4412 : vector<26x512xf32>
    %add3A_4414 = arith.addf %add3A_4409, %mul3A_4413 : vector<26x512xf32>
    %slice3A_4415 = vector.extract_strided_slice %dot_general3A_4387 {offsets = [130, 0], sizes = [26, 512], strides = [1, 1]} : vector<676x512xf32> to vector<26x512xf32>
    %slice3A_4416 = vector.extract_strided_slice %squeeze3A_4246 {offsets = [5, 0], sizes = [1, 512], strides = [1, 1]} : vector<26x512xf32> to vector<1x512xf32>
    %mul3A_4417 = vector.broadcast %slice3A_4416 : vector<1x512xf32> to vector<26x512xf32>
    %mul3A_4418 = arith.mulf %slice3A_4415, %mul3A_4417 : vector<26x512xf32>
    %add3A_4419 = arith.addf %add3A_4414, %mul3A_4418 : vector<26x512xf32>
    %slice3A_4420 = vector.extract_strided_slice %dot_general3A_4387 {offsets = [156, 0], sizes = [26, 512], strides = [1, 1]} : vector<676x512xf32> to vector<26x512xf32>
    %slice3A_4421 = vector.extract_strided_slice %squeeze3A_4246 {offsets = [6, 0], sizes = [1, 512], strides = [1, 1]} : vector<26x512xf32> to vector<1x512xf32>
    %mul3A_4422 = vector.broadcast %slice3A_4421 : vector<1x512xf32> to vector<26x512xf32>
    %mul3A_4423 = arith.mulf %slice3A_4420, %mul3A_4422 : vector<26x512xf32>
    %add3A_4424 = arith.addf %add3A_4419, %mul3A_4423 : vector<26x512xf32>
    %slice3A_4425 = vector.extract_strided_slice %dot_general3A_4387 {offsets = [182, 0], sizes = [26, 512], strides = [1, 1]} : vector<676x512xf32> to vector<26x512xf32>
    %slice3A_4426 = vector.extract_strided_slice %squeeze3A_4246 {offsets = [7, 0], sizes = [1, 512], strides = [1, 1]} : vector<26x512xf32> to vector<1x512xf32>
    %mul3A_4427 = vector.broadcast %slice3A_4426 : vector<1x512xf32> to vector<26x512xf32>
    %mul3A_4428 = arith.mulf %slice3A_4425, %mul3A_4427 : vector<26x512xf32>
    %add3A_4429 = arith.addf %add3A_4424, %mul3A_4428 : vector<26x512xf32>
    %slice3A_4430 = vector.extract_strided_slice %dot_general3A_4387 {offsets = [208, 0], sizes = [26, 512], strides = [1, 1]} : vector<676x512xf32> to vector<26x512xf32>
    %slice3A_4431 = vector.extract_strided_slice %squeeze3A_4246 {offsets = [8, 0], sizes = [1, 512], strides = [1, 1]} : vector<26x512xf32> to vector<1x512xf32>
    %mul3A_4432 = vector.broadcast %slice3A_4431 : vector<1x512xf32> to vector<26x512xf32>
    %mul3A_4433 = arith.mulf %slice3A_4430, %mul3A_4432 : vector<26x512xf32>
    %add3A_4434 = arith.addf %add3A_4429, %mul3A_4433 : vector<26x512xf32>
    %slice3A_4435 = vector.extract_strided_slice %dot_general3A_4387 {offsets = [234, 0], sizes = [26, 512], strides = [1, 1]} : vector<676x512xf32> to vector<26x512xf32>
    %slice3A_4436 = vector.extract_strided_slice %squeeze3A_4246 {offsets = [9, 0], sizes = [1, 512], strides = [1, 1]} : vector<26x512xf32> to vector<1x512xf32>
    %mul3A_4437 = vector.broadcast %slice3A_4436 : vector<1x512xf32> to vector<26x512xf32>
    %mul3A_4438 = arith.mulf %slice3A_4435, %mul3A_4437 : vector<26x512xf32>
    %add3A_4439 = arith.addf %add3A_4434, %mul3A_4438 : vector<26x512xf32>
    %slice3A_4440 = vector.extract_strided_slice %dot_general3A_4387 {offsets = [260, 0], sizes = [26, 512], strides = [1, 1]} : vector<676x512xf32> to vector<26x512xf32>
    %slice3A_4441 = vector.extract_strided_slice %squeeze3A_4246 {offsets = [10, 0], sizes = [1, 512], strides = [1, 1]} : vector<26x512xf32> to vector<1x512xf32>
    %mul3A_4442 = vector.broadcast %slice3A_4441 : vector<1x512xf32> to vector<26x512xf32>
    %mul3A_4443 = arith.mulf %slice3A_4440, %mul3A_4442 : vector<26x512xf32>
    %add3A_4444 = arith.addf %add3A_4439, %mul3A_4443 : vector<26x512xf32>
    %slice3A_4445 = vector.extract_strided_slice %dot_general3A_4387 {offsets = [286, 0], sizes = [26, 512], strides = [1, 1]} : vector<676x512xf32> to vector<26x512xf32>
    %slice3A_4446 = vector.extract_strided_slice %squeeze3A_4246 {offsets = [11, 0], sizes = [1, 512], strides = [1, 1]} : vector<26x512xf32> to vector<1x512xf32>
    %mul3A_4447 = vector.broadcast %slice3A_4446 : vector<1x512xf32> to vector<26x512xf32>
    %mul3A_4448 = arith.mulf %slice3A_4445, %mul3A_4447 : vector<26x512xf32>
    %add3A_4449 = arith.addf %add3A_4444, %mul3A_4448 : vector<26x512xf32>
    %slice3A_4450 = vector.extract_strided_slice %dot_general3A_4387 {offsets = [312, 0], sizes = [26, 512], strides = [1, 1]} : vector<676x512xf32> to vector<26x512xf32>
    %slice3A_4451 = vector.extract_strided_slice %squeeze3A_4246 {offsets = [12, 0], sizes = [1, 512], strides = [1, 1]} : vector<26x512xf32> to vector<1x512xf32>
    %mul3A_4452 = vector.broadcast %slice3A_4451 : vector<1x512xf32> to vector<26x512xf32>
    %mul3A_4453 = arith.mulf %slice3A_4450, %mul3A_4452 : vector<26x512xf32>
    %add3A_4454 = arith.addf %add3A_4449, %mul3A_4453 : vector<26x512xf32>
    %slice3A_4455 = vector.extract_strided_slice %dot_general3A_4387 {offsets = [338, 0], sizes = [26, 512], strides = [1, 1]} : vector<676x512xf32> to vector<26x512xf32>
    %slice3A_4456 = vector.extract_strided_slice %squeeze3A_4246 {offsets = [13, 0], sizes = [1, 512], strides = [1, 1]} : vector<26x512xf32> to vector<1x512xf32>
    %mul3A_4457 = vector.broadcast %slice3A_4456 : vector<1x512xf32> to vector<26x512xf32>
    %mul3A_4458 = arith.mulf %slice3A_4455, %mul3A_4457 : vector<26x512xf32>
    %add3A_4459 = arith.addf %add3A_4454, %mul3A_4458 : vector<26x512xf32>
    %slice3A_4460 = vector.extract_strided_slice %dot_general3A_4387 {offsets = [364, 0], sizes = [26, 512], strides = [1, 1]} : vector<676x512xf32> to vector<26x512xf32>
    %slice3A_4461 = vector.extract_strided_slice %squeeze3A_4246 {offsets = [14, 0], sizes = [1, 512], strides = [1, 1]} : vector<26x512xf32> to vector<1x512xf32>
    %mul3A_4462 = vector.broadcast %slice3A_4461 : vector<1x512xf32> to vector<26x512xf32>
    %mul3A_4463 = arith.mulf %slice3A_4460, %mul3A_4462 : vector<26x512xf32>
    %add3A_4464 = arith.addf %add3A_4459, %mul3A_4463 : vector<26x512xf32>
    %slice3A_4465 = vector.extract_strided_slice %dot_general3A_4387 {offsets = [390, 0], sizes = [26, 512], strides = [1, 1]} : vector<676x512xf32> to vector<26x512xf32>
    %slice3A_4466 = vector.extract_strided_slice %squeeze3A_4246 {offsets = [15, 0], sizes = [1, 512], strides = [1, 1]} : vector<26x512xf32> to vector<1x512xf32>
    %mul3A_4467 = vector.broadcast %slice3A_4466 : vector<1x512xf32> to vector<26x512xf32>
    %mul3A_4468 = arith.mulf %slice3A_4465, %mul3A_4467 : vector<26x512xf32>
    %add3A_4469 = arith.addf %add3A_4464, %mul3A_4468 : vector<26x512xf32>
    %slice3A_4470 = vector.extract_strided_slice %dot_general3A_4387 {offsets = [416, 0], sizes = [26, 512], strides = [1, 1]} : vector<676x512xf32> to vector<26x512xf32>
    %slice3A_4471 = vector.extract_strided_slice %squeeze3A_4246 {offsets = [16, 0], sizes = [1, 512], strides = [1, 1]} : vector<26x512xf32> to vector<1x512xf32>
    %mul3A_4472 = vector.broadcast %slice3A_4471 : vector<1x512xf32> to vector<26x512xf32>
    %mul3A_4473 = arith.mulf %slice3A_4470, %mul3A_4472 : vector<26x512xf32>
    %add3A_4474 = arith.addf %add3A_4469, %mul3A_4473 : vector<26x512xf32>
    %slice3A_4475 = vector.extract_strided_slice %dot_general3A_4387 {offsets = [442, 0], sizes = [26, 512], strides = [1, 1]} : vector<676x512xf32> to vector<26x512xf32>
    %slice3A_4476 = vector.extract_strided_slice %squeeze3A_4246 {offsets = [17, 0], sizes = [1, 512], strides = [1, 1]} : vector<26x512xf32> to vector<1x512xf32>
    %mul3A_4477 = vector.broadcast %slice3A_4476 : vector<1x512xf32> to vector<26x512xf32>
    %mul3A_4478 = arith.mulf %slice3A_4475, %mul3A_4477 : vector<26x512xf32>
    %add3A_4479 = arith.addf %add3A_4474, %mul3A_4478 : vector<26x512xf32>
    %slice3A_4480 = vector.extract_strided_slice %dot_general3A_4387 {offsets = [468, 0], sizes = [26, 512], strides = [1, 1]} : vector<676x512xf32> to vector<26x512xf32>
    %slice3A_4481 = vector.extract_strided_slice %squeeze3A_4246 {offsets = [18, 0], sizes = [1, 512], strides = [1, 1]} : vector<26x512xf32> to vector<1x512xf32>
    %mul3A_4482 = vector.broadcast %slice3A_4481 : vector<1x512xf32> to vector<26x512xf32>
    %mul3A_4483 = arith.mulf %slice3A_4480, %mul3A_4482 : vector<26x512xf32>
    %add3A_4484 = arith.addf %add3A_4479, %mul3A_4483 : vector<26x512xf32>
    %slice3A_4485 = vector.extract_strided_slice %dot_general3A_4387 {offsets = [494, 0], sizes = [26, 512], strides = [1, 1]} : vector<676x512xf32> to vector<26x512xf32>
    %slice3A_4486 = vector.extract_strided_slice %squeeze3A_4246 {offsets = [19, 0], sizes = [1, 512], strides = [1, 1]} : vector<26x512xf32> to vector<1x512xf32>
    %mul3A_4487 = vector.broadcast %slice3A_4486 : vector<1x512xf32> to vector<26x512xf32>
    %mul3A_4488 = arith.mulf %slice3A_4485, %mul3A_4487 : vector<26x512xf32>
    %add3A_4489 = arith.addf %add3A_4484, %mul3A_4488 : vector<26x512xf32>
    %slice3A_4490 = vector.extract_strided_slice %dot_general3A_4387 {offsets = [520, 0], sizes = [26, 512], strides = [1, 1]} : vector<676x512xf32> to vector<26x512xf32>
    %slice3A_4491 = vector.extract_strided_slice %squeeze3A_4246 {offsets = [20, 0], sizes = [1, 512], strides = [1, 1]} : vector<26x512xf32> to vector<1x512xf32>
    %mul3A_4492 = vector.broadcast %slice3A_4491 : vector<1x512xf32> to vector<26x512xf32>
    %mul3A_4493 = arith.mulf %slice3A_4490, %mul3A_4492 : vector<26x512xf32>
    %add3A_4494 = arith.addf %add3A_4489, %mul3A_4493 : vector<26x512xf32>
    %slice3A_4495 = vector.extract_strided_slice %dot_general3A_4387 {offsets = [546, 0], sizes = [26, 512], strides = [1, 1]} : vector<676x512xf32> to vector<26x512xf32>
    %slice3A_4496 = vector.extract_strided_slice %squeeze3A_4246 {offsets = [21, 0], sizes = [1, 512], strides = [1, 1]} : vector<26x512xf32> to vector<1x512xf32>
    %mul3A_4497 = vector.broadcast %slice3A_4496 : vector<1x512xf32> to vector<26x512xf32>
    %mul3A_4498 = arith.mulf %slice3A_4495, %mul3A_4497 : vector<26x512xf32>
    %add3A_4499 = arith.addf %add3A_4494, %mul3A_4498 : vector<26x512xf32>
    %slice3A_4500 = vector.extract_strided_slice %dot_general3A_4387 {offsets = [572, 0], sizes = [26, 512], strides = [1, 1]} : vector<676x512xf32> to vector<26x512xf32>
    %slice3A_4501 = vector.extract_strided_slice %squeeze3A_4246 {offsets = [22, 0], sizes = [1, 512], strides = [1, 1]} : vector<26x512xf32> to vector<1x512xf32>
    %mul3A_4502 = vector.broadcast %slice3A_4501 : vector<1x512xf32> to vector<26x512xf32>
    %mul3A_4503 = arith.mulf %slice3A_4500, %mul3A_4502 : vector<26x512xf32>
    %add3A_4504 = arith.addf %add3A_4499, %mul3A_4503 : vector<26x512xf32>
    %slice3A_4505 = vector.extract_strided_slice %dot_general3A_4387 {offsets = [598, 0], sizes = [26, 512], strides = [1, 1]} : vector<676x512xf32> to vector<26x512xf32>
    %slice3A_4506 = vector.extract_strided_slice %squeeze3A_4246 {offsets = [23, 0], sizes = [1, 512], strides = [1, 1]} : vector<26x512xf32> to vector<1x512xf32>
    %mul3A_4507 = vector.broadcast %slice3A_4506 : vector<1x512xf32> to vector<26x512xf32>
    %mul3A_4508 = arith.mulf %slice3A_4505, %mul3A_4507 : vector<26x512xf32>
    %add3A_4509 = arith.addf %add3A_4504, %mul3A_4508 : vector<26x512xf32>
    %slice3A_4510 = vector.extract_strided_slice %dot_general3A_4387 {offsets = [624, 0], sizes = [26, 512], strides = [1, 1]} : vector<676x512xf32> to vector<26x512xf32>
    %slice3A_4511 = vector.extract_strided_slice %squeeze3A_4246 {offsets = [24, 0], sizes = [1, 512], strides = [1, 1]} : vector<26x512xf32> to vector<1x512xf32>
    %mul3A_4512 = vector.broadcast %slice3A_4511 : vector<1x512xf32> to vector<26x512xf32>
    %mul3A_4513 = arith.mulf %slice3A_4510, %mul3A_4512 : vector<26x512xf32>
    %add3A_4514 = arith.addf %add3A_4509, %mul3A_4513 : vector<26x512xf32>
    %slice3A_4515 = vector.extract_strided_slice %dot_general3A_4387 {offsets = [650, 0], sizes = [26, 512], strides = [1, 1]} : vector<676x512xf32> to vector<26x512xf32>
    %slice3A_4516 = vector.extract_strided_slice %squeeze3A_4246 {offsets = [25, 0], sizes = [1, 512], strides = [1, 1]} : vector<26x512xf32> to vector<1x512xf32>
    %mul3A_4517 = vector.broadcast %slice3A_4516 : vector<1x512xf32> to vector<26x512xf32>
    %mul3A_4518 = arith.mulf %slice3A_4515, %mul3A_4517 : vector<26x512xf32>
    %add3A_4519 = arith.addf %add3A_4514, %mul3A_4518 : vector<26x512xf32>
    %add3A_4520 = vector.broadcast %get3A_17 : vector<26x1xf32> to vector<26x512xf32>
    %add3A_4521 = arith.addf %add3A_4519, %add3A_4520 : vector<26x512xf32>
    %max3A_4522 = arith.constant 0.000000e+00 : f32
    %max3A_4523 = vector.broadcast %max3A_4522 : f32 to vector<26x512xf32>
    %max3A_4524 = arith.maximumf %add3A_4521, %max3A_4523 : vector<26x512xf32>
    %add3A_4525 = arith.addf %add3A_4243, %max3A_4385 : vector<26x512xf32>
    %add3A_4526 = arith.addf %add3A_4244, %max3A_4524 : vector<26x512xf32>
    %get3A_4527 = arith.constant 0 : index
    %get3A_4528 = arith.constant 0 : index
    %get3A_4529 = vector.load %arg7[%get3A_4527, %get3A_4528] : memref<1x26xf32, #tpu.memory_space<vmem>>, vector<1x26xf32>
    %dot_general3A_4530 = arith.constant dense<0.000000e+00> : vector<1x512xf32>
    %dot_general3A_4531 = tpu.matmul %get3A_4529, %add3A_4525, %dot_general3A_4530 {dimension_numbers = #tpu.dot_dimension_numbers<[1], [0], [0], [1], [0, 0, 1, 1], [], []>, transpose_lhs_hint = false} : vector<1x26xf32>, vector<26x512xf32>, vector<1x512xf32> -> vector<1x512xf32>
    %get3A_4532 = arith.constant 0 : index
    %get3A_4533 = arith.constant 0 : index
    %get3A_4534 = vector.load %arg8[%get3A_4532, %get3A_4533] : memref<1x26xf32, #tpu.memory_space<vmem>>, vector<1x26xf32>
    %dot_general3A_4535 = arith.constant dense<0.000000e+00> : vector<1x512xf32>
    %dot_general3A_4536 = tpu.matmul %get3A_4534, %add3A_4526, %dot_general3A_4535 {dimension_numbers = #tpu.dot_dimension_numbers<[1], [0], [0], [1], [0, 0, 1, 1], [], []>, transpose_lhs_hint = false} : vector<1x26xf32>, vector<26x512xf32>, vector<1x512xf32> -> vector<1x512xf32>
    %add3A_4537 = arith.addf %dot_general3A_4531, %dot_general3A_4536 : vector<1x512xf32>
    %get3A_4538 = arith.constant 0 : index
    %get3A_4539 = arith.constant 0 : index
    %get3A_4540 = vector.load %arg9[%get3A_4538, %get3A_4539] : memref<512x416xf32, #tpu.memory_space<vmem>>, vector<512x416xf32>
    %dot_general3A_4541 = arith.constant dense<0.000000e+00> : vector<512x512xf32>
    %dot_general3A_4542 = tpu.matmul %get3A_4540, %transpose3A, %dot_general3A_4541 {dimension_numbers = #tpu.dot_dimension_numbers<[1], [0], [0], [1], [0, 0, 1, 1], [], []>, transpose_lhs_hint = false} : vector<512x416xf32>, vector<416x512xf32>, vector<512x512xf32> -> vector<512x512xf32>
    %get3A_4543 = arith.constant 0 : index
    %get3A_4544 = arith.constant 0 : index
    %get3A_4545 = vector.load %arg10[%get3A_4543, %get3A_4544] : memref<512x13xf32, #tpu.memory_space<vmem>>, vector<512x13xf32>
    %dot_general3A_4546 = arith.constant dense<0.000000e+00> : vector<512x512xf32>
    %dot_general3A_4547 = tpu.matmul %get3A_4545, %transpose3A_5, %dot_general3A_4546 {dimension_numbers = #tpu.dot_dimension_numbers<[1], [0], [0], [1], [0, 0, 1, 1], [], []>, transpose_lhs_hint = false} : vector<512x13xf32>, vector<13x512xf32>, vector<512x512xf32> -> vector<512x512xf32>
    %add3A_4548 = arith.addf %dot_general3A_4542, %dot_general3A_4547 : vector<512x512xf32>
    %get3A_4549 = arith.constant 0 : index
    %get3A_4550 = arith.constant 0 : index
    %get3A_4551 = vector.load %arg11[%get3A_4549, %get3A_4550] : memref<512x1xf32, #tpu.memory_space<vmem>>, vector<512x1xf32>
    %add3A_4552 = vector.broadcast %get3A_4551 : vector<512x1xf32> to vector<512x512xf32>
    %add3A_4553 = arith.addf %add3A_4548, %add3A_4552 : vector<512x512xf32>
    %max3A_4554 = arith.constant 0.000000e+00 : f32
    %max3A_4555 = vector.broadcast %max3A_4554 : f32 to vector<512x512xf32>
    %max3A_4556 = arith.maximumf %add3A_4553, %max3A_4555 : vector<512x512xf32>
    %get3A_4557 = arith.constant 0 : index
    %get3A_4558 = arith.constant 0 : index
    %get3A_4559 = vector.load %arg12[%get3A_4557, %get3A_4558] : memref<256x512xf32, #tpu.memory_space<vmem>>, vector<256x512xf32>
    %dot_general3A_4560 = arith.constant dense<0.000000e+00> : vector<256x512xf32>
    %dot_general3A_4561 = tpu.matmul %get3A_4559, %max3A_4556, %dot_general3A_4560 {dimension_numbers = #tpu.dot_dimension_numbers<[1], [0], [0], [1], [0, 0, 1, 1], [], []>, transpose_lhs_hint = false} : vector<256x512xf32>, vector<512x512xf32>, vector<256x512xf32> -> vector<256x512xf32>
    %get3A_4562 = arith.constant 0 : index
    %get3A_4563 = arith.constant 0 : index
    %get3A_4564 = vector.load %arg13[%get3A_4562, %get3A_4563] : memref<256x1xf32, #tpu.memory_space<vmem>>, vector<256x1xf32>
    %add3A_4565 = vector.broadcast %get3A_4564 : vector<256x1xf32> to vector<256x512xf32>
    %add3A_4566 = arith.addf %dot_general3A_4561, %add3A_4565 : vector<256x512xf32>
    %max3A_4567 = arith.constant 0.000000e+00 : f32
    %max3A_4568 = vector.broadcast %max3A_4567 : f32 to vector<256x512xf32>
    %max3A_4569 = arith.maximumf %add3A_4566, %max3A_4568 : vector<256x512xf32>
    %get3A_4570 = arith.constant 0 : index
    %get3A_4571 = arith.constant 0 : index
    %get3A_4572 = vector.load %arg14[%get3A_4570, %get3A_4571] : memref<128x256xf32, #tpu.memory_space<vmem>>, vector<128x256xf32>
    %dot_general3A_4573 = arith.constant dense<0.000000e+00> : vector<128x512xf32>
    %dot_general3A_4574 = tpu.matmul %get3A_4572, %max3A_4569, %dot_general3A_4573 {dimension_numbers = #tpu.dot_dimension_numbers<[1], [0], [0], [1], [0, 0, 1, 1], [], []>, transpose_lhs_hint = false} : vector<128x256xf32>, vector<256x512xf32>, vector<128x512xf32> -> vector<128x512xf32>
    %get3A_4575 = arith.constant 0 : index
    %get3A_4576 = arith.constant 0 : index
    %get3A_4577 = vector.load %arg15[%get3A_4575, %get3A_4576] : memref<128x1xf32, #tpu.memory_space<vmem>>, vector<128x1xf32>
    %add3A_4578 = vector.broadcast %get3A_4577 : vector<128x1xf32> to vector<128x512xf32>
    %add3A_4579 = arith.addf %dot_general3A_4574, %add3A_4578 : vector<128x512xf32>
    %max3A_4580 = arith.constant 0.000000e+00 : f32
    %max3A_4581 = vector.broadcast %max3A_4580 : f32 to vector<128x512xf32>
    %max3A_4582 = arith.maximumf %add3A_4579, %max3A_4581 : vector<128x512xf32>
    %get3A_4583 = arith.constant 0 : index
    %get3A_4584 = arith.constant 0 : index
    %get3A_4585 = vector.load %arg16[%get3A_4583, %get3A_4584] : memref<1x128xf32, #tpu.memory_space<vmem>>, vector<1x128xf32>
    %dot_general3A_4586 = arith.constant dense<0.000000e+00> : vector<1x512xf32>
    %dot_general3A_4587 = tpu.matmul %get3A_4585, %max3A_4582, %dot_general3A_4586 {dimension_numbers = #tpu.dot_dimension_numbers<[1], [0], [0], [1], [0, 0, 1, 1], [], []>, transpose_lhs_hint = false} : vector<1x128xf32>, vector<128x512xf32>, vector<1x512xf32> -> vector<1x512xf32>
    %get3A_4588 = arith.constant 0 : index
    %get3A_4589 = arith.constant 0 : index
    %get3A_4590 = vector.load %arg17[%get3A_4588, %get3A_4589] : memref<1x13xf32, #tpu.memory_space<vmem>>, vector<1x13xf32>
    %dot_general3A_4591 = arith.constant dense<0.000000e+00> : vector<1x512xf32>
    %dot_general3A_4592 = tpu.matmul %get3A_4590, %transpose3A_5, %dot_general3A_4591 {dimension_numbers = #tpu.dot_dimension_numbers<[1], [0], [0], [1], [0, 0, 1, 1], [], []>, transpose_lhs_hint = false} : vector<1x13xf32>, vector<13x512xf32>, vector<1x512xf32> -> vector<1x512xf32>
    %add3A_4593 = arith.addf %dot_general3A_4592, %add3A_4537 : vector<1x512xf32>
    %add3A_4594 = arith.addf %add3A_4593, %dot_general3A_4587 : vector<1x512xf32>
    %get3A_4595 = arith.constant 0 : index
    %get3A_4596 = arith.constant 0 : index
    %get3A_4597 = vector.load %arg18[%get3A_4595, %get3A_4596] : memref<1x1xf32, #tpu.memory_space<vmem>>, vector<1x1xf32>
    %add3A_4598 = vector.broadcast %get3A_4597 : vector<1x1xf32> to vector<1x512xf32>
    %add3A_4599 = arith.addf %add3A_4594, %add3A_4598 : vector<1x512xf32>
    %logistic3A = arith.negf %add3A_4599 : vector<1x512xf32>
    %logistic3A_4600 = math.exp %logistic3A : vector<1x512xf32>
    %logistic3A_4601 = arith.constant 1.000000e+00 : f32
    %logistic3A_4602 = vector.broadcast %logistic3A_4601 : f32 to vector<1x512xf32>
    %logistic3A_4603 = arith.addf %logistic3A_4602, %logistic3A_4600 : vector<1x512xf32>
    %logistic3A_4604 = arith.divf %logistic3A_4602, %logistic3A_4603 : vector<1x512xf32>
    %swap3A = arith.constant 0 : index
    %swap3A_4605 = arith.constant 0 : index
    %swap3A_4606 = vector.load %arg19[%swap3A, %swap3A_4605] : memref<1x512xf32, #tpu.memory_space<vmem>>, vector<1x512xf32>
    tpu.vector_store %arg19[%swap3A, %swap3A_4605], %logistic3A_4604 {strides = array<i32>} : memref<1x512xf32, #tpu.memory_space<vmem>>, vector<1x512xf32>,
    return
  }
  func.func @transform_0(%arg0: i32) -> (i32, i32) {
    %c0_i32 = arith.constant 0 : i32
    %c0_i32_0 = arith.constant 0 : i32
    return %arg0, %c0_i32 : i32, i32
  }
  func.func @transform_1(%arg0: i32) -> (i32, i32) {
    %c0_i32 = arith.constant 0 : i32
    %c0_i32_0 = arith.constant 0 : i32
    return %arg0, %c0_i32 : i32, i32
  }
  func.func @transform_2(%arg0: i32) -> (i32, i32) {
    %c0_i32 = arith.constant 0 : i32
    %c0_i32_0 = arith.constant 0 : i32
    %c0_i32_1 = arith.constant 0 : i32
    return %c0_i32, %c0_i32_0 : i32, i32
  }
  func.func @transform_3(%arg0: i32) -> (i32, i32) {
    %c0_i32 = arith.constant 0 : i32
    %c0_i32_0 = arith.constant 0 : i32
    %c0_i32_1 = arith.constant 0 : i32
    return %c0_i32, %c0_i32_0 : i32, i32
  }
  func.func @transform_4(%arg0: i32) -> (i32, i32) {
    %c0_i32 = arith.constant 0 : i32
    %c0_i32_0 = arith.constant 0 : i32
    %c0_i32_1 = arith.constant 0 : i32
    return %c0_i32, %c0_i32_0 : i32, i32
  }
  func.func @transform_5(%arg0: i32) -> (i32, i32) {
    %c0_i32 = arith.constant 0 : i32
    %c0_i32_0 = arith.constant 0 : i32
    %c0_i32_1 = arith.constant 0 : i32
    return %c0_i32, %c0_i32_0 : i32, i32
  }
  func.func @transform_6(%arg0: i32) -> (i32, i32) {
    %c0_i32 = arith.constant 0 : i32
    %c0_i32_0 = arith.constant 0 : i32
    %c0_i32_1 = arith.constant 0 : i32
    return %c0_i32, %c0_i32_0 : i32, i32
  }
  func.func @transform_7(%arg0: i32) -> (i32, i32) {
    %c0_i32 = arith.constant 0 : i32
    %c0_i32_0 = arith.constant 0 : i32
    %c0_i32_1 = arith.constant 0 : i32
    return %c0_i32, %c0_i32_0 : i32, i32
  }
  func.func @transform_8(%arg0: i32) -> (i32, i32) {
    %c0_i32 = arith.constant 0 : i32
    %c0_i32_0 = arith.constant 0 : i32
    %c0_i32_1 = arith.constant 0 : i32
    return %c0_i32, %c0_i32_0 : i32, i32
  }
  func.func @transform_9(%arg0: i32) -> (i32, i32) {
    %c0_i32 = arith.constant 0 : i32
    %c0_i32_0 = arith.constant 0 : i32
    %c0_i32_1 = arith.constant 0 : i32
    return %c0_i32, %c0_i32_0 : i32, i32
  }
  func.func @transform_10(%arg0: i32) -> (i32, i32) {
    %c0_i32 = arith.constant 0 : i32
    %c0_i32_0 = arith.constant 0 : i32
    %c0_i32_1 = arith.constant 0 : i32
    return %c0_i32, %c0_i32_0 : i32, i32
  }
  func.func @transform_11(%arg0: i32) -> (i32, i32) {
    %c0_i32 = arith.constant 0 : i32
    %c0_i32_0 = arith.constant 0 : i32
    %c0_i32_1 = arith.constant 0 : i32
    return %c0_i32, %c0_i32_0 : i32, i32
  }
  func.func @transform_12(%arg0: i32) -> (i32, i32) {
    %c0_i32 = arith.constant 0 : i32
    %c0_i32_0 = arith.constant 0 : i32
    %c0_i32_1 = arith.constant 0 : i32
    return %c0_i32, %c0_i32_0 : i32, i32
  }
  func.func @transform_13(%arg0: i32) -> (i32, i32) {
    %c0_i32 = arith.constant 0 : i32
    %c0_i32_0 = arith.constant 0 : i32
    %c0_i32_1 = arith.constant 0 : i32
    return %c0_i32, %c0_i32_0 : i32, i32
  }
  func.func @transform_14(%arg0: i32) -> (i32, i32) {
    %c0_i32 = arith.constant 0 : i32
    %c0_i32_0 = arith.constant 0 : i32
    %c0_i32_1 = arith.constant 0 : i32
    return %c0_i32, %c0_i32_0 : i32, i32
  }
  func.func @transform_15(%arg0: i32) -> (i32, i32) {
    %c0_i32 = arith.constant 0 : i32
    %c0_i32_0 = arith.constant 0 : i32
    %c0_i32_1 = arith.constant 0 : i32
    return %c0_i32, %c0_i32_0 : i32, i32
  }
  func.func @transform_16(%arg0: i32) -> (i32, i32) {
    %c0_i32 = arith.constant 0 : i32
    %c0_i32_0 = arith.constant 0 : i32
    %c0_i32_1 = arith.constant 0 : i32
    return %c0_i32, %c0_i32_0 : i32, i32
  }
  func.func @transform_17(%arg0: i32) -> (i32, i32) {
    %c0_i32 = arith.constant 0 : i32
    %c0_i32_0 = arith.constant 0 : i32
    %c0_i32_1 = arith.constant 0 : i32
    return %c0_i32, %c0_i32_0 : i32, i32
  }
  func.func @transform_18(%arg0: i32) -> (i32, i32) {
    %c0_i32 = arith.constant 0 : i32
    %c0_i32_0 = arith.constant 0 : i32
    return %c0_i32, %arg0 : i32, i32
  }
}

</mosaic_0001>

<sc_bundles>
// kernel: kernel.4.cloned.1.call-start
scs
__scs_entry_jumppad:
0x0: {  	(pc) =	sbr.rel $0x88, $3  }
0x1: {  	(tag) =	ssettag $0x0;
	lr =	simm.s32 $0x1  }
0x2: {  	[smem:$0x3F8F] =	sst lr;
	_ =	strace $0xD0000000  }
0x3: {  	_ = 	snop  }
0x4: {  	_ = 	snop  }
0x5: {  	_ = 	snop  }
0x6: {  	_ = 	snop  }
0x7: {  	_ = 	snop  }
__scs_overlays_trampoline_lowered:
0x8: {  	[smem:$0x3F9E] =	sst s0  }
0x9: {  	[smem:$0x3F9F] =	sst s1  }
0xa: {  	[smem:$0x3FA0] =	sst s2  }
0xb: {  	[smem:$0x3FA1] =	sst s3  }
0xc: {  	[smem:$0x3FA2] =	sst s4  }
0xd: {  	[smem:$0x3FA3] =	sst s5  }
0xe: {  	[smem:$0x3FA4] =	sst s6  }
0xf: {  	[smem:$0x3FA5] =	sst s7  }
0x10: {  	[smem:$0x3FA6] =	sst s8  }
0x11: {  	[smem:$0x3FA7] =	sst s9;
	s0 =	simm.s32 @!p0 $0x0  }
0x12: {  	s1 =	sld [smem:$0x3F8D];
	s0 =	simm.s32 @p0 $0x1  }
0x13: {  	[smem:$0x3FA8] =	sst s0;
	s0 =	simm.s32 @!p1 $0x0  }
0x14: {  	s2 =	sld [smem:$0x3F8C];
	s0 =	simm.s32 @p1 $0x1  }
0x15: {  	[smem:$0x3FA9] =	sst s0;
	s0 =	simm.s32 @!p2 $0x0  }
0x16: {  	s3 =	sld [smem:$0x3FDB];
	s0 =	simm.s32 @p2 $0x1  }
0x17: {  	s4 =	simm.s32 $0x1BF5;
	[smem:$0x3FAB] =	sst s0  }
0x18: {  	s0 =	sld [smem:$0x3F8E];
	_ =	swait.ge [sflag:s4], $0x0  }
0x19: {  	s7 =	sld [smem:$0x3F8F]  }
0x1a: {  	s8 =	sadd.s32 $0xFFFFE003, lr  }
0x1b: {  	s9 =	sadd.s32 $0xFFFFFEF7, lr;
	s5 =	simm.s32 $0xFFFFFFFF;
	p2 =	slt.u32 s8, $0xFFFFF086  }
0x1c: {  	p1 =	slt.u32 s9, $0xF7A;
	s5 =	simm.s32 @!p2 $0x0  }
0x1d: {  	s5 =	simm.s32 @p1 $0x1;
	p0 =	seq.s32 s7, s2  }
0x1e: {  	s7 =	smul.u32 @!p0 $0xF7A, s2;
	p2 =	seq.s32 @!p0 s5, $0x0  }
0x1f: {  	s9 =	smul.u32 $0xF7A, s1;
	s8 =	simm.s32 @!p0 $0x1BF5;
	p2 =	por !p2, p0  }
0x20: {  	[sflag:s8] =	ssyncset.s32 @!p0 $0xFFFFF086;
	s6 =	sadd.s32 @!p0 s3, s7;
	s7 =	simm.s32 @!p0 $0x108  }
0x21: {  	s3 =	sadd.s32 s3, s9;
	s6 =	sadd.s32 @!p0 $0x88, s6;
	s7 =	simm.s32 @p2 $0x1082  }
0x22: {  	[simem:s7], [sflag:s8] =	dma.local @!p0 [hbm:s6], $0xF7A  }
0x23: {  	s9 =	sor.u32 $0xD0000000, s2;
	s6 =	simm.s32 $0x108;
	_ =	swait.ge @!p0 [sflag:s8], $0x0  }
0x24: {  	s3 =	sadd.s32 $0x88, s3;
	s6 =	simm.s32 @!p1 $0x1082;
	[sflag:s4] =	ssyncset.s32 $0xFFFFF086  }
0x25: {  	[simem:s6], [sflag:s4] =	dma.local [hbm:s3], $0xF7A  }
0x26: {  	[smem:$0x3F8F] =	sst s1;
	(tag) =	ssettag s2;
	_ =	strace s9  }
0x27: {  	s1 =	sld [smem:$0x3F9F]  }
0x28: {  	s2 =	sld [smem:$0x3FA0]  }
0x29: {  	s4 =	sld [smem:$0x3FA2]  }
0x2a: {  	p0 =	seq.s32 s5, $0x0;
	s5 =	sld [smem:$0x3FA3]  }
0x2b: {  	s6 =	sld [smem:$0x3FA4]  }
0x2c: {  	s7 =	sld [smem:$0x3FA5]  }
0x2d: {  	s3 =	simm.s32 $0x108;
	s8 =	sld [smem:$0x3FA6]  }
0x2e: {  	s3 =	simm.s32 @!p0 $0x1082;
	s9 =	sld [smem:$0x3FA7]  }
0x2f: {  	lr =	sadd.s32 s0, s3;
	s0 =	sld [smem:$0x3F9E]  }
0x30: {  	s3 =	sld [smem:$0x3FA1]  }
0x31: {  	[smem:$0x3FAA] =	sst s10  }
0x32: {  	s10 =	sld [smem:$0x3FA8];
	_ =	sdelay $0x3  }
0x33: {  	p0 =	seq.s32 s10, $0x1;
	s10 =	sld [smem:$0x3FAA];
	_ =	sdelay $0x3  }
0x34: {  	[smem:$0x3FAA] =	sst s10  }
0x35: {  	s10 =	sld [smem:$0x3FA9];
	_ =	sdelay $0x3  }
0x36: {  	p1 =	seq.s32 s10, $0x1;
	s10 =	sld [smem:$0x3FAA];
	_ =	sdelay $0x3  }
0x37: {  	[smem:$0x3FAA] =	sst s10  }
0x38: {  	s10 =	sld [smem:$0x3FAB]  }
0x39: {  	_ = 	snop;
	(pc) =	sbr.ind lr, $3  }
0x3a: {  	_ = 	snop  }
0x3b: {  	_ = 	snop  }
0x3c: {  	p2 =	seq.s32 s10, $0x1;
	s10 =	sld [smem:$0x3FAA]  }
0x3d: {  	_ =	shalt  }
0x3e: {  	_ =	shalt  }
0x3f: {  	_ =	shalt  }
0x40: {  	_ =	shalt  }
0x41: {  	_ =	shalt  }
0x42: {  	_ =	shalt  }
0x43: {  	_ =	shalt  }
0x44: {  	_ =	shalt  }
0x45: {  	_ =	shalt  }
0x46: {  	_ =	shalt  }
0x47: {  	_ =	shalt  }
0x48: {  	_ =	shalt  }
0x49: {  	_ =	shalt  }
0x4a: {  	_ =	shalt  }
0x4b: {  	_ =	shalt  }
0x4c: {  	_ =	shalt  }
0x4d: {  	_ =	shalt  }
0x4e: {  	_ =	shalt  }
0x4f: {  	_ =	shalt  }
0x50: {  	_ =	shalt  }
0x51: {  	_ =	shalt  }
0x52: {  	_ =	shalt  }
0x53: {  	_ =	shalt  }
0x54: {  	_ =	shalt  }
0x55: {  	_ =	shalt  }
0x56: {  	_ =	shalt  }
0x57: {  	_ =	shalt  }
0x58: {  	_ =	shalt  }
0x59: {  	_ =	shalt  }
0x5a: {  	_ =	shalt  }
0x5b: {  	_ =	shalt  }
0x5c: {  	_ =	shalt  }
0x5d: {  	_ =	shalt  }
0x5e: {  	_ =	shalt  }
0x5f: {  	_ =	shalt  }
0x60: {  	_ =	shalt  }
0x61: {  	_ =	shalt  }
0x62: {  	_ =	shalt  }
0x63: {  	_ =	shalt  }
0x64: {  	_ =	shalt  }
0x65: {  	_ =	shalt  }
0x66: {  	_ =	shalt  }
0x67: {  	_ =	shalt  }
0x68: {  	_ =	shalt  }
0x69: {  	_ =	shalt  }
0x6a: {  	_ =	shalt  }
0x6b: {  	_ =	shalt  }
0x6c: {  	_ =	shalt  }
0x6d: {  	_ =	shalt  }
0x6e: {  	_ =	shalt  }
0x6f: {  	_ =	shalt  }
0x70: {  	_ =	shalt  }
0x71: {  	_ =	shalt  }
0x72: {  	_ =	shalt  }
0x73: {  	_ =	shalt  }
0x74: {  	_ =	shalt  }
0x75: {  	_ =	shalt  }
0x76: {  	_ =	shalt  }
0x77: {  	_ =	shalt  }
0x78: {  	_ =	shalt  }
0x79: {  	_ =	shalt  }
0x7a: {  	_ =	shalt  }
0x7b: {  	_ =	shalt  }
0x7c: {  	_ =	shalt  }
0x7d: {  	_ =	shalt  }
0x7e: {  	_ =	shalt  }
0x7f: {  	_ =	shalt  }
0x80: {  	_ =	shalt  }
0x81: {  	_ =	shalt  }
0x82: {  	_ =	shalt  }
0x83: {  	_ =	shalt  }
0x84: {  	_ =	shalt  }
0x85: {  	_ =	shalt  }
0x86: {  	_ =	shalt  }
0x87: {  	_ =	shalt  }
.Lfunc_end0:
.L_simem_size_0:
called_computation_lowered:
.L_overlay_start_0:
0x88: {  	s2 =	sld [smem:$0x3FD9]  }
0x89: {  	s3 =	sld [smem:$0x3FFE];
	_ =	sdelay $0x1  }
0x8a: {  	s1 =	srdreg.scid  }
0x8b: {  	s0 =	sand.u32 $0x1, s1  }
0x8c: {  	s16 =	sshll.u32 s0, $0xA;
	s2 =	sadd.s32 s3, s2  }
0x8d: {  	s2 =	sadd.s32 s2, s16  }
0x8e: {  	[smem:$0x3FB6] =	sst s2  }
0x8f: {  	_ = 	snop  }
0x90: {  	(tm) =	ssettm $0x1  }
0x91: {  	s17 =	sld [smem:$0x3FFB];
	_ =	sdelay $0x3  }
0x92: {  	_ =	strace s17  }
0x93: {  	s2 =	sld [smem:$0x3FFC];
	_ =	sdelay $0x3  }
0x94: {  	_ =	strace s2  }
0x95: {  	s2 =	sld [smem:$0x3FFD];
	_ =	sdelay $0x3  }
0x96: {  	_ =	strace s2  }
0x97: {  	_ =	strace $0x8FFFFFFF  }
0x98: {  	s18 =	sld [smem:$0x3FDB];
	_ =	sdelay $0x1  }
0x99: {  	s19 =	simm.s32 $_scs_section_size  }
0x9a: {  	s4 =	simm.s32 $_size__tile_overlayer_lowered;
	s5 =	simm.s32 $_tile_overlayer_lowered  }
0x9b: {  	s22 =	simm.s32 $0x1BFF;
	s21 =	sshll.u32 s5, $0x1;
	s2 =	sadd.s32 s19, s18  }
0x9c: {  	s6 =	simm.s32 $0x0;
	s20 =	sshll.u32 s4, $0x1;
	s4 =	sadd.s32 s21, s2  }
0x9d: {  	[timem:s6], [sflag:s22] =	dma.local [hbm:s4], s20  }
0x9e: {  	_ =	swait.ge [sflag:s22], s20  }
0x9f: {  	s3 =	ssub.s32 $0x0, s20;
	[sflag:s22] =	ssyncset.done $0x0  }
0xa0: {  	[sflag:s22] =	ssyncadd.s32 s3;
	_ =	sdelay $0x1  }
0xa1: {  	s23 =	simm.s32 $0x1B8B  }
0xa2: {  	_ =	swait.ge [sflag:s23], $0x1  }
0xa3: {  	[sflag:s23] =	ssyncset.done $0x0  }
0xa4: {  	s25 =	simm.s32 $0x1B8E;
	s24 =	sld [smem:$0x3FFE];
	[sflag:s23] =	ssyncadd.s32 $0xFFFFFFFF  }
0xa5: {  	s26 =	simm.s32 $execute0_lowered;
	[smem:$0x3FD2] =	sst s25  }
0xa6: {  	s4 =	sshll.u32 s26, $0x1;
	_ =	strace $0x80000046;
	[dreg:$0x1] =	wrdreg $0xFFFFFFFF  }
0xa7: {  	s28 =	simm.s32 $_size_execute0_lowered;
	s2 =	sadd.s32 s2, s4;
	[dreg:$0x0] =	wrdreg $0x0  }
0xa8: {  	s4 =	sshll.u32 s28, $0x1;
	[dreg:$0x2] =	wrdreg s2  }
0xa9: {  	[dreg:$0x3] =	wrdreg s4  }
0xaa: {  	[dreg:$0x4] =	wrdreg $0xC0  }
0xab: {  	_ =	task [dreg:s6], $0x5FFFF  }
0xac: {  	[dreg:$0x1] =	wrdreg $0xFFFFFFFF  }
0xad: {  	[dreg:$0x0] =	wrdreg $0x60  }
0xae: {  	[dreg:$0x2] =	wrdreg s24  }
0xaf: {  	[dreg:$0x3] =	wrdreg $0x9  }
0xb0: {  	_ =	task.clear_ibuf [dreg:s6], $0x4FFFF;
	_ =	strace $0x90000046  }
0xb1: {  	s29 =	simm.s32 $0x9;
	_ =	strace $0x80000048  }
0xb2: {  	_ =	swait.ge [sflag:s29], $0x1  }
0xb3: {  	[sflag:s29] =	ssyncadd.s32 $0xFFFFFFFF  }
0xb4: {  	_ =	strace $0x90000048  }
0xb5: {  	_ =	sfence  }
0xb6: {  	s30 =	sld [smem:$0x0];
	_ =	sdelay $0x2  }
0xb7: {  	s31 =	sshll.u32 s1, $0xD;
	s1 =	sshrl.u32 s1, $0x2  }
0xb8: {  	s3 =	sand.u32 $0x4000, s31;
	s1 =	sadd.s32 s1, s30  }
0xb9: {  	s0 =	sor.u32 s3, s0;
	s1 =	sshll.u32 s1, $0x11  }
0xba: {  	s0 =	sor.u32 s1, s0  }
0xbb: {  	s0 =	sadd.s32 $0x8F2B, s0  }
0xbc: {  	[sflag:s0] =	ssyncadd.remote.s32 $0x1  }
0xbd: {  	_ =	sfence.sel $0xFFFF  }
0xbe: {  	[dreg:$0x0] =	wrdreg $0xFFFFFFFF;
	(pc) =	sbr.abs _section_cstart, $3  }
0xbf: {  	[dreg:$0x1] =	wrdreg $0xFFFFFFFF  }
0xc0: {  	_ =	task.clear_ibuf [dreg:s6], $0x2FFFF;
	_ =	strace $0x9FFFFFFF  }
0xc1: {  	(tm) =	ssettm $0x7FFFFFFF  }
tec
execute0_lowered:
.L_overlay_start_1:
0x0: {  	(tag) =	ssettag $0x1  }
0x1: {  	s1 =	srdreg.scid;
	s0 =	stileid.u32  }
0x2: {  	s14 =	sand.u32 $0x1, s1;
	s30 =	sshll.u32 s0, $0x1  }
0x3: {  	s1 =	sor.u32 s14, s30  }
0x4: {  	s8 =	rddreg [dreg:$0x0];
	s2 =	simm.s32 $0x0;
	s3 =	smul.u32 $0xD000, s1  }
0x5: {  	[smem:$0x7FF] =	sst s2  }
0x6: {  	s13 =	sadd.s32 $0x202E00, s8;
	s1 =	rddreg [dreg:$0x1];
	s15 =	sshrl.u32 s3, $0x3  }
0x7: {  	_ =	strace $0x80000047;
	s3 =	simm.s32 $0x2;
	s4 =	sadd.s32 s13, s15  }
0x8: {  	[tilespmem:s2], [sflag:$0x2] =	stream.linear.gather [hbm4b:s4+s2], $0x3400, $0x38;
	[tilespmem:$0x6800] =	vst v63  }
0x9: {  	_ =	swait.ge [sflag:s3], $0x3400  }
0xa: {  	s6 =	simm.s32 $0x3400;
	[sflag:s3] =	ssyncset.done $0x0  }
0xb: {  	s7 =	simm.s32 $0x1;
	s5 =	sadd.s32 $0x27AF200, s8;
	[sflag:s3] =	ssyncadd.s32 $0xFFFFCC00  }
0xc: {  	[tilespmem:s6], [sflag:$0x1] =	stream.indirect.gather [hbm4b:s5+s6], $0x1, s2, s6, $0xb8;
	[tilespmem:$0x6800] =	vst v63  }
0xd: {  	_ =	swait.ge [sflag:s7], $0x3400  }
0xe: {  	s16 =	sadd.s32 $0x2E00, s8;
	[sflag:s7] =	ssyncset.done $0x0  }
0xf: {  	s8 =	sadd.s32 s16, s15;
	[sflag:s7] =	ssyncadd.s32 $0xFFFFCC00  }
0x10: {  	[hbm4b:s8+s2] =	stream.linear.scatter [tilespmem:s6], [sflag:$0x2], $0x3400, $0x38;
	[tilespmem:$0x6800] =	vst v63  }
0x11: {  	_ =	swait.ge [sflag:s3], $0x3400  }
0x12: {  	s10 =	sadd.s32 $0x680, s15;
	[sflag:s3] =	ssyncset.done $0x0  }
0x13: {  	s9 =	sadd.s32 s13, s10;
	[sflag:s3] =	ssyncadd.s32 $0xFFFFCC00  }
0x14: {  	[tilespmem:s2], [sflag:$0x2] =	stream.linear.gather [hbm4b:s9+s2], $0x3400, $0x38;
	[tilespmem:$0x6800] =	vst v63  }
0x15: {  	_ =	swait.ge [sflag:s3], $0x3400  }
0x16: {  	[sflag:s3] =	ssyncset.done $0x0  }
0x17: {  	[sflag:s3] =	ssyncadd.s32 $0xFFFFCC00  }
0x18: {  	[tilespmem:s6], [sflag:$0x1] =	stream.indirect.gather [hbm4b:s5+s6], $0x1, s2, s6, $0xb8;
	[tilespmem:$0x6800] =	vst v63  }
0x19: {  	_ =	swait.ge [sflag:s7], $0x3400  }
0x1a: {  	[sflag:s7] =	ssyncset.done $0x0  }
0x1b: {  	s10 =	sadd.s32 s16, s10;
	[sflag:s7] =	ssyncadd.s32 $0xFFFFCC00  }
0x1c: {  	[hbm4b:s10+s2] =	stream.linear.scatter [tilespmem:s6], [sflag:$0x2], $0x3400, $0x38;
	[tilespmem:$0x6800] =	vst v63  }
0x1d: {  	_ =	swait.ge [sflag:s3], $0x3400  }
0x1e: {  	s12 =	sadd.s32 $0xD00, s15;
	[sflag:s3] =	ssyncset.done $0x0  }
0x1f: {  	s11 =	sadd.s32 s13, s12;
	[sflag:s3] =	ssyncadd.s32 $0xFFFFCC00  }
0x20: {  	[tilespmem:s2], [sflag:$0x2] =	stream.linear.gather [hbm4b:s11+s2], $0x3400, $0x38;
	[tilespmem:$0x6800] =	vst v63  }
0x21: {  	_ =	swait.ge [sflag:s3], $0x3400  }
0x22: {  	[sflag:s3] =	ssyncset.done $0x0  }
0x23: {  	[sflag:s3] =	ssyncadd.s32 $0xFFFFCC00  }
0x24: {  	[tilespmem:s6], [sflag:$0x1] =	stream.indirect.gather [hbm4b:s5+s6], $0x1, s2, s6, $0xb8;
	[tilespmem:$0x6800] =	vst v63  }
0x25: {  	_ =	swait.ge [sflag:s7], $0x3400  }
0x26: {  	[sflag:s7] =	ssyncset.done $0x0  }
0x27: {  	s12 =	sadd.s32 s16, s12;
	[sflag:s7] =	ssyncadd.s32 $0xFFFFCC00  }
0x28: {  	[hbm4b:s12+s2] =	stream.linear.scatter [tilespmem:s6], [sflag:$0x2], $0x3400, $0x38;
	[tilespmem:$0x6800] =	vst v63  }
0x29: {  	_ =	swait.ge [sflag:s3], $0x3400  }
0x2a: {  	s15 =	sadd.s32 $0x1380, s15;
	[sflag:s3] =	ssyncset.done $0x0  }
0x2b: {  	s14 =	ssub.s32 $0x2, s14;
	s13 =	sadd.s32 s13, s15;
	[sflag:s3] =	ssyncadd.s32 $0xFFFFCC00  }
0x2c: {  	[tilespmem:s2], [sflag:$0x2] =	stream.linear.gather [hbm4b:s13+s2], $0x3400, $0x38;
	[tilespmem:$0x6800] =	vst v63  }
0x2d: {  	s17 =	sshrl.u32 s14, $0x1;
	_ =	swait.ge [sflag:s3], $0x3400  }
0x2e: {  	s17 =	ssub.s32 s14, s17;
	[sflag:s3] =	ssyncset.done $0x0  }
0x2f: {  	s31 =	smax.u32 s17, $0x1;
	[sflag:s3] =	ssyncadd.s32 $0xFFFFCC00  }
0x30: {  	[tilespmem:s6], [sflag:$0x1] =	stream.indirect.gather [hbm4b:s5+s6], $0x1, s2, s6, $0xb8;
	[tilespmem:$0x6800] =	vst v63  }
0x31: {  	p0 =	sne.s32 s31, $0x1;
	_ =	swait.ge [sflag:s7], $0x3400  }
.Ltmp0:
0x32: {  	[sflag:s7] =	ssyncset.done $0x0;
	(pc) =	sbr.rel @!p0 .LBB2_2-.Ltmp0, $4  }
0x33: {  	s14 =	sadd.s32 s16, s15;
	[sflag:s7] =	ssyncadd.s32 $0xFFFFCC00  }
0x34: {  	[hbm4b:s14+s2] =	stream.linear.scatter [tilespmem:s6], [sflag:$0x2], $0x3400, $0x38;
	[tilespmem:$0x6800] =	vst v63  }
0x35: {  	_ =	swait.ge [sflag:s3], $0x3400  }
0x36: {  	s15 =	sadd.s32 $0xFFFFFFFF, s31;
	[sflag:s3] =	ssyncset.done $0x0  }
.LBB2_1:
0x37: {  	p0 =	sne.s32 s15, $0x1;
	s15 =	sadd.s32 $0xFFFFFFFF, s15;
	[sflag:s3] =	ssyncadd.s32 $0xFFFFCC00  }
0x38: {  	[tilespmem:s2], [sflag:$0x2] =	stream.linear.gather [hbm4b:s4+s2], $0x3400, $0x38;
	[tilespmem:$0x6800] =	vst v63  }
0x39: {  	_ =	swait.ge [sflag:s3], $0x3400  }
0x3a: {  	[sflag:s3] =	ssyncset.done $0x0  }
0x3b: {  	[sflag:s3] =	ssyncadd.s32 $0xFFFFCC00  }
0x3c: {  	[tilespmem:s6], [sflag:$0x1] =	stream.indirect.gather [hbm4b:s5+s6], $0x1, s2, s6, $0xb8;
	[tilespmem:$0x6800] =	vst v63  }
0x3d: {  	_ =	swait.ge [sflag:s7], $0x3400  }
0x3e: {  	[sflag:s7] =	ssyncset.done $0x0  }
0x3f: {  	[sflag:s7] =	ssyncadd.s32 $0xFFFFCC00  }
0x40: {  	[hbm4b:s8+s2] =	stream.linear.scatter [tilespmem:s6], [sflag:$0x2], $0x3400, $0x38;
	[tilespmem:$0x6800] =	vst v63  }
0x41: {  	_ =	swait.ge [sflag:s3], $0x3400  }
0x42: {  	[sflag:s3] =	ssyncset.done $0x0  }
0x43: {  	[sflag:s3] =	ssyncadd.s32 $0xFFFFCC00  }
0x44: {  	[tilespmem:s2], [sflag:$0x2] =	stream.linear.gather [hbm4b:s9+s2], $0x3400, $0x38;
	[tilespmem:$0x6800] =	vst v63  }
0x45: {  	_ =	swait.ge [sflag:s3], $0x3400  }
0x46: {  	[sflag:s3] =	ssyncset.done $0x0  }
0x47: {  	[sflag:s3] =	ssyncadd.s32 $0xFFFFCC00  }
0x48: {  	[tilespmem:s6], [sflag:$0x1] =	stream.indirect.gather [hbm4b:s5+s6], $0x1, s2, s6, $0xb8;
	[tilespmem:$0x6800] =	vst v63  }
0x49: {  	_ =	swait.ge [sflag:s7], $0x3400  }
0x4a: {  	[sflag:s7] =	ssyncset.done $0x0  }
0x4b: {  	[sflag:s7] =	ssyncadd.s32 $0xFFFFCC00  }
0x4c: {  	[hbm4b:s10+s2] =	stream.linear.scatter [tilespmem:s6], [sflag:$0x2], $0x3400, $0x38;
	[tilespmem:$0x6800] =	vst v63  }
0x4d: {  	_ =	swait.ge [sflag:s3], $0x3400  }
0x4e: {  	[sflag:s3] =	ssyncset.done $0x0  }
0x4f: {  	[sflag:s3] =	ssyncadd.s32 $0xFFFFCC00  }
0x50: {  	[tilespmem:s2], [sflag:$0x2] =	stream.linear.gather [hbm4b:s11+s2], $0x3400, $0x38;
	[tilespmem:$0x6800] =	vst v63  }
0x51: {  	_ =	swait.ge [sflag:s3], $0x3400  }
0x52: {  	[sflag:s3] =	ssyncset.done $0x0  }
0x53: {  	[sflag:s3] =	ssyncadd.s32 $0xFFFFCC00  }
0x54: {  	[tilespmem:s6], [sflag:$0x1] =	stream.indirect.gather [hbm4b:s5+s6], $0x1, s2, s6, $0xb8;
	[tilespmem:$0x6800] =	vst v63  }
0x55: {  	_ =	swait.ge [sflag:s7], $0x3400  }
0x56: {  	[sflag:s7] =	ssyncset.done $0x0  }
0x57: {  	[sflag:s7] =	ssyncadd.s32 $0xFFFFCC00  }
0x58: {  	[hbm4b:s12+s2] =	stream.linear.scatter [tilespmem:s6], [sflag:$0x2], $0x3400, $0x38;
	[tilespmem:$0x6800] =	vst v63  }
0x59: {  	_ =	swait.ge [sflag:s3], $0x3400  }
0x5a: {  	[sflag:s3] =	ssyncset.done $0x0  }
0x5b: {  	[sflag:s3] =	ssyncadd.s32 $0xFFFFCC00  }
0x5c: {  	[tilespmem:s2], [sflag:$0x2] =	stream.linear.gather [hbm4b:s13+s2], $0x3400, $0x38;
	[tilespmem:$0x6800] =	vst v63  }
0x5d: {  	_ =	swait.ge [sflag:s3], $0x3400  }
0x5e: {  	[sflag:s3] =	ssyncset.done $0x0  }
0x5f: {  	[sflag:s3] =	ssyncadd.s32 $0xFFFFCC00  }
0x60: {  	[tilespmem:s6], [sflag:$0x1] =	stream.indirect.gather [hbm4b:s5+s6], $0x1, s2, s6, $0xb8;
	[tilespmem:$0x6800] =	vst v63  }
0x61: {  	_ =	swait.ge [sflag:s7], $0x3400  }
.Ltmp1:
0x62: {  	[sflag:s7] =	ssyncset.done $0x0;
	(pc) =	sbr.rel @p0 .LBB2_1-.Ltmp1, $4  }
0x63: {  	[sflag:s7] =	ssyncadd.s32 $0xFFFFCC00  }
0x64: {  	[hbm4b:s14+s2] =	stream.linear.scatter [tilespmem:s6], [sflag:$0x2], $0x3400, $0x38;
	[tilespmem:$0x6800] =	vst v63  }
0x65: {  	_ =	swait.ge [sflag:s3], $0x3400  }
0x66: {  	[sflag:s3] =	ssyncset.done $0x0  }
.LBB2_2:
0x67: {  	[sflag:s3] =	ssyncadd.s32 $0xFFFFCC00  }
0x68: {  	_ =	sfence.sel $0x180000  }
0x69: {  	[bflag:$0x0] =	sbarrier.arrive $0xFFFF  }
0x6a: {  	p0 =	sne.s32 s0, $0x0;
	_ =	strace $0x90000047  }
0x6b: {  	s0 =	sadd.s32 @!p0 $0x100000, s1;
	[bflag:$0x2] =	sbarrier.arrive $0xFFFF  }
0x6c: {  	[sflag:s0] =	ssyncadd.tile.s32 @!p0 $0x1;
	_ =	shalt  }
.Lfunc_end2:
_tile_overlayer_lowered:
.L_overlay_start_2:
0x6d: {  	(tag) =	ssettag $0x2  }
0x6e: {  	s0 =	rddreg [dreg:$0x0];
	s2 =	stileid.u32  }
0x6f: {  	s1 =	rddreg [dreg:$0x1];
	p0 =	sne.s32 s2, $0x0  }
0x70: {  	s3 =	rddreg [dreg:$0x2];
	[bflag:$0x3] =	sbarrier.arrive $0xFFFF;
	s2 =	simm.s32 @!p0 $0x1C02  }
0x71: {  	[timem:s3], [sflag:s2] =	dma.local @!p0 [hbm:s0], s1  }
0x72: {  	s0 =	simm.s32 @!p0 $0x2  }
0x73: {  	_ =	swait.ge @!p0 [sflag:s0], s1  }
0x74: {  	s1 =	ssub.s32 @!p0 $0x0, s1;
	[sflag:s0] =	ssyncset.done @!p0 $0x0  }
0x75: {  	[sflag:s0] =	ssyncadd.s32 @!p0 s1  }
0x76: {  	[bflag:$0x3] =	sbarrier.arrive $0xFFFF  }
0x77: {  	_ =	shalt  }

</sc_bundles>
